<compile_context>
chip_gen: v7x
topology: tpu7x:2x2x1
jax: 0.10.2.dev20260603
libtpu: 0.0.44.dev20260713+nightly
codegen_flags: <defaults>
</compile_context>

<pallas_src>
import functools

import jax
import jax.numpy as jnp
from jax import lax
from jax.experimental import pallas as pl
from jax.experimental.pallas import tpu as pltpu
from jax.experimental.pallas import tpu_sc as plsc

BATCH = 32
INPUT_LEN = 4096
POOLED = 512
EMB = 64


def _bitonic_fold_desc(s, idx):
    B, L = s.shape
    iota = lax.broadcasted_iota(jnp.int32, (B, L), 1)
    des_fold = (iota & (L // 2)) == 0
    k = 2
    while k <= L:
        j = k // 2
        while j >= 1:
            up = (iota & j) == 0
            if k < L:
                des = (iota & k) == 0
            elif j == L // 2:
                des = jnp.full((B, L), True)
            else:
                des = des_fold
            s_p = jnp.where(up, jnp.roll(s, -j, axis=1), jnp.roll(s, j, axis=1))
            i_p = jnp.where(up, jnp.roll(idx, -j, axis=1), jnp.roll(idx, j, axis=1))
            gt = (s > s_p) | ((s == s_p) & (idx < i_p))
            keep = gt == (up == des)
            s = jnp.where(keep, s, s_p)
            idx = jnp.where(keep, idx, i_p)
            j //= 2
        k *= 2
    return s, idx


def _phase1_body(s_ref, s3_ref, c1a_ref, c1b_ref, w1a_ref, w1b_ref,
                 c2a_ref, c2b_ref, w2a_ref, w2b_ref,
                 c3a_ref, c3b_ref, w3a_ref, w3b_ref):
    s = s_ref[...]
    outs = ((c1a_ref, c1b_ref, w1a_ref, w1b_ref),
            (c2a_ref, c2b_ref, w2a_ref, w2b_ref),
            (c3a_ref, c3b_ref, w3a_ref, w3b_ref))
    for rnd in range(3):
        B, L = s.shape
        half = L // 2
        idx = lax.broadcasted_iota(jnp.int32, (B, L), 1)
        ss, ii = _bitonic_fold_desc(s, idx)
        sl = ss[:, :half]
        sr = ss[:, half:]
        ca = ii[:, :half]
        cb = ii[:, half:]
        xl = jnp.power(2.0, sl)
        xr = jnp.power(2.0, sr)
        m = jnp.maximum(xl, xr)
        el = jnp.exp(xl - m)
        er = jnp.exp(xr - m)
        tot = el + er
        wl = el / tot
        wr = er / tot
        s = sl * wl + sr * wr
        ca_ref, cb_ref, wa_ref, wb_ref = outs[rnd]
        ca_ref[...] = ca
        cb_ref[...] = cb
        wa_ref[...] = wl
        wb_ref[...] = wr
    s3_ref[...] = s


def _phase1(scores2d):
    f32 = jnp.float32
    i32 = jnp.int32
    nb = scores2d.shape[0]
    out_shapes = [
        jax.ShapeDtypeStruct((nb, POOLED), f32),
        jax.ShapeDtypeStruct((nb, 2048), i32),
        jax.ShapeDtypeStruct((nb, 2048), i32),
        jax.ShapeDtypeStruct((nb, 2048), f32),
        jax.ShapeDtypeStruct((nb, 2048), f32),
        jax.ShapeDtypeStruct((nb, 1024), i32),
        jax.ShapeDtypeStruct((nb, 1024), i32),
        jax.ShapeDtypeStruct((nb, 1024), f32),
        jax.ShapeDtypeStruct((nb, 1024), f32),
        jax.ShapeDtypeStruct((nb, POOLED), i32),
        jax.ShapeDtypeStruct((nb, POOLED), i32),
        jax.ShapeDtypeStruct((nb, POOLED), f32),
        jax.ShapeDtypeStruct((nb, POOLED), f32),
    ]
    return pl.pallas_call(
        _phase1_body,
        out_shape=out_shapes,
    )(scores2d)


def _sc_body(emb_hbm, c1a, c1b, w1a, w1b, c2a, c2b, w2a, w2b,
             c3a, c3b, w3a, w3b, out_hbm,
             c1a_v, c1b_v, w1a_v, w1b_v, c2a_v, c2b_v, w2a_v, w2b_v,
             c3a_v, c3b_v, w3a_v, w3b_v, idx_buf, wgt_buf, rows_a,
             out_stage, sem):
    b = lax.axis_index("s") * 2 + lax.axis_index("c")
    pltpu.sync_copy(c1a.at[b], c1a_v)
    pltpu.sync_copy(c1b.at[b], c1b_v)
    pltpu.sync_copy(w1a.at[b], w1a_v)
    pltpu.sync_copy(w1b.at[b], w1b_v)
    pltpu.sync_copy(c2a.at[b], c2a_v)
    pltpu.sync_copy(c2b.at[b], c2b_v)
    pltpu.sync_copy(w2a.at[b], w2a_v)
    pltpu.sync_copy(w2b.at[b], w2b_v)
    pltpu.sync_copy(c3a.at[b], c3a_v)
    pltpu.sync_copy(c3b.at[b], c3b_v)
    pltpu.sync_copy(w3a.at[b], w3a_v)
    pltpu.sync_copy(w3b.at[b], w3b_v)

    lanes = lax.iota(jnp.int32, 16)
    boff = b * INPUT_LEN

    def chain_body(t, _):
        t16 = t * 16
        a3 = c3a_v[pl.ds(t16, 16)]
        b3 = c3b_v[pl.ds(t16, 16)]
        v0 = w3a_v[pl.ds(t16, 16)]
        v1 = w3b_v[pl.ds(t16, 16)]
        tsplat = jnp.full((16,), t, jnp.int32)
        for xsel in range(2):
            x = a3 if xsel == 0 else b3
            v = v0 if xsel == 0 else v1
            a2 = plsc.load_gather(c2a_v, [x])
            b2 = plsc.load_gather(c2b_v, [x])
            u0 = plsc.load_gather(w2a_v, [x]) * v
            u1 = plsc.load_gather(w2b_v, [x]) * v
            for ysel in range(2):
                y = a2 if ysel == 0 else b2
                u = u0 if ysel == 0 else u1
                d0 = plsc.load_gather(c1a_v, [y])
                d1 = plsc.load_gather(c1b_v, [y])
                f0 = plsc.load_gather(w1a_v, [y]) * u
                f1 = plsc.load_gather(w1b_v, [y]) * u
                for zsel in range(2):
                    k = xsel * 4 + ysel * 2 + zsel
                    cidx = d0 if zsel == 0 else d1
                    wz = f0 if zsel == 0 else f1
                    pos = lanes * 8 + k
                    plsc.store_scatter(idx_buf, [tsplat, pos], cidx + boff)
                    plsc.store_scatter(wgt_buf, [tsplat, pos], wz)
        return _

    lax.fori_loop(0, 32, chain_body, None)

    def accum(c, rows):
        csplat = jnp.full((16,), c, jnp.int32)
        for m in range(16):
            wb = [plsc.load_gather(
                      wgt_buf, [csplat, jnp.full((16,), m * 8 + k, jnp.int32)])
                  for k in range(8)]
            for d in range(4):
                acc = wb[0] * rows[m * 8, pl.ds(d * 16, 16)]
                for k in range(1, 8):
                    acc = acc + wb[k] * rows[m * 8 + k, pl.ds(d * 16, 16)]
                out_stage[c * 16 + m, pl.ds(d * 16, 16)] = acc

    def gather_body(c, _):
        pltpu.async_copy(emb_hbm.at[idx_buf.at[c]], rows_a, sem).wait()
        accum(c, rows_a)
        return _

    lax.fori_loop(0, 32, gather_body, None)
    pltpu.sync_copy(out_stage, out_hbm.at[pl.ds(b * POOLED, POOLED)])


@jax.jit
def _phase2_sc(emb_flat, c1a, c1b, w1a, w1b, c2a, c2b, w2a, w2b,
               c3a, c3b, w3a, w3b):
    f32 = jnp.float32
    i32 = jnp.int32
    mesh = plsc.VectorSubcoreMesh(core_axis_name="c", subcore_axis_name="s")
    kern = functools.partial(
        pl.kernel,
        mesh=mesh,
        compiler_params=pltpu.CompilerParams(
            needs_layout_passes=False, use_tc_tiling_on_sc=False),
        out_type=jax.ShapeDtypeStruct((BATCH * POOLED, EMB), f32),
        scratch_types=[
            pltpu.VMEM((2048,), i32), pltpu.VMEM((2048,), i32),
            pltpu.VMEM((2048,), f32), pltpu.VMEM((2048,), f32),
            pltpu.VMEM((1024,), i32), pltpu.VMEM((1024,), i32),
            pltpu.VMEM((1024,), f32), pltpu.VMEM((1024,), f32),
            pltpu.VMEM((POOLED,), i32), pltpu.VMEM((POOLED,), i32),
            pltpu.VMEM((POOLED,), f32), pltpu.VMEM((POOLED,), f32),
            pltpu.VMEM((32, 128), i32), pltpu.VMEM((32, 128), f32),
            pltpu.VMEM((128, EMB), f32),
            pltpu.VMEM((POOLED, EMB), f32),
            pltpu.SemaphoreType.DMA,
        ],
    )(_sc_body)
    return kern(emb_flat, c1a, c1b, w1a, w1b, c2a, c2b, w2a, w2b,
                c3a, c3b, w3a, w3b)


@jax.jit
def _impl(embs, scores):
    scores2d = scores[:, :, 0]
    p1 = _phase1(scores2d)
    emb_flat = embs.reshape(BATCH * INPUT_LEN, EMB)
    out_flat = _phase2_sc(emb_flat, *p1[1:])
    return (out_flat.reshape(BATCH, POOLED, EMB), p1[0])


def kernel(embs, scores):
    return _impl(embs, scores)

# --- scband reference (transcript-rebuilt; emitter-appended) ---
"""Pipeline reference for scband-top-koperator-54331336294469 (READ-ONLY COPY).

The authoritative reference and input builder live on the scoring server;
editing this copy changes nothing except your own understanding.
"""

import jax, jax.numpy as jnp
import numpy as np

# Config normally injected via set_config(); fixed here to production-scale values.
INPUT_LEN = 4096
POOLED_LEN = 512
DEPTH = 3          # int(log2(4096/512))
BASE = 2.0
FLIP_RIGHT = True
SORT_BACK = False
BATCH = 32
EMB_DEPTH = 64


def setup_inputs(seed: int = 0) -> dict:
    key = jax.random.key(seed)
    k1, k2 = jax.random.split(key)
    embs = jax.random.normal(k1, (BATCH, INPUT_LEN, EMB_DEPTH), dtype=jnp.float32)
    scores = jax.random.uniform(k2, (BATCH, INPUT_LEN, 1), dtype=jnp.float32)
    return {"embs": embs, "scores": scores}


def _pad_to_input_len(embs, scores):
    pad_len = INPUT_LEN - embs.shape[1]
    assert pad_len >= 0
    emb_pad = jnp.zeros((embs.shape[0], pad_len, embs.shape[2]), dtype=embs.dtype)
    embs = jnp.concatenate((embs, emb_pad), axis=1)
    score_pad = jnp.zeros((scores.shape[0], pad_len, scores.shape[2]), dtype=scores.dtype) + 1e-05
    scores = jnp.concatenate((scores, score_pad), axis=1)[:, :, 0]
    return embs, scores


def _our_topk_single(embs, scores):
    # embs: (L, e), scores: (L,) -- single batch element (torch code loops per batch)
    for _ in range(DEPTH):
        L = scores.shape[0]
        half = L // 2
        # get_topk_pair_idx: sort descending, fold
        sort_idx = jnp.argsort(-scores)
        left = sort_idx[:half]
        right = sort_idx[half:]
        if FLIP_RIGHT:
            right = right[::-1]
        pairs_idx = jnp.stack((left, right), axis=0)  # (2, half)
        scores_before = scores
        scores_converged = scores[pairs_idx]          # (2, half)
        exped = jnp.power(BASE, scores_converged)
        scores_converged = jax.nn.softmax(exped, axis=0)  # softmax over the pair axis
        scores = (scores_before[pairs_idx] * scores_converged).sum(axis=0)       # (half,)
        embs = (embs[pairs_idx] * scores_converged[:, :, None]).sum(axis=0)      # (half, e)
        if SORT_BACK:
            back = jnp.argsort(left)
            scores = scores[back]
            embs = embs[back]
        current_size = half
        if current_size < POOLED_LEN:
            break
    return embs, scores


def reference(embs, scores):
    embs, scores = _pad_to_input_len(embs, scores)
    new_embs, new_scores = jax.vmap(_our_topk_single)(embs, scores)
    return (new_embs, new_scores)

if __name__ == "__main__":
    import jax
    _d = setup_inputs()
    print(jax.jit(kernel)(*tuple(_d.values())))

</pallas_src>

<mosaic_0001>
#map = affine_map<(d0, d1) -> (0, 0)>
module attributes {stable_mosaic.version = 14 : i64} {
  func.func @_sc_body(%arg0: i32, %arg1: i32, %arg2: memref<131072x64xf32, #tpu.memory_space<hbm>>, %arg3: memref<32x2048xi32, #tpu.memory_space<hbm>>, %arg4: memref<32x2048xi32, #tpu.memory_space<hbm>>, %arg5: memref<32x2048xf32, #tpu.memory_space<hbm>>, %arg6: memref<32x2048xf32, #tpu.memory_space<hbm>>, %arg7: memref<32x1024xi32, #tpu.memory_space<hbm>>, %arg8: memref<32x1024xi32, #tpu.memory_space<hbm>>, %arg9: memref<32x1024xf32, #tpu.memory_space<hbm>>, %arg10: memref<32x1024xf32, #tpu.memory_space<hbm>>, %arg11: memref<32x512xi32, #tpu.memory_space<hbm>>, %arg12: memref<32x512xi32, #tpu.memory_space<hbm>>, %arg13: memref<32x512xf32, #tpu.memory_space<hbm>>, %arg14: memref<32x512xf32, #tpu.memory_space<hbm>>, %arg15: memref<16384x64xf32, #tpu.memory_space<hbm>>, %arg16: memref<2048xi32, #tpu.memory_space<vmem>>, %arg17: memref<2048xi32, #tpu.memory_space<vmem>>, %arg18: memref<2048xf32, #tpu.memory_space<vmem>>, %arg19: memref<2048xf32, #tpu.memory_space<vmem>>, %arg20: memref<1024xi32, #tpu.memory_space<vmem>>, %arg21: memref<1024xi32, #tpu.memory_space<vmem>>, %arg22: memref<1024xf32, #tpu.memory_space<vmem>>, %arg23: memref<1024xf32, #tpu.memory_space<vmem>>, %arg24: memref<512xi32, #tpu.memory_space<vmem>>, %arg25: memref<512xi32, #tpu.memory_space<vmem>>, %arg26: memref<512xf32, #tpu.memory_space<vmem>>, %arg27: memref<512xf32, #tpu.memory_space<vmem>>, %arg28: memref<32x128xi32, #tpu.memory_space<vmem>>, %arg29: memref<32x128xf32, #tpu.memory_space<vmem>>, %arg30: memref<128x64xf32, #tpu.memory_space<vmem>>, %arg31: memref<512x64xf32, #tpu.memory_space<vmem>>, %arg32: memref<!tpu.dma_semaphore, #tpu.memory_space<semaphore_mem>>) attributes {dimension_semantics = [#tpu.dimension_semantics<core_parallel>, #tpu.dimension_semantics<subcore_parallel>], iteration_bounds = array<i64: 2, 16>, scalar_prefetch = 0 : i64, scratch_operands = 17 : i64, tpu.core_type = #tpu.core_type<sc_vector_subcore>, window_params = [{transform_indices = #map}, {transform_indices = #map}, {transform_indices = #map}, {transform_indices = #map}, {transform_indices = #map}, {transform_indices = #map}, {transform_indices = #map}, {transform_indices = #map}, {transform_indices = #map}, {transform_indices = #map}, {transform_indices = #map}, {transform_indices = #map}, {transform_indices = #map}, {transform_indices = #map}]} {
    %mul3A = arith.constant 2 : i32
    %mul3A_0 = arith.muli %arg1, %mul3A : i32
    %add3A = arith.addi %mul3A_0, %arg0 : i32
    "tpu.region"() ({
      %run_scoped3A = tpu.sem_alloc : memref<!tpu.dma_semaphore, #tpu.memory_space<semaphore_mem>>
      %dma_start3A = arith.constant 0 : i32
      %dma_start3A_14 = tpu.memref_slice %arg3[%add3A, %dma_start3A] : memref<32x2048xi32, #tpu.memory_space<hbm>> -> memref<1x2048xi32, #tpu.memory_space<hbm>>
      %dma_start3A_15 = tpu.memref_squeeze %dma_start3A_14 : memref<1x2048xi32, #tpu.memory_space<hbm>> -> memref<2048xi32, #tpu.memory_space<hbm>>
      %dma_start3A_16 = arith.constant 0 : i32
      %dma_start3A_17 = tpu.memref_slice %arg3[%add3A, %dma_start3A_16] : memref<32x2048xi32, #tpu.memory_space<hbm>> -> memref<1x2048xi32, #tpu.memory_space<hbm>>
      %dma_start3A_18 = tpu.memref_squeeze %dma_start3A_17 : memref<1x2048xi32, #tpu.memory_space<hbm>> -> memref<2048xi32, #tpu.memory_space<hbm>>
      tpu.enqueue_dma source(%dma_start3A_18 : memref<2048xi32, #tpu.memory_space<hbm>>) target(%arg16 : memref<2048xi32, #tpu.memory_space<vmem>>) target_semaphore(%run_scoped3A : memref<!tpu.dma_semaphore, #tpu.memory_space<semaphore_mem>>)
      %dma_wait3A = arith.constant 0 : i32
      %dma_wait3A_19 = tpu.memref_slice %arg3[%add3A, %dma_wait3A] : memref<32x2048xi32, #tpu.memory_space<hbm>> -> memref<1x2048xi32, #tpu.memory_space<hbm>>
      %dma_wait3A_20 = tpu.memref_squeeze %dma_wait3A_19 : memref<1x2048xi32, #tpu.memory_space<hbm>> -> memref<2048xi32, #tpu.memory_space<hbm>>
      %dma_wait3A_21 = arith.constant 0 : i32
      %dma_wait3A_22 = tpu.memref_slice %arg3[%add3A, %dma_wait3A_21] : memref<32x2048xi32, #tpu.memory_space<hbm>> -> memref<1x2048xi32, #tpu.memory_space<hbm>>
      %dma_wait3A_23 = tpu.memref_squeeze %dma_wait3A_22 : memref<1x2048xi32, #tpu.memory_space<hbm>> -> memref<2048xi32, #tpu.memory_space<hbm>>
      tpu.wait_dma2 semaphore(%run_scoped3A : memref<!tpu.dma_semaphore, #tpu.memory_space<semaphore_mem>>) src(%dma_wait3A_23 : memref<2048xi32, #tpu.memory_space<hbm>>) dst(%arg16 : memref<2048xi32, #tpu.memory_space<vmem>>)
      tpu.yield
    }) : () -> ()
    "tpu.region"() ({
      %run_scoped3A = tpu.sem_alloc : memref<!tpu.dma_semaphore, #tpu.memory_space<semaphore_mem>>
      %dma_start3A = arith.constant 0 : i32
      %dma_start3A_14 = tpu.memref_slice %arg4[%add3A, %dma_start3A] : memref<32x2048xi32, #tpu.memory_space<hbm>> -> memref<1x2048xi32, #tpu.memory_space<hbm>>
      %dma_start3A_15 = tpu.memref_squeeze %dma_start3A_14 : memref<1x2048xi32, #tpu.memory_space<hbm>> -> memref<2048xi32, #tpu.memory_space<hbm>>
      %dma_start3A_16 = arith.constant 0 : i32
      %dma_start3A_17 = tpu.memref_slice %arg4[%add3A, %dma_start3A_16] : memref<32x2048xi32, #tpu.memory_space<hbm>> -> memref<1x2048xi32, #tpu.memory_space<hbm>>
      %dma_start3A_18 = tpu.memref_squeeze %dma_start3A_17 : memref<1x2048xi32, #tpu.memory_space<hbm>> -> memref<2048xi32, #tpu.memory_space<hbm>>
      tpu.enqueue_dma source(%dma_start3A_18 : memref<2048xi32, #tpu.memory_space<hbm>>) target(%arg17 : memref<2048xi32, #tpu.memory_space<vmem>>) target_semaphore(%run_scoped3A : memref<!tpu.dma_semaphore, #tpu.memory_space<semaphore_mem>>)
      %dma_wait3A = arith.constant 0 : i32
      %dma_wait3A_19 = tpu.memref_slice %arg4[%add3A, %dma_wait3A] : memref<32x2048xi32, #tpu.memory_space<hbm>> -> memref<1x2048xi32, #tpu.memory_space<hbm>>
      %dma_wait3A_20 = tpu.memref_squeeze %dma_wait3A_19 : memref<1x2048xi32, #tpu.memory_space<hbm>> -> memref<2048xi32, #tpu.memory_space<hbm>>
      %dma_wait3A_21 = arith.constant 0 : i32
      %dma_wait3A_22 = tpu.memref_slice %arg4[%add3A, %dma_wait3A_21] : memref<32x2048xi32, #tpu.memory_space<hbm>> -> memref<1x2048xi32, #tpu.memory_space<hbm>>
      %dma_wait3A_23 = tpu.memref_squeeze %dma_wait3A_22 : memref<1x2048xi32, #tpu.memory_space<hbm>> -> memref<2048xi32, #tpu.memory_space<hbm>>
      tpu.wait_dma2 semaphore(%run_scoped3A : memref<!tpu.dma_semaphore, #tpu.memory_space<semaphore_mem>>) src(%dma_wait3A_23 : memref<2048xi32, #tpu.memory_space<hbm>>) dst(%arg17 : memref<2048xi32, #tpu.memory_space<vmem>>)
      tpu.yield
    }) : () -> ()
    "tpu.region"() ({
      %run_scoped3A = tpu.sem_alloc : memref<!tpu.dma_semaphore, #tpu.memory_space<semaphore_mem>>
      %dma_start3A = arith.constant 0 : i32
      %dma_start3A_14 = tpu.memref_slice %arg5[%add3A, %dma_start3A] : memref<32x2048xf32, #tpu.memory_space<hbm>> -> memref<1x2048xf32, #tpu.memory_space<hbm>>
      %dma_start3A_15 = tpu.memref_squeeze %dma_start3A_14 : memref<1x2048xf32, #tpu.memory_space<hbm>> -> memref<2048xf32, #tpu.memory_space<hbm>>
      %dma_start3A_16 = arith.constant 0 : i32
      %dma_start3A_17 = tpu.memref_slice %arg5[%add3A, %dma_start3A_16] : memref<32x2048xf32, #tpu.memory_space<hbm>> -> memref<1x2048xf32, #tpu.memory_space<hbm>>
      %dma_start3A_18 = tpu.memref_squeeze %dma_start3A_17 : memref<1x2048xf32, #tpu.memory_space<hbm>> -> memref<2048xf32, #tpu.memory_space<hbm>>
      tpu.enqueue_dma source(%dma_start3A_18 : memref<2048xf32, #tpu.memory_space<hbm>>) target(%arg18 : memref<2048xf32, #tpu.memory_space<vmem>>) target_semaphore(%run_scoped3A : memref<!tpu.dma_semaphore, #tpu.memory_space<semaphore_mem>>)
      %dma_wait3A = arith.constant 0 : i32
      %dma_wait3A_19 = tpu.memref_slice %arg5[%add3A, %dma_wait3A] : memref<32x2048xf32, #tpu.memory_space<hbm>> -> memref<1x2048xf32, #tpu.memory_space<hbm>>
      %dma_wait3A_20 = tpu.memref_squeeze %dma_wait3A_19 : memref<1x2048xf32, #tpu.memory_space<hbm>> -> memref<2048xf32, #tpu.memory_space<hbm>>
      %dma_wait3A_21 = arith.constant 0 : i32
      %dma_wait3A_22 = tpu.memref_slice %arg5[%add3A, %dma_wait3A_21] : memref<32x2048xf32, #tpu.memory_space<hbm>> -> memref<1x2048xf32, #tpu.memory_space<hbm>>
      %dma_wait3A_23 = tpu.memref_squeeze %dma_wait3A_22 : memref<1x2048xf32, #tpu.memory_space<hbm>> -> memref<2048xf32, #tpu.memory_space<hbm>>
      tpu.wait_dma2 semaphore(%run_scoped3A : memref<!tpu.dma_semaphore, #tpu.memory_space<semaphore_mem>>) src(%dma_wait3A_23 : memref<2048xf32, #tpu.memory_space<hbm>>) dst(%arg18 : memref<2048xf32, #tpu.memory_space<vmem>>)
      tpu.yield
    }) : () -> ()
    "tpu.region"() ({
      %run_scoped3A = tpu.sem_alloc : memref<!tpu.dma_semaphore, #tpu.memory_space<semaphore_mem>>
      %dma_start3A = arith.constant 0 : i32
      %dma_start3A_14 = tpu.memref_slice %arg6[%add3A, %dma_start3A] : memref<32x2048xf32, #tpu.memory_space<hbm>> -> memref<1x2048xf32, #tpu.memory_space<hbm>>
      %dma_start3A_15 = tpu.memref_squeeze %dma_start3A_14 : memref<1x2048xf32, #tpu.memory_space<hbm>> -> memref<2048xf32, #tpu.memory_space<hbm>>
      %dma_start3A_16 = arith.constant 0 : i32
      %dma_start3A_17 = tpu.memref_slice %arg6[%add3A, %dma_start3A_16] : memref<32x2048xf32, #tpu.memory_space<hbm>> -> memref<1x2048xf32, #tpu.memory_space<hbm>>
      %dma_start3A_18 = tpu.memref_squeeze %dma_start3A_17 : memref<1x2048xf32, #tpu.memory_space<hbm>> -> memref<2048xf32, #tpu.memory_space<hbm>>
      tpu.enqueue_dma source(%dma_start3A_18 : memref<2048xf32, #tpu.memory_space<hbm>>) target(%arg19 : memref<2048xf32, #tpu.memory_space<vmem>>) target_semaphore(%run_scoped3A : memref<!tpu.dma_semaphore, #tpu.memory_space<semaphore_mem>>)
      %dma_wait3A = arith.constant 0 : i32
      %dma_wait3A_19 = tpu.memref_slice %arg6[%add3A, %dma_wait3A] : memref<32x2048xf32, #tpu.memory_space<hbm>> -> memref<1x2048xf32, #tpu.memory_space<hbm>>
      %dma_wait3A_20 = tpu.memref_squeeze %dma_wait3A_19 : memref<1x2048xf32, #tpu.memory_space<hbm>> -> memref<2048xf32, #tpu.memory_space<hbm>>
      %dma_wait3A_21 = arith.constant 0 : i32
      %dma_wait3A_22 = tpu.memref_slice %arg6[%add3A, %dma_wait3A_21] : memref<32x2048xf32, #tpu.memory_space<hbm>> -> memref<1x2048xf32, #tpu.memory_space<hbm>>
      %dma_wait3A_23 = tpu.memref_squeeze %dma_wait3A_22 : memref<1x2048xf32, #tpu.memory_space<hbm>> -> memref<2048xf32, #tpu.memory_space<hbm>>
      tpu.wait_dma2 semaphore(%run_scoped3A : memref<!tpu.dma_semaphore, #tpu.memory_space<semaphore_mem>>) src(%dma_wait3A_23 : memref<2048xf32, #tpu.memory_space<hbm>>) dst(%arg19 : memref<2048xf32, #tpu.memory_space<vmem>>)
      tpu.yield
    }) : () -> ()
    "tpu.region"() ({
      %run_scoped3A = tpu.sem_alloc : memref<!tpu.dma_semaphore, #tpu.memory_space<semaphore_mem>>
      %dma_start3A = arith.constant 0 : i32
      %dma_start3A_14 = tpu.memref_slice %arg7[%add3A, %dma_start3A] : memref<32x1024xi32, #tpu.memory_space<hbm>> -> memref<1x1024xi32, #tpu.memory_space<hbm>>
      %dma_start3A_15 = tpu.memref_squeeze %dma_start3A_14 : memref<1x1024xi32, #tpu.memory_space<hbm>> -> memref<1024xi32, #tpu.memory_space<hbm>>
      %dma_start3A_16 = arith.constant 0 : i32
      %dma_start3A_17 = tpu.memref_slice %arg7[%add3A, %dma_start3A_16] : memref<32x1024xi32, #tpu.memory_space<hbm>> -> memref<1x1024xi32, #tpu.memory_space<hbm>>
      %dma_start3A_18 = tpu.memref_squeeze %dma_start3A_17 : memref<1x1024xi32, #tpu.memory_space<hbm>> -> memref<1024xi32, #tpu.memory_space<hbm>>
      tpu.enqueue_dma source(%dma_start3A_18 : memref<1024xi32, #tpu.memory_space<hbm>>) target(%arg20 : memref<1024xi32, #tpu.memory_space<vmem>>) target_semaphore(%run_scoped3A : memref<!tpu.dma_semaphore, #tpu.memory_space<semaphore_mem>>)
      %dma_wait3A = arith.constant 0 : i32
      %dma_wait3A_19 = tpu.memref_slice %arg7[%add3A, %dma_wait3A] : memref<32x1024xi32, #tpu.memory_space<hbm>> -> memref<1x1024xi32, #tpu.memory_space<hbm>>
      %dma_wait3A_20 = tpu.memref_squeeze %dma_wait3A_19 : memref<1x1024xi32, #tpu.memory_space<hbm>> -> memref<1024xi32, #tpu.memory_space<hbm>>
      %dma_wait3A_21 = arith.constant 0 : i32
      %dma_wait3A_22 = tpu.memref_slice %arg7[%add3A, %dma_wait3A_21] : memref<32x1024xi32, #tpu.memory_space<hbm>> -> memref<1x1024xi32, #tpu.memory_space<hbm>>
      %dma_wait3A_23 = tpu.memref_squeeze %dma_wait3A_22 : memref<1x1024xi32, #tpu.memory_space<hbm>> -> memref<1024xi32, #tpu.memory_space<hbm>>
      tpu.wait_dma2 semaphore(%run_scoped3A : memref<!tpu.dma_semaphore, #tpu.memory_space<semaphore_mem>>) src(%dma_wait3A_23 : memref<1024xi32, #tpu.memory_space<hbm>>) dst(%arg20 : memref<1024xi32, #tpu.memory_space<vmem>>)
      tpu.yield
    }) : () -> ()
    "tpu.region"() ({
      %run_scoped3A = tpu.sem_alloc : memref<!tpu.dma_semaphore, #tpu.memory_space<semaphore_mem>>
      %dma_start3A = arith.constant 0 : i32
      %dma_start3A_14 = tpu.memref_slice %arg8[%add3A, %dma_start3A] : memref<32x1024xi32, #tpu.memory_space<hbm>> -> memref<1x1024xi32, #tpu.memory_space<hbm>>
      %dma_start3A_15 = tpu.memref_squeeze %dma_start3A_14 : memref<1x1024xi32, #tpu.memory_space<hbm>> -> memref<1024xi32, #tpu.memory_space<hbm>>
      %dma_start3A_16 = arith.constant 0 : i32
      %dma_start3A_17 = tpu.memref_slice %arg8[%add3A, %dma_start3A_16] : memref<32x1024xi32, #tpu.memory_space<hbm>> -> memref<1x1024xi32, #tpu.memory_space<hbm>>
      %dma_start3A_18 = tpu.memref_squeeze %dma_start3A_17 : memref<1x1024xi32, #tpu.memory_space<hbm>> -> memref<1024xi32, #tpu.memory_space<hbm>>
      tpu.enqueue_dma source(%dma_start3A_18 : memref<1024xi32, #tpu.memory_space<hbm>>) target(%arg21 : memref<1024xi32, #tpu.memory_space<vmem>>) target_semaphore(%run_scoped3A : memref<!tpu.dma_semaphore, #tpu.memory_space<semaphore_mem>>)
      %dma_wait3A = arith.constant 0 : i32
      %dma_wait3A_19 = tpu.memref_slice %arg8[%add3A, %dma_wait3A] : memref<32x1024xi32, #tpu.memory_space<hbm>> -> memref<1x1024xi32, #tpu.memory_space<hbm>>
      %dma_wait3A_20 = tpu.memref_squeeze %dma_wait3A_19 : memref<1x1024xi32, #tpu.memory_space<hbm>> -> memref<1024xi32, #tpu.memory_space<hbm>>
      %dma_wait3A_21 = arith.constant 0 : i32
      %dma_wait3A_22 = tpu.memref_slice %arg8[%add3A, %dma_wait3A_21] : memref<32x1024xi32, #tpu.memory_space<hbm>> -> memref<1x1024xi32, #tpu.memory_space<hbm>>
      %dma_wait3A_23 = tpu.memref_squeeze %dma_wait3A_22 : memref<1x1024xi32, #tpu.memory_space<hbm>> -> memref<1024xi32, #tpu.memory_space<hbm>>
      tpu.wait_dma2 semaphore(%run_scoped3A : memref<!tpu.dma_semaphore, #tpu.memory_space<semaphore_mem>>) src(%dma_wait3A_23 : memref<1024xi32, #tpu.memory_space<hbm>>) dst(%arg21 : memref<1024xi32, #tpu.memory_space<vmem>>)
      tpu.yield
    }) : () -> ()
    "tpu.region"() ({
      %run_scoped3A = tpu.sem_alloc : memref<!tpu.dma_semaphore, #tpu.memory_space<semaphore_mem>>
      %dma_start3A = arith.constant 0 : i32
      %dma_start3A_14 = tpu.memref_slice %arg9[%add3A, %dma_start3A] : memref<32x1024xf32, #tpu.memory_space<hbm>> -> memref<1x1024xf32, #tpu.memory_space<hbm>>
      %dma_start3A_15 = tpu.memref_squeeze %dma_start3A_14 : memref<1x1024xf32, #tpu.memory_space<hbm>> -> memref<1024xf32, #tpu.memory_space<hbm>>
      %dma_start3A_16 = arith.constant 0 : i32
      %dma_start3A_17 = tpu.memref_slice %arg9[%add3A, %dma_start3A_16] : memref<32x1024xf32, #tpu.memory_space<hbm>> -> memref<1x1024xf32, #tpu.memory_space<hbm>>
      %dma_start3A_18 = tpu.memref_squeeze %dma_start3A_17 : memref<1x1024xf32, #tpu.memory_space<hbm>> -> memref<1024xf32, #tpu.memory_space<hbm>>
      tpu.enqueue_dma source(%dma_start3A_18 : memref<1024xf32, #tpu.memory_space<hbm>>) target(%arg22 : memref<1024xf32, #tpu.memory_space<vmem>>) target_semaphore(%run_scoped3A : memref<!tpu.dma_semaphore, #tpu.memory_space<semaphore_mem>>)
      %dma_wait3A = arith.constant 0 : i32
      %dma_wait3A_19 = tpu.memref_slice %arg9[%add3A, %dma_wait3A] : memref<32x1024xf32, #tpu.memory_space<hbm>> -> memref<1x1024xf32, #tpu.memory_space<hbm>>
      %dma_wait3A_20 = tpu.memref_squeeze %dma_wait3A_19 : memref<1x1024xf32, #tpu.memory_space<hbm>> -> memref<1024xf32, #tpu.memory_space<hbm>>
      %dma_wait3A_21 = arith.constant 0 : i32
      %dma_wait3A_22 = tpu.memref_slice %arg9[%add3A, %dma_wait3A_21] : memref<32x1024xf32, #tpu.memory_space<hbm>> -> memref<1x1024xf32, #tpu.memory_space<hbm>>
      %dma_wait3A_23 = tpu.memref_squeeze %dma_wait3A_22 : memref<1x1024xf32, #tpu.memory_space<hbm>> -> memref<1024xf32, #tpu.memory_space<hbm>>
      tpu.wait_dma2 semaphore(%run_scoped3A : memref<!tpu.dma_semaphore, #tpu.memory_space<semaphore_mem>>) src(%dma_wait3A_23 : memref<1024xf32, #tpu.memory_space<hbm>>) dst(%arg22 : memref<1024xf32, #tpu.memory_space<vmem>>)
      tpu.yield
    }) : () -> ()
    "tpu.region"() ({
      %run_scoped3A = tpu.sem_alloc : memref<!tpu.dma_semaphore, #tpu.memory_space<semaphore_mem>>
      %dma_start3A = arith.constant 0 : i32
      %dma_start3A_14 = tpu.memref_slice %arg10[%add3A, %dma_start3A] : memref<32x1024xf32, #tpu.memory_space<hbm>> -> memref<1x1024xf32, #tpu.memory_space<hbm>>
      %dma_start3A_15 = tpu.memref_squeeze %dma_start3A_14 : memref<1x1024xf32, #tpu.memory_space<hbm>> -> memref<1024xf32, #tpu.memory_space<hbm>>
      %dma_start3A_16 = arith.constant 0 : i32
      %dma_start3A_17 = tpu.memref_slice %arg10[%add3A, %dma_start3A_16] : memref<32x1024xf32, #tpu.memory_space<hbm>> -> memref<1x1024xf32, #tpu.memory_space<hbm>>
      %dma_start3A_18 = tpu.memref_squeeze %dma_start3A_17 : memref<1x1024xf32, #tpu.memory_space<hbm>> -> memref<1024xf32, #tpu.memory_space<hbm>>
      tpu.enqueue_dma source(%dma_start3A_18 : memref<1024xf32, #tpu.memory_space<hbm>>) target(%arg23 : memref<1024xf32, #tpu.memory_space<vmem>>) target_semaphore(%run_scoped3A : memref<!tpu.dma_semaphore, #tpu.memory_space<semaphore_mem>>)
      %dma_wait3A = arith.constant 0 : i32
      %dma_wait3A_19 = tpu.memref_slice %arg10[%add3A, %dma_wait3A] : memref<32x1024xf32, #tpu.memory_space<hbm>> -> memref<1x1024xf32, #tpu.memory_space<hbm>>
      %dma_wait3A_20 = tpu.memref_squeeze %dma_wait3A_19 : memref<1x1024xf32, #tpu.memory_space<hbm>> -> memref<1024xf32, #tpu.memory_space<hbm>>
      %dma_wait3A_21 = arith.constant 0 : i32
      %dma_wait3A_22 = tpu.memref_slice %arg10[%add3A, %dma_wait3A_21] : memref<32x1024xf32, #tpu.memory_space<hbm>> -> memref<1x1024xf32, #tpu.memory_space<hbm>>
      %dma_wait3A_23 = tpu.memref_squeeze %dma_wait3A_22 : memref<1x1024xf32, #tpu.memory_space<hbm>> -> memref<1024xf32, #tpu.memory_space<hbm>>
      tpu.wait_dma2 semaphore(%run_scoped3A : memref<!tpu.dma_semaphore, #tpu.memory_space<semaphore_mem>>) src(%dma_wait3A_23 : memref<1024xf32, #tpu.memory_space<hbm>>) dst(%arg23 : memref<1024xf32, #tpu.memory_space<vmem>>)
      tpu.yield
    }) : () -> ()
    "tpu.region"() ({
      %run_scoped3A = tpu.sem_alloc : memref<!tpu.dma_semaphore, #tpu.memory_space<semaphore_mem>>
      %dma_start3A = arith.constant 0 : i32
      %dma_start3A_14 = tpu.memref_slice %arg11[%add3A, %dma_start3A] : memref<32x512xi32, #tpu.memory_space<hbm>> -> memref<1x512xi32, #tpu.memory_space<hbm>>
      %dma_start3A_15 = tpu.memref_squeeze %dma_start3A_14 : memref<1x512xi32, #tpu.memory_space<hbm>> -> memref<512xi32, #tpu.memory_space<hbm>>
      %dma_start3A_16 = arith.constant 0 : i32
      %dma_start3A_17 = tpu.memref_slice %arg11[%add3A, %dma_start3A_16] : memref<32x512xi32, #tpu.memory_space<hbm>> -> memref<1x512xi32, #tpu.memory_space<hbm>>
      %dma_start3A_18 = tpu.memref_squeeze %dma_start3A_17 : memref<1x512xi32, #tpu.memory_space<hbm>> -> memref<512xi32, #tpu.memory_space<hbm>>
      tpu.enqueue_dma source(%dma_start3A_18 : memref<512xi32, #tpu.memory_space<hbm>>) target(%arg24 : memref<512xi32, #tpu.memory_space<vmem>>) target_semaphore(%run_scoped3A : memref<!tpu.dma_semaphore, #tpu.memory_space<semaphore_mem>>)
      %dma_wait3A = arith.constant 0 : i32
      %dma_wait3A_19 = tpu.memref_slice %arg11[%add3A, %dma_wait3A] : memref<32x512xi32, #tpu.memory_space<hbm>> -> memref<1x512xi32, #tpu.memory_space<hbm>>
      %dma_wait3A_20 = tpu.memref_squeeze %dma_wait3A_19 : memref<1x512xi32, #tpu.memory_space<hbm>> -> memref<512xi32, #tpu.memory_space<hbm>>
      %dma_wait3A_21 = arith.constant 0 : i32
      %dma_wait3A_22 = tpu.memref_slice %arg11[%add3A, %dma_wait3A_21] : memref<32x512xi32, #tpu.memory_space<hbm>> -> memref<1x512xi32, #tpu.memory_space<hbm>>
      %dma_wait3A_23 = tpu.memref_squeeze %dma_wait3A_22 : memref<1x512xi32, #tpu.memory_space<hbm>> -> memref<512xi32, #tpu.memory_space<hbm>>
      tpu.wait_dma2 semaphore(%run_scoped3A : memref<!tpu.dma_semaphore, #tpu.memory_space<semaphore_mem>>) src(%dma_wait3A_23 : memref<512xi32, #tpu.memory_space<hbm>>) dst(%arg24 : memref<512xi32, #tpu.memory_space<vmem>>)
      tpu.yield
    }) : () -> ()
    "tpu.region"() ({
      %run_scoped3A = tpu.sem_alloc : memref<!tpu.dma_semaphore, #tpu.memory_space<semaphore_mem>>
      %dma_start3A = arith.constant 0 : i32
      %dma_start3A_14 = tpu.memref_slice %arg12[%add3A, %dma_start3A] : memref<32x512xi32, #tpu.memory_space<hbm>> -> memref<1x512xi32, #tpu.memory_space<hbm>>
      %dma_start3A_15 = tpu.memref_squeeze %dma_start3A_14 : memref<1x512xi32, #tpu.memory_space<hbm>> -> memref<512xi32, #tpu.memory_space<hbm>>
      %dma_start3A_16 = arith.constant 0 : i32
      %dma_start3A_17 = tpu.memref_slice %arg12[%add3A, %dma_start3A_16] : memref<32x512xi32, #tpu.memory_space<hbm>> -> memref<1x512xi32, #tpu.memory_space<hbm>>
      %dma_start3A_18 = tpu.memref_squeeze %dma_start3A_17 : memref<1x512xi32, #tpu.memory_space<hbm>> -> memref<512xi32, #tpu.memory_space<hbm>>
      tpu.enqueue_dma source(%dma_start3A_18 : memref<512xi32, #tpu.memory_space<hbm>>) target(%arg25 : memref<512xi32, #tpu.memory_space<vmem>>) target_semaphore(%run_scoped3A : memref<!tpu.dma_semaphore, #tpu.memory_space<semaphore_mem>>)
      %dma_wait3A = arith.constant 0 : i32
      %dma_wait3A_19 = tpu.memref_slice %arg12[%add3A, %dma_wait3A] : memref<32x512xi32, #tpu.memory_space<hbm>> -> memref<1x512xi32, #tpu.memory_space<hbm>>
      %dma_wait3A_20 = tpu.memref_squeeze %dma_wait3A_19 : memref<1x512xi32, #tpu.memory_space<hbm>> -> memref<512xi32, #tpu.memory_space<hbm>>
      %dma_wait3A_21 = arith.constant 0 : i32
      %dma_wait3A_22 = tpu.memref_slice %arg12[%add3A, %dma_wait3A_21] : memref<32x512xi32, #tpu.memory_space<hbm>> -> memref<1x512xi32, #tpu.memory_space<hbm>>
      %dma_wait3A_23 = tpu.memref_squeeze %dma_wait3A_22 : memref<1x512xi32, #tpu.memory_space<hbm>> -> memref<512xi32, #tpu.memory_space<hbm>>
      tpu.wait_dma2 semaphore(%run_scoped3A : memref<!tpu.dma_semaphore, #tpu.memory_space<semaphore_mem>>) src(%dma_wait3A_23 : memref<512xi32, #tpu.memory_space<hbm>>) dst(%arg25 : memref<512xi32, #tpu.memory_space<vmem>>)
      tpu.yield
    }) : () -> ()
    "tpu.region"() ({
      %run_scoped3A = tpu.sem_alloc : memref<!tpu.dma_semaphore, #tpu.memory_space<semaphore_mem>>
      %dma_start3A = arith.constant 0 : i32
      %dma_start3A_14 = tpu.memref_slice %arg13[%add3A, %dma_start3A] : memref<32x512xf32, #tpu.memory_space<hbm>> -> memref<1x512xf32, #tpu.memory_space<hbm>>
      %dma_start3A_15 = tpu.memref_squeeze %dma_start3A_14 : memref<1x512xf32, #tpu.memory_space<hbm>> -> memref<512xf32, #tpu.memory_space<hbm>>
      %dma_start3A_16 = arith.constant 0 : i32
      %dma_start3A_17 = tpu.memref_slice %arg13[%add3A, %dma_start3A_16] : memref<32x512xf32, #tpu.memory_space<hbm>> -> memref<1x512xf32, #tpu.memory_space<hbm>>
      %dma_start3A_18 = tpu.memref_squeeze %dma_start3A_17 : memref<1x512xf32, #tpu.memory_space<hbm>> -> memref<512xf32, #tpu.memory_space<hbm>>
      tpu.enqueue_dma source(%dma_start3A_18 : memref<512xf32, #tpu.memory_space<hbm>>) target(%arg26 : memref<512xf32, #tpu.memory_space<vmem>>) target_semaphore(%run_scoped3A : memref<!tpu.dma_semaphore, #tpu.memory_space<semaphore_mem>>)
      %dma_wait3A = arith.constant 0 : i32
      %dma_wait3A_19 = tpu.memref_slice %arg13[%add3A, %dma_wait3A] : memref<32x512xf32, #tpu.memory_space<hbm>> -> memref<1x512xf32, #tpu.memory_space<hbm>>
      %dma_wait3A_20 = tpu.memref_squeeze %dma_wait3A_19 : memref<1x512xf32, #tpu.memory_space<hbm>> -> memref<512xf32, #tpu.memory_space<hbm>>
      %dma_wait3A_21 = arith.constant 0 : i32
      %dma_wait3A_22 = tpu.memref_slice %arg13[%add3A, %dma_wait3A_21] : memref<32x512xf32, #tpu.memory_space<hbm>> -> memref<1x512xf32, #tpu.memory_space<hbm>>
      %dma_wait3A_23 = tpu.memref_squeeze %dma_wait3A_22 : memref<1x512xf32, #tpu.memory_space<hbm>> -> memref<512xf32, #tpu.memory_space<hbm>>
      tpu.wait_dma2 semaphore(%run_scoped3A : memref<!tpu.dma_semaphore, #tpu.memory_space<semaphore_mem>>) src(%dma_wait3A_23 : memref<512xf32, #tpu.memory_space<hbm>>) dst(%arg26 : memref<512xf32, #tpu.memory_space<vmem>>)
      tpu.yield
    }) : () -> ()
    "tpu.region"() ({
      %run_scoped3A = tpu.sem_alloc : memref<!tpu.dma_semaphore, #tpu.memory_space<semaphore_mem>>
      %dma_start3A = arith.constant 0 : i32
      %dma_start3A_14 = tpu.memref_slice %arg14[%add3A, %dma_start3A] : memref<32x512xf32, #tpu.memory_space<hbm>> -> memref<1x512xf32, #tpu.memory_space<hbm>>
      %dma_start3A_15 = tpu.memref_squeeze %dma_start3A_14 : memref<1x512xf32, #tpu.memory_space<hbm>> -> memref<512xf32, #tpu.memory_space<hbm>>
      %dma_start3A_16 = arith.constant 0 : i32
      %dma_start3A_17 = tpu.memref_slice %arg14[%add3A, %dma_start3A_16] : memref<32x512xf32, #tpu.memory_space<hbm>> -> memref<1x512xf32, #tpu.memory_space<hbm>>
      %dma_start3A_18 = tpu.memref_squeeze %dma_start3A_17 : memref<1x512xf32, #tpu.memory_space<hbm>> -> memref<512xf32, #tpu.memory_space<hbm>>
      tpu.enqueue_dma source(%dma_start3A_18 : memref<512xf32, #tpu.memory_space<hbm>>) target(%arg27 : memref<512xf32, #tpu.memory_space<vmem>>) target_semaphore(%run_scoped3A : memref<!tpu.dma_semaphore, #tpu.memory_space<semaphore_mem>>)
      %dma_wait3A = arith.constant 0 : i32
      %dma_wait3A_19 = tpu.memref_slice %arg14[%add3A, %dma_wait3A] : memref<32x512xf32, #tpu.memory_space<hbm>> -> memref<1x512xf32, #tpu.memory_space<hbm>>
      %dma_wait3A_20 = tpu.memref_squeeze %dma_wait3A_19 : memref<1x512xf32, #tpu.memory_space<hbm>> -> memref<512xf32, #tpu.memory_space<hbm>>
      %dma_wait3A_21 = arith.constant 0 : i32
      %dma_wait3A_22 = tpu.memref_slice %arg14[%add3A, %dma_wait3A_21] : memref<32x512xf32, #tpu.memory_space<hbm>> -> memref<1x512xf32, #tpu.memory_space<hbm>>
      %dma_wait3A_23 = tpu.memref_squeeze %dma_wait3A_22 : memref<1x512xf32, #tpu.memory_space<hbm>> -> memref<512xf32, #tpu.memory_space<hbm>>
      tpu.wait_dma2 semaphore(%run_scoped3A : memref<!tpu.dma_semaphore, #tpu.memory_space<semaphore_mem>>) src(%dma_wait3A_23 : memref<512xf32, #tpu.memory_space<hbm>>) dst(%arg27 : memref<512xf32, #tpu.memory_space<vmem>>)
      tpu.yield
    }) : () -> ()
    %iota3A = tpu.iota {dimensions = array<i32: 0>} : vector<16xi32>
    %mul3A_1 = arith.constant 4096 : i32
    %mul3A_2 = arith.muli %add3A, %mul3A_1 : i32
    %scan3A = arith.constant 0 : i32
    %scan3A_3 = arith.constant 32 : i32
    %scan3A_4 = arith.addi %scan3A, %scan3A_3 : i32
    %scan3A_5 = arith.constant 1 : i32
    scf.for %scan3A_14 = %scan3A to %scan3A_4 step %scan3A_5  : i32 {
      %mul3A_15 = arith.constant 16 : i32
      %mul3A_16 = arith.muli %scan3A_14, %mul3A_15 : i32
      %get3A = arith.index_cast %mul3A_16 : i32 to index
      %get3A_17 = tpu.vector_load %arg24[%get3A] {strides = array<i32>} : memref<512xi32, #tpu.memory_space<vmem>>, vector<16xi32>,
      %get3A_18 = arith.index_cast %mul3A_16 : i32 to index
      %get3A_19 = tpu.vector_load %arg25[%get3A_18] {strides = array<i32>} : memref<512xi32, #tpu.memory_space<vmem>>, vector<16xi32>,
      %get3A_20 = arith.index_cast %mul3A_16 : i32 to index
      %get3A_21 = tpu.vector_load %arg26[%get3A_20] {strides = array<i32>} : memref<512xf32, #tpu.memory_space<vmem>>, vector<16xf32>,
      %get3A_22 = arith.index_cast %mul3A_16 : i32 to index
      %get3A_23 = tpu.vector_load %arg27[%get3A_22] {strides = array<i32>} : memref<512xf32, #tpu.memory_space<vmem>>, vector<16xf32>,
      %broadcast_in_dim3A = vector.broadcast %scan3A_14 : i32 to vector<16xi32>
      %gather3A = tpu.vector_load_idx %arg20[%get3A_17] : memref<1024xi32, #tpu.memory_space<vmem>>[vector<16xi32>], vector<16xi32>,
      %gather3A_24 = tpu.vector_load_idx %arg21[%get3A_17] : memref<1024xi32, #tpu.memory_space<vmem>>[vector<16xi32>], vector<16xi32>,
      %gather3A_25 = tpu.vector_load_idx %arg22[%get3A_17] : memref<1024xf32, #tpu.memory_space<vmem>>[vector<16xi32>], vector<16xf32>,
      %mul3A_26 = arith.mulf %gather3A_25, %get3A_21 : vector<16xf32>
      %gather3A_27 = tpu.vector_load_idx %arg23[%get3A_17] : memref<1024xf32, #tpu.memory_space<vmem>>[vector<16xi32>], vector<16xf32>,
      %mul3A_28 = arith.mulf %gather3A_27, %get3A_21 : vector<16xf32>
      %gather3A_29 = tpu.vector_load_idx %arg16[%gather3A] : memref<2048xi32, #tpu.memory_space<vmem>>[vector<16xi32>], vector<16xi32>,
      %gather3A_30 = tpu.vector_load_idx %arg17[%gather3A] : memref<2048xi32, #tpu.memory_space<vmem>>[vector<16xi32>], vector<16xi32>,
      %gather3A_31 = tpu.vector_load_idx %arg18[%gather3A] : memref<2048xf32, #tpu.memory_space<vmem>>[vector<16xi32>], vector<16xf32>,
      %mul3A_32 = arith.mulf %gather3A_31, %mul3A_26 : vector<16xf32>
      %gather3A_33 = tpu.vector_load_idx %arg19[%gather3A] : memref<2048xf32, #tpu.memory_space<vmem>>[vector<16xi32>], vector<16xf32>,
      %mul3A_34 = arith.mulf %gather3A_33, %mul3A_26 : vector<16xf32>
      %mul3A_35 = arith.constant 8 : i32
      %mul3A_36 = vector.broadcast %mul3A_35 : i32 to vector<16xi32>
      %mul3A_37 = arith.muli %iota3A, %mul3A_36 : vector<16xi32>
      %add3A_38 = arith.constant 0 : i32
      %add3A_39 = vector.broadcast %add3A_38 : i32 to vector<16xi32>
      %add3A_40 = arith.addi %mul3A_37, %add3A_39 : vector<16xi32>
      %add3A_41 = vector.broadcast %mul3A_2 : i32 to vector<16xi32>
      %add3A_42 = arith.addi %gather3A_29, %add3A_41 : vector<16xi32>
      tpu.vector_store_idx %arg28[%broadcast_in_dim3A, %add3A_40], %add3A_42 : memref<32x128xi32, #tpu.memory_space<vmem>>[vector<16xi32>, vector<16xi32>], vector<16xi32>,
      tpu.vector_store_idx %arg29[%broadcast_in_dim3A, %add3A_40], %mul3A_32 : memref<32x128xf32, #tpu.memory_space<vmem>>[vector<16xi32>, vector<16xi32>], vector<16xf32>,
      %mul3A_43 = arith.constant 8 : i32
      %mul3A_44 = vector.broadcast %mul3A_43 : i32 to vector<16xi32>
      %mul3A_45 = arith.muli %iota3A, %mul3A_44 : vector<16xi32>
      %add3A_46 = arith.constant 1 : i32
      %add3A_47 = vector.broadcast %add3A_46 : i32 to vector<16xi32>
      %add3A_48 = arith.addi %mul3A_45, %add3A_47 : vector<16xi32>
      %add3A_49 = vector.broadcast %mul3A_2 : i32 to vector<16xi32>
      %add3A_50 = arith.addi %gather3A_30, %add3A_49 : vector<16xi32>
      tpu.vector_store_idx %arg28[%broadcast_in_dim3A, %add3A_48], %add3A_50 : memref<32x128xi32, #tpu.memory_space<vmem>>[vector<16xi32>, vector<16xi32>], vector<16xi32>,
      tpu.vector_store_idx %arg29[%broadcast_in_dim3A, %add3A_48], %mul3A_34 : memref<32x128xf32, #tpu.memory_space<vmem>>[vector<16xi32>, vector<16xi32>], vector<16xf32>,
      %gather3A_51 = tpu.vector_load_idx %arg16[%gather3A_24] : memref<2048xi32, #tpu.memory_space<vmem>>[vector<16xi32>], vector<16xi32>,
      %gather3A_52 = tpu.vector_load_idx %arg17[%gather3A_24] : memref<2048xi32, #tpu.memory_space<vmem>>[vector<16xi32>], vector<16xi32>,
      %gather3A_53 = tpu.vector_load_idx %arg18[%gather3A_24] : memref<2048xf32, #tpu.memory_space<vmem>>[vector<16xi32>], vector<16xf32>,
      %mul3A_54 = arith.mulf %gather3A_53, %mul3A_28 : vector<16xf32>
      %gather3A_55 = tpu.vector_load_idx %arg19[%gather3A_24] : memref<2048xf32, #tpu.memory_space<vmem>>[vector<16xi32>], vector<16xf32>,
      %mul3A_56 = arith.mulf %gather3A_55, %mul3A_28 : vector<16xf32>
      %mul3A_57 = arith.constant 8 : i32
      %mul3A_58 = vector.broadcast %mul3A_57 : i32 to vector<16xi32>
      %mul3A_59 = arith.muli %iota3A, %mul3A_58 : vector<16xi32>
      %add3A_60 = arith.constant 2 : i32
      %add3A_61 = vector.broadcast %add3A_60 : i32 to vector<16xi32>
      %add3A_62 = arith.addi %mul3A_59, %add3A_61 : vector<16xi32>
      %add3A_63 = vector.broadcast %mul3A_2 : i32 to vector<16xi32>
      %add3A_64 = arith.addi %gather3A_51, %add3A_63 : vector<16xi32>
      tpu.vector_store_idx %arg28[%broadcast_in_dim3A, %add3A_62], %add3A_64 : memref<32x128xi32, #tpu.memory_space<vmem>>[vector<16xi32>, vector<16xi32>], vector<16xi32>,
      tpu.vector_store_idx %arg29[%broadcast_in_dim3A, %add3A_62], %mul3A_54 : memref<32x128xf32, #tpu.memory_space<vmem>>[vector<16xi32>, vector<16xi32>], vector<16xf32>,
      %mul3A_65 = arith.constant 8 : i32
      %mul3A_66 = vector.broadcast %mul3A_65 : i32 to vector<16xi32>
      %mul3A_67 = arith.muli %iota3A, %mul3A_66 : vector<16xi32>
      %add3A_68 = arith.constant 3 : i32
      %add3A_69 = vector.broadcast %add3A_68 : i32 to vector<16xi32>
      %add3A_70 = arith.addi %mul3A_67, %add3A_69 : vector<16xi32>
      %add3A_71 = vector.broadcast %mul3A_2 : i32 to vector<16xi32>
      %add3A_72 = arith.addi %gather3A_52, %add3A_71 : vector<16xi32>
      tpu.vector_store_idx %arg28[%broadcast_in_dim3A, %add3A_70], %add3A_72 : memref<32x128xi32, #tpu.memory_space<vmem>>[vector<16xi32>, vector<16xi32>], vector<16xi32>,
      tpu.vector_store_idx %arg29[%broadcast_in_dim3A, %add3A_70], %mul3A_56 : memref<32x128xf32, #tpu.memory_space<vmem>>[vector<16xi32>, vector<16xi32>], vector<16xf32>,
      %gather3A_73 = tpu.vector_load_idx %arg20[%get3A_19] : memref<1024xi32, #tpu.memory_space<vmem>>[vector<16xi32>], vector<16xi32>,
      %gather3A_74 = tpu.vector_load_idx %arg21[%get3A_19] : memref<1024xi32, #tpu.memory_space<vmem>>[vector<16xi32>], vector<16xi32>,
      %gather3A_75 = tpu.vector_load_idx %arg22[%get3A_19] : memref<1024xf32, #tpu.memory_space<vmem>>[vector<16xi32>], vector<16xf32>,
      %mul3A_76 = arith.mulf %gather3A_75, %get3A_23 : vector<16xf32>
      %gather3A_77 = tpu.vector_load_idx %arg23[%get3A_19] : memref<1024xf32, #tpu.memory_space<vmem>>[vector<16xi32>], vector<16xf32>,
      %mul3A_78 = arith.mulf %gather3A_77, %get3A_23 : vector<16xf32>
      %gather3A_79 = tpu.vector_load_idx %arg16[%gather3A_73] : memref<2048xi32, #tpu.memory_space<vmem>>[vector<16xi32>], vector<16xi32>,
      %gather3A_80 = tpu.vector_load_idx %arg17[%gather3A_73] : memref<2048xi32, #tpu.memory_space<vmem>>[vector<16xi32>], vector<16xi32>,
      %gather3A_81 = tpu.vector_load_idx %arg18[%gather3A_73] : memref<2048xf32, #tpu.memory_space<vmem>>[vector<16xi32>], vector<16xf32>,
      %mul3A_82 = arith.mulf %gather3A_81, %mul3A_76 : vector<16xf32>
      %gather3A_83 = tpu.vector_load_idx %arg19[%gather3A_73] : memref<2048xf32, #tpu.memory_space<vmem>>[vector<16xi32>], vector<16xf32>,
      %mul3A_84 = arith.mulf %gather3A_83, %mul3A_76 : vector<16xf32>
      %mul3A_85 = arith.constant 8 : i32
      %mul3A_86 = vector.broadcast %mul3A_85 : i32 to vector<16xi32>
      %mul3A_87 = arith.muli %iota3A, %mul3A_86 : vector<16xi32>
      %add3A_88 = arith.constant 4 : i32
      %add3A_89 = vector.broadcast %add3A_88 : i32 to vector<16xi32>
      %add3A_90 = arith.addi %mul3A_87, %add3A_89 : vector<16xi32>
      %add3A_91 = vector.broadcast %mul3A_2 : i32 to vector<16xi32>
      %add3A_92 = arith.addi %gather3A_79, %add3A_91 : vector<16xi32>
      tpu.vector_store_idx %arg28[%broadcast_in_dim3A, %add3A_90], %add3A_92 : memref<32x128xi32, #tpu.memory_space<vmem>>[vector<16xi32>, vector<16xi32>], vector<16xi32>,
      tpu.vector_store_idx %arg29[%broadcast_in_dim3A, %add3A_90], %mul3A_82 : memref<32x128xf32, #tpu.memory_space<vmem>>[vector<16xi32>, vector<16xi32>], vector<16xf32>,
      %mul3A_93 = arith.constant 8 : i32
      %mul3A_94 = vector.broadcast %mul3A_93 : i32 to vector<16xi32>
      %mul3A_95 = arith.muli %iota3A, %mul3A_94 : vector<16xi32>
      %add3A_96 = arith.constant 5 : i32
      %add3A_97 = vector.broadcast %add3A_96 : i32 to vector<16xi32>
      %add3A_98 = arith.addi %mul3A_95, %add3A_97 : vector<16xi32>
      %add3A_99 = vector.broadcast %mul3A_2 : i32 to vector<16xi32>
      %add3A_100 = arith.addi %gather3A_80, %add3A_99 : vector<16xi32>
      tpu.vector_store_idx %arg28[%broadcast_in_dim3A, %add3A_98], %add3A_100 : memref<32x128xi32, #tpu.memory_space<vmem>>[vector<16xi32>, vector<16xi32>], vector<16xi32>,
      tpu.vector_store_idx %arg29[%broadcast_in_dim3A, %add3A_98], %mul3A_84 : memref<32x128xf32, #tpu.memory_space<vmem>>[vector<16xi32>, vector<16xi32>], vector<16xf32>,
      %gather3A_101 = tpu.vector_load_idx %arg16[%gather3A_74] : memref<2048xi32, #tpu.memory_space<vmem>>[vector<16xi32>], vector<16xi32>,
      %gather3A_102 = tpu.vector_load_idx %arg17[%gather3A_74] : memref<2048xi32, #tpu.memory_space<vmem>>[vector<16xi32>], vector<16xi32>,
      %gather3A_103 = tpu.vector_load_idx %arg18[%gather3A_74] : memref<2048xf32, #tpu.memory_space<vmem>>[vector<16xi32>], vector<16xf32>,
      %mul3A_104 = arith.mulf %gather3A_103, %mul3A_78 : vector<16xf32>
      %gather3A_105 = tpu.vector_load_idx %arg19[%gather3A_74] : memref<2048xf32, #tpu.memory_space<vmem>>[vector<16xi32>], vector<16xf32>,
      %mul3A_106 = arith.mulf %gather3A_105, %mul3A_78 : vector<16xf32>
      %mul3A_107 = arith.constant 8 : i32
      %mul3A_108 = vector.broadcast %mul3A_107 : i32 to vector<16xi32>
      %mul3A_109 = arith.muli %iota3A, %mul3A_108 : vector<16xi32>
      %add3A_110 = arith.constant 6 : i32
      %add3A_111 = vector.broadcast %add3A_110 : i32 to vector<16xi32>
      %add3A_112 = arith.addi %mul3A_109, %add3A_111 : vector<16xi32>
      %add3A_113 = vector.broadcast %mul3A_2 : i32 to vector<16xi32>
      %add3A_114 = arith.addi %gather3A_101, %add3A_113 : vector<16xi32>
      tpu.vector_store_idx %arg28[%broadcast_in_dim3A, %add3A_112], %add3A_114 : memref<32x128xi32, #tpu.memory_space<vmem>>[vector<16xi32>, vector<16xi32>], vector<16xi32>,
      tpu.vector_store_idx %arg29[%broadcast_in_dim3A, %add3A_112], %mul3A_104 : memref<32x128xf32, #tpu.memory_space<vmem>>[vector<16xi32>, vector<16xi32>], vector<16xf32>,
      %mul3A_115 = arith.constant 8 : i32
      %mul3A_116 = vector.broadcast %mul3A_115 : i32 to vector<16xi32>
      %mul3A_117 = arith.muli %iota3A, %mul3A_116 : vector<16xi32>
      %add3A_118 = arith.constant 7 : i32
      %add3A_119 = vector.broadcast %add3A_118 : i32 to vector<16xi32>
      %add3A_120 = arith.addi %mul3A_117, %add3A_119 : vector<16xi32>
      %add3A_121 = vector.broadcast %mul3A_2 : i32 to vector<16xi32>
      %add3A_122 = arith.addi %gather3A_102, %add3A_121 : vector<16xi32>
      tpu.vector_store_idx %arg28[%broadcast_in_dim3A, %add3A_120], %add3A_122 : memref<32x128xi32, #tpu.memory_space<vmem>>[vector<16xi32>, vector<16xi32>], vector<16xi32>,
      tpu.vector_store_idx %arg29[%broadcast_in_dim3A, %add3A_120], %mul3A_106 : memref<32x128xf32, #tpu.memory_space<vmem>>[vector<16xi32>, vector<16xi32>], vector<16xf32>,
    }
    %scan3A_6 = arith.constant 32 : i32
    %scan3A_7 = arith.constant 0 : i32
    %scan3A_8 = arith.constant 32 : i32
    %scan3A_9 = arith.addi %scan3A_7, %scan3A_8 : i32
    %scan3A_10 = arith.constant 1 : i32
    scf.for %scan3A_14 = %scan3A_7 to %scan3A_9 step %scan3A_10  : i32 {
      %dma_start3A = arith.constant 0 : i32
      %dma_start3A_15 = tpu.memref_slice %arg28[%scan3A_14, %dma_start3A] : memref<32x128xi32, #tpu.memory_space<vmem>> -> memref<1x128xi32, #tpu.memory_space<vmem>>
      %dma_start3A_16 = tpu.memref_squeeze %dma_start3A_15 : memref<1x128xi32, #tpu.memory_space<vmem>> -> memref<128xi32, #tpu.memory_space<vmem>>
      %dma_start3A_17 = arith.constant 0 : i32
      %dma_start3A_18 = arith.constant 0 : i32
      %dma_start3A_19 = tpu.memref_slice %arg2[%dma_start3A_17, %dma_start3A_18] : memref<131072x64xf32, #tpu.memory_space<hbm>> -> memref<131072x64xf32, #tpu.memory_space<hbm>>
      tpu.enqueue_indirect_dma source(%dma_start3A_19 : memref<131072x64xf32, #tpu.memory_space<hbm>>) target(%arg30 : memref<128x64xf32, #tpu.memory_space<vmem>>) offsets(%dma_start3A_16 : memref<128xi32, #tpu.memory_space<vmem>>) semaphore(%arg32 : memref<!tpu.dma_semaphore, #tpu.memory_space<semaphore_mem>>)
      %dma_wait3A = arith.constant 0 : i32
      %dma_wait3A_20 = tpu.memref_slice %arg28[%scan3A_14, %dma_wait3A] : memref<32x128xi32, #tpu.memory_space<vmem>> -> memref<1x128xi32, #tpu.memory_space<vmem>>
      %dma_wait3A_21 = tpu.memref_squeeze %dma_wait3A_20 : memref<1x128xi32, #tpu.memory_space<vmem>> -> memref<128xi32, #tpu.memory_space<vmem>>
      %dma_wait3A_22 = arith.constant 0 : i32
      %dma_wait3A_23 = arith.constant 0 : i32
      %dma_wait3A_24 = tpu.memref_slice %arg2[%dma_wait3A_22, %dma_wait3A_23] : memref<131072x64xf32, #tpu.memory_space<hbm>> -> memref<131072x64xf32, #tpu.memory_space<hbm>>
      tpu.wait_indirect_dma semaphore(%arg32 : memref<!tpu.dma_semaphore, #tpu.memory_space<semaphore_mem>>) src(%dma_wait3A_24 : memref<131072x64xf32, #tpu.memory_space<hbm>>) dst(%arg30 : memref<128x64xf32, #tpu.memory_space<vmem>>)
      %broadcast_in_dim3A = vector.broadcast %scan3A_14 : i32 to vector<16xi32>
      %broadcast_in_dim3A_25 = arith.constant 0 : i32
      %broadcast_in_dim3A_26 = vector.broadcast %broadcast_in_dim3A_25 : i32 to vector<16xi32>
      %gather3A = tpu.vector_load_idx %arg29[%broadcast_in_dim3A, %broadcast_in_dim3A_26] : memref<32x128xf32, #tpu.memory_space<vmem>>[vector<16xi32>, vector<16xi32>], vector<16xf32>,
      %broadcast_in_dim3A_27 = arith.constant 1 : i32
      %broadcast_in_dim3A_28 = vector.broadcast %broadcast_in_dim3A_27 : i32 to vector<16xi32>
      %gather3A_29 = tpu.vector_load_idx %arg29[%broadcast_in_dim3A, %broadcast_in_dim3A_28] : memref<32x128xf32, #tpu.memory_space<vmem>>[vector<16xi32>, vector<16xi32>], vector<16xf32>,
      %broadcast_in_dim3A_30 = arith.constant 2 : i32
      %broadcast_in_dim3A_31 = vector.broadcast %broadcast_in_dim3A_30 : i32 to vector<16xi32>
      %gather3A_32 = tpu.vector_load_idx %arg29[%broadcast_in_dim3A, %broadcast_in_dim3A_31] : memref<32x128xf32, #tpu.memory_space<vmem>>[vector<16xi32>, vector<16xi32>], vector<16xf32>,
      %broadcast_in_dim3A_33 = arith.constant 3 : i32
      %broadcast_in_dim3A_34 = vector.broadcast %broadcast_in_dim3A_33 : i32 to vector<16xi32>
      %gather3A_35 = tpu.vector_load_idx %arg29[%broadcast_in_dim3A, %broadcast_in_dim3A_34] : memref<32x128xf32, #tpu.memory_space<vmem>>[vector<16xi32>, vector<16xi32>], vector<16xf32>,
      %broadcast_in_dim3A_36 = arith.constant 4 : i32
      %broadcast_in_dim3A_37 = vector.broadcast %broadcast_in_dim3A_36 : i32 to vector<16xi32>
      %gather3A_38 = tpu.vector_load_idx %arg29[%broadcast_in_dim3A, %broadcast_in_dim3A_37] : memref<32x128xf32, #tpu.memory_space<vmem>>[vector<16xi32>, vector<16xi32>], vector<16xf32>,
      %broadcast_in_dim3A_39 = arith.constant 5 : i32
      %broadcast_in_dim3A_40 = vector.broadcast %broadcast_in_dim3A_39 : i32 to vector<16xi32>
      %gather3A_41 = tpu.vector_load_idx %arg29[%broadcast_in_dim3A, %broadcast_in_dim3A_40] : memref<32x128xf32, #tpu.memory_space<vmem>>[vector<16xi32>, vector<16xi32>], vector<16xf32>,
      %broadcast_in_dim3A_42 = arith.constant 6 : i32
      %broadcast_in_dim3A_43 = vector.broadcast %broadcast_in_dim3A_42 : i32 to vector<16xi32>
      %gather3A_44 = tpu.vector_load_idx %arg29[%broadcast_in_dim3A, %broadcast_in_dim3A_43] : memref<32x128xf32, #tpu.memory_space<vmem>>[vector<16xi32>, vector<16xi32>], vector<16xf32>,
      %broadcast_in_dim3A_45 = arith.constant 7 : i32
      %broadcast_in_dim3A_46 = vector.broadcast %broadcast_in_dim3A_45 : i32 to vector<16xi32>
      %gather3A_47 = tpu.vector_load_idx %arg29[%broadcast_in_dim3A, %broadcast_in_dim3A_46] : memref<32x128xf32, #tpu.memory_space<vmem>>[vector<16xi32>, vector<16xi32>], vector<16xf32>,
      %get3A = arith.constant 0 : i32
      %get3A_48 = arith.index_cast %get3A : i32 to index
      %get3A_49 = arith.constant 0 : index
      %get3A_50 = tpu.vector_load %arg30[%get3A_48, %get3A_49] {strides = array<i32>} : memref<128x64xf32, #tpu.memory_space<vmem>>, vector<16xf32>,
      %mul3A_51 = arith.mulf %gather3A, %get3A_50 : vector<16xf32>
      %get3A_52 = arith.constant 1 : i32
      %get3A_53 = arith.index_cast %get3A_52 : i32 to index
      %get3A_54 = arith.constant 0 : index
      %get3A_55 = tpu.vector_load %arg30[%get3A_53, %get3A_54] {strides = array<i32>} : memref<128x64xf32, #tpu.memory_space<vmem>>, vector<16xf32>,
      %mul3A_56 = arith.mulf %gather3A_29, %get3A_55 : vector<16xf32>
      %add3A_57 = arith.addf %mul3A_51, %mul3A_56 : vector<16xf32>
      %get3A_58 = arith.constant 2 : i32
      %get3A_59 = arith.index_cast %get3A_58 : i32 to index
      %get3A_60 = arith.constant 0 : index
      %get3A_61 = tpu.vector_load %arg30[%get3A_59, %get3A_60] {strides = array<i32>} : memref<128x64xf32, #tpu.memory_space<vmem>>, vector<16xf32>,
      %mul3A_62 = arith.mulf %gather3A_32, %get3A_61 : vector<16xf32>
      %add3A_63 = arith.addf %add3A_57, %mul3A_62 : vector<16xf32>
      %get3A_64 = arith.constant 3 : i32
      %get3A_65 = arith.index_cast %get3A_64 : i32 to index
      %get3A_66 = arith.constant 0 : index
      %get3A_67 = tpu.vector_load %arg30[%get3A_65, %get3A_66] {strides = array<i32>} : memref<128x64xf32, #tpu.memory_space<vmem>>, vector<16xf32>,
      %mul3A_68 = arith.mulf %gather3A_35, %get3A_67 : vector<16xf32>
      %add3A_69 = arith.addf %add3A_63, %mul3A_68 : vector<16xf32>
      %get3A_70 = arith.constant 4 : i32
      %get3A_71 = arith.index_cast %get3A_70 : i32 to index
      %get3A_72 = arith.constant 0 : index
      %get3A_73 = tpu.vector_load %arg30[%get3A_71, %get3A_72] {strides = array<i32>} : memref<128x64xf32, #tpu.memory_space<vmem>>, vector<16xf32>,
      %mul3A_74 = arith.mulf %gather3A_38, %get3A_73 : vector<16xf32>
      %add3A_75 = arith.addf %add3A_69, %mul3A_74 : vector<16xf32>
      %get3A_76 = arith.constant 5 : i32
      %get3A_77 = arith.index_cast %get3A_76 : i32 to index
      %get3A_78 = arith.constant 0 : index
      %get3A_79 = tpu.vector_load %arg30[%get3A_77, %get3A_78] {strides = array<i32>} : memref<128x64xf32, #tpu.memory_space<vmem>>, vector<16xf32>,
      %mul3A_80 = arith.mulf %gather3A_41, %get3A_79 : vector<16xf32>
      %add3A_81 = arith.addf %add3A_75, %mul3A_80 : vector<16xf32>
      %get3A_82 = arith.constant 6 : i32
      %get3A_83 = arith.index_cast %get3A_82 : i32 to index
      %get3A_84 = arith.constant 0 : index
      %get3A_85 = tpu.vector_load %arg30[%get3A_83, %get3A_84] {strides = array<i32>} : memref<128x64xf32, #tpu.memory_space<vmem>>, vector<16xf32>,
      %mul3A_86 = arith.mulf %gather3A_44, %get3A_85 : vector<16xf32>
      %add3A_87 = arith.addf %add3A_81, %mul3A_86 : vector<16xf32>
      %get3A_88 = arith.constant 7 : i32
      %get3A_89 = arith.index_cast %get3A_88 : i32 to index
      %get3A_90 = arith.constant 0 : index
      %get3A_91 = tpu.vector_load %arg30[%get3A_89, %get3A_90] {strides = array<i32>} : memref<128x64xf32, #tpu.memory_space<vmem>>, vector<16xf32>,
      %mul3A_92 = arith.mulf %gather3A_47, %get3A_91 : vector<16xf32>
      %add3A_93 = arith.addf %add3A_87, %mul3A_92 : vector<16xf32>
      %mul3A_94 = arith.constant 16 : i32
      %mul3A_95 = arith.muli %scan3A_14, %mul3A_94 : i32
      %add3A_96 = arith.constant 0 : i32
      %add3A_97 = arith.addi %mul3A_95, %add3A_96 : i32
      %swap3A = arith.index_cast %add3A_97 : i32 to index
      %swap3A_98 = arith.constant 0 : index
      %swap3A_99 = tpu.vector_load %arg31[%swap3A, %swap3A_98] {strides = array<i32>} : memref<512x64xf32, #tpu.memory_space<vmem>>, vector<16xf32>,
      tpu.vector_store %arg31[%swap3A, %swap3A_98], %add3A_93 {strides = array<i32>} : memref<512x64xf32, #tpu.memory_space<vmem>>, vector<16xf32>,
      %get3A_100 = arith.constant 0 : i32
      %get3A_101 = arith.index_cast %get3A_100 : i32 to index
      %get3A_102 = arith.constant 16 : index
      %get3A_103 = tpu.vector_load %arg30[%get3A_101, %get3A_102] {strides = array<i32>} : memref<128x64xf32, #tpu.memory_space<vmem>>, vector<16xf32>,
      %mul3A_104 = arith.mulf %gather3A, %get3A_103 : vector<16xf32>
      %get3A_105 = arith.constant 1 : i32
      %get3A_106 = arith.index_cast %get3A_105 : i32 to index
      %get3A_107 = arith.constant 16 : index
      %get3A_108 = tpu.vector_load %arg30[%get3A_106, %get3A_107] {strides = array<i32>} : memref<128x64xf32, #tpu.memory_space<vmem>>, vector<16xf32>,
      %mul3A_109 = arith.mulf %gather3A_29, %get3A_108 : vector<16xf32>
      %add3A_110 = arith.addf %mul3A_104, %mul3A_109 : vector<16xf32>
      %get3A_111 = arith.constant 2 : i32
      %get3A_112 = arith.index_cast %get3A_111 : i32 to index
      %get3A_113 = arith.constant 16 : index
      %get3A_114 = tpu.vector_load %arg30[%get3A_112, %get3A_113] {strides = array<i32>} : memref<128x64xf32, #tpu.memory_space<vmem>>, vector<16xf32>,
      %mul3A_115 = arith.mulf %gather3A_32, %get3A_114 : vector<16xf32>
      %add3A_116 = arith.addf %add3A_110, %mul3A_115 : vector<16xf32>
      %get3A_117 = arith.constant 3 : i32
      %get3A_118 = arith.index_cast %get3A_117 : i32 to index
      %get3A_119 = arith.constant 16 : index
      %get3A_120 = tpu.vector_load %arg30[%get3A_118, %get3A_119] {strides = array<i32>} : memref<128x64xf32, #tpu.memory_space<vmem>>, vector<16xf32>,
      %mul3A_121 = arith.mulf %gather3A_35, %get3A_120 : vector<16xf32>
      %add3A_122 = arith.addf %add3A_116, %mul3A_121 : vector<16xf32>
      %get3A_123 = arith.constant 4 : i32
      %get3A_124 = arith.index_cast %get3A_123 : i32 to index
      %get3A_125 = arith.constant 16 : index
      %get3A_126 = tpu.vector_load %arg30[%get3A_124, %get3A_125] {strides = array<i32>} : memref<128x64xf32, #tpu.memory_space<vmem>>, vector<16xf32>,
      %mul3A_127 = arith.mulf %gather3A_38, %get3A_126 : vector<16xf32>
      %add3A_128 = arith.addf %add3A_122, %mul3A_127 : vector<16xf32>
      %get3A_129 = arith.constant 5 : i32
      %get3A_130 = arith.index_cast %get3A_129 : i32 to index
      %get3A_131 = arith.constant 16 : index
      %get3A_132 = tpu.vector_load %arg30[%get3A_130, %get3A_131] {strides = array<i32>} : memref<128x64xf32, #tpu.memory_space<vmem>>, vector<16xf32>,
      %mul3A_133 = arith.mulf %gather3A_41, %get3A_132 : vector<16xf32>
      %add3A_134 = arith.addf %add3A_128, %mul3A_133 : vector<16xf32>
      %get3A_135 = arith.constant 6 : i32
      %get3A_136 = arith.index_cast %get3A_135 : i32 to index
      %get3A_137 = arith.constant 16 : index
      %get3A_138 = tpu.vector_load %arg30[%get3A_136, %get3A_137] {strides = array<i32>} : memref<128x64xf32, #tpu.memory_space<vmem>>, vector<16xf32>,
      %mul3A_139 = arith.mulf %gather3A_44, %get3A_138 : vector<16xf32>
      %add3A_140 = arith.addf %add3A_134, %mul3A_139 : vector<16xf32>
      %get3A_141 = arith.constant 7 : i32
      %get3A_142 = arith.index_cast %get3A_141 : i32 to index
      %get3A_143 = arith.constant 16 : index
      %get3A_144 = tpu.vector_load %arg30[%get3A_142, %get3A_143] {strides = array<i32>} : memref<128x64xf32, #tpu.memory_space<vmem>>, vector<16xf32>,
      %mul3A_145 = arith.mulf %gather3A_47, %get3A_144 : vector<16xf32>
      %add3A_146 = arith.addf %add3A_140, %mul3A_145 : vector<16xf32>
      %mul3A_147 = arith.constant 16 : i32
      %mul3A_148 = arith.muli %scan3A_14, %mul3A_147 : i32
      %add3A_149 = arith.constant 0 : i32
      %add3A_150 = arith.addi %mul3A_148, %add3A_149 : i32
      %swap3A_151 = arith.index_cast %add3A_150 : i32 to index
      %swap3A_152 = arith.constant 16 : index
      %swap3A_153 = tpu.vector_load %arg31[%swap3A_151, %swap3A_152] {strides = array<i32>} : memref<512x64xf32, #tpu.memory_space<vmem>>, vector<16xf32>,
      tpu.vector_store %arg31[%swap3A_151, %swap3A_152], %add3A_146 {strides = array<i32>} : memref<512x64xf32, #tpu.memory_space<vmem>>, vector<16xf32>,
      %get3A_154 = arith.constant 0 : i32
      %get3A_155 = arith.index_cast %get3A_154 : i32 to index
      %get3A_156 = arith.constant 32 : index
      %get3A_157 = tpu.vector_load %arg30[%get3A_155, %get3A_156] {strides = array<i32>} : memref<128x64xf32, #tpu.memory_space<vmem>>, vector<16xf32>,
      %mul3A_158 = arith.mulf %gather3A, %get3A_157 : vector<16xf32>
      %get3A_159 = arith.constant 1 : i32
      %get3A_160 = arith.index_cast %get3A_159 : i32 to index
      %get3A_161 = arith.constant 32 : index
      %get3A_162 = tpu.vector_load %arg30[%get3A_160, %get3A_161] {strides = array<i32>} : memref<128x64xf32, #tpu.memory_space<vmem>>, vector<16xf32>,
      %mul3A_163 = arith.mulf %gather3A_29, %get3A_162 : vector<16xf32>
      %add3A_164 = arith.addf %mul3A_158, %mul3A_163 : vector<16xf32>
      %get3A_165 = arith.constant 2 : i32
      %get3A_166 = arith.index_cast %get3A_165 : i32 to index
      %get3A_167 = arith.constant 32 : index
      %get3A_168 = tpu.vector_load %arg30[%get3A_166, %get3A_167] {strides = array<i32>} : memref<128x64xf32, #tpu.memory_space<vmem>>, vector<16xf32>,
      %mul3A_169 = arith.mulf %gather3A_32, %get3A_168 : vector<16xf32>
      %add3A_170 = arith.addf %add3A_164, %mul3A_169 : vector<16xf32>
      %get3A_171 = arith.constant 3 : i32
      %get3A_172 = arith.index_cast %get3A_171 : i32 to index
      %get3A_173 = arith.constant 32 : index
      %get3A_174 = tpu.vector_load %arg30[%get3A_172, %get3A_173] {strides = array<i32>} : memref<128x64xf32, #tpu.memory_space<vmem>>, vector<16xf32>,
      %mul3A_175 = arith.mulf %gather3A_35, %get3A_174 : vector<16xf32>
      %add3A_176 = arith.addf %add3A_170, %mul3A_175 : vector<16xf32>
      %get3A_177 = arith.constant 4 : i32
      %get3A_178 = arith.index_cast %get3A_177 : i32 to index
      %get3A_179 = arith.constant 32 : index
      %get3A_180 = tpu.vector_load %arg30[%get3A_178, %get3A_179] {strides = array<i32>} : memref<128x64xf32, #tpu.memory_space<vmem>>, vector<16xf32>,
      %mul3A_181 = arith.mulf %gather3A_38, %get3A_180 : vector<16xf32>
      %add3A_182 = arith.addf %add3A_176, %mul3A_181 : vector<16xf32>
      %get3A_183 = arith.constant 5 : i32
      %get3A_184 = arith.index_cast %get3A_183 : i32 to index
      %get3A_185 = arith.constant 32 : index
      %get3A_186 = tpu.vector_load %arg30[%get3A_184, %get3A_185] {strides = array<i32>} : memref<128x64xf32, #tpu.memory_space<vmem>>, vector<16xf32>,
      %mul3A_187 = arith.mulf %gather3A_41, %get3A_186 : vector<16xf32>
      %add3A_188 = arith.addf %add3A_182, %mul3A_187 : vector<16xf32>
      %get3A_189 = arith.constant 6 : i32
      %get3A_190 = arith.index_cast %get3A_189 : i32 to index
      %get3A_191 = arith.constant 32 : index
      %get3A_192 = tpu.vector_load %arg30[%get3A_190, %get3A_191] {strides = array<i32>} : memref<128x64xf32, #tpu.memory_space<vmem>>, vector<16xf32>,
      %mul3A_193 = arith.mulf %gather3A_44, %get3A_192 : vector<16xf32>
      %add3A_194 = arith.addf %add3A_188, %mul3A_193 : vector<16xf32>
      %get3A_195 = arith.constant 7 : i32
      %get3A_196 = arith.index_cast %get3A_195 : i32 to index
      %get3A_197 = arith.constant 32 : index
      %get3A_198 = tpu.vector_load %arg30[%get3A_196, %get3A_197] {strides = array<i32>} : memref<128x64xf32, #tpu.memory_space<vmem>>, vector<16xf32>,
      %mul3A_199 = arith.mulf %gather3A_47, %get3A_198 : vector<16xf32>
      %add3A_200 = arith.addf %add3A_194, %mul3A_199 : vector<16xf32>
      %mul3A_201 = arith.constant 16 : i32
      %mul3A_202 = arith.muli %scan3A_14, %mul3A_201 : i32
      %add3A_203 = arith.constant 0 : i32
      %add3A_204 = arith.addi %mul3A_202, %add3A_203 : i32
      %swap3A_205 = arith.index_cast %add3A_204 : i32 to index
      %swap3A_206 = arith.constant 32 : index
      %swap3A_207 = tpu.vector_load %arg31[%swap3A_205, %swap3A_206] {strides = array<i32>} : memref<512x64xf32, #tpu.memory_space<vmem>>, vector<16xf32>,
      tpu.vector_store %arg31[%swap3A_205, %swap3A_206], %add3A_200 {strides = array<i32>} : memref<512x64xf32, #tpu.memory_space<vmem>>, vector<16xf32>,
      %get3A_208 = arith.constant 0 : i32
      %get3A_209 = arith.index_cast %get3A_208 : i32 to index
      %get3A_210 = arith.constant 48 : index
      %get3A_211 = tpu.vector_load %arg30[%get3A_209, %get3A_210] {strides = array<i32>} : memref<128x64xf32, #tpu.memory_space<vmem>>, vector<16xf32>,
      %mul3A_212 = arith.mulf %gather3A, %get3A_211 : vector<16xf32>
      %get3A_213 = arith.constant 1 : i32
      %get3A_214 = arith.index_cast %get3A_213 : i32 to index
      %get3A_215 = arith.constant 48 : index
      %get3A_216 = tpu.vector_load %arg30[%get3A_214, %get3A_215] {strides = array<i32>} : memref<128x64xf32, #tpu.memory_space<vmem>>, vector<16xf32>,
      %mul3A_217 = arith.mulf %gather3A_29, %get3A_216 : vector<16xf32>
      %add3A_218 = arith.addf %mul3A_212, %mul3A_217 : vector<16xf32>
      %get3A_219 = arith.constant 2 : i32
      %get3A_220 = arith.index_cast %get3A_219 : i32 to index
      %get3A_221 = arith.constant 48 : index
      %get3A_222 = tpu.vector_load %arg30[%get3A_220, %get3A_221] {strides = array<i32>} : memref<128x64xf32, #tpu.memory_space<vmem>>, vector<16xf32>,
      %mul3A_223 = arith.mulf %gather3A_32, %get3A_222 : vector<16xf32>
      %add3A_224 = arith.addf %add3A_218, %mul3A_223 : vector<16xf32>
      %get3A_225 = arith.constant 3 : i32
      %get3A_226 = arith.index_cast %get3A_225 : i32 to index
      %get3A_227 = arith.constant 48 : index
      %get3A_228 = tpu.vector_load %arg30[%get3A_226, %get3A_227] {strides = array<i32>} : memref<128x64xf32, #tpu.memory_space<vmem>>, vector<16xf32>,
      %mul3A_229 = arith.mulf %gather3A_35, %get3A_228 : vector<16xf32>
      %add3A_230 = arith.addf %add3A_224, %mul3A_229 : vector<16xf32>
      %get3A_231 = arith.constant 4 : i32
      %get3A_232 = arith.index_cast %get3A_231 : i32 to index
      %get3A_233 = arith.constant 48 : index
      %get3A_234 = tpu.vector_load %arg30[%get3A_232, %get3A_233] {strides = array<i32>} : memref<128x64xf32, #tpu.memory_space<vmem>>, vector<16xf32>,
      %mul3A_235 = arith.mulf %gather3A_38, %get3A_234 : vector<16xf32>
      %add3A_236 = arith.addf %add3A_230, %mul3A_235 : vector<16xf32>
      %get3A_237 = arith.constant 5 : i32
      %get3A_238 = arith.index_cast %get3A_237 : i32 to index
      %get3A_239 = arith.constant 48 : index
      %get3A_240 = tpu.vector_load %arg30[%get3A_238, %get3A_239] {strides = array<i32>} : memref<128x64xf32, #tpu.memory_space<vmem>>, vector<16xf32>,
      %mul3A_241 = arith.mulf %gather3A_41, %get3A_240 : vector<16xf32>
      %add3A_242 = arith.addf %add3A_236, %mul3A_241 : vector<16xf32>
      %get3A_243 = arith.constant 6 : i32
      %get3A_244 = arith.index_cast %get3A_243 : i32 to index
      %get3A_245 = arith.constant 48 : index
      %get3A_246 = tpu.vector_load %arg30[%get3A_244, %get3A_245] {strides = array<i32>} : memref<128x64xf32, #tpu.memory_space<vmem>>, vector<16xf32>,
      %mul3A_247 = arith.mulf %gather3A_44, %get3A_246 : vector<16xf32>
      %add3A_248 = arith.addf %add3A_242, %mul3A_247 : vector<16xf32>
      %get3A_249 = arith.constant 7 : i32
      %get3A_250 = arith.index_cast %get3A_249 : i32 to index
      %get3A_251 = arith.constant 48 : index
      %get3A_252 = tpu.vector_load %arg30[%get3A_250, %get3A_251] {strides = array<i32>} : memref<128x64xf32, #tpu.memory_space<vmem>>, vector<16xf32>,
      %mul3A_253 = arith.mulf %gather3A_47, %get3A_252 : vector<16xf32>
      %add3A_254 = arith.addf %add3A_248, %mul3A_253 : vector<16xf32>
      %mul3A_255 = arith.constant 16 : i32
      %mul3A_256 = arith.muli %scan3A_14, %mul3A_255 : i32
      %add3A_257 = arith.constant 0 : i32
      %add3A_258 = arith.addi %mul3A_256, %add3A_257 : i32
      %swap3A_259 = arith.index_cast %add3A_258 : i32 to index
      %swap3A_260 = arith.constant 48 : index
      %swap3A_261 = tpu.vector_load %arg31[%swap3A_259, %swap3A_260] {strides = array<i32>} : memref<512x64xf32, #tpu.memory_space<vmem>>, vector<16xf32>,
      tpu.vector_store %arg31[%swap3A_259, %swap3A_260], %add3A_254 {strides = array<i32>} : memref<512x64xf32, #tpu.memory_space<vmem>>, vector<16xf32>,
      %broadcast_in_dim3A_262 = arith.constant 8 : i32
      %broadcast_in_dim3A_263 = vector.broadcast %broadcast_in_dim3A_262 : i32 to vector<16xi32>
      %gather3A_264 = tpu.vector_load_idx %arg29[%broadcast_in_dim3A, %broadcast_in_dim3A_263] : memref<32x128xf32, #tpu.memory_space<vmem>>[vector<16xi32>, vector<16xi32>], vector<16xf32>,
      %broadcast_in_dim3A_265 = arith.constant 9 : i32
      %broadcast_in_dim3A_266 = vector.broadcast %broadcast_in_dim3A_265 : i32 to vector<16xi32>
      %gather3A_267 = tpu.vector_load_idx %arg29[%broadcast_in_dim3A, %broadcast_in_dim3A_266] : memref<32x128xf32, #tpu.memory_space<vmem>>[vector<16xi32>, vector<16xi32>], vector<16xf32>,
      %broadcast_in_dim3A_268 = arith.constant 10 : i32
      %broadcast_in_dim3A_269 = vector.broadcast %broadcast_in_dim3A_268 : i32 to vector<16xi32>
      %gather3A_270 = tpu.vector_load_idx %arg29[%broadcast_in_dim3A, %broadcast_in_dim3A_269] : memref<32x128xf32, #tpu.memory_space<vmem>>[vector<16xi32>, vector<16xi32>], vector<16xf32>,
      %broadcast_in_dim3A_271 = arith.constant 11 : i32
      %broadcast_in_dim3A_272 = vector.broadcast %broadcast_in_dim3A_271 : i32 to vector<16xi32>
      %gather3A_273 = tpu.vector_load_idx %arg29[%broadcast_in_dim3A, %broadcast_in_dim3A_272] : memref<32x128xf32, #tpu.memory_space<vmem>>[vector<16xi32>, vector<16xi32>], vector<16xf32>,
      %broadcast_in_dim3A_274 = arith.constant 12 : i32
      %broadcast_in_dim3A_275 = vector.broadcast %broadcast_in_dim3A_274 : i32 to vector<16xi32>
      %gather3A_276 = tpu.vector_load_idx %arg29[%broadcast_in_dim3A, %broadcast_in_dim3A_275] : memref<32x128xf32, #tpu.memory_space<vmem>>[vector<16xi32>, vector<16xi32>], vector<16xf32>,
      %broadcast_in_dim3A_277 = arith.constant 13 : i32
      %broadcast_in_dim3A_278 = vector.broadcast %broadcast_in_dim3A_277 : i32 to vector<16xi32>
      %gather3A_279 = tpu.vector_load_idx %arg29[%broadcast_in_dim3A, %broadcast_in_dim3A_278] : memref<32x128xf32, #tpu.memory_space<vmem>>[vector<16xi32>, vector<16xi32>], vector<16xf32>,
      %broadcast_in_dim3A_280 = arith.constant 14 : i32
      %broadcast_in_dim3A_281 = vector.broadcast %broadcast_in_dim3A_280 : i32 to vector<16xi32>
      %gather3A_282 = tpu.vector_load_idx %arg29[%broadcast_in_dim3A, %broadcast_in_dim3A_281] : memref<32x128xf32, #tpu.memory_space<vmem>>[vector<16xi32>, vector<16xi32>], vector<16xf32>,
      %broadcast_in_dim3A_283 = arith.constant 15 : i32
      %broadcast_in_dim3A_284 = vector.broadcast %broadcast_in_dim3A_283 : i32 to vector<16xi32>
      %gather3A_285 = tpu.vector_load_idx %arg29[%broadcast_in_dim3A, %broadcast_in_dim3A_284] : memref<32x128xf32, #tpu.memory_space<vmem>>[vector<16xi32>, vector<16xi32>], vector<16xf32>,
      %get3A_286 = arith.constant 8 : i32
      %get3A_287 = arith.index_cast %get3A_286 : i32 to index
      %get3A_288 = arith.constant 0 : index
      %get3A_289 = tpu.vector_load %arg30[%get3A_287, %get3A_288] {strides = array<i32>} : memref<128x64xf32, #tpu.memory_space<vmem>>, vector<16xf32>,
      %mul3A_290 = arith.mulf %gather3A_264, %get3A_289 : vector<16xf32>
      %get3A_291 = arith.constant 9 : i32
      %get3A_292 = arith.index_cast %get3A_291 : i32 to index
      %get3A_293 = arith.constant 0 : index
      %get3A_294 = tpu.vector_load %arg30[%get3A_292, %get3A_293] {strides = array<i32>} : memref<128x64xf32, #tpu.memory_space<vmem>>, vector<16xf32>,
      %mul3A_295 = arith.mulf %gather3A_267, %get3A_294 : vector<16xf32>
      %add3A_296 = arith.addf %mul3A_290, %mul3A_295 : vector<16xf32>
      %get3A_297 = arith.constant 10 : i32
      %get3A_298 = arith.index_cast %get3A_297 : i32 to index
      %get3A_299 = arith.constant 0 : index
      %get3A_300 = tpu.vector_load %arg30[%get3A_298, %get3A_299] {strides = array<i32>} : memref<128x64xf32, #tpu.memory_space<vmem>>, vector<16xf32>,
      %mul3A_301 = arith.mulf %gather3A_270, %get3A_300 : vector<16xf32>
      %add3A_302 = arith.addf %add3A_296, %mul3A_301 : vector<16xf32>
      %get3A_303 = arith.constant 11 : i32
      %get3A_304 = arith.index_cast %get3A_303 : i32 to index
      %get3A_305 = arith.constant 0 : index
      %get3A_306 = tpu.vector_load %arg30[%get3A_304, %get3A_305] {strides = array<i32>} : memref<128x64xf32, #tpu.memory_space<vmem>>, vector<16xf32>,
      %mul3A_307 = arith.mulf %gather3A_273, %get3A_306 : vector<16xf32>
      %add3A_308 = arith.addf %add3A_302, %mul3A_307 : vector<16xf32>
      %get3A_309 = arith.constant 12 : i32
      %get3A_310 = arith.index_cast %get3A_309 : i32 to index
      %get3A_311 = arith.constant 0 : index
      %get3A_312 = tpu.vector_load %arg30[%get3A_310, %get3A_311] {strides = array<i32>} : memref<128x64xf32, #tpu.memory_space<vmem>>, vector<16xf32>,
      %mul3A_313 = arith.mulf %gather3A_276, %get3A_312 : vector<16xf32>
      %add3A_314 = arith.addf %add3A_308, %mul3A_313 : vector<16xf32>
      %get3A_315 = arith.constant 13 : i32
      %get3A_316 = arith.index_cast %get3A_315 : i32 to index
      %get3A_317 = arith.constant 0 : index
      %get3A_318 = tpu.vector_load %arg30[%get3A_316, %get3A_317] {strides = array<i32>} : memref<128x64xf32, #tpu.memory_space<vmem>>, vector<16xf32>,
      %mul3A_319 = arith.mulf %gather3A_279, %get3A_318 : vector<16xf32>
      %add3A_320 = arith.addf %add3A_314, %mul3A_319 : vector<16xf32>
      %get3A_321 = arith.constant 14 : i32
      %get3A_322 = arith.index_cast %get3A_321 : i32 to index
      %get3A_323 = arith.constant 0 : index
      %get3A_324 = tpu.vector_load %arg30[%get3A_322, %get3A_323] {strides = array<i32>} : memref<128x64xf32, #tpu.memory_space<vmem>>, vector<16xf32>,
      %mul3A_325 = arith.mulf %gather3A_282, %get3A_324 : vector<16xf32>
      %add3A_326 = arith.addf %add3A_320, %mul3A_325 : vector<16xf32>
      %get3A_327 = arith.constant 15 : i32
      %get3A_328 = arith.index_cast %get3A_327 : i32 to index
      %get3A_329 = arith.constant 0 : index
      %get3A_330 = tpu.vector_load %arg30[%get3A_328, %get3A_329] {strides = array<i32>} : memref<128x64xf32, #tpu.memory_space<vmem>>, vector<16xf32>,
      %mul3A_331 = arith.mulf %gather3A_285, %get3A_330 : vector<16xf32>
      %add3A_332 = arith.addf %add3A_326, %mul3A_331 : vector<16xf32>
      %mul3A_333 = arith.constant 16 : i32
      %mul3A_334 = arith.muli %scan3A_14, %mul3A_333 : i32
      %add3A_335 = arith.constant 1 : i32
      %add3A_336 = arith.addi %mul3A_334, %add3A_335 : i32
      %swap3A_337 = arith.index_cast %add3A_336 : i32 to index
      %swap3A_338 = arith.constant 0 : index
      %swap3A_339 = tpu.vector_load %arg31[%swap3A_337, %swap3A_338] {strides = array<i32>} : memref<512x64xf32, #tpu.memory_space<vmem>>, vector<16xf32>,
      tpu.vector_store %arg31[%swap3A_337, %swap3A_338], %add3A_332 {strides = array<i32>} : memref<512x64xf32, #tpu.memory_space<vmem>>, vector<16xf32>,
      %get3A_340 = arith.constant 8 : i32
      %get3A_341 = arith.index_cast %get3A_340 : i32 to index
      %get3A_342 = arith.constant 16 : index
      %get3A_343 = tpu.vector_load %arg30[%get3A_341, %get3A_342] {strides = array<i32>} : memref<128x64xf32, #tpu.memory_space<vmem>>, vector<16xf32>,
      %mul3A_344 = arith.mulf %gather3A_264, %get3A_343 : vector<16xf32>
      %get3A_345 = arith.constant 9 : i32
      %get3A_346 = arith.index_cast %get3A_345 : i32 to index
      %get3A_347 = arith.constant 16 : index
      %get3A_348 = tpu.vector_load %arg30[%get3A_346, %get3A_347] {strides = array<i32>} : memref<128x64xf32, #tpu.memory_space<vmem>>, vector<16xf32>,
      %mul3A_349 = arith.mulf %gather3A_267, %get3A_348 : vector<16xf32>
      %add3A_350 = arith.addf %mul3A_344, %mul3A_349 : vector<16xf32>
      %get3A_351 = arith.constant 10 : i32
      %get3A_352 = arith.index_cast %get3A_351 : i32 to index
      %get3A_353 = arith.constant 16 : index
      %get3A_354 = tpu.vector_load %arg30[%get3A_352, %get3A_353] {strides = array<i32>} : memref<128x64xf32, #tpu.memory_space<vmem>>, vector<16xf32>,
      %mul3A_355 = arith.mulf %gather3A_270, %get3A_354 : vector<16xf32>
      %add3A_356 = arith.addf %add3A_350, %mul3A_355 : vector<16xf32>
      %get3A_357 = arith.constant 11 : i32
      %get3A_358 = arith.index_cast %get3A_357 : i32 to index
      %get3A_359 = arith.constant 16 : index
      %get3A_360 = tpu.vector_load %arg30[%get3A_358, %get3A_359] {strides = array<i32>} : memref<128x64xf32, #tpu.memory_space<vmem>>, vector<16xf32>,
      %mul3A_361 = arith.mulf %gather3A_273, %get3A_360 : vector<16xf32>
      %add3A_362 = arith.addf %add3A_356, %mul3A_361 : vector<16xf32>
      %get3A_363 = arith.constant 12 : i32
      %get3A_364 = arith.index_cast %get3A_363 : i32 to index
      %get3A_365 = arith.constant 16 : index
      %get3A_366 = tpu.vector_load %arg30[%get3A_364, %get3A_365] {strides = array<i32>} : memref<128x64xf32, #tpu.memory_space<vmem>>, vector<16xf32>,
      %mul3A_367 = arith.mulf %gather3A_276, %get3A_366 : vector<16xf32>
      %add3A_368 = arith.addf %add3A_362, %mul3A_367 : vector<16xf32>
      %get3A_369 = arith.constant 13 : i32
      %get3A_370 = arith.index_cast %get3A_369 : i32 to index
      %get3A_371 = arith.constant 16 : index
      %get3A_372 = tpu.vector_load %arg30[%get3A_370, %get3A_371] {strides = array<i32>} : memref<128x64xf32, #tpu.memory_space<vmem>>, vector<16xf32>,
      %mul3A_373 = arith.mulf %gather3A_279, %get3A_372 : vector<16xf32>
      %add3A_374 = arith.addf %add3A_368, %mul3A_373 : vector<16xf32>
      %get3A_375 = arith.constant 14 : i32
      %get3A_376 = arith.index_cast %get3A_375 : i32 to index
      %get3A_377 = arith.constant 16 : index
      %get3A_378 = tpu.vector_load %arg30[%get3A_376, %get3A_377] {strides = array<i32>} : memref<128x64xf32, #tpu.memory_space<vmem>>, vector<16xf32>,
      %mul3A_379 = arith.mulf %gather3A_282, %get3A_378 : vector<16xf32>
      %add3A_380 = arith.addf %add3A_374, %mul3A_379 : vector<16xf32>
      %get3A_381 = arith.constant 15 : i32
      %get3A_382 = arith.index_cast %get3A_381 : i32 to index
      %get3A_383 = arith.constant 16 : index
      %get3A_384 = tpu.vector_load %arg30[%get3A_382, %get3A_383] {strides = array<i32>} : memref<128x64xf32, #tpu.memory_space<vmem>>, vector<16xf32>,
      %mul3A_385 = arith.mulf %gather3A_285, %get3A_384 : vector<16xf32>
      %add3A_386 = arith.addf %add3A_380, %mul3A_385 : vector<16xf32>
      %mul3A_387 = arith.constant 16 : i32
      %mul3A_388 = arith.muli %scan3A_14, %mul3A_387 : i32
      %add3A_389 = arith.constant 1 : i32
      %add3A_390 = arith.addi %mul3A_388, %add3A_389 : i32
      %swap3A_391 = arith.index_cast %add3A_390 : i32 to index
      %swap3A_392 = arith.constant 16 : index
      %swap3A_393 = tpu.vector_load %arg31[%swap3A_391, %swap3A_392] {strides = array<i32>} : memref<512x64xf32, #tpu.memory_space<vmem>>, vector<16xf32>,
      tpu.vector_store %arg31[%swap3A_391, %swap3A_392], %add3A_386 {strides = array<i32>} : memref<512x64xf32, #tpu.memory_space<vmem>>, vector<16xf32>,
      %get3A_394 = arith.constant 8 : i32
      %get3A_395 = arith.index_cast %get3A_394 : i32 to index
      %get3A_396 = arith.constant 32 : index
      %get3A_397 = tpu.vector_load %arg30[%get3A_395, %get3A_396] {strides = array<i32>} : memref<128x64xf32, #tpu.memory_space<vmem>>, vector<16xf32>,
      %mul3A_398 = arith.mulf %gather3A_264, %get3A_397 : vector<16xf32>
      %get3A_399 = arith.constant 9 : i32
      %get3A_400 = arith.index_cast %get3A_399 : i32 to index
      %get3A_401 = arith.constant 32 : index
      %get3A_402 = tpu.vector_load %arg30[%get3A_400, %get3A_401] {strides = array<i32>} : memref<128x64xf32, #tpu.memory_space<vmem>>, vector<16xf32>,
      %mul3A_403 = arith.mulf %gather3A_267, %get3A_402 : vector<16xf32>
      %add3A_404 = arith.addf %mul3A_398, %mul3A_403 : vector<16xf32>
      %get3A_405 = arith.constant 10 : i32
      %get3A_406 = arith.index_cast %get3A_405 : i32 to index
      %get3A_407 = arith.constant 32 : index
      %get3A_408 = tpu.vector_load %arg30[%get3A_406, %get3A_407] {strides = array<i32>} : memref<128x64xf32, #tpu.memory_space<vmem>>, vector<16xf32>,
      %mul3A_409 = arith.mulf %gather3A_270, %get3A_408 : vector<16xf32>
      %add3A_410 = arith.addf %add3A_404, %mul3A_409 : vector<16xf32>
      %get3A_411 = arith.constant 11 : i32
      %get3A_412 = arith.index_cast %get3A_411 : i32 to index
      %get3A_413 = arith.constant 32 : index
      %get3A_414 = tpu.vector_load %arg30[%get3A_412, %get3A_413] {strides = array<i32>} : memref<128x64xf32, #tpu.memory_space<vmem>>, vector<16xf32>,
      %mul3A_415 = arith.mulf %gather3A_273, %get3A_414 : vector<16xf32>
      %add3A_416 = arith.addf %add3A_410, %mul3A_415 : vector<16xf32>
      %get3A_417 = arith.constant 12 : i32
      %get3A_418 = arith.index_cast %get3A_417 : i32 to index
      %get3A_419 = arith.constant 32 : index
      %get3A_420 = tpu.vector_load %arg30[%get3A_418, %get3A_419] {strides = array<i32>} : memref<128x64xf32, #tpu.memory_space<vmem>>, vector<16xf32>,
      %mul3A_421 = arith.mulf %gather3A_276, %get3A_420 : vector<16xf32>
      %add3A_422 = arith.addf %add3A_416, %mul3A_421 : vector<16xf32>
      %get3A_423 = arith.constant 13 : i32
      %get3A_424 = arith.index_cast %get3A_423 : i32 to index
      %get3A_425 = arith.constant 32 : index
      %get3A_426 = tpu.vector_load %arg30[%get3A_424, %get3A_425] {strides = array<i32>} : memref<128x64xf32, #tpu.memory_space<vmem>>, vector<16xf32>,
      %mul3A_427 = arith.mulf %gather3A_279, %get3A_426 : vector<16xf32>
      %add3A_428 = arith.addf %add3A_422, %mul3A_427 : vector<16xf32>
      %get3A_429 = arith.constant 14 : i32
      %get3A_430 = arith.index_cast %get3A_429 : i32 to index
      %get3A_431 = arith.constant 32 : index
      %get3A_432 = tpu.vector_load %arg30[%get3A_430, %get3A_431] {strides = array<i32>} : memref<128x64xf32, #tpu.memory_space<vmem>>, vector<16xf32>,
      %mul3A_433 = arith.mulf %gather3A_282, %get3A_432 : vector<16xf32>
      %add3A_434 = arith.addf %add3A_428, %mul3A_433 : vector<16xf32>
      %get3A_435 = arith.constant 15 : i32
      %get3A_436 = arith.index_cast %get3A_435 : i32 to index
      %get3A_437 = arith.constant 32 : index
      %get3A_438 = tpu.vector_load %arg30[%get3A_436, %get3A_437] {strides = array<i32>} : memref<128x64xf32, #tpu.memory_space<vmem>>, vector<16xf32>,
      %mul3A_439 = arith.mulf %gather3A_285, %get3A_438 : vector<16xf32>
      %add3A_440 = arith.addf %add3A_434, %mul3A_439 : vector<16xf32>
      %mul3A_441 = arith.constant 16 : i32
      %mul3A_442 = arith.muli %scan3A_14, %mul3A_441 : i32
      %add3A_443 = arith.constant 1 : i32
      %add3A_444 = arith.addi %mul3A_442, %add3A_443 : i32
      %swap3A_445 = arith.index_cast %add3A_444 : i32 to index
      %swap3A_446 = arith.constant 32 : index
      %swap3A_447 = tpu.vector_load %arg31[%swap3A_445, %swap3A_446] {strides = array<i32>} : memref<512x64xf32, #tpu.memory_space<vmem>>, vector<16xf32>,
      tpu.vector_store %arg31[%swap3A_445, %swap3A_446], %add3A_440 {strides = array<i32>} : memref<512x64xf32, #tpu.memory_space<vmem>>, vector<16xf32>,
      %get3A_448 = arith.constant 8 : i32
      %get3A_449 = arith.index_cast %get3A_448 : i32 to index
      %get3A_450 = arith.constant 48 : index
      %get3A_451 = tpu.vector_load %arg30[%get3A_449, %get3A_450] {strides = array<i32>} : memref<128x64xf32, #tpu.memory_space<vmem>>, vector<16xf32>,
      %mul3A_452 = arith.mulf %gather3A_264, %get3A_451 : vector<16xf32>
      %get3A_453 = arith.constant 9 : i32
      %get3A_454 = arith.index_cast %get3A_453 : i32 to index
      %get3A_455 = arith.constant 48 : index
      %get3A_456 = tpu.vector_load %arg30[%get3A_454, %get3A_455] {strides = array<i32>} : memref<128x64xf32, #tpu.memory_space<vmem>>, vector<16xf32>,
      %mul3A_457 = arith.mulf %gather3A_267, %get3A_456 : vector<16xf32>
      %add3A_458 = arith.addf %mul3A_452, %mul3A_457 : vector<16xf32>
      %get3A_459 = arith.constant 10 : i32
      %get3A_460 = arith.index_cast %get3A_459 : i32 to index
      %get3A_461 = arith.constant 48 : index
      %get3A_462 = tpu.vector_load %arg30[%get3A_460, %get3A_461] {strides = array<i32>} : memref<128x64xf32, #tpu.memory_space<vmem>>, vector<16xf32>,
      %mul3A_463 = arith.mulf %gather3A_270, %get3A_462 : vector<16xf32>
      %add3A_464 = arith.addf %add3A_458, %mul3A_463 : vector<16xf32>
      %get3A_465 = arith.constant 11 : i32
      %get3A_466 = arith.index_cast %get3A_465 : i32 to index
      %get3A_467 = arith.constant 48 : index
      %get3A_468 = tpu.vector_load %arg30[%get3A_466, %get3A_467] {strides = array<i32>} : memref<128x64xf32, #tpu.memory_space<vmem>>, vector<16xf32>,
      %mul3A_469 = arith.mulf %gather3A_273, %get3A_468 : vector<16xf32>
      %add3A_470 = arith.addf %add3A_464, %mul3A_469 : vector<16xf32>
      %get3A_471 = arith.constant 12 : i32
      %get3A_472 = arith.index_cast %get3A_471 : i32 to index
      %get3A_473 = arith.constant 48 : index
      %get3A_474 = tpu.vector_load %arg30[%get3A_472, %get3A_473] {strides = array<i32>} : memref<128x64xf32, #tpu.memory_space<vmem>>, vector<16xf32>,
      %mul3A_475 = arith.mulf %gather3A_276, %get3A_474 : vector<16xf32>
      %add3A_476 = arith.addf %add3A_470, %mul3A_475 : vector<16xf32>
      %get3A_477 = arith.constant 13 : i32
      %get3A_478 = arith.index_cast %get3A_477 : i32 to index
      %get3A_479 = arith.constant 48 : index
      %get3A_480 = tpu.vector_load %arg30[%get3A_478, %get3A_479] {strides = array<i32>} : memref<128x64xf32, #tpu.memory_space<vmem>>, vector<16xf32>,
      %mul3A_481 = arith.mulf %gather3A_279, %get3A_480 : vector<16xf32>
      %add3A_482 = arith.addf %add3A_476, %mul3A_481 : vector<16xf32>
      %get3A_483 = arith.constant 14 : i32
      %get3A_484 = arith.index_cast %get3A_483 : i32 to index
      %get3A_485 = arith.constant 48 : index
      %get3A_486 = tpu.vector_load %arg30[%get3A_484, %get3A_485] {strides = array<i32>} : memref<128x64xf32, #tpu.memory_space<vmem>>, vector<16xf32>,
      %mul3A_487 = arith.mulf %gather3A_282, %get3A_486 : vector<16xf32>
      %add3A_488 = arith.addf %add3A_482, %mul3A_487 : vector<16xf32>
      %get3A_489 = arith.constant 15 : i32
      %get3A_490 = arith.index_cast %get3A_489 : i32 to index
      %get3A_491 = arith.constant 48 : index
      %get3A_492 = tpu.vector_load %arg30[%get3A_490, %get3A_491] {strides = array<i32>} : memref<128x64xf32, #tpu.memory_space<vmem>>, vector<16xf32>,
      %mul3A_493 = arith.mulf %gather3A_285, %get3A_492 : vector<16xf32>
      %add3A_494 = arith.addf %add3A_488, %mul3A_493 : vector<16xf32>
      %mul3A_495 = arith.constant 16 : i32
      %mul3A_496 = arith.muli %scan3A_14, %mul3A_495 : i32
      %add3A_497 = arith.constant 1 : i32
      %add3A_498 = arith.addi %mul3A_496, %add3A_497 : i32
      %swap3A_499 = arith.index_cast %add3A_498 : i32 to index
      %swap3A_500 = arith.constant 48 : index
      %swap3A_501 = tpu.vector_load %arg31[%swap3A_499, %swap3A_500] {strides = array<i32>} : memref<512x64xf32, #tpu.memory_space<vmem>>, vector<16xf32>,
      tpu.vector_store %arg31[%swap3A_499, %swap3A_500], %add3A_494 {strides = array<i32>} : memref<512x64xf32, #tpu.memory_space<vmem>>, vector<16xf32>,
      %broadcast_in_dim3A_502 = arith.constant 16 : i32
      %broadcast_in_dim3A_503 = vector.broadcast %broadcast_in_dim3A_502 : i32 to vector<16xi32>
      %gather3A_504 = tpu.vector_load_idx %arg29[%broadcast_in_dim3A, %broadcast_in_dim3A_503] : memref<32x128xf32, #tpu.memory_space<vmem>>[vector<16xi32>, vector<16xi32>], vector<16xf32>,
      %broadcast_in_dim3A_505 = arith.constant 17 : i32
      %broadcast_in_dim3A_506 = vector.broadcast %broadcast_in_dim3A_505 : i32 to vector<16xi32>
      %gather3A_507 = tpu.vector_load_idx %arg29[%broadcast_in_dim3A, %broadcast_in_dim3A_506] : memref<32x128xf32, #tpu.memory_space<vmem>>[vector<16xi32>, vector<16xi32>], vector<16xf32>,
      %broadcast_in_dim3A_508 = arith.constant 18 : i32
      %broadcast_in_dim3A_509 = vector.broadcast %broadcast_in_dim3A_508 : i32 to vector<16xi32>
      %gather3A_510 = tpu.vector_load_idx %arg29[%broadcast_in_dim3A, %broadcast_in_dim3A_509] : memref<32x128xf32, #tpu.memory_space<vmem>>[vector<16xi32>, vector<16xi32>], vector<16xf32>,
      %broadcast_in_dim3A_511 = arith.constant 19 : i32
      %broadcast_in_dim3A_512 = vector.broadcast %broadcast_in_dim3A_511 : i32 to vector<16xi32>
      %gather3A_513 = tpu.vector_load_idx %arg29[%broadcast_in_dim3A, %broadcast_in_dim3A_512] : memref<32x128xf32, #tpu.memory_space<vmem>>[vector<16xi32>, vector<16xi32>], vector<16xf32>,
      %broadcast_in_dim3A_514 = arith.constant 20 : i32
      %broadcast_in_dim3A_515 = vector.broadcast %broadcast_in_dim3A_514 : i32 to vector<16xi32>
      %gather3A_516 = tpu.vector_load_idx %arg29[%broadcast_in_dim3A, %broadcast_in_dim3A_515] : memref<32x128xf32, #tpu.memory_space<vmem>>[vector<16xi32>, vector<16xi32>], vector<16xf32>,
      %broadcast_in_dim3A_517 = arith.constant 21 : i32
      %broadcast_in_dim3A_518 = vector.broadcast %broadcast_in_dim3A_517 : i32 to vector<16xi32>
      %gather3A_519 = tpu.vector_load_idx %arg29[%broadcast_in_dim3A, %broadcast_in_dim3A_518] : memref<32x128xf32, #tpu.memory_space<vmem>>[vector<16xi32>, vector<16xi32>], vector<16xf32>,
      %broadcast_in_dim3A_520 = arith.constant 22 : i32
      %broadcast_in_dim3A_521 = vector.broadcast %broadcast_in_dim3A_520 : i32 to vector<16xi32>
      %gather3A_522 = tpu.vector_load_idx %arg29[%broadcast_in_dim3A, %broadcast_in_dim3A_521] : memref<32x128xf32, #tpu.memory_space<vmem>>[vector<16xi32>, vector<16xi32>], vector<16xf32>,
      %broadcast_in_dim3A_523 = arith.constant 23 : i32
      %broadcast_in_dim3A_524 = vector.broadcast %broadcast_in_dim3A_523 : i32 to vector<16xi32>
      %gather3A_525 = tpu.vector_load_idx %arg29[%broadcast_in_dim3A, %broadcast_in_dim3A_524] : memref<32x128xf32, #tpu.memory_space<vmem>>[vector<16xi32>, vector<16xi32>], vector<16xf32>,
      %get3A_526 = arith.constant 16 : i32
      %get3A_527 = arith.index_cast %get3A_526 : i32 to index
      %get3A_528 = arith.constant 0 : index
      %get3A_529 = tpu.vector_load %arg30[%get3A_527, %get3A_528] {strides = array<i32>} : memref<128x64xf32, #tpu.memory_space<vmem>>, vector<16xf32>,
      %mul3A_530 = arith.mulf %gather3A_504, %get3A_529 : vector<16xf32>
      %get3A_531 = arith.constant 17 : i32
      %get3A_532 = arith.index_cast %get3A_531 : i32 to index
      %get3A_533 = arith.constant 0 : index
      %get3A_534 = tpu.vector_load %arg30[%get3A_532, %get3A_533] {strides = array<i32>} : memref<128x64xf32, #tpu.memory_space<vmem>>, vector<16xf32>,
      %mul3A_535 = arith.mulf %gather3A_507, %get3A_534 : vector<16xf32>
      %add3A_536 = arith.addf %mul3A_530, %mul3A_535 : vector<16xf32>
      %get3A_537 = arith.constant 18 : i32
      %get3A_538 = arith.index_cast %get3A_537 : i32 to index
      %get3A_539 = arith.constant 0 : index
      %get3A_540 = tpu.vector_load %arg30[%get3A_538, %get3A_539] {strides = array<i32>} : memref<128x64xf32, #tpu.memory_space<vmem>>, vector<16xf32>,
      %mul3A_541 = arith.mulf %gather3A_510, %get3A_540 : vector<16xf32>
      %add3A_542 = arith.addf %add3A_536, %mul3A_541 : vector<16xf32>
      %get3A_543 = arith.constant 19 : i32
      %get3A_544 = arith.index_cast %get3A_543 : i32 to index
      %get3A_545 = arith.constant 0 : index
      %get3A_546 = tpu.vector_load %arg30[%get3A_544, %get3A_545] {strides = array<i32>} : memref<128x64xf32, #tpu.memory_space<vmem>>, vector<16xf32>,
      %mul3A_547 = arith.mulf %gather3A_513, %get3A_546 : vector<16xf32>
      %add3A_548 = arith.addf %add3A_542, %mul3A_547 : vector<16xf32>
      %get3A_549 = arith.constant 20 : i32
      %get3A_550 = arith.index_cast %get3A_549 : i32 to index
      %get3A_551 = arith.constant 0 : index
      %get3A_552 = tpu.vector_load %arg30[%get3A_550, %get3A_551] {strides = array<i32>} : memref<128x64xf32, #tpu.memory_space<vmem>>, vector<16xf32>,
      %mul3A_553 = arith.mulf %gather3A_516, %get3A_552 : vector<16xf32>
      %add3A_554 = arith.addf %add3A_548, %mul3A_553 : vector<16xf32>
      %get3A_555 = arith.constant 21 : i32
      %get3A_556 = arith.index_cast %get3A_555 : i32 to index
      %get3A_557 = arith.constant 0 : index
      %get3A_558 = tpu.vector_load %arg30[%get3A_556, %get3A_557] {strides = array<i32>} : memref<128x64xf32, #tpu.memory_space<vmem>>, vector<16xf32>,
      %mul3A_559 = arith.mulf %gather3A_519, %get3A_558 : vector<16xf32>
      %add3A_560 = arith.addf %add3A_554, %mul3A_559 : vector<16xf32>
      %get3A_561 = arith.constant 22 : i32
      %get3A_562 = arith.index_cast %get3A_561 : i32 to index
      %get3A_563 = arith.constant 0 : index
      %get3A_564 = tpu.vector_load %arg30[%get3A_562, %get3A_563] {strides = array<i32>} : memref<128x64xf32, #tpu.memory_space<vmem>>, vector<16xf32>,
      %mul3A_565 = arith.mulf %gather3A_522, %get3A_564 : vector<16xf32>
      %add3A_566 = arith.addf %add3A_560, %mul3A_565 : vector<16xf32>
      %get3A_567 = arith.constant 23 : i32
      %get3A_568 = arith.index_cast %get3A_567 : i32 to index
      %get3A_569 = arith.constant 0 : index
      %get3A_570 = tpu.vector_load %arg30[%get3A_568, %get3A_569] {strides = array<i32>} : memref<128x64xf32, #tpu.memory_space<vmem>>, vector<16xf32>,
      %mul3A_571 = arith.mulf %gather3A_525, %get3A_570 : vector<16xf32>
      %add3A_572 = arith.addf %add3A_566, %mul3A_571 : vector<16xf32>
      %mul3A_573 = arith.constant 16 : i32
      %mul3A_574 = arith.muli %scan3A_14, %mul3A_573 : i32
      %add3A_575 = arith.constant 2 : i32
      %add3A_576 = arith.addi %mul3A_574, %add3A_575 : i32
      %swap3A_577 = arith.index_cast %add3A_576 : i32 to index
      %swap3A_578 = arith.constant 0 : index
      %swap3A_579 = tpu.vector_load %arg31[%swap3A_577, %swap3A_578] {strides = array<i32>} : memref<512x64xf32, #tpu.memory_space<vmem>>, vector<16xf32>,
      tpu.vector_store %arg31[%swap3A_577, %swap3A_578], %add3A_572 {strides = array<i32>} : memref<512x64xf32, #tpu.memory_space<vmem>>, vector<16xf32>,
      %get3A_580 = arith.constant 16 : i32
      %get3A_581 = arith.index_cast %get3A_580 : i32 to index
      %get3A_582 = arith.constant 16 : index
      %get3A_583 = tpu.vector_load %arg30[%get3A_581, %get3A_582] {strides = array<i32>} : memref<128x64xf32, #tpu.memory_space<vmem>>, vector<16xf32>,
      %mul3A_584 = arith.mulf %gather3A_504, %get3A_583 : vector<16xf32>
      %get3A_585 = arith.constant 17 : i32
      %get3A_586 = arith.index_cast %get3A_585 : i32 to index
      %get3A_587 = arith.constant 16 : index
      %get3A_588 = tpu.vector_load %arg30[%get3A_586, %get3A_587] {strides = array<i32>} : memref<128x64xf32, #tpu.memory_space<vmem>>, vector<16xf32>,
      %mul3A_589 = arith.mulf %gather3A_507, %get3A_588 : vector<16xf32>
      %add3A_590 = arith.addf %mul3A_584, %mul3A_589 : vector<16xf32>
      %get3A_591 = arith.constant 18 : i32
      %get3A_592 = arith.index_cast %get3A_591 : i32 to index
      %get3A_593 = arith.constant 16 : index
      %get3A_594 = tpu.vector_load %arg30[%get3A_592, %get3A_593] {strides = array<i32>} : memref<128x64xf32, #tpu.memory_space<vmem>>, vector<16xf32>,
      %mul3A_595 = arith.mulf %gather3A_510, %get3A_594 : vector<16xf32>
      %add3A_596 = arith.addf %add3A_590, %mul3A_595 : vector<16xf32>
      %get3A_597 = arith.constant 19 : i32
      %get3A_598 = arith.index_cast %get3A_597 : i32 to index
      %get3A_599 = arith.constant 16 : index
      %get3A_600 = tpu.vector_load %arg30[%get3A_598, %get3A_599] {strides = array<i32>} : memref<128x64xf32, #tpu.memory_space<vmem>>, vector<16xf32>,
      %mul3A_601 = arith.mulf %gather3A_513, %get3A_600 : vector<16xf32>
      %add3A_602 = arith.addf %add3A_596, %mul3A_601 : vector<16xf32>
      %get3A_603 = arith.constant 20 : i32
      %get3A_604 = arith.index_cast %get3A_603 : i32 to index
      %get3A_605 = arith.constant 16 : index
      %get3A_606 = tpu.vector_load %arg30[%get3A_604, %get3A_605] {strides = array<i32>} : memref<128x64xf32, #tpu.memory_space<vmem>>, vector<16xf32>,
      %mul3A_607 = arith.mulf %gather3A_516, %get3A_606 : vector<16xf32>
      %add3A_608 = arith.addf %add3A_602, %mul3A_607 : vector<16xf32>
      %get3A_609 = arith.constant 21 : i32
      %get3A_610 = arith.index_cast %get3A_609 : i32 to index
      %get3A_611 = arith.constant 16 : index
      %get3A_612 = tpu.vector_load %arg30[%get3A_610, %get3A_611] {strides = array<i32>} : memref<128x64xf32, #tpu.memory_space<vmem>>, vector<16xf32>,
      %mul3A_613 = arith.mulf %gather3A_519, %get3A_612 : vector<16xf32>
      %add3A_614 = arith.addf %add3A_608, %mul3A_613 : vector<16xf32>
      %get3A_615 = arith.constant 22 : i32
      %get3A_616 = arith.index_cast %get3A_615 : i32 to index
      %get3A_617 = arith.constant 16 : index
      %get3A_618 = tpu.vector_load %arg30[%get3A_616, %get3A_617] {strides = array<i32>} : memref<128x64xf32, #tpu.memory_space<vmem>>, vector<16xf32>,
      %mul3A_619 = arith.mulf %gather3A_522, %get3A_618 : vector<16xf32>
      %add3A_620 = arith.addf %add3A_614, %mul3A_619 : vector<16xf32>
      %get3A_621 = arith.constant 23 : i32
      %get3A_622 = arith.index_cast %get3A_621 : i32 to index
      %get3A_623 = arith.constant 16 : index
      %get3A_624 = tpu.vector_load %arg30[%get3A_622, %get3A_623] {strides = array<i32>} : memref<128x64xf32, #tpu.memory_space<vmem>>, vector<16xf32>,
      %mul3A_625 = arith.mulf %gather3A_525, %get3A_624 : vector<16xf32>
      %add3A_626 = arith.addf %add3A_620, %mul3A_625 : vector<16xf32>
      %mul3A_627 = arith.constant 16 : i32
      %mul3A_628 = arith.muli %scan3A_14, %mul3A_627 : i32
      %add3A_629 = arith.constant 2 : i32
      %add3A_630 = arith.addi %mul3A_628, %add3A_629 : i32
      %swap3A_631 = arith.index_cast %add3A_630 : i32 to index
      %swap3A_632 = arith.constant 16 : index
      %swap3A_633 = tpu.vector_load %arg31[%swap3A_631, %swap3A_632] {strides = array<i32>} : memref<512x64xf32, #tpu.memory_space<vmem>>, vector<16xf32>,
      tpu.vector_store %arg31[%swap3A_631, %swap3A_632], %add3A_626 {strides = array<i32>} : memref<512x64xf32, #tpu.memory_space<vmem>>, vector<16xf32>,
      %get3A_634 = arith.constant 16 : i32
      %get3A_635 = arith.index_cast %get3A_634 : i32 to index
      %get3A_636 = arith.constant 32 : index
      %get3A_637 = tpu.vector_load %arg30[%get3A_635, %get3A_636] {strides = array<i32>} : memref<128x64xf32, #tpu.memory_space<vmem>>, vector<16xf32>,
      %mul3A_638 = arith.mulf %gather3A_504, %get3A_637 : vector<16xf32>
      %get3A_639 = arith.constant 17 : i32
      %get3A_640 = arith.index_cast %get3A_639 : i32 to index
      %get3A_641 = arith.constant 32 : index
      %get3A_642 = tpu.vector_load %arg30[%get3A_640, %get3A_641] {strides = array<i32>} : memref<128x64xf32, #tpu.memory_space<vmem>>, vector<16xf32>,
      %mul3A_643 = arith.mulf %gather3A_507, %get3A_642 : vector<16xf32>
      %add3A_644 = arith.addf %mul3A_638, %mul3A_643 : vector<16xf32>
      %get3A_645 = arith.constant 18 : i32
      %get3A_646 = arith.index_cast %get3A_645 : i32 to index
      %get3A_647 = arith.constant 32 : index
      %get3A_648 = tpu.vector_load %arg30[%get3A_646, %get3A_647] {strides = array<i32>} : memref<128x64xf32, #tpu.memory_space<vmem>>, vector<16xf32>,
      %mul3A_649 = arith.mulf %gather3A_510, %get3A_648 : vector<16xf32>
      %add3A_650 = arith.addf %add3A_644, %mul3A_649 : vector<16xf32>
      %get3A_651 = arith.constant 19 : i32
      %get3A_652 = arith.index_cast %get3A_651 : i32 to index
      %get3A_653 = arith.constant 32 : index
      %get3A_654 = tpu.vector_load %arg30[%get3A_652, %get3A_653] {strides = array<i32>} : memref<128x64xf32, #tpu.memory_space<vmem>>, vector<16xf32>,
      %mul3A_655 = arith.mulf %gather3A_513, %get3A_654 : vector<16xf32>
      %add3A_656 = arith.addf %add3A_650, %mul3A_655 : vector<16xf32>
      %get3A_657 = arith.constant 20 : i32
      %get3A_658 = arith.index_cast %get3A_657 : i32 to index
      %get3A_659 = arith.constant 32 : index
      %get3A_660 = tpu.vector_load %arg30[%get3A_658, %get3A_659] {strides = array<i32>} : memref<128x64xf32, #tpu.memory_space<vmem>>, vector<16xf32>,
      %mul3A_661 = arith.mulf %gather3A_516, %get3A_660 : vector<16xf32>
      %add3A_662 = arith.addf %add3A_656, %mul3A_661 : vector<16xf32>
      %get3A_663 = arith.constant 21 : i32
      %get3A_664 = arith.index_cast %get3A_663 : i32 to index
      %get3A_665 = arith.constant 32 : index
      %get3A_666 = tpu.vector_load %arg30[%get3A_664, %get3A_665] {strides = array<i32>} : memref<128x64xf32, #tpu.memory_space<vmem>>, vector<16xf32>,
      %mul3A_667 = arith.mulf %gather3A_519, %get3A_666 : vector<16xf32>
      %add3A_668 = arith.addf %add3A_662, %mul3A_667 : vector<16xf32>
      %get3A_669 = arith.constant 22 : i32
      %get3A_670 = arith.index_cast %get3A_669 : i32 to index
      %get3A_671 = arith.constant 32 : index
      %get3A_672 = tpu.vector_load %arg30[%get3A_670, %get3A_671] {strides = array<i32>} : memref<128x64xf32, #tpu.memory_space<vmem>>, vector<16xf32>,
      %mul3A_673 = arith.mulf %gather3A_522, %get3A_672 : vector<16xf32>
      %add3A_674 = arith.addf %add3A_668, %mul3A_673 : vector<16xf32>
      %get3A_675 = arith.constant 23 : i32
      %get3A_676 = arith.index_cast %get3A_675 : i32 to index
      %get3A_677 = arith.constant 32 : index
      %get3A_678 = tpu.vector_load %arg30[%get3A_676, %get3A_677] {strides = array<i32>} : memref<128x64xf32, #tpu.memory_space<vmem>>, vector<16xf32>,
      %mul3A_679 = arith.mulf %gather3A_525, %get3A_678 : vector<16xf32>
      %add3A_680 = arith.addf %add3A_674, %mul3A_679 : vector<16xf32>
      %mul3A_681 = arith.constant 16 : i32
      %mul3A_682 = arith.muli %scan3A_14, %mul3A_681 : i32
      %add3A_683 = arith.constant 2 : i32
      %add3A_684 = arith.addi %mul3A_682, %add3A_683 : i32
      %swap3A_685 = arith.index_cast %add3A_684 : i32 to index
      %swap3A_686 = arith.constant 32 : index
      %swap3A_687 = tpu.vector_load %arg31[%swap3A_685, %swap3A_686] {strides = array<i32>} : memref<512x64xf32, #tpu.memory_space<vmem>>, vector<16xf32>,
      tpu.vector_store %arg31[%swap3A_685, %swap3A_686], %add3A_680 {strides = array<i32>} : memref<512x64xf32, #tpu.memory_space<vmem>>, vector<16xf32>,
      %get3A_688 = arith.constant 16 : i32
      %get3A_689 = arith.index_cast %get3A_688 : i32 to index
      %get3A_690 = arith.constant 48 : index
      %get3A_691 = tpu.vector_load %arg30[%get3A_689, %get3A_690] {strides = array<i32>} : memref<128x64xf32, #tpu.memory_space<vmem>>, vector<16xf32>,
      %mul3A_692 = arith.mulf %gather3A_504, %get3A_691 : vector<16xf32>
      %get3A_693 = arith.constant 17 : i32
      %get3A_694 = arith.index_cast %get3A_693 : i32 to index
      %get3A_695 = arith.constant 48 : index
      %get3A_696 = tpu.vector_load %arg30[%get3A_694, %get3A_695] {strides = array<i32>} : memref<128x64xf32, #tpu.memory_space<vmem>>, vector<16xf32>,
      %mul3A_697 = arith.mulf %gather3A_507, %get3A_696 : vector<16xf32>
      %add3A_698 = arith.addf %mul3A_692, %mul3A_697 : vector<16xf32>
      %get3A_699 = arith.constant 18 : i32
      %get3A_700 = arith.index_cast %get3A_699 : i32 to index
      %get3A_701 = arith.constant 48 : index
      %get3A_702 = tpu.vector_load %arg30[%get3A_700, %get3A_701] {strides = array<i32>} : memref<128x64xf32, #tpu.memory_space<vmem>>, vector<16xf32>,
      %mul3A_703 = arith.mulf %gather3A_510, %get3A_702 : vector<16xf32>
      %add3A_704 = arith.addf %add3A_698, %mul3A_703 : vector<16xf32>
      %get3A_705 = arith.constant 19 : i32
      %get3A_706 = arith.index_cast %get3A_705 : i32 to index
      %get3A_707 = arith.constant 48 : index
      %get3A_708 = tpu.vector_load %arg30[%get3A_706, %get3A_707] {strides = array<i32>} : memref<128x64xf32, #tpu.memory_space<vmem>>, vector<16xf32>,
      %mul3A_709 = arith.mulf %gather3A_513, %get3A_708 : vector<16xf32>
      %add3A_710 = arith.addf %add3A_704, %mul3A_709 : vector<16xf32>
      %get3A_711 = arith.constant 20 : i32
      %get3A_712 = arith.index_cast %get3A_711 : i32 to index
      %get3A_713 = arith.constant 48 : index
      %get3A_714 = tpu.vector_load %arg30[%get3A_712, %get3A_713] {strides = array<i32>} : memref<128x64xf32, #tpu.memory_space<vmem>>, vector<16xf32>,
      %mul3A_715 = arith.mulf %gather3A_516, %get3A_714 : vector<16xf32>
      %add3A_716 = arith.addf %add3A_710, %mul3A_715 : vector<16xf32>
      %get3A_717 = arith.constant 21 : i32
      %get3A_718 = arith.index_cast %get3A_717 : i32 to index
      %get3A_719 = arith.constant 48 : index
      %get3A_720 = tpu.vector_load %arg30[%get3A_718, %get3A_719] {strides = array<i32>} : memref<128x64xf32, #tpu.memory_space<vmem>>, vector<16xf32>,
      %mul3A_721 = arith.mulf %gather3A_519, %get3A_720 : vector<16xf32>
      %add3A_722 = arith.addf %add3A_716, %mul3A_721 : vector<16xf32>
      %get3A_723 = arith.constant 22 : i32
      %get3A_724 = arith.index_cast %get3A_723 : i32 to index
      %get3A_725 = arith.constant 48 : index
      %get3A_726 = tpu.vector_load %arg30[%get3A_724, %get3A_725] {strides = array<i32>} : memref<128x64xf32, #tpu.memory_space<vmem>>, vector<16xf32>,
      %mul3A_727 = arith.mulf %gather3A_522, %get3A_726 : vector<16xf32>
      %add3A_728 = arith.addf %add3A_722, %mul3A_727 : vector<16xf32>
      %get3A_729 = arith.constant 23 : i32
      %get3A_730 = arith.index_cast %get3A_729 : i32 to index
      %get3A_731 = arith.constant 48 : index
      %get3A_732 = tpu.vector_load %arg30[%get3A_730, %get3A_731] {strides = array<i32>} : memref<128x64xf32, #tpu.memory_space<vmem>>, vector<16xf32>,
      %mul3A_733 = arith.mulf %gather3A_525, %get3A_732 : vector<16xf32>
      %add3A_734 = arith.addf %add3A_728, %mul3A_733 : vector<16xf32>
      %mul3A_735 = arith.constant 16 : i32
      %mul3A_736 = arith.muli %scan3A_14, %mul3A_735 : i32
      %add3A_737 = arith.constant 2 : i32
      %add3A_738 = arith.addi %mul3A_736, %add3A_737 : i32
      %swap3A_739 = arith.index_cast %add3A_738 : i32 to index
      %swap3A_740 = arith.constant 48 : index
      %swap3A_741 = tpu.vector_load %arg31[%swap3A_739, %swap3A_740] {strides = array<i32>} : memref<512x64xf32, #tpu.memory_space<vmem>>, vector<16xf32>,
      tpu.vector_store %arg31[%swap3A_739, %swap3A_740], %add3A_734 {strides = array<i32>} : memref<512x64xf32, #tpu.memory_space<vmem>>, vector<16xf32>,
      %broadcast_in_dim3A_742 = arith.constant 24 : i32
      %broadcast_in_dim3A_743 = vector.broadcast %broadcast_in_dim3A_742 : i32 to vector<16xi32>
      %gather3A_744 = tpu.vector_load_idx %arg29[%broadcast_in_dim3A, %broadcast_in_dim3A_743] : memref<32x128xf32, #tpu.memory_space<vmem>>[vector<16xi32>, vector<16xi32>], vector<16xf32>,
      %broadcast_in_dim3A_745 = arith.constant 25 : i32
      %broadcast_in_dim3A_746 = vector.broadcast %broadcast_in_dim3A_745 : i32 to vector<16xi32>
      %gather3A_747 = tpu.vector_load_idx %arg29[%broadcast_in_dim3A, %broadcast_in_dim3A_746] : memref<32x128xf32, #tpu.memory_space<vmem>>[vector<16xi32>, vector<16xi32>], vector<16xf32>,
      %broadcast_in_dim3A_748 = arith.constant 26 : i32
      %broadcast_in_dim3A_749 = vector.broadcast %broadcast_in_dim3A_748 : i32 to vector<16xi32>
      %gather3A_750 = tpu.vector_load_idx %arg29[%broadcast_in_dim3A, %broadcast_in_dim3A_749] : memref<32x128xf32, #tpu.memory_space<vmem>>[vector<16xi32>, vector<16xi32>], vector<16xf32>,
      %broadcast_in_dim3A_751 = arith.constant 27 : i32
      %broadcast_in_dim3A_752 = vector.broadcast %broadcast_in_dim3A_751 : i32 to vector<16xi32>
      %gather3A_753 = tpu.vector_load_idx %arg29[%broadcast_in_dim3A, %broadcast_in_dim3A_752] : memref<32x128xf32, #tpu.memory_space<vmem>>[vector<16xi32>, vector<16xi32>], vector<16xf32>,
      %broadcast_in_dim3A_754 = arith.constant 28 : i32
      %broadcast_in_dim3A_755 = vector.broadcast %broadcast_in_dim3A_754 : i32 to vector<16xi32>
      %gather3A_756 = tpu.vector_load_idx %arg29[%broadcast_in_dim3A, %broadcast_in_dim3A_755] : memref<32x128xf32, #tpu.memory_space<vmem>>[vector<16xi32>, vector<16xi32>], vector<16xf32>,
      %broadcast_in_dim3A_757 = arith.constant 29 : i32
      %broadcast_in_dim3A_758 = vector.broadcast %broadcast_in_dim3A_757 : i32 to vector<16xi32>
      %gather3A_759 = tpu.vector_load_idx %arg29[%broadcast_in_dim3A, %broadcast_in_dim3A_758] : memref<32x128xf32, #tpu.memory_space<vmem>>[vector<16xi32>, vector<16xi32>], vector<16xf32>,
      %broadcast_in_dim3A_760 = arith.constant 30 : i32
      %broadcast_in_dim3A_761 = vector.broadcast %broadcast_in_dim3A_760 : i32 to vector<16xi32>
      %gather3A_762 = tpu.vector_load_idx %arg29[%broadcast_in_dim3A, %broadcast_in_dim3A_761] : memref<32x128xf32, #tpu.memory_space<vmem>>[vector<16xi32>, vector<16xi32>], vector<16xf32>,
      %broadcast_in_dim3A_763 = arith.constant 31 : i32
      %broadcast_in_dim3A_764 = vector.broadcast %broadcast_in_dim3A_763 : i32 to vector<16xi32>
      %gather3A_765 = tpu.vector_load_idx %arg29[%broadcast_in_dim3A, %broadcast_in_dim3A_764] : memref<32x128xf32, #tpu.memory_space<vmem>>[vector<16xi32>, vector<16xi32>], vector<16xf32>,
      %get3A_766 = arith.constant 24 : i32
      %get3A_767 = arith.index_cast %get3A_766 : i32 to index
      %get3A_768 = arith.constant 0 : index
      %get3A_769 = tpu.vector_load %arg30[%get3A_767, %get3A_768] {strides = array<i32>} : memref<128x64xf32, #tpu.memory_space<vmem>>, vector<16xf32>,
      %mul3A_770 = arith.mulf %gather3A_744, %get3A_769 : vector<16xf32>
      %get3A_771 = arith.constant 25 : i32
      %get3A_772 = arith.index_cast %get3A_771 : i32 to index
      %get3A_773 = arith.constant 0 : index
      %get3A_774 = tpu.vector_load %arg30[%get3A_772, %get3A_773] {strides = array<i32>} : memref<128x64xf32, #tpu.memory_space<vmem>>, vector<16xf32>,
      %mul3A_775 = arith.mulf %gather3A_747, %get3A_774 : vector<16xf32>
      %add3A_776 = arith.addf %mul3A_770, %mul3A_775 : vector<16xf32>
      %get3A_777 = arith.constant 26 : i32
      %get3A_778 = arith.index_cast %get3A_777 : i32 to index
      %get3A_779 = arith.constant 0 : index
      %get3A_780 = tpu.vector_load %arg30[%get3A_778, %get3A_779] {strides = array<i32>} : memref<128x64xf32, #tpu.memory_space<vmem>>, vector<16xf32>,
      %mul3A_781 = arith.mulf %gather3A_750, %get3A_780 : vector<16xf32>
      %add3A_782 = arith.addf %add3A_776, %mul3A_781 : vector<16xf32>
      %get3A_783 = arith.constant 27 : i32
      %get3A_784 = arith.index_cast %get3A_783 : i32 to index
      %get3A_785 = arith.constant 0 : index
      %get3A_786 = tpu.vector_load %arg30[%get3A_784, %get3A_785] {strides = array<i32>} : memref<128x64xf32, #tpu.memory_space<vmem>>, vector<16xf32>,
      %mul3A_787 = arith.mulf %gather3A_753, %get3A_786 : vector<16xf32>
      %add3A_788 = arith.addf %add3A_782, %mul3A_787 : vector<16xf32>
      %get3A_789 = arith.constant 28 : i32
      %get3A_790 = arith.index_cast %get3A_789 : i32 to index
      %get3A_791 = arith.constant 0 : index
      %get3A_792 = tpu.vector_load %arg30[%get3A_790, %get3A_791] {strides = array<i32>} : memref<128x64xf32, #tpu.memory_space<vmem>>, vector<16xf32>,
      %mul3A_793 = arith.mulf %gather3A_756, %get3A_792 : vector<16xf32>
      %add3A_794 = arith.addf %add3A_788, %mul3A_793 : vector<16xf32>
      %get3A_795 = arith.constant 29 : i32
      %get3A_796 = arith.index_cast %get3A_795 : i32 to index
      %get3A_797 = arith.constant 0 : index
      %get3A_798 = tpu.vector_load %arg30[%get3A_796, %get3A_797] {strides = array<i32>} : memref<128x64xf32, #tpu.memory_space<vmem>>, vector<16xf32>,
      %mul3A_799 = arith.mulf %gather3A_759, %get3A_798 : vector<16xf32>
      %add3A_800 = arith.addf %add3A_794, %mul3A_799 : vector<16xf32>
      %get3A_801 = arith.constant 30 : i32
      %get3A_802 = arith.index_cast %get3A_801 : i32 to index
      %get3A_803 = arith.constant 0 : index
      %get3A_804 = tpu.vector_load %arg30[%get3A_802, %get3A_803] {strides = array<i32>} : memref<128x64xf32, #tpu.memory_space<vmem>>, vector<16xf32>,
      %mul3A_805 = arith.mulf %gather3A_762, %get3A_804 : vector<16xf32>
      %add3A_806 = arith.addf %add3A_800, %mul3A_805 : vector<16xf32>
      %get3A_807 = arith.constant 31 : i32
      %get3A_808 = arith.index_cast %get3A_807 : i32 to index
      %get3A_809 = arith.constant 0 : index
      %get3A_810 = tpu.vector_load %arg30[%get3A_808, %get3A_809] {strides = array<i32>} : memref<128x64xf32, #tpu.memory_space<vmem>>, vector<16xf32>,
      %mul3A_811 = arith.mulf %gather3A_765, %get3A_810 : vector<16xf32>
      %add3A_812 = arith.addf %add3A_806, %mul3A_811 : vector<16xf32>
      %mul3A_813 = arith.constant 16 : i32
      %mul3A_814 = arith.muli %scan3A_14, %mul3A_813 : i32
      %add3A_815 = arith.constant 3 : i32
      %add3A_816 = arith.addi %mul3A_814, %add3A_815 : i32
      %swap3A_817 = arith.index_cast %add3A_816 : i32 to index
      %swap3A_818 = arith.constant 0 : index
      %swap3A_819 = tpu.vector_load %arg31[%swap3A_817, %swap3A_818] {strides = array<i32>} : memref<512x64xf32, #tpu.memory_space<vmem>>, vector<16xf32>,
      tpu.vector_store %arg31[%swap3A_817, %swap3A_818], %add3A_812 {strides = array<i32>} : memref<512x64xf32, #tpu.memory_space<vmem>>, vector<16xf32>,
      %get3A_820 = arith.constant 24 : i32
      %get3A_821 = arith.index_cast %get3A_820 : i32 to index
      %get3A_822 = arith.constant 16 : index
      %get3A_823 = tpu.vector_load %arg30[%get3A_821, %get3A_822] {strides = array<i32>} : memref<128x64xf32, #tpu.memory_space<vmem>>, vector<16xf32>,
      %mul3A_824 = arith.mulf %gather3A_744, %get3A_823 : vector<16xf32>
      %get3A_825 = arith.constant 25 : i32
      %get3A_826 = arith.index_cast %get3A_825 : i32 to index
      %get3A_827 = arith.constant 16 : index
      %get3A_828 = tpu.vector_load %arg30[%get3A_826, %get3A_827] {strides = array<i32>} : memref<128x64xf32, #tpu.memory_space<vmem>>, vector<16xf32>,
      %mul3A_829 = arith.mulf %gather3A_747, %get3A_828 : vector<16xf32>
      %add3A_830 = arith.addf %mul3A_824, %mul3A_829 : vector<16xf32>
      %get3A_831 = arith.constant 26 : i32
      %get3A_832 = arith.index_cast %get3A_831 : i32 to index
      %get3A_833 = arith.constant 16 : index
      %get3A_834 = tpu.vector_load %arg30[%get3A_832, %get3A_833] {strides = array<i32>} : memref<128x64xf32, #tpu.memory_space<vmem>>, vector<16xf32>,
      %mul3A_835 = arith.mulf %gather3A_750, %get3A_834 : vector<16xf32>
      %add3A_836 = arith.addf %add3A_830, %mul3A_835 : vector<16xf32>
      %get3A_837 = arith.constant 27 : i32
      %get3A_838 = arith.index_cast %get3A_837 : i32 to index
      %get3A_839 = arith.constant 16 : index
      %get3A_840 = tpu.vector_load %arg30[%get3A_838, %get3A_839] {strides = array<i32>} : memref<128x64xf32, #tpu.memory_space<vmem>>, vector<16xf32>,
      %mul3A_841 = arith.mulf %gather3A_753, %get3A_840 : vector<16xf32>
      %add3A_842 = arith.addf %add3A_836, %mul3A_841 : vector<16xf32>
      %get3A_843 = arith.constant 28 : i32
      %get3A_844 = arith.index_cast %get3A_843 : i32 to index
      %get3A_845 = arith.constant 16 : index
      %get3A_846 = tpu.vector_load %arg30[%get3A_844, %get3A_845] {strides = array<i32>} : memref<128x64xf32, #tpu.memory_space<vmem>>, vector<16xf32>,
      %mul3A_847 = arith.mulf %gather3A_756, %get3A_846 : vector<16xf32>
      %add3A_848 = arith.addf %add3A_842, %mul3A_847 : vector<16xf32>
      %get3A_849 = arith.constant 29 : i32
      %get3A_850 = arith.index_cast %get3A_849 : i32 to index
      %get3A_851 = arith.constant 16 : index
      %get3A_852 = tpu.vector_load %arg30[%get3A_850, %get3A_851] {strides = array<i32>} : memref<128x64xf32, #tpu.memory_space<vmem>>, vector<16xf32>,
      %mul3A_853 = arith.mulf %gather3A_759, %get3A_852 : vector<16xf32>
      %add3A_854 = arith.addf %add3A_848, %mul3A_853 : vector<16xf32>
      %get3A_855 = arith.constant 30 : i32
      %get3A_856 = arith.index_cast %get3A_855 : i32 to index
      %get3A_857 = arith.constant 16 : index
      %get3A_858 = tpu.vector_load %arg30[%get3A_856, %get3A_857] {strides = array<i32>} : memref<128x64xf32, #tpu.memory_space<vmem>>, vector<16xf32>,
      %mul3A_859 = arith.mulf %gather3A_762, %get3A_858 : vector<16xf32>
      %add3A_860 = arith.addf %add3A_854, %mul3A_859 : vector<16xf32>
      %get3A_861 = arith.constant 31 : i32
      %get3A_862 = arith.index_cast %get3A_861 : i32 to index
      %get3A_863 = arith.constant 16 : index
      %get3A_864 = tpu.vector_load %arg30[%get3A_862, %get3A_863] {strides = array<i32>} : memref<128x64xf32, #tpu.memory_space<vmem>>, vector<16xf32>,
      %mul3A_865 = arith.mulf %gather3A_765, %get3A_864 : vector<16xf32>
      %add3A_866 = arith.addf %add3A_860, %mul3A_865 : vector<16xf32>
      %mul3A_867 = arith.constant 16 : i32
      %mul3A_868 = arith.muli %scan3A_14, %mul3A_867 : i32
      %add3A_869 = arith.constant 3 : i32
      %add3A_870 = arith.addi %mul3A_868, %add3A_869 : i32
      %swap3A_871 = arith.index_cast %add3A_870 : i32 to index
      %swap3A_872 = arith.constant 16 : index
      %swap3A_873 = tpu.vector_load %arg31[%swap3A_871, %swap3A_872] {strides = array<i32>} : memref<512x64xf32, #tpu.memory_space<vmem>>, vector<16xf32>,
      tpu.vector_store %arg31[%swap3A_871, %swap3A_872], %add3A_866 {strides = array<i32>} : memref<512x64xf32, #tpu.memory_space<vmem>>, vector<16xf32>,
      %get3A_874 = arith.constant 24 : i32
      %get3A_875 = arith.index_cast %get3A_874 : i32 to index
      %get3A_876 = arith.constant 32 : index
      %get3A_877 = tpu.vector_load %arg30[%get3A_875, %get3A_876] {strides = array<i32>} : memref<128x64xf32, #tpu.memory_space<vmem>>, vector<16xf32>,
      %mul3A_878 = arith.mulf %gather3A_744, %get3A_877 : vector<16xf32>
      %get3A_879 = arith.constant 25 : i32
      %get3A_880 = arith.index_cast %get3A_879 : i32 to index
      %get3A_881 = arith.constant 32 : index
      %get3A_882 = tpu.vector_load %arg30[%get3A_880, %get3A_881] {strides = array<i32>} : memref<128x64xf32, #tpu.memory_space<vmem>>, vector<16xf32>,
      %mul3A_883 = arith.mulf %gather3A_747, %get3A_882 : vector<16xf32>
      %add3A_884 = arith.addf %mul3A_878, %mul3A_883 : vector<16xf32>
      %get3A_885 = arith.constant 26 : i32
      %get3A_886 = arith.index_cast %get3A_885 : i32 to index
      %get3A_887 = arith.constant 32 : index
      %get3A_888 = tpu.vector_load %arg30[%get3A_886, %get3A_887] {strides = array<i32>} : memref<128x64xf32, #tpu.memory_space<vmem>>, vector<16xf32>,
      %mul3A_889 = arith.mulf %gather3A_750, %get3A_888 : vector<16xf32>
      %add3A_890 = arith.addf %add3A_884, %mul3A_889 : vector<16xf32>
      %get3A_891 = arith.constant 27 : i32
      %get3A_892 = arith.index_cast %get3A_891 : i32 to index
      %get3A_893 = arith.constant 32 : index
      %get3A_894 = tpu.vector_load %arg30[%get3A_892, %get3A_893] {strides = array<i32>} : memref<128x64xf32, #tpu.memory_space<vmem>>, vector<16xf32>,
      %mul3A_895 = arith.mulf %gather3A_753, %get3A_894 : vector<16xf32>
      %add3A_896 = arith.addf %add3A_890, %mul3A_895 : vector<16xf32>
      %get3A_897 = arith.constant 28 : i32
      %get3A_898 = arith.index_cast %get3A_897 : i32 to index
      %get3A_899 = arith.constant 32 : index
      %get3A_900 = tpu.vector_load %arg30[%get3A_898, %get3A_899] {strides = array<i32>} : memref<128x64xf32, #tpu.memory_space<vmem>>, vector<16xf32>,
      %mul3A_901 = arith.mulf %gather3A_756, %get3A_900 : vector<16xf32>
      %add3A_902 = arith.addf %add3A_896, %mul3A_901 : vector<16xf32>
      %get3A_903 = arith.constant 29 : i32
      %get3A_904 = arith.index_cast %get3A_903 : i32 to index
      %get3A_905 = arith.constant 32 : index
      %get3A_906 = tpu.vector_load %arg30[%get3A_904, %get3A_905] {strides = array<i32>} : memref<128x64xf32, #tpu.memory_space<vmem>>, vector<16xf32>,
      %mul3A_907 = arith.mulf %gather3A_759, %get3A_906 : vector<16xf32>
      %add3A_908 = arith.addf %add3A_902, %mul3A_907 : vector<16xf32>
      %get3A_909 = arith.constant 30 : i32
      %get3A_910 = arith.index_cast %get3A_909 : i32 to index
      %get3A_911 = arith.constant 32 : index
      %get3A_912 = tpu.vector_load %arg30[%get3A_910, %get3A_911] {strides = array<i32>} : memref<128x64xf32, #tpu.memory_space<vmem>>, vector<16xf32>,
      %mul3A_913 = arith.mulf %gather3A_762, %get3A_912 : vector<16xf32>
      %add3A_914 = arith.addf %add3A_908, %mul3A_913 : vector<16xf32>
      %get3A_915 = arith.constant 31 : i32
      %get3A_916 = arith.index_cast %get3A_915 : i32 to index
      %get3A_917 = arith.constant 32 : index
      %get3A_918 = tpu.vector_load %arg30[%get3A_916, %get3A_917] {strides = array<i32>} : memref<128x64xf32, #tpu.memory_space<vmem>>, vector<16xf32>,
      %mul3A_919 = arith.mulf %gather3A_765, %get3A_918 : vector<16xf32>
      %add3A_920 = arith.addf %add3A_914, %mul3A_919 : vector<16xf32>
      %mul3A_921 = arith.constant 16 : i32
      %mul3A_922 = arith.muli %scan3A_14, %mul3A_921 : i32
      %add3A_923 = arith.constant 3 : i32
      %add3A_924 = arith.addi %mul3A_922, %add3A_923 : i32
      %swap3A_925 = arith.index_cast %add3A_924 : i32 to index
      %swap3A_926 = arith.constant 32 : index
      %swap3A_927 = tpu.vector_load %arg31[%swap3A_925, %swap3A_926] {strides = array<i32>} : memref<512x64xf32, #tpu.memory_space<vmem>>, vector<16xf32>,
      tpu.vector_store %arg31[%swap3A_925, %swap3A_926], %add3A_920 {strides = array<i32>} : memref<512x64xf32, #tpu.memory_space<vmem>>, vector<16xf32>,
      %get3A_928 = arith.constant 24 : i32
      %get3A_929 = arith.index_cast %get3A_928 : i32 to index
      %get3A_930 = arith.constant 48 : index
      %get3A_931 = tpu.vector_load %arg30[%get3A_929, %get3A_930] {strides = array<i32>} : memref<128x64xf32, #tpu.memory_space<vmem>>, vector<16xf32>,
      %mul3A_932 = arith.mulf %gather3A_744, %get3A_931 : vector<16xf32>
      %get3A_933 = arith.constant 25 : i32
      %get3A_934 = arith.index_cast %get3A_933 : i32 to index
      %get3A_935 = arith.constant 48 : index
      %get3A_936 = tpu.vector_load %arg30[%get3A_934, %get3A_935] {strides = array<i32>} : memref<128x64xf32, #tpu.memory_space<vmem>>, vector<16xf32>,
      %mul3A_937 = arith.mulf %gather3A_747, %get3A_936 : vector<16xf32>
      %add3A_938 = arith.addf %mul3A_932, %mul3A_937 : vector<16xf32>
      %get3A_939 = arith.constant 26 : i32
      %get3A_940 = arith.index_cast %get3A_939 : i32 to index
      %get3A_941 = arith.constant 48 : index
      %get3A_942 = tpu.vector_load %arg30[%get3A_940, %get3A_941] {strides = array<i32>} : memref<128x64xf32, #tpu.memory_space<vmem>>, vector<16xf32>,
      %mul3A_943 = arith.mulf %gather3A_750, %get3A_942 : vector<16xf32>
      %add3A_944 = arith.addf %add3A_938, %mul3A_943 : vector<16xf32>
      %get3A_945 = arith.constant 27 : i32
      %get3A_946 = arith.index_cast %get3A_945 : i32 to index
      %get3A_947 = arith.constant 48 : index
      %get3A_948 = tpu.vector_load %arg30[%get3A_946, %get3A_947] {strides = array<i32>} : memref<128x64xf32, #tpu.memory_space<vmem>>, vector<16xf32>,
      %mul3A_949 = arith.mulf %gather3A_753, %get3A_948 : vector<16xf32>
      %add3A_950 = arith.addf %add3A_944, %mul3A_949 : vector<16xf32>
      %get3A_951 = arith.constant 28 : i32
      %get3A_952 = arith.index_cast %get3A_951 : i32 to index
      %get3A_953 = arith.constant 48 : index
      %get3A_954 = tpu.vector_load %arg30[%get3A_952, %get3A_953] {strides = array<i32>} : memref<128x64xf32, #tpu.memory_space<vmem>>, vector<16xf32>,
      %mul3A_955 = arith.mulf %gather3A_756, %get3A_954 : vector<16xf32>
      %add3A_956 = arith.addf %add3A_950, %mul3A_955 : vector<16xf32>
      %get3A_957 = arith.constant 29 : i32
      %get3A_958 = arith.index_cast %get3A_957 : i32 to index
      %get3A_959 = arith.constant 48 : index
      %get3A_960 = tpu.vector_load %arg30[%get3A_958, %get3A_959] {strides = array<i32>} : memref<128x64xf32, #tpu.memory_space<vmem>>, vector<16xf32>,
      %mul3A_961 = arith.mulf %gather3A_759, %get3A_960 : vector<16xf32>
      %add3A_962 = arith.addf %add3A_956, %mul3A_961 : vector<16xf32>
      %get3A_963 = arith.constant 30 : i32
      %get3A_964 = arith.index_cast %get3A_963 : i32 to index
      %get3A_965 = arith.constant 48 : index
      %get3A_966 = tpu.vector_load %arg30[%get3A_964, %get3A_965] {strides = array<i32>} : memref<128x64xf32, #tpu.memory_space<vmem>>, vector<16xf32>,
      %mul3A_967 = arith.mulf %gather3A_762, %get3A_966 : vector<16xf32>
      %add3A_968 = arith.addf %add3A_962, %mul3A_967 : vector<16xf32>
      %get3A_969 = arith.constant 31 : i32
      %get3A_970 = arith.index_cast %get3A_969 : i32 to index
      %get3A_971 = arith.constant 48 : index
      %get3A_972 = tpu.vector_load %arg30[%get3A_970, %get3A_971] {strides = array<i32>} : memref<128x64xf32, #tpu.memory_space<vmem>>, vector<16xf32>,
      %mul3A_973 = arith.mulf %gather3A_765, %get3A_972 : vector<16xf32>
      %add3A_974 = arith.addf %add3A_968, %mul3A_973 : vector<16xf32>
      %mul3A_975 = arith.constant 16 : i32
      %mul3A_976 = arith.muli %scan3A_14, %mul3A_975 : i32
      %add3A_977 = arith.constant 3 : i32
      %add3A_978 = arith.addi %mul3A_976, %add3A_977 : i32
      %swap3A_979 = arith.index_cast %add3A_978 : i32 to index
      %swap3A_980 = arith.constant 48 : index
      %swap3A_981 = tpu.vector_load %arg31[%swap3A_979, %swap3A_980] {strides = array<i32>} : memref<512x64xf32, #tpu.memory_space<vmem>>, vector<16xf32>,
      tpu.vector_store %arg31[%swap3A_979, %swap3A_980], %add3A_974 {strides = array<i32>} : memref<512x64xf32, #tpu.memory_space<vmem>>, vector<16xf32>,
      %broadcast_in_dim3A_982 = arith.constant 32 : i32
      %broadcast_in_dim3A_983 = vector.broadcast %broadcast_in_dim3A_982 : i32 to vector<16xi32>
      %gather3A_984 = tpu.vector_load_idx %arg29[%broadcast_in_dim3A, %broadcast_in_dim3A_983] : memref<32x128xf32, #tpu.memory_space<vmem>>[vector<16xi32>, vector<16xi32>], vector<16xf32>,
      %broadcast_in_dim3A_985 = arith.constant 33 : i32
      %broadcast_in_dim3A_986 = vector.broadcast %broadcast_in_dim3A_985 : i32 to vector<16xi32>
      %gather3A_987 = tpu.vector_load_idx %arg29[%broadcast_in_dim3A, %broadcast_in_dim3A_986] : memref<32x128xf32, #tpu.memory_space<vmem>>[vector<16xi32>, vector<16xi32>], vector<16xf32>,
      %broadcast_in_dim3A_988 = arith.constant 34 : i32
      %broadcast_in_dim3A_989 = vector.broadcast %broadcast_in_dim3A_988 : i32 to vector<16xi32>
      %gather3A_990 = tpu.vector_load_idx %arg29[%broadcast_in_dim3A, %broadcast_in_dim3A_989] : memref<32x128xf32, #tpu.memory_space<vmem>>[vector<16xi32>, vector<16xi32>], vector<16xf32>,
      %broadcast_in_dim3A_991 = arith.constant 35 : i32
      %broadcast_in_dim3A_992 = vector.broadcast %broadcast_in_dim3A_991 : i32 to vector<16xi32>
      %gather3A_993 = tpu.vector_load_idx %arg29[%broadcast_in_dim3A, %broadcast_in_dim3A_992] : memref<32x128xf32, #tpu.memory_space<vmem>>[vector<16xi32>, vector<16xi32>], vector<16xf32>,
      %broadcast_in_dim3A_994 = arith.constant 36 : i32
      %broadcast_in_dim3A_995 = vector.broadcast %broadcast_in_dim3A_994 : i32 to vector<16xi32>
      %gather3A_996 = tpu.vector_load_idx %arg29[%broadcast_in_dim3A, %broadcast_in_dim3A_995] : memref<32x128xf32, #tpu.memory_space<vmem>>[vector<16xi32>, vector<16xi32>], vector<16xf32>,
      %broadcast_in_dim3A_997 = arith.constant 37 : i32
      %broadcast_in_dim3A_998 = vector.broadcast %broadcast_in_dim3A_997 : i32 to vector<16xi32>
      %gather3A_999 = tpu.vector_load_idx %arg29[%broadcast_in_dim3A, %broadcast_in_dim3A_998] : memref<32x128xf32, #tpu.memory_space<vmem>>[vector<16xi32>, vector<16xi32>], vector<16xf32>,
      %broadcast_in_dim3A_1000 = arith.constant 38 : i32
      %broadcast_in_dim3A_1001 = vector.broadcast %broadcast_in_dim3A_1000 : i32 to vector<16xi32>
      %gather3A_1002 = tpu.vector_load_idx %arg29[%broadcast_in_dim3A, %broadcast_in_dim3A_1001] : memref<32x128xf32, #tpu.memory_space<vmem>>[vector<16xi32>, vector<16xi32>], vector<16xf32>,
      %broadcast_in_dim3A_1003 = arith.constant 39 : i32
      %broadcast_in_dim3A_1004 = vector.broadcast %broadcast_in_dim3A_1003 : i32 to vector<16xi32>
      %gather3A_1005 = tpu.vector_load_idx %arg29[%broadcast_in_dim3A, %broadcast_in_dim3A_1004] : memref<32x128xf32, #tpu.memory_space<vmem>>[vector<16xi32>, vector<16xi32>], vector<16xf32>,
      %get3A_1006 = arith.constant 32 : i32
      %get3A_1007 = arith.index_cast %get3A_1006 : i32 to index
      %get3A_1008 = arith.constant 0 : index
      %get3A_1009 = tpu.vector_load %arg30[%get3A_1007, %get3A_1008] {strides = array<i32>} : memref<128x64xf32, #tpu.memory_space<vmem>>, vector<16xf32>,
      %mul3A_1010 = arith.mulf %gather3A_984, %get3A_1009 : vector<16xf32>
      %get3A_1011 = arith.constant 33 : i32
      %get3A_1012 = arith.index_cast %get3A_1011 : i32 to index
      %get3A_1013 = arith.constant 0 : index
      %get3A_1014 = tpu.vector_load %arg30[%get3A_1012, %get3A_1013] {strides = array<i32>} : memref<128x64xf32, #tpu.memory_space<vmem>>, vector<16xf32>,
      %mul3A_1015 = arith.mulf %gather3A_987, %get3A_1014 : vector<16xf32>
      %add3A_1016 = arith.addf %mul3A_1010, %mul3A_1015 : vector<16xf32>
      %get3A_1017 = arith.constant 34 : i32
      %get3A_1018 = arith.index_cast %get3A_1017 : i32 to index
      %get3A_1019 = arith.constant 0 : index
      %get3A_1020 = tpu.vector_load %arg30[%get3A_1018, %get3A_1019] {strides = array<i32>} : memref<128x64xf32, #tpu.memory_space<vmem>>, vector<16xf32>,
      %mul3A_1021 = arith.mulf %gather3A_990, %get3A_1020 : vector<16xf32>
      %add3A_1022 = arith.addf %add3A_1016, %mul3A_1021 : vector<16xf32>
      %get3A_1023 = arith.constant 35 : i32
      %get3A_1024 = arith.index_cast %get3A_1023 : i32 to index
      %get3A_1025 = arith.constant 0 : index
      %get3A_1026 = tpu.vector_load %arg30[%get3A_1024, %get3A_1025] {strides = array<i32>} : memref<128x64xf32, #tpu.memory_space<vmem>>, vector<16xf32>,
      %mul3A_1027 = arith.mulf %gather3A_993, %get3A_1026 : vector<16xf32>
      %add3A_1028 = arith.addf %add3A_1022, %mul3A_1027 : vector<16xf32>
      %get3A_1029 = arith.constant 36 : i32
      %get3A_1030 = arith.index_cast %get3A_1029 : i32 to index
      %get3A_1031 = arith.constant 0 : index
      %get3A_1032 = tpu.vector_load %arg30[%get3A_1030, %get3A_1031] {strides = array<i32>} : memref<128x64xf32, #tpu.memory_space<vmem>>, vector<16xf32>,
      %mul3A_1033 = arith.mulf %gather3A_996, %get3A_1032 : vector<16xf32>
      %add3A_1034 = arith.addf %add3A_1028, %mul3A_1033 : vector<16xf32>
      %get3A_1035 = arith.constant 37 : i32
      %get3A_1036 = arith.index_cast %get3A_1035 : i32 to index
      %get3A_1037 = arith.constant 0 : index
      %get3A_1038 = tpu.vector_load %arg30[%get3A_1036, %get3A_1037] {strides = array<i32>} : memref<128x64xf32, #tpu.memory_space<vmem>>, vector<16xf32>,
      %mul3A_1039 = arith.mulf %gather3A_999, %get3A_1038 : vector<16xf32>
      %add3A_1040 = arith.addf %add3A_1034, %mul3A_1039 : vector<16xf32>
      %get3A_1041 = arith.constant 38 : i32
      %get3A_1042 = arith.index_cast %get3A_1041 : i32 to index
      %get3A_1043 = arith.constant 0 : index
      %get3A_1044 = tpu.vector_load %arg30[%get3A_1042, %get3A_1043] {strides = array<i32>} : memref<128x64xf32, #tpu.memory_space<vmem>>, vector<16xf32>,
      %mul3A_1045 = arith.mulf %gather3A_1002, %get3A_1044 : vector<16xf32>
      %add3A_1046 = arith.addf %add3A_1040, %mul3A_1045 : vector<16xf32>
      %get3A_1047 = arith.constant 39 : i32
      %get3A_1048 = arith.index_cast %get3A_1047 : i32 to index
      %get3A_1049 = arith.constant 0 : index
      %get3A_1050 = tpu.vector_load %arg30[%get3A_1048, %get3A_1049] {strides = array<i32>} : memref<128x64xf32, #tpu.memory_space<vmem>>, vector<16xf32>,
      %mul3A_1051 = arith.mulf %gather3A_1005, %get3A_1050 : vector<16xf32>
      %add3A_1052 = arith.addf %add3A_1046, %mul3A_1051 : vector<16xf32>
      %mul3A_1053 = arith.constant 16 : i32
      %mul3A_1054 = arith.muli %scan3A_14, %mul3A_1053 : i32
      %add3A_1055 = arith.constant 4 : i32
      %add3A_1056 = arith.addi %mul3A_1054, %add3A_1055 : i32
      %swap3A_1057 = arith.index_cast %add3A_1056 : i32 to index
      %swap3A_1058 = arith.constant 0 : index
      %swap3A_1059 = tpu.vector_load %arg31[%swap3A_1057, %swap3A_1058] {strides = array<i32>} : memref<512x64xf32, #tpu.memory_space<vmem>>, vector<16xf32>,
      tpu.vector_store %arg31[%swap3A_1057, %swap3A_1058], %add3A_1052 {strides = array<i32>} : memref<512x64xf32, #tpu.memory_space<vmem>>, vector<16xf32>,
      %get3A_1060 = arith.constant 32 : i32
      %get3A_1061 = arith.index_cast %get3A_1060 : i32 to index
      %get3A_1062 = arith.constant 16 : index
      %get3A_1063 = tpu.vector_load %arg30[%get3A_1061, %get3A_1062] {strides = array<i32>} : memref<128x64xf32, #tpu.memory_space<vmem>>, vector<16xf32>,
      %mul3A_1064 = arith.mulf %gather3A_984, %get3A_1063 : vector<16xf32>
      %get3A_1065 = arith.constant 33 : i32
      %get3A_1066 = arith.index_cast %get3A_1065 : i32 to index
      %get3A_1067 = arith.constant 16 : index
      %get3A_1068 = tpu.vector_load %arg30[%get3A_1066, %get3A_1067] {strides = array<i32>} : memref<128x64xf32, #tpu.memory_space<vmem>>, vector<16xf32>,
      %mul3A_1069 = arith.mulf %gather3A_987, %get3A_1068 : vector<16xf32>
      %add3A_1070 = arith.addf %mul3A_1064, %mul3A_1069 : vector<16xf32>
      %get3A_1071 = arith.constant 34 : i32
      %get3A_1072 = arith.index_cast %get3A_1071 : i32 to index
      %get3A_1073 = arith.constant 16 : index
      %get3A_1074 = tpu.vector_load %arg30[%get3A_1072, %get3A_1073] {strides = array<i32>} : memref<128x64xf32, #tpu.memory_space<vmem>>, vector<16xf32>,
      %mul3A_1075 = arith.mulf %gather3A_990, %get3A_1074 : vector<16xf32>
      %add3A_1076 = arith.addf %add3A_1070, %mul3A_1075 : vector<16xf32>
      %get3A_1077 = arith.constant 35 : i32
      %get3A_1078 = arith.index_cast %get3A_1077 : i32 to index
      %get3A_1079 = arith.constant 16 : index
      %get3A_1080 = tpu.vector_load %arg30[%get3A_1078, %get3A_1079] {strides = array<i32>} : memref<128x64xf32, #tpu.memory_space<vmem>>, vector<16xf32>,
      %mul3A_1081 = arith.mulf %gather3A_993, %get3A_1080 : vector<16xf32>
      %add3A_1082 = arith.addf %add3A_1076, %mul3A_1081 : vector<16xf32>
      %get3A_1083 = arith.constant 36 : i32
      %get3A_1084 = arith.index_cast %get3A_1083 : i32 to index
      %get3A_1085 = arith.constant 16 : index
      %get3A_1086 = tpu.vector_load %arg30[%get3A_1084, %get3A_1085] {strides = array<i32>} : memref<128x64xf32, #tpu.memory_space<vmem>>, vector<16xf32>,
      %mul3A_1087 = arith.mulf %gather3A_996, %get3A_1086 : vector<16xf32>
      %add3A_1088 = arith.addf %add3A_1082, %mul3A_1087 : vector<16xf32>
      %get3A_1089 = arith.constant 37 : i32
      %get3A_1090 = arith.index_cast %get3A_1089 : i32 to index
      %get3A_1091 = arith.constant 16 : index
      %get3A_1092 = tpu.vector_load %arg30[%get3A_1090, %get3A_1091] {strides = array<i32>} : memref<128x64xf32, #tpu.memory_space<vmem>>, vector<16xf32>,
      %mul3A_1093 = arith.mulf %gather3A_999, %get3A_1092 : vector<16xf32>
      %add3A_1094 = arith.addf %add3A_1088, %mul3A_1093 : vector<16xf32>
      %get3A_1095 = arith.constant 38 : i32
      %get3A_1096 = arith.index_cast %get3A_1095 : i32 to index
      %get3A_1097 = arith.constant 16 : index
      %get3A_1098 = tpu.vector_load %arg30[%get3A_1096, %get3A_1097] {strides = array<i32>} : memref<128x64xf32, #tpu.memory_space<vmem>>, vector<16xf32>,
      %mul3A_1099 = arith.mulf %gather3A_1002, %get3A_1098 : vector<16xf32>
      %add3A_1100 = arith.addf %add3A_1094, %mul3A_1099 : vector<16xf32>
      %get3A_1101 = arith.constant 39 : i32
      %get3A_1102 = arith.index_cast %get3A_1101 : i32 to index
      %get3A_1103 = arith.constant 16 : index
      %get3A_1104 = tpu.vector_load %arg30[%get3A_1102, %get3A_1103] {strides = array<i32>} : memref<128x64xf32, #tpu.memory_space<vmem>>, vector<16xf32>,
      %mul3A_1105 = arith.mulf %gather3A_1005, %get3A_1104 : vector<16xf32>
      %add3A_1106 = arith.addf %add3A_1100, %mul3A_1105 : vector<16xf32>
      %mul3A_1107 = arith.constant 16 : i32
      %mul3A_1108 = arith.muli %scan3A_14, %mul3A_1107 : i32
      %add3A_1109 = arith.constant 4 : i32
      %add3A_1110 = arith.addi %mul3A_1108, %add3A_1109 : i32
      %swap3A_1111 = arith.index_cast %add3A_1110 : i32 to index
      %swap3A_1112 = arith.constant 16 : index
      %swap3A_1113 = tpu.vector_load %arg31[%swap3A_1111, %swap3A_1112] {strides = array<i32>} : memref<512x64xf32, #tpu.memory_space<vmem>>, vector<16xf32>,
      tpu.vector_store %arg31[%swap3A_1111, %swap3A_1112], %add3A_1106 {strides = array<i32>} : memref<512x64xf32, #tpu.memory_space<vmem>>, vector<16xf32>,
      %get3A_1114 = arith.constant 32 : i32
      %get3A_1115 = arith.index_cast %get3A_1114 : i32 to index
      %get3A_1116 = arith.constant 32 : index
      %get3A_1117 = tpu.vector_load %arg30[%get3A_1115, %get3A_1116] {strides = array<i32>} : memref<128x64xf32, #tpu.memory_space<vmem>>, vector<16xf32>,
      %mul3A_1118 = arith.mulf %gather3A_984, %get3A_1117 : vector<16xf32>
      %get3A_1119 = arith.constant 33 : i32
      %get3A_1120 = arith.index_cast %get3A_1119 : i32 to index
      %get3A_1121 = arith.constant 32 : index
      %get3A_1122 = tpu.vector_load %arg30[%get3A_1120, %get3A_1121] {strides = array<i32>} : memref<128x64xf32, #tpu.memory_space<vmem>>, vector<16xf32>,
      %mul3A_1123 = arith.mulf %gather3A_987, %get3A_1122 : vector<16xf32>
      %add3A_1124 = arith.addf %mul3A_1118, %mul3A_1123 : vector<16xf32>
      %get3A_1125 = arith.constant 34 : i32
      %get3A_1126 = arith.index_cast %get3A_1125 : i32 to index
      %get3A_1127 = arith.constant 32 : index
      %get3A_1128 = tpu.vector_load %arg30[%get3A_1126, %get3A_1127] {strides = array<i32>} : memref<128x64xf32, #tpu.memory_space<vmem>>, vector<16xf32>,
      %mul3A_1129 = arith.mulf %gather3A_990, %get3A_1128 : vector<16xf32>
      %add3A_1130 = arith.addf %add3A_1124, %mul3A_1129 : vector<16xf32>
      %get3A_1131 = arith.constant 35 : i32
      %get3A_1132 = arith.index_cast %get3A_1131 : i32 to index
      %get3A_1133 = arith.constant 32 : index
      %get3A_1134 = tpu.vector_load %arg30[%get3A_1132, %get3A_1133] {strides = array<i32>} : memref<128x64xf32, #tpu.memory_space<vmem>>, vector<16xf32>,
      %mul3A_1135 = arith.mulf %gather3A_993, %get3A_1134 : vector<16xf32>
      %add3A_1136 = arith.addf %add3A_1130, %mul3A_1135 : vector<16xf32>
      %get3A_1137 = arith.constant 36 : i32
      %get3A_1138 = arith.index_cast %get3A_1137 : i32 to index
      %get3A_1139 = arith.constant 32 : index
      %get3A_1140 = tpu.vector_load %arg30[%get3A_1138, %get3A_1139] {strides = array<i32>} : memref<128x64xf32, #tpu.memory_space<vmem>>, vector<16xf32>,
      %mul3A_1141 = arith.mulf %gather3A_996, %get3A_1140 : vector<16xf32>
      %add3A_1142 = arith.addf %add3A_1136, %mul3A_1141 : vector<16xf32>
      %get3A_1143 = arith.constant 37 : i32
      %get3A_1144 = arith.index_cast %get3A_1143 : i32 to index
      %get3A_1145 = arith.constant 32 : index
      %get3A_1146 = tpu.vector_load %arg30[%get3A_1144, %get3A_1145] {strides = array<i32>} : memref<128x64xf32, #tpu.memory_space<vmem>>, vector<16xf32>,
      %mul3A_1147 = arith.mulf %gather3A_999, %get3A_1146 : vector<16xf32>
      %add3A_1148 = arith.addf %add3A_1142, %mul3A_1147 : vector<16xf32>
      %get3A_1149 = arith.constant 38 : i32
      %get3A_1150 = arith.index_cast %get3A_1149 : i32 to index
      %get3A_1151 = arith.constant 32 : index
      %get3A_1152 = tpu.vector_load %arg30[%get3A_1150, %get3A_1151] {strides = array<i32>} : memref<128x64xf32, #tpu.memory_space<vmem>>, vector<16xf32>,
      %mul3A_1153 = arith.mulf %gather3A_1002, %get3A_1152 : vector<16xf32>
      %add3A_1154 = arith.addf %add3A_1148, %mul3A_1153 : vector<16xf32>
      %get3A_1155 = arith.constant 39 : i32
      %get3A_1156 = arith.index_cast %get3A_1155 : i32 to index
      %get3A_1157 = arith.constant 32 : index
      %get3A_1158 = tpu.vector_load %arg30[%get3A_1156, %get3A_1157] {strides = array<i32>} : memref<128x64xf32, #tpu.memory_space<vmem>>, vector<16xf32>,
      %mul3A_1159 = arith.mulf %gather3A_1005, %get3A_1158 : vector<16xf32>
      %add3A_1160 = arith.addf %add3A_1154, %mul3A_1159 : vector<16xf32>
      %mul3A_1161 = arith.constant 16 : i32
      %mul3A_1162 = arith.muli %scan3A_14, %mul3A_1161 : i32
      %add3A_1163 = arith.constant 4 : i32
      %add3A_1164 = arith.addi %mul3A_1162, %add3A_1163 : i32
      %swap3A_1165 = arith.index_cast %add3A_1164 : i32 to index
      %swap3A_1166 = arith.constant 32 : index
      %swap3A_1167 = tpu.vector_load %arg31[%swap3A_1165, %swap3A_1166] {strides = array<i32>} : memref<512x64xf32, #tpu.memory_space<vmem>>, vector<16xf32>,
      tpu.vector_store %arg31[%swap3A_1165, %swap3A_1166], %add3A_1160 {strides = array<i32>} : memref<512x64xf32, #tpu.memory_space<vmem>>, vector<16xf32>,
      %get3A_1168 = arith.constant 32 : i32
      %get3A_1169 = arith.index_cast %get3A_1168 : i32 to index
      %get3A_1170 = arith.constant 48 : index
      %get3A_1171 = tpu.vector_load %arg30[%get3A_1169, %get3A_1170] {strides = array<i32>} : memref<128x64xf32, #tpu.memory_space<vmem>>, vector<16xf32>,
      %mul3A_1172 = arith.mulf %gather3A_984, %get3A_1171 : vector<16xf32>
      %get3A_1173 = arith.constant 33 : i32
      %get3A_1174 = arith.index_cast %get3A_1173 : i32 to index
      %get3A_1175 = arith.constant 48 : index
      %get3A_1176 = tpu.vector_load %arg30[%get3A_1174, %get3A_1175] {strides = array<i32>} : memref<128x64xf32, #tpu.memory_space<vmem>>, vector<16xf32>,
      %mul3A_1177 = arith.mulf %gather3A_987, %get3A_1176 : vector<16xf32>
      %add3A_1178 = arith.addf %mul3A_1172, %mul3A_1177 : vector<16xf32>
      %get3A_1179 = arith.constant 34 : i32
      %get3A_1180 = arith.index_cast %get3A_1179 : i32 to index
      %get3A_1181 = arith.constant 48 : index
      %get3A_1182 = tpu.vector_load %arg30[%get3A_1180, %get3A_1181] {strides = array<i32>} : memref<128x64xf32, #tpu.memory_space<vmem>>, vector<16xf32>,
      %mul3A_1183 = arith.mulf %gather3A_990, %get3A_1182 : vector<16xf32>
      %add3A_1184 = arith.addf %add3A_1178, %mul3A_1183 : vector<16xf32>
      %get3A_1185 = arith.constant 35 : i32
      %get3A_1186 = arith.index_cast %get3A_1185 : i32 to index
      %get3A_1187 = arith.constant 48 : index
      %get3A_1188 = tpu.vector_load %arg30[%get3A_1186, %get3A_1187] {strides = array<i32>} : memref<128x64xf32, #tpu.memory_space<vmem>>, vector<16xf32>,
      %mul3A_1189 = arith.mulf %gather3A_993, %get3A_1188 : vector<16xf32>
      %add3A_1190 = arith.addf %add3A_1184, %mul3A_1189 : vector<16xf32>
      %get3A_1191 = arith.constant 36 : i32
      %get3A_1192 = arith.index_cast %get3A_1191 : i32 to index
      %get3A_1193 = arith.constant 48 : index
      %get3A_1194 = tpu.vector_load %arg30[%get3A_1192, %get3A_1193] {strides = array<i32>} : memref<128x64xf32, #tpu.memory_space<vmem>>, vector<16xf32>,
      %mul3A_1195 = arith.mulf %gather3A_996, %get3A_1194 : vector<16xf32>
      %add3A_1196 = arith.addf %add3A_1190, %mul3A_1195 : vector<16xf32>
      %get3A_1197 = arith.constant 37 : i32
      %get3A_1198 = arith.index_cast %get3A_1197 : i32 to index
      %get3A_1199 = arith.constant 48 : index
      %get3A_1200 = tpu.vector_load %arg30[%get3A_1198, %get3A_1199] {strides = array<i32>} : memref<128x64xf32, #tpu.memory_space<vmem>>, vector<16xf32>,
      %mul3A_1201 = arith.mulf %gather3A_999, %get3A_1200 : vector<16xf32>
      %add3A_1202 = arith.addf %add3A_1196, %mul3A_1201 : vector<16xf32>
      %get3A_1203 = arith.constant 38 : i32
      %get3A_1204 = arith.index_cast %get3A_1203 : i32 to index
      %get3A_1205 = arith.constant 48 : index
      %get3A_1206 = tpu.vector_load %arg30[%get3A_1204, %get3A_1205] {strides = array<i32>} : memref<128x64xf32, #tpu.memory_space<vmem>>, vector<16xf32>,
      %mul3A_1207 = arith.mulf %gather3A_1002, %get3A_1206 : vector<16xf32>
      %add3A_1208 = arith.addf %add3A_1202, %mul3A_1207 : vector<16xf32>
      %get3A_1209 = arith.constant 39 : i32
      %get3A_1210 = arith.index_cast %get3A_1209 : i32 to index
      %get3A_1211 = arith.constant 48 : index
      %get3A_1212 = tpu.vector_load %arg30[%get3A_1210, %get3A_1211] {strides = array<i32>} : memref<128x64xf32, #tpu.memory_space<vmem>>, vector<16xf32>,
      %mul3A_1213 = arith.mulf %gather3A_1005, %get3A_1212 : vector<16xf32>
      %add3A_1214 = arith.addf %add3A_1208, %mul3A_1213 : vector<16xf32>
      %mul3A_1215 = arith.constant 16 : i32
      %mul3A_1216 = arith.muli %scan3A_14, %mul3A_1215 : i32
      %add3A_1217 = arith.constant 4 : i32
      %add3A_1218 = arith.addi %mul3A_1216, %add3A_1217 : i32
      %swap3A_1219 = arith.index_cast %add3A_1218 : i32 to index
      %swap3A_1220 = arith.constant 48 : index
      %swap3A_1221 = tpu.vector_load %arg31[%swap3A_1219, %swap3A_1220] {strides = array<i32>} : memref<512x64xf32, #tpu.memory_space<vmem>>, vector<16xf32>,
      tpu.vector_store %arg31[%swap3A_1219, %swap3A_1220], %add3A_1214 {strides = array<i32>} : memref<512x64xf32, #tpu.memory_space<vmem>>, vector<16xf32>,
      %broadcast_in_dim3A_1222 = arith.constant 40 : i32
      %broadcast_in_dim3A_1223 = vector.broadcast %broadcast_in_dim3A_1222 : i32 to vector<16xi32>
      %gather3A_1224 = tpu.vector_load_idx %arg29[%broadcast_in_dim3A, %broadcast_in_dim3A_1223] : memref<32x128xf32, #tpu.memory_space<vmem>>[vector<16xi32>, vector<16xi32>], vector<16xf32>,
      %broadcast_in_dim3A_1225 = arith.constant 41 : i32
      %broadcast_in_dim3A_1226 = vector.broadcast %broadcast_in_dim3A_1225 : i32 to vector<16xi32>
      %gather3A_1227 = tpu.vector_load_idx %arg29[%broadcast_in_dim3A, %broadcast_in_dim3A_1226] : memref<32x128xf32, #tpu.memory_space<vmem>>[vector<16xi32>, vector<16xi32>], vector<16xf32>,
      %broadcast_in_dim3A_1228 = arith.constant 42 : i32
      %broadcast_in_dim3A_1229 = vector.broadcast %broadcast_in_dim3A_1228 : i32 to vector<16xi32>
      %gather3A_1230 = tpu.vector_load_idx %arg29[%broadcast_in_dim3A, %broadcast_in_dim3A_1229] : memref<32x128xf32, #tpu.memory_space<vmem>>[vector<16xi32>, vector<16xi32>], vector<16xf32>,
      %broadcast_in_dim3A_1231 = arith.constant 43 : i32
      %broadcast_in_dim3A_1232 = vector.broadcast %broadcast_in_dim3A_1231 : i32 to vector<16xi32>
      %gather3A_1233 = tpu.vector_load_idx %arg29[%broadcast_in_dim3A, %broadcast_in_dim3A_1232] : memref<32x128xf32, #tpu.memory_space<vmem>>[vector<16xi32>, vector<16xi32>], vector<16xf32>,
      %broadcast_in_dim3A_1234 = arith.constant 44 : i32
      %broadcast_in_dim3A_1235 = vector.broadcast %broadcast_in_dim3A_1234 : i32 to vector<16xi32>
      %gather3A_1236 = tpu.vector_load_idx %arg29[%broadcast_in_dim3A, %broadcast_in_dim3A_1235] : memref<32x128xf32, #tpu.memory_space<vmem>>[vector<16xi32>, vector<16xi32>], vector<16xf32>,
      %broadcast_in_dim3A_1237 = arith.constant 45 : i32
      %broadcast_in_dim3A_1238 = vector.broadcast %broadcast_in_dim3A_1237 : i32 to vector<16xi32>
      %gather3A_1239 = tpu.vector_load_idx %arg29[%broadcast_in_dim3A, %broadcast_in_dim3A_1238] : memref<32x128xf32, #tpu.memory_space<vmem>>[vector<16xi32>, vector<16xi32>], vector<16xf32>,
      %broadcast_in_dim3A_1240 = arith.constant 46 : i32
      %broadcast_in_dim3A_1241 = vector.broadcast %broadcast_in_dim3A_1240 : i32 to vector<16xi32>
      %gather3A_1242 = tpu.vector_load_idx %arg29[%broadcast_in_dim3A, %broadcast_in_dim3A_1241] : memref<32x128xf32, #tpu.memory_space<vmem>>[vector<16xi32>, vector<16xi32>], vector<16xf32>,
      %broadcast_in_dim3A_1243 = arith.constant 47 : i32
      %broadcast_in_dim3A_1244 = vector.broadcast %broadcast_in_dim3A_1243 : i32 to vector<16xi32>
      %gather3A_1245 = tpu.vector_load_idx %arg29[%broadcast_in_dim3A, %broadcast_in_dim3A_1244] : memref<32x128xf32, #tpu.memory_space<vmem>>[vector<16xi32>, vector<16xi32>], vector<16xf32>,
      %get3A_1246 = arith.constant 40 : i32
      %get3A_1247 = arith.index_cast %get3A_1246 : i32 to index
      %get3A_1248 = arith.constant 0 : index
      %get3A_1249 = tpu.vector_load %arg30[%get3A_1247, %get3A_1248] {strides = array<i32>} : memref<128x64xf32, #tpu.memory_space<vmem>>, vector<16xf32>,
      %mul3A_1250 = arith.mulf %gather3A_1224, %get3A_1249 : vector<16xf32>
      %get3A_1251 = arith.constant 41 : i32
      %get3A_1252 = arith.index_cast %get3A_1251 : i32 to index
      %get3A_1253 = arith.constant 0 : index
      %get3A_1254 = tpu.vector_load %arg30[%get3A_1252, %get3A_1253] {strides = array<i32>} : memref<128x64xf32, #tpu.memory_space<vmem>>, vector<16xf32>,
      %mul3A_1255 = arith.mulf %gather3A_1227, %get3A_1254 : vector<16xf32>
      %add3A_1256 = arith.addf %mul3A_1250, %mul3A_1255 : vector<16xf32>
      %get3A_1257 = arith.constant 42 : i32
      %get3A_1258 = arith.index_cast %get3A_1257 : i32 to index
      %get3A_1259 = arith.constant 0 : index
      %get3A_1260 = tpu.vector_load %arg30[%get3A_1258, %get3A_1259] {strides = array<i32>} : memref<128x64xf32, #tpu.memory_space<vmem>>, vector<16xf32>,
      %mul3A_1261 = arith.mulf %gather3A_1230, %get3A_1260 : vector<16xf32>
      %add3A_1262 = arith.addf %add3A_1256, %mul3A_1261 : vector<16xf32>
      %get3A_1263 = arith.constant 43 : i32
      %get3A_1264 = arith.index_cast %get3A_1263 : i32 to index
      %get3A_1265 = arith.constant 0 : index
      %get3A_1266 = tpu.vector_load %arg30[%get3A_1264, %get3A_1265] {strides = array<i32>} : memref<128x64xf32, #tpu.memory_space<vmem>>, vector<16xf32>,
      %mul3A_1267 = arith.mulf %gather3A_1233, %get3A_1266 : vector<16xf32>
      %add3A_1268 = arith.addf %add3A_1262, %mul3A_1267 : vector<16xf32>
      %get3A_1269 = arith.constant 44 : i32
      %get3A_1270 = arith.index_cast %get3A_1269 : i32 to index
      %get3A_1271 = arith.constant 0 : index
      %get3A_1272 = tpu.vector_load %arg30[%get3A_1270, %get3A_1271] {strides = array<i32>} : memref<128x64xf32, #tpu.memory_space<vmem>>, vector<16xf32>,
      %mul3A_1273 = arith.mulf %gather3A_1236, %get3A_1272 : vector<16xf32>
      %add3A_1274 = arith.addf %add3A_1268, %mul3A_1273 : vector<16xf32>
      %get3A_1275 = arith.constant 45 : i32
      %get3A_1276 = arith.index_cast %get3A_1275 : i32 to index
      %get3A_1277 = arith.constant 0 : index
      %get3A_1278 = tpu.vector_load %arg30[%get3A_1276, %get3A_1277] {strides = array<i32>} : memref<128x64xf32, #tpu.memory_space<vmem>>, vector<16xf32>,
      %mul3A_1279 = arith.mulf %gather3A_1239, %get3A_1278 : vector<16xf32>
      %add3A_1280 = arith.addf %add3A_1274, %mul3A_1279 : vector<16xf32>
      %get3A_1281 = arith.constant 46 : i32
      %get3A_1282 = arith.index_cast %get3A_1281 : i32 to index
      %get3A_1283 = arith.constant 0 : index
      %get3A_1284 = tpu.vector_load %arg30[%get3A_1282, %get3A_1283] {strides = array<i32>} : memref<128x64xf32, #tpu.memory_space<vmem>>, vector<16xf32>,
      %mul3A_1285 = arith.mulf %gather3A_1242, %get3A_1284 : vector<16xf32>
      %add3A_1286 = arith.addf %add3A_1280, %mul3A_1285 : vector<16xf32>
      %get3A_1287 = arith.constant 47 : i32
      %get3A_1288 = arith.index_cast %get3A_1287 : i32 to index
      %get3A_1289 = arith.constant 0 : index
      %get3A_1290 = tpu.vector_load %arg30[%get3A_1288, %get3A_1289] {strides = array<i32>} : memref<128x64xf32, #tpu.memory_space<vmem>>, vector<16xf32>,
      %mul3A_1291 = arith.mulf %gather3A_1245, %get3A_1290 : vector<16xf32>
      %add3A_1292 = arith.addf %add3A_1286, %mul3A_1291 : vector<16xf32>
      %mul3A_1293 = arith.constant 16 : i32
      %mul3A_1294 = arith.muli %scan3A_14, %mul3A_1293 : i32
      %add3A_1295 = arith.constant 5 : i32
      %add3A_1296 = arith.addi %mul3A_1294, %add3A_1295 : i32
      %swap3A_1297 = arith.index_cast %add3A_1296 : i32 to index
      %swap3A_1298 = arith.constant 0 : index
      %swap3A_1299 = tpu.vector_load %arg31[%swap3A_1297, %swap3A_1298] {strides = array<i32>} : memref<512x64xf32, #tpu.memory_space<vmem>>, vector<16xf32>,
      tpu.vector_store %arg31[%swap3A_1297, %swap3A_1298], %add3A_1292 {strides = array<i32>} : memref<512x64xf32, #tpu.memory_space<vmem>>, vector<16xf32>,
      %get3A_1300 = arith.constant 40 : i32
      %get3A_1301 = arith.index_cast %get3A_1300 : i32 to index
      %get3A_1302 = arith.constant 16 : index
      %get3A_1303 = tpu.vector_load %arg30[%get3A_1301, %get3A_1302] {strides = array<i32>} : memref<128x64xf32, #tpu.memory_space<vmem>>, vector<16xf32>,
      %mul3A_1304 = arith.mulf %gather3A_1224, %get3A_1303 : vector<16xf32>
      %get3A_1305 = arith.constant 41 : i32
      %get3A_1306 = arith.index_cast %get3A_1305 : i32 to index
      %get3A_1307 = arith.constant 16 : index
      %get3A_1308 = tpu.vector_load %arg30[%get3A_1306, %get3A_1307] {strides = array<i32>} : memref<128x64xf32, #tpu.memory_space<vmem>>, vector<16xf32>,
      %mul3A_1309 = arith.mulf %gather3A_1227, %get3A_1308 : vector<16xf32>
      %add3A_1310 = arith.addf %mul3A_1304, %mul3A_1309 : vector<16xf32>
      %get3A_1311 = arith.constant 42 : i32
      %get3A_1312 = arith.index_cast %get3A_1311 : i32 to index
      %get3A_1313 = arith.constant 16 : index
      %get3A_1314 = tpu.vector_load %arg30[%get3A_1312, %get3A_1313] {strides = array<i32>} : memref<128x64xf32, #tpu.memory_space<vmem>>, vector<16xf32>,
      %mul3A_1315 = arith.mulf %gather3A_1230, %get3A_1314 : vector<16xf32>
      %add3A_1316 = arith.addf %add3A_1310, %mul3A_1315 : vector<16xf32>
      %get3A_1317 = arith.constant 43 : i32
      %get3A_1318 = arith.index_cast %get3A_1317 : i32 to index
      %get3A_1319 = arith.constant 16 : index
      %get3A_1320 = tpu.vector_load %arg30[%get3A_1318, %get3A_1319] {strides = array<i32>} : memref<128x64xf32, #tpu.memory_space<vmem>>, vector<16xf32>,
      %mul3A_1321 = arith.mulf %gather3A_1233, %get3A_1320 : vector<16xf32>
      %add3A_1322 = arith.addf %add3A_1316, %mul3A_1321 : vector<16xf32>
      %get3A_1323 = arith.constant 44 : i32
      %get3A_1324 = arith.index_cast %get3A_1323 : i32 to index
      %get3A_1325 = arith.constant 16 : index
      %get3A_1326 = tpu.vector_load %arg30[%get3A_1324, %get3A_1325] {strides = array<i32>} : memref<128x64xf32, #tpu.memory_space<vmem>>, vector<16xf32>,
      %mul3A_1327 = arith.mulf %gather3A_1236, %get3A_1326 : vector<16xf32>
      %add3A_1328 = arith.addf %add3A_1322, %mul3A_1327 : vector<16xf32>
      %get3A_1329 = arith.constant 45 : i32
      %get3A_1330 = arith.index_cast %get3A_1329 : i32 to index
      %get3A_1331 = arith.constant 16 : index
      %get3A_1332 = tpu.vector_load %arg30[%get3A_1330, %get3A_1331] {strides = array<i32>} : memref<128x64xf32, #tpu.memory_space<vmem>>, vector<16xf32>,
      %mul3A_1333 = arith.mulf %gather3A_1239, %get3A_1332 : vector<16xf32>
      %add3A_1334 = arith.addf %add3A_1328, %mul3A_1333 : vector<16xf32>
      %get3A_1335 = arith.constant 46 : i32
      %get3A_1336 = arith.index_cast %get3A_1335 : i32 to index
      %get3A_1337 = arith.constant 16 : index
      %get3A_1338 = tpu.vector_load %arg30[%get3A_1336, %get3A_1337] {strides = array<i32>} : memref<128x64xf32, #tpu.memory_space<vmem>>, vector<16xf32>,
      %mul3A_1339 = arith.mulf %gather3A_1242, %get3A_1338 : vector<16xf32>
      %add3A_1340 = arith.addf %add3A_1334, %mul3A_1339 : vector<16xf32>
      %get3A_1341 = arith.constant 47 : i32
      %get3A_1342 = arith.index_cast %get3A_1341 : i32 to index
      %get3A_1343 = arith.constant 16 : index
      %get3A_1344 = tpu.vector_load %arg30[%get3A_1342, %get3A_1343] {strides = array<i32>} : memref<128x64xf32, #tpu.memory_space<vmem>>, vector<16xf32>,
      %mul3A_1345 = arith.mulf %gather3A_1245, %get3A_1344 : vector<16xf32>
      %add3A_1346 = arith.addf %add3A_1340, %mul3A_1345 : vector<16xf32>
      %mul3A_1347 = arith.constant 16 : i32
      %mul3A_1348 = arith.muli %scan3A_14, %mul3A_1347 : i32
      %add3A_1349 = arith.constant 5 : i32
      %add3A_1350 = arith.addi %mul3A_1348, %add3A_1349 : i32
      %swap3A_1351 = arith.index_cast %add3A_1350 : i32 to index
      %swap3A_1352 = arith.constant 16 : index
      %swap3A_1353 = tpu.vector_load %arg31[%swap3A_1351, %swap3A_1352] {strides = array<i32>} : memref<512x64xf32, #tpu.memory_space<vmem>>, vector<16xf32>,
      tpu.vector_store %arg31[%swap3A_1351, %swap3A_1352], %add3A_1346 {strides = array<i32>} : memref<512x64xf32, #tpu.memory_space<vmem>>, vector<16xf32>,
      %get3A_1354 = arith.constant 40 : i32
      %get3A_1355 = arith.index_cast %get3A_1354 : i32 to index
      %get3A_1356 = arith.constant 32 : index
      %get3A_1357 = tpu.vector_load %arg30[%get3A_1355, %get3A_1356] {strides = array<i32>} : memref<128x64xf32, #tpu.memory_space<vmem>>, vector<16xf32>,
      %mul3A_1358 = arith.mulf %gather3A_1224, %get3A_1357 : vector<16xf32>
      %get3A_1359 = arith.constant 41 : i32
      %get3A_1360 = arith.index_cast %get3A_1359 : i32 to index
      %get3A_1361 = arith.constant 32 : index
      %get3A_1362 = tpu.vector_load %arg30[%get3A_1360, %get3A_1361] {strides = array<i32>} : memref<128x64xf32, #tpu.memory_space<vmem>>, vector<16xf32>,
      %mul3A_1363 = arith.mulf %gather3A_1227, %get3A_1362 : vector<16xf32>
      %add3A_1364 = arith.addf %mul3A_1358, %mul3A_1363 : vector<16xf32>
      %get3A_1365 = arith.constant 42 : i32
      %get3A_1366 = arith.index_cast %get3A_1365 : i32 to index
      %get3A_1367 = arith.constant 32 : index
      %get3A_1368 = tpu.vector_load %arg30[%get3A_1366, %get3A_1367] {strides = array<i32>} : memref<128x64xf32, #tpu.memory_space<vmem>>, vector<16xf32>,
      %mul3A_1369 = arith.mulf %gather3A_1230, %get3A_1368 : vector<16xf32>
      %add3A_1370 = arith.addf %add3A_1364, %mul3A_1369 : vector<16xf32>
      %get3A_1371 = arith.constant 43 : i32
      %get3A_1372 = arith.index_cast %get3A_1371 : i32 to index
      %get3A_1373 = arith.constant 32 : index
      %get3A_1374 = tpu.vector_load %arg30[%get3A_1372, %get3A_1373] {strides = array<i32>} : memref<128x64xf32, #tpu.memory_space<vmem>>, vector<16xf32>,
      %mul3A_1375 = arith.mulf %gather3A_1233, %get3A_1374 : vector<16xf32>
      %add3A_1376 = arith.addf %add3A_1370, %mul3A_1375 : vector<16xf32>
      %get3A_1377 = arith.constant 44 : i32
      %get3A_1378 = arith.index_cast %get3A_1377 : i32 to index
      %get3A_1379 = arith.constant 32 : index
      %get3A_1380 = tpu.vector_load %arg30[%get3A_1378, %get3A_1379] {strides = array<i32>} : memref<128x64xf32, #tpu.memory_space<vmem>>, vector<16xf32>,
      %mul3A_1381 = arith.mulf %gather3A_1236, %get3A_1380 : vector<16xf32>
      %add3A_1382 = arith.addf %add3A_1376, %mul3A_1381 : vector<16xf32>
      %get3A_1383 = arith.constant 45 : i32
      %get3A_1384 = arith.index_cast %get3A_1383 : i32 to index
      %get3A_1385 = arith.constant 32 : index
      %get3A_1386 = tpu.vector_load %arg30[%get3A_1384, %get3A_1385] {strides = array<i32>} : memref<128x64xf32, #tpu.memory_space<vmem>>, vector<16xf32>,
      %mul3A_1387 = arith.mulf %gather3A_1239, %get3A_1386 : vector<16xf32>
      %add3A_1388 = arith.addf %add3A_1382, %mul3A_1387 : vector<16xf32>
      %get3A_1389 = arith.constant 46 : i32
      %get3A_1390 = arith.index_cast %get3A_1389 : i32 to index
      %get3A_1391 = arith.constant 32 : index
      %get3A_1392 = tpu.vector_load %arg30[%get3A_1390, %get3A_1391] {strides = array<i32>} : memref<128x64xf32, #tpu.memory_space<vmem>>, vector<16xf32>,
      %mul3A_1393 = arith.mulf %gather3A_1242, %get3A_1392 : vector<16xf32>
      %add3A_1394 = arith.addf %add3A_1388, %mul3A_1393 : vector<16xf32>
      %get3A_1395 = arith.constant 47 : i32
      %get3A_1396 = arith.index_cast %get3A_1395 : i32 to index
      %get3A_1397 = arith.constant 32 : index
      %get3A_1398 = tpu.vector_load %arg30[%get3A_1396, %get3A_1397] {strides = array<i32>} : memref<128x64xf32, #tpu.memory_space<vmem>>, vector<16xf32>,
      %mul3A_1399 = arith.mulf %gather3A_1245, %get3A_1398 : vector<16xf32>
      %add3A_1400 = arith.addf %add3A_1394, %mul3A_1399 : vector<16xf32>
      %mul3A_1401 = arith.constant 16 : i32
      %mul3A_1402 = arith.muli %scan3A_14, %mul3A_1401 : i32
      %add3A_1403 = arith.constant 5 : i32
      %add3A_1404 = arith.addi %mul3A_1402, %add3A_1403 : i32
      %swap3A_1405 = arith.index_cast %add3A_1404 : i32 to index
      %swap3A_1406 = arith.constant 32 : index
      %swap3A_1407 = tpu.vector_load %arg31[%swap3A_1405, %swap3A_1406] {strides = array<i32>} : memref<512x64xf32, #tpu.memory_space<vmem>>, vector<16xf32>,
      tpu.vector_store %arg31[%swap3A_1405, %swap3A_1406], %add3A_1400 {strides = array<i32>} : memref<512x64xf32, #tpu.memory_space<vmem>>, vector<16xf32>,
      %get3A_1408 = arith.constant 40 : i32
      %get3A_1409 = arith.index_cast %get3A_1408 : i32 to index
      %get3A_1410 = arith.constant 48 : index
      %get3A_1411 = tpu.vector_load %arg30[%get3A_1409, %get3A_1410] {strides = array<i32>} : memref<128x64xf32, #tpu.memory_space<vmem>>, vector<16xf32>,
      %mul3A_1412 = arith.mulf %gather3A_1224, %get3A_1411 : vector<16xf32>
      %get3A_1413 = arith.constant 41 : i32
      %get3A_1414 = arith.index_cast %get3A_1413 : i32 to index
      %get3A_1415 = arith.constant 48 : index
      %get3A_1416 = tpu.vector_load %arg30[%get3A_1414, %get3A_1415] {strides = array<i32>} : memref<128x64xf32, #tpu.memory_space<vmem>>, vector<16xf32>,
      %mul3A_1417 = arith.mulf %gather3A_1227, %get3A_1416 : vector<16xf32>
      %add3A_1418 = arith.addf %mul3A_1412, %mul3A_1417 : vector<16xf32>
      %get3A_1419 = arith.constant 42 : i32
      %get3A_1420 = arith.index_cast %get3A_1419 : i32 to index
      %get3A_1421 = arith.constant 48 : index
      %get3A_1422 = tpu.vector_load %arg30[%get3A_1420, %get3A_1421] {strides = array<i32>} : memref<128x64xf32, #tpu.memory_space<vmem>>, vector<16xf32>,
      %mul3A_1423 = arith.mulf %gather3A_1230, %get3A_1422 : vector<16xf32>
      %add3A_1424 = arith.addf %add3A_1418, %mul3A_1423 : vector<16xf32>
      %get3A_1425 = arith.constant 43 : i32
      %get3A_1426 = arith.index_cast %get3A_1425 : i32 to index
      %get3A_1427 = arith.constant 48 : index
      %get3A_1428 = tpu.vector_load %arg30[%get3A_1426, %get3A_1427] {strides = array<i32>} : memref<128x64xf32, #tpu.memory_space<vmem>>, vector<16xf32>,
      %mul3A_1429 = arith.mulf %gather3A_1233, %get3A_1428 : vector<16xf32>
      %add3A_1430 = arith.addf %add3A_1424, %mul3A_1429 : vector<16xf32>
      %get3A_1431 = arith.constant 44 : i32
      %get3A_1432 = arith.index_cast %get3A_1431 : i32 to index
      %get3A_1433 = arith.constant 48 : index
      %get3A_1434 = tpu.vector_load %arg30[%get3A_1432, %get3A_1433] {strides = array<i32>} : memref<128x64xf32, #tpu.memory_space<vmem>>, vector<16xf32>,
      %mul3A_1435 = arith.mulf %gather3A_1236, %get3A_1434 : vector<16xf32>
      %add3A_1436 = arith.addf %add3A_1430, %mul3A_1435 : vector<16xf32>
      %get3A_1437 = arith.constant 45 : i32
      %get3A_1438 = arith.index_cast %get3A_1437 : i32 to index
      %get3A_1439 = arith.constant 48 : index
      %get3A_1440 = tpu.vector_load %arg30[%get3A_1438, %get3A_1439] {strides = array<i32>} : memref<128x64xf32, #tpu.memory_space<vmem>>, vector<16xf32>,
      %mul3A_1441 = arith.mulf %gather3A_1239, %get3A_1440 : vector<16xf32>
      %add3A_1442 = arith.addf %add3A_1436, %mul3A_1441 : vector<16xf32>
      %get3A_1443 = arith.constant 46 : i32
      %get3A_1444 = arith.index_cast %get3A_1443 : i32 to index
      %get3A_1445 = arith.constant 48 : index
      %get3A_1446 = tpu.vector_load %arg30[%get3A_1444, %get3A_1445] {strides = array<i32>} : memref<128x64xf32, #tpu.memory_space<vmem>>, vector<16xf32>,
      %mul3A_1447 = arith.mulf %gather3A_1242, %get3A_1446 : vector<16xf32>
      %add3A_1448 = arith.addf %add3A_1442, %mul3A_1447 : vector<16xf32>
      %get3A_1449 = arith.constant 47 : i32
      %get3A_1450 = arith.index_cast %get3A_1449 : i32 to index
      %get3A_1451 = arith.constant 48 : index
      %get3A_1452 = tpu.vector_load %arg30[%get3A_1450, %get3A_1451] {strides = array<i32>} : memref<128x64xf32, #tpu.memory_space<vmem>>, vector<16xf32>,
      %mul3A_1453 = arith.mulf %gather3A_1245, %get3A_1452 : vector<16xf32>
      %add3A_1454 = arith.addf %add3A_1448, %mul3A_1453 : vector<16xf32>
      %mul3A_1455 = arith.constant 16 : i32
      %mul3A_1456 = arith.muli %scan3A_14, %mul3A_1455 : i32
      %add3A_1457 = arith.constant 5 : i32
      %add3A_1458 = arith.addi %mul3A_1456, %add3A_1457 : i32
      %swap3A_1459 = arith.index_cast %add3A_1458 : i32 to index
      %swap3A_1460 = arith.constant 48 : index
      %swap3A_1461 = tpu.vector_load %arg31[%swap3A_1459, %swap3A_1460] {strides = array<i32>} : memref<512x64xf32, #tpu.memory_space<vmem>>, vector<16xf32>,
      tpu.vector_store %arg31[%swap3A_1459, %swap3A_1460], %add3A_1454 {strides = array<i32>} : memref<512x64xf32, #tpu.memory_space<vmem>>, vector<16xf32>,
      %broadcast_in_dim3A_1462 = arith.constant 48 : i32
      %broadcast_in_dim3A_1463 = vector.broadcast %broadcast_in_dim3A_1462 : i32 to vector<16xi32>
      %gather3A_1464 = tpu.vector_load_idx %arg29[%broadcast_in_dim3A, %broadcast_in_dim3A_1463] : memref<32x128xf32, #tpu.memory_space<vmem>>[vector<16xi32>, vector<16xi32>], vector<16xf32>,
      %broadcast_in_dim3A_1465 = arith.constant 49 : i32
      %broadcast_in_dim3A_1466 = vector.broadcast %broadcast_in_dim3A_1465 : i32 to vector<16xi32>
      %gather3A_1467 = tpu.vector_load_idx %arg29[%broadcast_in_dim3A, %broadcast_in_dim3A_1466] : memref<32x128xf32, #tpu.memory_space<vmem>>[vector<16xi32>, vector<16xi32>], vector<16xf32>,
      %broadcast_in_dim3A_1468 = arith.constant 50 : i32
      %broadcast_in_dim3A_1469 = vector.broadcast %broadcast_in_dim3A_1468 : i32 to vector<16xi32>
      %gather3A_1470 = tpu.vector_load_idx %arg29[%broadcast_in_dim3A, %broadcast_in_dim3A_1469] : memref<32x128xf32, #tpu.memory_space<vmem>>[vector<16xi32>, vector<16xi32>], vector<16xf32>,
      %broadcast_in_dim3A_1471 = arith.constant 51 : i32
      %broadcast_in_dim3A_1472 = vector.broadcast %broadcast_in_dim3A_1471 : i32 to vector<16xi32>
      %gather3A_1473 = tpu.vector_load_idx %arg29[%broadcast_in_dim3A, %broadcast_in_dim3A_1472] : memref<32x128xf32, #tpu.memory_space<vmem>>[vector<16xi32>, vector<16xi32>], vector<16xf32>,
      %broadcast_in_dim3A_1474 = arith.constant 52 : i32
      %broadcast_in_dim3A_1475 = vector.broadcast %broadcast_in_dim3A_1474 : i32 to vector<16xi32>
      %gather3A_1476 = tpu.vector_load_idx %arg29[%broadcast_in_dim3A, %broadcast_in_dim3A_1475] : memref<32x128xf32, #tpu.memory_space<vmem>>[vector<16xi32>, vector<16xi32>], vector<16xf32>,
      %broadcast_in_dim3A_1477 = arith.constant 53 : i32
      %broadcast_in_dim3A_1478 = vector.broadcast %broadcast_in_dim3A_1477 : i32 to vector<16xi32>
      %gather3A_1479 = tpu.vector_load_idx %arg29[%broadcast_in_dim3A, %broadcast_in_dim3A_1478] : memref<32x128xf32, #tpu.memory_space<vmem>>[vector<16xi32>, vector<16xi32>], vector<16xf32>,
      %broadcast_in_dim3A_1480 = arith.constant 54 : i32
      %broadcast_in_dim3A_1481 = vector.broadcast %broadcast_in_dim3A_1480 : i32 to vector<16xi32>
      %gather3A_1482 = tpu.vector_load_idx %arg29[%broadcast_in_dim3A, %broadcast_in_dim3A_1481] : memref<32x128xf32, #tpu.memory_space<vmem>>[vector<16xi32>, vector<16xi32>], vector<16xf32>,
      %broadcast_in_dim3A_1483 = arith.constant 55 : i32
      %broadcast_in_dim3A_1484 = vector.broadcast %broadcast_in_dim3A_1483 : i32 to vector<16xi32>
      %gather3A_1485 = tpu.vector_load_idx %arg29[%broadcast_in_dim3A, %broadcast_in_dim3A_1484] : memref<32x128xf32, #tpu.memory_space<vmem>>[vector<16xi32>, vector<16xi32>], vector<16xf32>,
      %get3A_1486 = arith.constant 48 : i32
      %get3A_1487 = arith.index_cast %get3A_1486 : i32 to index
      %get3A_1488 = arith.constant 0 : index
      %get3A_1489 = tpu.vector_load %arg30[%get3A_1487, %get3A_1488] {strides = array<i32>} : memref<128x64xf32, #tpu.memory_space<vmem>>, vector<16xf32>,
      %mul3A_1490 = arith.mulf %gather3A_1464, %get3A_1489 : vector<16xf32>
      %get3A_1491 = arith.constant 49 : i32
      %get3A_1492 = arith.index_cast %get3A_1491 : i32 to index
      %get3A_1493 = arith.constant 0 : index
      %get3A_1494 = tpu.vector_load %arg30[%get3A_1492, %get3A_1493] {strides = array<i32>} : memref<128x64xf32, #tpu.memory_space<vmem>>, vector<16xf32>,
      %mul3A_1495 = arith.mulf %gather3A_1467, %get3A_1494 : vector<16xf32>
      %add3A_1496 = arith.addf %mul3A_1490, %mul3A_1495 : vector<16xf32>
      %get3A_1497 = arith.constant 50 : i32
      %get3A_1498 = arith.index_cast %get3A_1497 : i32 to index
      %get3A_1499 = arith.constant 0 : index
      %get3A_1500 = tpu.vector_load %arg30[%get3A_1498, %get3A_1499] {strides = array<i32>} : memref<128x64xf32, #tpu.memory_space<vmem>>, vector<16xf32>,
      %mul3A_1501 = arith.mulf %gather3A_1470, %get3A_1500 : vector<16xf32>
      %add3A_1502 = arith.addf %add3A_1496, %mul3A_1501 : vector<16xf32>
      %get3A_1503 = arith.constant 51 : i32
      %get3A_1504 = arith.index_cast %get3A_1503 : i32 to index
      %get3A_1505 = arith.constant 0 : index
      %get3A_1506 = tpu.vector_load %arg30[%get3A_1504, %get3A_1505] {strides = array<i32>} : memref<128x64xf32, #tpu.memory_space<vmem>>, vector<16xf32>,
      %mul3A_1507 = arith.mulf %gather3A_1473, %get3A_1506 : vector<16xf32>
      %add3A_1508 = arith.addf %add3A_1502, %mul3A_1507 : vector<16xf32>
      %get3A_1509 = arith.constant 52 : i32
      %get3A_1510 = arith.index_cast %get3A_1509 : i32 to index
      %get3A_1511 = arith.constant 0 : index
      %get3A_1512 = tpu.vector_load %arg30[%get3A_1510, %get3A_1511] {strides = array<i32>} : memref<128x64xf32, #tpu.memory_space<vmem>>, vector<16xf32>,
      %mul3A_1513 = arith.mulf %gather3A_1476, %get3A_1512 : vector<16xf32>
      %add3A_1514 = arith.addf %add3A_1508, %mul3A_1513 : vector<16xf32>
      %get3A_1515 = arith.constant 53 : i32
      %get3A_1516 = arith.index_cast %get3A_1515 : i32 to index
      %get3A_1517 = arith.constant 0 : index
      %get3A_1518 = tpu.vector_load %arg30[%get3A_1516, %get3A_1517] {strides = array<i32>} : memref<128x64xf32, #tpu.memory_space<vmem>>, vector<16xf32>,
      %mul3A_1519 = arith.mulf %gather3A_1479, %get3A_1518 : vector<16xf32>
      %add3A_1520 = arith.addf %add3A_1514, %mul3A_1519 : vector<16xf32>
      %get3A_1521 = arith.constant 54 : i32
      %get3A_1522 = arith.index_cast %get3A_1521 : i32 to index
      %get3A_1523 = arith.constant 0 : index
      %get3A_1524 = tpu.vector_load %arg30[%get3A_1522, %get3A_1523] {strides = array<i32>} : memref<128x64xf32, #tpu.memory_space<vmem>>, vector<16xf32>,
      %mul3A_1525 = arith.mulf %gather3A_1482, %get3A_1524 : vector<16xf32>
      %add3A_1526 = arith.addf %add3A_1520, %mul3A_1525 : vector<16xf32>
      %get3A_1527 = arith.constant 55 : i32
      %get3A_1528 = arith.index_cast %get3A_1527 : i32 to index
      %get3A_1529 = arith.constant 0 : index
      %get3A_1530 = tpu.vector_load %arg30[%get3A_1528, %get3A_1529] {strides = array<i32>} : memref<128x64xf32, #tpu.memory_space<vmem>>, vector<16xf32>,
      %mul3A_1531 = arith.mulf %gather3A_1485, %get3A_1530 : vector<16xf32>
      %add3A_1532 = arith.addf %add3A_1526, %mul3A_1531 : vector<16xf32>
      %mul3A_1533 = arith.constant 16 : i32
      %mul3A_1534 = arith.muli %scan3A_14, %mul3A_1533 : i32
      %add3A_1535 = arith.constant 6 : i32
      %add3A_1536 = arith.addi %mul3A_1534, %add3A_1535 : i32
      %swap3A_1537 = arith.index_cast %add3A_1536 : i32 to index
      %swap3A_1538 = arith.constant 0 : index
      %swap3A_1539 = tpu.vector_load %arg31[%swap3A_1537, %swap3A_1538] {strides = array<i32>} : memref<512x64xf32, #tpu.memory_space<vmem>>, vector<16xf32>,
      tpu.vector_store %arg31[%swap3A_1537, %swap3A_1538], %add3A_1532 {strides = array<i32>} : memref<512x64xf32, #tpu.memory_space<vmem>>, vector<16xf32>,
      %get3A_1540 = arith.constant 48 : i32
      %get3A_1541 = arith.index_cast %get3A_1540 : i32 to index
      %get3A_1542 = arith.constant 16 : index
      %get3A_1543 = tpu.vector_load %arg30[%get3A_1541, %get3A_1542] {strides = array<i32>} : memref<128x64xf32, #tpu.memory_space<vmem>>, vector<16xf32>,
      %mul3A_1544 = arith.mulf %gather3A_1464, %get3A_1543 : vector<16xf32>
      %get3A_1545 = arith.constant 49 : i32
      %get3A_1546 = arith.index_cast %get3A_1545 : i32 to index
      %get3A_1547 = arith.constant 16 : index
      %get3A_1548 = tpu.vector_load %arg30[%get3A_1546, %get3A_1547] {strides = array<i32>} : memref<128x64xf32, #tpu.memory_space<vmem>>, vector<16xf32>,
      %mul3A_1549 = arith.mulf %gather3A_1467, %get3A_1548 : vector<16xf32>
      %add3A_1550 = arith.addf %mul3A_1544, %mul3A_1549 : vector<16xf32>
      %get3A_1551 = arith.constant 50 : i32
      %get3A_1552 = arith.index_cast %get3A_1551 : i32 to index
      %get3A_1553 = arith.constant 16 : index
      %get3A_1554 = tpu.vector_load %arg30[%get3A_1552, %get3A_1553] {strides = array<i32>} : memref<128x64xf32, #tpu.memory_space<vmem>>, vector<16xf32>,
      %mul3A_1555 = arith.mulf %gather3A_1470, %get3A_1554 : vector<16xf32>
      %add3A_1556 = arith.addf %add3A_1550, %mul3A_1555 : vector<16xf32>
      %get3A_1557 = arith.constant 51 : i32
      %get3A_1558 = arith.index_cast %get3A_1557 : i32 to index
      %get3A_1559 = arith.constant 16 : index
      %get3A_1560 = tpu.vector_load %arg30[%get3A_1558, %get3A_1559] {strides = array<i32>} : memref<128x64xf32, #tpu.memory_space<vmem>>, vector<16xf32>,
      %mul3A_1561 = arith.mulf %gather3A_1473, %get3A_1560 : vector<16xf32>
      %add3A_1562 = arith.addf %add3A_1556, %mul3A_1561 : vector<16xf32>
      %get3A_1563 = arith.constant 52 : i32
      %get3A_1564 = arith.index_cast %get3A_1563 : i32 to index
      %get3A_1565 = arith.constant 16 : index
      %get3A_1566 = tpu.vector_load %arg30[%get3A_1564, %get3A_1565] {strides = array<i32>} : memref<128x64xf32, #tpu.memory_space<vmem>>, vector<16xf32>,
      %mul3A_1567 = arith.mulf %gather3A_1476, %get3A_1566 : vector<16xf32>
      %add3A_1568 = arith.addf %add3A_1562, %mul3A_1567 : vector<16xf32>
      %get3A_1569 = arith.constant 53 : i32
      %get3A_1570 = arith.index_cast %get3A_1569 : i32 to index
      %get3A_1571 = arith.constant 16 : index
      %get3A_1572 = tpu.vector_load %arg30[%get3A_1570, %get3A_1571] {strides = array<i32>} : memref<128x64xf32, #tpu.memory_space<vmem>>, vector<16xf32>,
      %mul3A_1573 = arith.mulf %gather3A_1479, %get3A_1572 : vector<16xf32>
      %add3A_1574 = arith.addf %add3A_1568, %mul3A_1573 : vector<16xf32>
      %get3A_1575 = arith.constant 54 : i32
      %get3A_1576 = arith.index_cast %get3A_1575 : i32 to index
      %get3A_1577 = arith.constant 16 : index
      %get3A_1578 = tpu.vector_load %arg30[%get3A_1576, %get3A_1577] {strides = array<i32>} : memref<128x64xf32, #tpu.memory_space<vmem>>, vector<16xf32>,
      %mul3A_1579 = arith.mulf %gather3A_1482, %get3A_1578 : vector<16xf32>
      %add3A_1580 = arith.addf %add3A_1574, %mul3A_1579 : vector<16xf32>
      %get3A_1581 = arith.constant 55 : i32
      %get3A_1582 = arith.index_cast %get3A_1581 : i32 to index
      %get3A_1583 = arith.constant 16 : index
      %get3A_1584 = tpu.vector_load %arg30[%get3A_1582, %get3A_1583] {strides = array<i32>} : memref<128x64xf32, #tpu.memory_space<vmem>>, vector<16xf32>,
      %mul3A_1585 = arith.mulf %gather3A_1485, %get3A_1584 : vector<16xf32>
      %add3A_1586 = arith.addf %add3A_1580, %mul3A_1585 : vector<16xf32>
      %mul3A_1587 = arith.constant 16 : i32
      %mul3A_1588 = arith.muli %scan3A_14, %mul3A_1587 : i32
      %add3A_1589 = arith.constant 6 : i32
      %add3A_1590 = arith.addi %mul3A_1588, %add3A_1589 : i32
      %swap3A_1591 = arith.index_cast %add3A_1590 : i32 to index
      %swap3A_1592 = arith.constant 16 : index
      %swap3A_1593 = tpu.vector_load %arg31[%swap3A_1591, %swap3A_1592] {strides = array<i32>} : memref<512x64xf32, #tpu.memory_space<vmem>>, vector<16xf32>,
      tpu.vector_store %arg31[%swap3A_1591, %swap3A_1592], %add3A_1586 {strides = array<i32>} : memref<512x64xf32, #tpu.memory_space<vmem>>, vector<16xf32>,
      %get3A_1594 = arith.constant 48 : i32
      %get3A_1595 = arith.index_cast %get3A_1594 : i32 to index
      %get3A_1596 = arith.constant 32 : index
      %get3A_1597 = tpu.vector_load %arg30[%get3A_1595, %get3A_1596] {strides = array<i32>} : memref<128x64xf32, #tpu.memory_space<vmem>>, vector<16xf32>,
      %mul3A_1598 = arith.mulf %gather3A_1464, %get3A_1597 : vector<16xf32>
      %get3A_1599 = arith.constant 49 : i32
      %get3A_1600 = arith.index_cast %get3A_1599 : i32 to index
      %get3A_1601 = arith.constant 32 : index
      %get3A_1602 = tpu.vector_load %arg30[%get3A_1600, %get3A_1601] {strides = array<i32>} : memref<128x64xf32, #tpu.memory_space<vmem>>, vector<16xf32>,
      %mul3A_1603 = arith.mulf %gather3A_1467, %get3A_1602 : vector<16xf32>
      %add3A_1604 = arith.addf %mul3A_1598, %mul3A_1603 : vector<16xf32>
      %get3A_1605 = arith.constant 50 : i32
      %get3A_1606 = arith.index_cast %get3A_1605 : i32 to index
      %get3A_1607 = arith.constant 32 : index
      %get3A_1608 = tpu.vector_load %arg30[%get3A_1606, %get3A_1607] {strides = array<i32>} : memref<128x64xf32, #tpu.memory_space<vmem>>, vector<16xf32>,
      %mul3A_1609 = arith.mulf %gather3A_1470, %get3A_1608 : vector<16xf32>
      %add3A_1610 = arith.addf %add3A_1604, %mul3A_1609 : vector<16xf32>
      %get3A_1611 = arith.constant 51 : i32
      %get3A_1612 = arith.index_cast %get3A_1611 : i32 to index
      %get3A_1613 = arith.constant 32 : index
      %get3A_1614 = tpu.vector_load %arg30[%get3A_1612, %get3A_1613] {strides = array<i32>} : memref<128x64xf32, #tpu.memory_space<vmem>>, vector<16xf32>,
      %mul3A_1615 = arith.mulf %gather3A_1473, %get3A_1614 : vector<16xf32>
      %add3A_1616 = arith.addf %add3A_1610, %mul3A_1615 : vector<16xf32>
      %get3A_1617 = arith.constant 52 : i32
      %get3A_1618 = arith.index_cast %get3A_1617 : i32 to index
      %get3A_1619 = arith.constant 32 : index
      %get3A_1620 = tpu.vector_load %arg30[%get3A_1618, %get3A_1619] {strides = array<i32>} : memref<128x64xf32, #tpu.memory_space<vmem>>, vector<16xf32>,
      %mul3A_1621 = arith.mulf %gather3A_1476, %get3A_1620 : vector<16xf32>
      %add3A_1622 = arith.addf %add3A_1616, %mul3A_1621 : vector<16xf32>
      %get3A_1623 = arith.constant 53 : i32
      %get3A_1624 = arith.index_cast %get3A_1623 : i32 to index
      %get3A_1625 = arith.constant 32 : index
      %get3A_1626 = tpu.vector_load %arg30[%get3A_1624, %get3A_1625] {strides = array<i32>} : memref<128x64xf32, #tpu.memory_space<vmem>>, vector<16xf32>,
      %mul3A_1627 = arith.mulf %gather3A_1479, %get3A_1626 : vector<16xf32>
      %add3A_1628 = arith.addf %add3A_1622, %mul3A_1627 : vector<16xf32>
      %get3A_1629 = arith.constant 54 : i32
      %get3A_1630 = arith.index_cast %get3A_1629 : i32 to index
      %get3A_1631 = arith.constant 32 : index
      %get3A_1632 = tpu.vector_load %arg30[%get3A_1630, %get3A_1631] {strides = array<i32>} : memref<128x64xf32, #tpu.memory_space<vmem>>, vector<16xf32>,
      %mul3A_1633 = arith.mulf %gather3A_1482, %get3A_1632 : vector<16xf32>
      %add3A_1634 = arith.addf %add3A_1628, %mul3A_1633 : vector<16xf32>
      %get3A_1635 = arith.constant 55 : i32
      %get3A_1636 = arith.index_cast %get3A_1635 : i32 to index
      %get3A_1637 = arith.constant 32 : index
      %get3A_1638 = tpu.vector_load %arg30[%get3A_1636, %get3A_1637] {strides = array<i32>} : memref<128x64xf32, #tpu.memory_space<vmem>>, vector<16xf32>,
      %mul3A_1639 = arith.mulf %gather3A_1485, %get3A_1638 : vector<16xf32>
      %add3A_1640 = arith.addf %add3A_1634, %mul3A_1639 : vector<16xf32>
      %mul3A_1641 = arith.constant 16 : i32
      %mul3A_1642 = arith.muli %scan3A_14, %mul3A_1641 : i32
      %add3A_1643 = arith.constant 6 : i32
      %add3A_1644 = arith.addi %mul3A_1642, %add3A_1643 : i32
      %swap3A_1645 = arith.index_cast %add3A_1644 : i32 to index
      %swap3A_1646 = arith.constant 32 : index
      %swap3A_1647 = tpu.vector_load %arg31[%swap3A_1645, %swap3A_1646] {strides = array<i32>} : memref<512x64xf32, #tpu.memory_space<vmem>>, vector<16xf32>,
      tpu.vector_store %arg31[%swap3A_1645, %swap3A_1646], %add3A_1640 {strides = array<i32>} : memref<512x64xf32, #tpu.memory_space<vmem>>, vector<16xf32>,
      %get3A_1648 = arith.constant 48 : i32
      %get3A_1649 = arith.index_cast %get3A_1648 : i32 to index
      %get3A_1650 = arith.constant 48 : index
      %get3A_1651 = tpu.vector_load %arg30[%get3A_1649, %get3A_1650] {strides = array<i32>} : memref<128x64xf32, #tpu.memory_space<vmem>>, vector<16xf32>,
      %mul3A_1652 = arith.mulf %gather3A_1464, %get3A_1651 : vector<16xf32>
      %get3A_1653 = arith.constant 49 : i32
      %get3A_1654 = arith.index_cast %get3A_1653 : i32 to index
      %get3A_1655 = arith.constant 48 : index
      %get3A_1656 = tpu.vector_load %arg30[%get3A_1654, %get3A_1655] {strides = array<i32>} : memref<128x64xf32, #tpu.memory_space<vmem>>, vector<16xf32>,
      %mul3A_1657 = arith.mulf %gather3A_1467, %get3A_1656 : vector<16xf32>
      %add3A_1658 = arith.addf %mul3A_1652, %mul3A_1657 : vector<16xf32>
      %get3A_1659 = arith.constant 50 : i32
      %get3A_1660 = arith.index_cast %get3A_1659 : i32 to index
      %get3A_1661 = arith.constant 48 : index
      %get3A_1662 = tpu.vector_load %arg30[%get3A_1660, %get3A_1661] {strides = array<i32>} : memref<128x64xf32, #tpu.memory_space<vmem>>, vector<16xf32>,
      %mul3A_1663 = arith.mulf %gather3A_1470, %get3A_1662 : vector<16xf32>
      %add3A_1664 = arith.addf %add3A_1658, %mul3A_1663 : vector<16xf32>
      %get3A_1665 = arith.constant 51 : i32
      %get3A_1666 = arith.index_cast %get3A_1665 : i32 to index
      %get3A_1667 = arith.constant 48 : index
      %get3A_1668 = tpu.vector_load %arg30[%get3A_1666, %get3A_1667] {strides = array<i32>} : memref<128x64xf32, #tpu.memory_space<vmem>>, vector<16xf32>,
      %mul3A_1669 = arith.mulf %gather3A_1473, %get3A_1668 : vector<16xf32>
      %add3A_1670 = arith.addf %add3A_1664, %mul3A_1669 : vector<16xf32>
      %get3A_1671 = arith.constant 52 : i32
      %get3A_1672 = arith.index_cast %get3A_1671 : i32 to index
      %get3A_1673 = arith.constant 48 : index
      %get3A_1674 = tpu.vector_load %arg30[%get3A_1672, %get3A_1673] {strides = array<i32>} : memref<128x64xf32, #tpu.memory_space<vmem>>, vector<16xf32>,
      %mul3A_1675 = arith.mulf %gather3A_1476, %get3A_1674 : vector<16xf32>
      %add3A_1676 = arith.addf %add3A_1670, %mul3A_1675 : vector<16xf32>
      %get3A_1677 = arith.constant 53 : i32
      %get3A_1678 = arith.index_cast %get3A_1677 : i32 to index
      %get3A_1679 = arith.constant 48 : index
      %get3A_1680 = tpu.vector_load %arg30[%get3A_1678, %get3A_1679] {strides = array<i32>} : memref<128x64xf32, #tpu.memory_space<vmem>>, vector<16xf32>,
      %mul3A_1681 = arith.mulf %gather3A_1479, %get3A_1680 : vector<16xf32>
      %add3A_1682 = arith.addf %add3A_1676, %mul3A_1681 : vector<16xf32>
      %get3A_1683 = arith.constant 54 : i32
      %get3A_1684 = arith.index_cast %get3A_1683 : i32 to index
      %get3A_1685 = arith.constant 48 : index
      %get3A_1686 = tpu.vector_load %arg30[%get3A_1684, %get3A_1685] {strides = array<i32>} : memref<128x64xf32, #tpu.memory_space<vmem>>, vector<16xf32>,
      %mul3A_1687 = arith.mulf %gather3A_1482, %get3A_1686 : vector<16xf32>
      %add3A_1688 = arith.addf %add3A_1682, %mul3A_1687 : vector<16xf32>
      %get3A_1689 = arith.constant 55 : i32
      %get3A_1690 = arith.index_cast %get3A_1689 : i32 to index
      %get3A_1691 = arith.constant 48 : index
      %get3A_1692 = tpu.vector_load %arg30[%get3A_1690, %get3A_1691] {strides = array<i32>} : memref<128x64xf32, #tpu.memory_space<vmem>>, vector<16xf32>,
      %mul3A_1693 = arith.mulf %gather3A_1485, %get3A_1692 : vector<16xf32>
      %add3A_1694 = arith.addf %add3A_1688, %mul3A_1693 : vector<16xf32>
      %mul3A_1695 = arith.constant 16 : i32
      %mul3A_1696 = arith.muli %scan3A_14, %mul3A_1695 : i32
      %add3A_1697 = arith.constant 6 : i32
      %add3A_1698 = arith.addi %mul3A_1696, %add3A_1697 : i32
      %swap3A_1699 = arith.index_cast %add3A_1698 : i32 to index
      %swap3A_1700 = arith.constant 48 : index
      %swap3A_1701 = tpu.vector_load %arg31[%swap3A_1699, %swap3A_1700] {strides = array<i32>} : memref<512x64xf32, #tpu.memory_space<vmem>>, vector<16xf32>,
      tpu.vector_store %arg31[%swap3A_1699, %swap3A_1700], %add3A_1694 {strides = array<i32>} : memref<512x64xf32, #tpu.memory_space<vmem>>, vector<16xf32>,
      %broadcast_in_dim3A_1702 = arith.constant 56 : i32
      %broadcast_in_dim3A_1703 = vector.broadcast %broadcast_in_dim3A_1702 : i32 to vector<16xi32>
      %gather3A_1704 = tpu.vector_load_idx %arg29[%broadcast_in_dim3A, %broadcast_in_dim3A_1703] : memref<32x128xf32, #tpu.memory_space<vmem>>[vector<16xi32>, vector<16xi32>], vector<16xf32>,
      %broadcast_in_dim3A_1705 = arith.constant 57 : i32
      %broadcast_in_dim3A_1706 = vector.broadcast %broadcast_in_dim3A_1705 : i32 to vector<16xi32>
      %gather3A_1707 = tpu.vector_load_idx %arg29[%broadcast_in_dim3A, %broadcast_in_dim3A_1706] : memref<32x128xf32, #tpu.memory_space<vmem>>[vector<16xi32>, vector<16xi32>], vector<16xf32>,
      %broadcast_in_dim3A_1708 = arith.constant 58 : i32
      %broadcast_in_dim3A_1709 = vector.broadcast %broadcast_in_dim3A_1708 : i32 to vector<16xi32>
      %gather3A_1710 = tpu.vector_load_idx %arg29[%broadcast_in_dim3A, %broadcast_in_dim3A_1709] : memref<32x128xf32, #tpu.memory_space<vmem>>[vector<16xi32>, vector<16xi32>], vector<16xf32>,
      %broadcast_in_dim3A_1711 = arith.constant 59 : i32
      %broadcast_in_dim3A_1712 = vector.broadcast %broadcast_in_dim3A_1711 : i32 to vector<16xi32>
      %gather3A_1713 = tpu.vector_load_idx %arg29[%broadcast_in_dim3A, %broadcast_in_dim3A_1712] : memref<32x128xf32, #tpu.memory_space<vmem>>[vector<16xi32>, vector<16xi32>], vector<16xf32>,
      %broadcast_in_dim3A_1714 = arith.constant 60 : i32
      %broadcast_in_dim3A_1715 = vector.broadcast %broadcast_in_dim3A_1714 : i32 to vector<16xi32>
      %gather3A_1716 = tpu.vector_load_idx %arg29[%broadcast_in_dim3A, %broadcast_in_dim3A_1715] : memref<32x128xf32, #tpu.memory_space<vmem>>[vector<16xi32>, vector<16xi32>], vector<16xf32>,
      %broadcast_in_dim3A_1717 = arith.constant 61 : i32
      %broadcast_in_dim3A_1718 = vector.broadcast %broadcast_in_dim3A_1717 : i32 to vector<16xi32>
      %gather3A_1719 = tpu.vector_load_idx %arg29[%broadcast_in_dim3A, %broadcast_in_dim3A_1718] : memref<32x128xf32, #tpu.memory_space<vmem>>[vector<16xi32>, vector<16xi32>], vector<16xf32>,
      %broadcast_in_dim3A_1720 = arith.constant 62 : i32
      %broadcast_in_dim3A_1721 = vector.broadcast %broadcast_in_dim3A_1720 : i32 to vector<16xi32>
      %gather3A_1722 = tpu.vector_load_idx %arg29[%broadcast_in_dim3A, %broadcast_in_dim3A_1721] : memref<32x128xf32, #tpu.memory_space<vmem>>[vector<16xi32>, vector<16xi32>], vector<16xf32>,
      %broadcast_in_dim3A_1723 = arith.constant 63 : i32
      %broadcast_in_dim3A_1724 = vector.broadcast %broadcast_in_dim3A_1723 : i32 to vector<16xi32>
      %gather3A_1725 = tpu.vector_load_idx %arg29[%broadcast_in_dim3A, %broadcast_in_dim3A_1724] : memref<32x128xf32, #tpu.memory_space<vmem>>[vector<16xi32>, vector<16xi32>], vector<16xf32>,
      %get3A_1726 = arith.constant 56 : i32
      %get3A_1727 = arith.index_cast %get3A_1726 : i32 to index
      %get3A_1728 = arith.constant 0 : index
      %get3A_1729 = tpu.vector_load %arg30[%get3A_1727, %get3A_1728] {strides = array<i32>} : memref<128x64xf32, #tpu.memory_space<vmem>>, vector<16xf32>,
      %mul3A_1730 = arith.mulf %gather3A_1704, %get3A_1729 : vector<16xf32>
      %get3A_1731 = arith.constant 57 : i32
      %get3A_1732 = arith.index_cast %get3A_1731 : i32 to index
      %get3A_1733 = arith.constant 0 : index
      %get3A_1734 = tpu.vector_load %arg30[%get3A_1732, %get3A_1733] {strides = array<i32>} : memref<128x64xf32, #tpu.memory_space<vmem>>, vector<16xf32>,
      %mul3A_1735 = arith.mulf %gather3A_1707, %get3A_1734 : vector<16xf32>
      %add3A_1736 = arith.addf %mul3A_1730, %mul3A_1735 : vector<16xf32>
      %get3A_1737 = arith.constant 58 : i32
      %get3A_1738 = arith.index_cast %get3A_1737 : i32 to index
      %get3A_1739 = arith.constant 0 : index
      %get3A_1740 = tpu.vector_load %arg30[%get3A_1738, %get3A_1739] {strides = array<i32>} : memref<128x64xf32, #tpu.memory_space<vmem>>, vector<16xf32>,
      %mul3A_1741 = arith.mulf %gather3A_1710, %get3A_1740 : vector<16xf32>
      %add3A_1742 = arith.addf %add3A_1736, %mul3A_1741 : vector<16xf32>
      %get3A_1743 = arith.constant 59 : i32
      %get3A_1744 = arith.index_cast %get3A_1743 : i32 to index
      %get3A_1745 = arith.constant 0 : index
      %get3A_1746 = tpu.vector_load %arg30[%get3A_1744, %get3A_1745] {strides = array<i32>} : memref<128x64xf32, #tpu.memory_space<vmem>>, vector<16xf32>,
      %mul3A_1747 = arith.mulf %gather3A_1713, %get3A_1746 : vector<16xf32>
      %add3A_1748 = arith.addf %add3A_1742, %mul3A_1747 : vector<16xf32>
      %get3A_1749 = arith.constant 60 : i32
      %get3A_1750 = arith.index_cast %get3A_1749 : i32 to index
      %get3A_1751 = arith.constant 0 : index
      %get3A_1752 = tpu.vector_load %arg30[%get3A_1750, %get3A_1751] {strides = array<i32>} : memref<128x64xf32, #tpu.memory_space<vmem>>, vector<16xf32>,
      %mul3A_1753 = arith.mulf %gather3A_1716, %get3A_1752 : vector<16xf32>
      %add3A_1754 = arith.addf %add3A_1748, %mul3A_1753 : vector<16xf32>
      %get3A_1755 = arith.constant 61 : i32
      %get3A_1756 = arith.index_cast %get3A_1755 : i32 to index
      %get3A_1757 = arith.constant 0 : index
      %get3A_1758 = tpu.vector_load %arg30[%get3A_1756, %get3A_1757] {strides = array<i32>} : memref<128x64xf32, #tpu.memory_space<vmem>>, vector<16xf32>,
      %mul3A_1759 = arith.mulf %gather3A_1719, %get3A_1758 : vector<16xf32>
      %add3A_1760 = arith.addf %add3A_1754, %mul3A_1759 : vector<16xf32>
      %get3A_1761 = arith.constant 62 : i32
      %get3A_1762 = arith.index_cast %get3A_1761 : i32 to index
      %get3A_1763 = arith.constant 0 : index
      %get3A_1764 = tpu.vector_load %arg30[%get3A_1762, %get3A_1763] {strides = array<i32>} : memref<128x64xf32, #tpu.memory_space<vmem>>, vector<16xf32>,
      %mul3A_1765 = arith.mulf %gather3A_1722, %get3A_1764 : vector<16xf32>
      %add3A_1766 = arith.addf %add3A_1760, %mul3A_1765 : vector<16xf32>
      %get3A_1767 = arith.constant 63 : i32
      %get3A_1768 = arith.index_cast %get3A_1767 : i32 to index
      %get3A_1769 = arith.constant 0 : index
      %get3A_1770 = tpu.vector_load %arg30[%get3A_1768, %get3A_1769] {strides = array<i32>} : memref<128x64xf32, #tpu.memory_space<vmem>>, vector<16xf32>,
      %mul3A_1771 = arith.mulf %gather3A_1725, %get3A_1770 : vector<16xf32>
      %add3A_1772 = arith.addf %add3A_1766, %mul3A_1771 : vector<16xf32>
      %mul3A_1773 = arith.constant 16 : i32
      %mul3A_1774 = arith.muli %scan3A_14, %mul3A_1773 : i32
      %add3A_1775 = arith.constant 7 : i32
      %add3A_1776 = arith.addi %mul3A_1774, %add3A_1775 : i32
      %swap3A_1777 = arith.index_cast %add3A_1776 : i32 to index
      %swap3A_1778 = arith.constant 0 : index
      %swap3A_1779 = tpu.vector_load %arg31[%swap3A_1777, %swap3A_1778] {strides = array<i32>} : memref<512x64xf32, #tpu.memory_space<vmem>>, vector<16xf32>,
      tpu.vector_store %arg31[%swap3A_1777, %swap3A_1778], %add3A_1772 {strides = array<i32>} : memref<512x64xf32, #tpu.memory_space<vmem>>, vector<16xf32>,
      %get3A_1780 = arith.constant 56 : i32
      %get3A_1781 = arith.index_cast %get3A_1780 : i32 to index
      %get3A_1782 = arith.constant 16 : index
      %get3A_1783 = tpu.vector_load %arg30[%get3A_1781, %get3A_1782] {strides = array<i32>} : memref<128x64xf32, #tpu.memory_space<vmem>>, vector<16xf32>,
      %mul3A_1784 = arith.mulf %gather3A_1704, %get3A_1783 : vector<16xf32>
      %get3A_1785 = arith.constant 57 : i32
      %get3A_1786 = arith.index_cast %get3A_1785 : i32 to index
      %get3A_1787 = arith.constant 16 : index
      %get3A_1788 = tpu.vector_load %arg30[%get3A_1786, %get3A_1787] {strides = array<i32>} : memref<128x64xf32, #tpu.memory_space<vmem>>, vector<16xf32>,
      %mul3A_1789 = arith.mulf %gather3A_1707, %get3A_1788 : vector<16xf32>
      %add3A_1790 = arith.addf %mul3A_1784, %mul3A_1789 : vector<16xf32>
      %get3A_1791 = arith.constant 58 : i32
      %get3A_1792 = arith.index_cast %get3A_1791 : i32 to index
      %get3A_1793 = arith.constant 16 : index
      %get3A_1794 = tpu.vector_load %arg30[%get3A_1792, %get3A_1793] {strides = array<i32>} : memref<128x64xf32, #tpu.memory_space<vmem>>, vector<16xf32>,
      %mul3A_1795 = arith.mulf %gather3A_1710, %get3A_1794 : vector<16xf32>
      %add3A_1796 = arith.addf %add3A_1790, %mul3A_1795 : vector<16xf32>
      %get3A_1797 = arith.constant 59 : i32
      %get3A_1798 = arith.index_cast %get3A_1797 : i32 to index
      %get3A_1799 = arith.constant 16 : index
      %get3A_1800 = tpu.vector_load %arg30[%get3A_1798, %get3A_1799] {strides = array<i32>} : memref<128x64xf32, #tpu.memory_space<vmem>>, vector<16xf32>,
      %mul3A_1801 = arith.mulf %gather3A_1713, %get3A_1800 : vector<16xf32>
      %add3A_1802 = arith.addf %add3A_1796, %mul3A_1801 : vector<16xf32>
      %get3A_1803 = arith.constant 60 : i32
      %get3A_1804 = arith.index_cast %get3A_1803 : i32 to index
      %get3A_1805 = arith.constant 16 : index
      %get3A_1806 = tpu.vector_load %arg30[%get3A_1804, %get3A_1805] {strides = array<i32>} : memref<128x64xf32, #tpu.memory_space<vmem>>, vector<16xf32>,
      %mul3A_1807 = arith.mulf %gather3A_1716, %get3A_1806 : vector<16xf32>
      %add3A_1808 = arith.addf %add3A_1802, %mul3A_1807 : vector<16xf32>
      %get3A_1809 = arith.constant 61 : i32
      %get3A_1810 = arith.index_cast %get3A_1809 : i32 to index
      %get3A_1811 = arith.constant 16 : index
      %get3A_1812 = tpu.vector_load %arg30[%get3A_1810, %get3A_1811] {strides = array<i32>} : memref<128x64xf32, #tpu.memory_space<vmem>>, vector<16xf32>,
      %mul3A_1813 = arith.mulf %gather3A_1719, %get3A_1812 : vector<16xf32>
      %add3A_1814 = arith.addf %add3A_1808, %mul3A_1813 : vector<16xf32>
      %get3A_1815 = arith.constant 62 : i32
      %get3A_1816 = arith.index_cast %get3A_1815 : i32 to index
      %get3A_1817 = arith.constant 16 : index
      %get3A_1818 = tpu.vector_load %arg30[%get3A_1816, %get3A_1817] {strides = array<i32>} : memref<128x64xf32, #tpu.memory_space<vmem>>, vector<16xf32>,
      %mul3A_1819 = arith.mulf %gather3A_1722, %get3A_1818 : vector<16xf32>
      %add3A_1820 = arith.addf %add3A_1814, %mul3A_1819 : vector<16xf32>
      %get3A_1821 = arith.constant 63 : i32
      %get3A_1822 = arith.index_cast %get3A_1821 : i32 to index
      %get3A_1823 = arith.constant 16 : index
      %get3A_1824 = tpu.vector_load %arg30[%get3A_1822, %get3A_1823] {strides = array<i32>} : memref<128x64xf32, #tpu.memory_space<vmem>>, vector<16xf32>,
      %mul3A_1825 = arith.mulf %gather3A_1725, %get3A_1824 : vector<16xf32>
      %add3A_1826 = arith.addf %add3A_1820, %mul3A_1825 : vector<16xf32>
      %mul3A_1827 = arith.constant 16 : i32
      %mul3A_1828 = arith.muli %scan3A_14, %mul3A_1827 : i32
      %add3A_1829 = arith.constant 7 : i32
      %add3A_1830 = arith.addi %mul3A_1828, %add3A_1829 : i32
      %swap3A_1831 = arith.index_cast %add3A_1830 : i32 to index
      %swap3A_1832 = arith.constant 16 : index
      %swap3A_1833 = tpu.vector_load %arg31[%swap3A_1831, %swap3A_1832] {strides = array<i32>} : memref<512x64xf32, #tpu.memory_space<vmem>>, vector<16xf32>,
      tpu.vector_store %arg31[%swap3A_1831, %swap3A_1832], %add3A_1826 {strides = array<i32>} : memref<512x64xf32, #tpu.memory_space<vmem>>, vector<16xf32>,
      %get3A_1834 = arith.constant 56 : i32
      %get3A_1835 = arith.index_cast %get3A_1834 : i32 to index
      %get3A_1836 = arith.constant 32 : index
      %get3A_1837 = tpu.vector_load %arg30[%get3A_1835, %get3A_1836] {strides = array<i32>} : memref<128x64xf32, #tpu.memory_space<vmem>>, vector<16xf32>,
      %mul3A_1838 = arith.mulf %gather3A_1704, %get3A_1837 : vector<16xf32>
      %get3A_1839 = arith.constant 57 : i32
      %get3A_1840 = arith.index_cast %get3A_1839 : i32 to index
      %get3A_1841 = arith.constant 32 : index
      %get3A_1842 = tpu.vector_load %arg30[%get3A_1840, %get3A_1841] {strides = array<i32>} : memref<128x64xf32, #tpu.memory_space<vmem>>, vector<16xf32>,
      %mul3A_1843 = arith.mulf %gather3A_1707, %get3A_1842 : vector<16xf32>
      %add3A_1844 = arith.addf %mul3A_1838, %mul3A_1843 : vector<16xf32>
      %get3A_1845 = arith.constant 58 : i32
      %get3A_1846 = arith.index_cast %get3A_1845 : i32 to index
      %get3A_1847 = arith.constant 32 : index
      %get3A_1848 = tpu.vector_load %arg30[%get3A_1846, %get3A_1847] {strides = array<i32>} : memref<128x64xf32, #tpu.memory_space<vmem>>, vector<16xf32>,
      %mul3A_1849 = arith.mulf %gather3A_1710, %get3A_1848 : vector<16xf32>
      %add3A_1850 = arith.addf %add3A_1844, %mul3A_1849 : vector<16xf32>
      %get3A_1851 = arith.constant 59 : i32
      %get3A_1852 = arith.index_cast %get3A_1851 : i32 to index
      %get3A_1853 = arith.constant 32 : index
      %get3A_1854 = tpu.vector_load %arg30[%get3A_1852, %get3A_1853] {strides = array<i32>} : memref<128x64xf32, #tpu.memory_space<vmem>>, vector<16xf32>,
      %mul3A_1855 = arith.mulf %gather3A_1713, %get3A_1854 : vector<16xf32>
      %add3A_1856 = arith.addf %add3A_1850, %mul3A_1855 : vector<16xf32>
      %get3A_1857 = arith.constant 60 : i32
      %get3A_1858 = arith.index_cast %get3A_1857 : i32 to index
      %get3A_1859 = arith.constant 32 : index
      %get3A_1860 = tpu.vector_load %arg30[%get3A_1858, %get3A_1859] {strides = array<i32>} : memref<128x64xf32, #tpu.memory_space<vmem>>, vector<16xf32>,
      %mul3A_1861 = arith.mulf %gather3A_1716, %get3A_1860 : vector<16xf32>
      %add3A_1862 = arith.addf %add3A_1856, %mul3A_1861 : vector<16xf32>
      %get3A_1863 = arith.constant 61 : i32
      %get3A_1864 = arith.index_cast %get3A_1863 : i32 to index
      %get3A_1865 = arith.constant 32 : index
      %get3A_1866 = tpu.vector_load %arg30[%get3A_1864, %get3A_1865] {strides = array<i32>} : memref<128x64xf32, #tpu.memory_space<vmem>>, vector<16xf32>,
      %mul3A_1867 = arith.mulf %gather3A_1719, %get3A_1866 : vector<16xf32>
      %add3A_1868 = arith.addf %add3A_1862, %mul3A_1867 : vector<16xf32>
      %get3A_1869 = arith.constant 62 : i32
      %get3A_1870 = arith.index_cast %get3A_1869 : i32 to index
      %get3A_1871 = arith.constant 32 : index
      %get3A_1872 = tpu.vector_load %arg30[%get3A_1870, %get3A_1871] {strides = array<i32>} : memref<128x64xf32, #tpu.memory_space<vmem>>, vector<16xf32>,
      %mul3A_1873 = arith.mulf %gather3A_1722, %get3A_1872 : vector<16xf32>
      %add3A_1874 = arith.addf %add3A_1868, %mul3A_1873 : vector<16xf32>
      %get3A_1875 = arith.constant 63 : i32
      %get3A_1876 = arith.index_cast %get3A_1875 : i32 to index
      %get3A_1877 = arith.constant 32 : index
      %get3A_1878 = tpu.vector_load %arg30[%get3A_1876, %get3A_1877] {strides = array<i32>} : memref<128x64xf32, #tpu.memory_space<vmem>>, vector<16xf32>,
      %mul3A_1879 = arith.mulf %gather3A_1725, %get3A_1878 : vector<16xf32>
      %add3A_1880 = arith.addf %add3A_1874, %mul3A_1879 : vector<16xf32>
      %mul3A_1881 = arith.constant 16 : i32
      %mul3A_1882 = arith.muli %scan3A_14, %mul3A_1881 : i32
      %add3A_1883 = arith.constant 7 : i32
      %add3A_1884 = arith.addi %mul3A_1882, %add3A_1883 : i32
      %swap3A_1885 = arith.index_cast %add3A_1884 : i32 to index
      %swap3A_1886 = arith.constant 32 : index
      %swap3A_1887 = tpu.vector_load %arg31[%swap3A_1885, %swap3A_1886] {strides = array<i32>} : memref<512x64xf32, #tpu.memory_space<vmem>>, vector<16xf32>,
      tpu.vector_store %arg31[%swap3A_1885, %swap3A_1886], %add3A_1880 {strides = array<i32>} : memref<512x64xf32, #tpu.memory_space<vmem>>, vector<16xf32>,
      %get3A_1888 = arith.constant 56 : i32
      %get3A_1889 = arith.index_cast %get3A_1888 : i32 to index
      %get3A_1890 = arith.constant 48 : index
      %get3A_1891 = tpu.vector_load %arg30[%get3A_1889, %get3A_1890] {strides = array<i32>} : memref<128x64xf32, #tpu.memory_space<vmem>>, vector<16xf32>,
      %mul3A_1892 = arith.mulf %gather3A_1704, %get3A_1891 : vector<16xf32>
      %get3A_1893 = arith.constant 57 : i32
      %get3A_1894 = arith.index_cast %get3A_1893 : i32 to index
      %get3A_1895 = arith.constant 48 : index
      %get3A_1896 = tpu.vector_load %arg30[%get3A_1894, %get3A_1895] {strides = array<i32>} : memref<128x64xf32, #tpu.memory_space<vmem>>, vector<16xf32>,
      %mul3A_1897 = arith.mulf %gather3A_1707, %get3A_1896 : vector<16xf32>
      %add3A_1898 = arith.addf %mul3A_1892, %mul3A_1897 : vector<16xf32>
      %get3A_1899 = arith.constant 58 : i32
      %get3A_1900 = arith.index_cast %get3A_1899 : i32 to index
      %get3A_1901 = arith.constant 48 : index
      %get3A_1902 = tpu.vector_load %arg30[%get3A_1900, %get3A_1901] {strides = array<i32>} : memref<128x64xf32, #tpu.memory_space<vmem>>, vector<16xf32>,
      %mul3A_1903 = arith.mulf %gather3A_1710, %get3A_1902 : vector<16xf32>
      %add3A_1904 = arith.addf %add3A_1898, %mul3A_1903 : vector<16xf32>
      %get3A_1905 = arith.constant 59 : i32
      %get3A_1906 = arith.index_cast %get3A_1905 : i32 to index
      %get3A_1907 = arith.constant 48 : index
      %get3A_1908 = tpu.vector_load %arg30[%get3A_1906, %get3A_1907] {strides = array<i32>} : memref<128x64xf32, #tpu.memory_space<vmem>>, vector<16xf32>,
      %mul3A_1909 = arith.mulf %gather3A_1713, %get3A_1908 : vector<16xf32>
      %add3A_1910 = arith.addf %add3A_1904, %mul3A_1909 : vector<16xf32>
      %get3A_1911 = arith.constant 60 : i32
      %get3A_1912 = arith.index_cast %get3A_1911 : i32 to index
      %get3A_1913 = arith.constant 48 : index
      %get3A_1914 = tpu.vector_load %arg30[%get3A_1912, %get3A_1913] {strides = array<i32>} : memref<128x64xf32, #tpu.memory_space<vmem>>, vector<16xf32>,
      %mul3A_1915 = arith.mulf %gather3A_1716, %get3A_1914 : vector<16xf32>
      %add3A_1916 = arith.addf %add3A_1910, %mul3A_1915 : vector<16xf32>
      %get3A_1917 = arith.constant 61 : i32
      %get3A_1918 = arith.index_cast %get3A_1917 : i32 to index
      %get3A_1919 = arith.constant 48 : index
      %get3A_1920 = tpu.vector_load %arg30[%get3A_1918, %get3A_1919] {strides = array<i32>} : memref<128x64xf32, #tpu.memory_space<vmem>>, vector<16xf32>,
      %mul3A_1921 = arith.mulf %gather3A_1719, %get3A_1920 : vector<16xf32>
      %add3A_1922 = arith.addf %add3A_1916, %mul3A_1921 : vector<16xf32>
      %get3A_1923 = arith.constant 62 : i32
      %get3A_1924 = arith.index_cast %get3A_1923 : i32 to index
      %get3A_1925 = arith.constant 48 : index
      %get3A_1926 = tpu.vector_load %arg30[%get3A_1924, %get3A_1925] {strides = array<i32>} : memref<128x64xf32, #tpu.memory_space<vmem>>, vector<16xf32>,
      %mul3A_1927 = arith.mulf %gather3A_1722, %get3A_1926 : vector<16xf32>
      %add3A_1928 = arith.addf %add3A_1922, %mul3A_1927 : vector<16xf32>
      %get3A_1929 = arith.constant 63 : i32
      %get3A_1930 = arith.index_cast %get3A_1929 : i32 to index
      %get3A_1931 = arith.constant 48 : index
      %get3A_1932 = tpu.vector_load %arg30[%get3A_1930, %get3A_1931] {strides = array<i32>} : memref<128x64xf32, #tpu.memory_space<vmem>>, vector<16xf32>,
      %mul3A_1933 = arith.mulf %gather3A_1725, %get3A_1932 : vector<16xf32>
      %add3A_1934 = arith.addf %add3A_1928, %mul3A_1933 : vector<16xf32>
      %mul3A_1935 = arith.constant 16 : i32
      %mul3A_1936 = arith.muli %scan3A_14, %mul3A_1935 : i32
      %add3A_1937 = arith.constant 7 : i32
      %add3A_1938 = arith.addi %mul3A_1936, %add3A_1937 : i32
      %swap3A_1939 = arith.index_cast %add3A_1938 : i32 to index
      %swap3A_1940 = arith.constant 48 : index
      %swap3A_1941 = tpu.vector_load %arg31[%swap3A_1939, %swap3A_1940] {strides = array<i32>} : memref<512x64xf32, #tpu.memory_space<vmem>>, vector<16xf32>,
      tpu.vector_store %arg31[%swap3A_1939, %swap3A_1940], %add3A_1934 {strides = array<i32>} : memref<512x64xf32, #tpu.memory_space<vmem>>, vector<16xf32>,
      %broadcast_in_dim3A_1942 = arith.constant 64 : i32
      %broadcast_in_dim3A_1943 = vector.broadcast %broadcast_in_dim3A_1942 : i32 to vector<16xi32>
      %gather3A_1944 = tpu.vector_load_idx %arg29[%broadcast_in_dim3A, %broadcast_in_dim3A_1943] : memref<32x128xf32, #tpu.memory_space<vmem>>[vector<16xi32>, vector<16xi32>], vector<16xf32>,
      %broadcast_in_dim3A_1945 = arith.constant 65 : i32
      %broadcast_in_dim3A_1946 = vector.broadcast %broadcast_in_dim3A_1945 : i32 to vector<16xi32>
      %gather3A_1947 = tpu.vector_load_idx %arg29[%broadcast_in_dim3A, %broadcast_in_dim3A_1946] : memref<32x128xf32, #tpu.memory_space<vmem>>[vector<16xi32>, vector<16xi32>], vector<16xf32>,
      %broadcast_in_dim3A_1948 = arith.constant 66 : i32
      %broadcast_in_dim3A_1949 = vector.broadcast %broadcast_in_dim3A_1948 : i32 to vector<16xi32>
      %gather3A_1950 = tpu.vector_load_idx %arg29[%broadcast_in_dim3A, %broadcast_in_dim3A_1949] : memref<32x128xf32, #tpu.memory_space<vmem>>[vector<16xi32>, vector<16xi32>], vector<16xf32>,
      %broadcast_in_dim3A_1951 = arith.constant 67 : i32
      %broadcast_in_dim3A_1952 = vector.broadcast %broadcast_in_dim3A_1951 : i32 to vector<16xi32>
      %gather3A_1953 = tpu.vector_load_idx %arg29[%broadcast_in_dim3A, %broadcast_in_dim3A_1952] : memref<32x128xf32, #tpu.memory_space<vmem>>[vector<16xi32>, vector<16xi32>], vector<16xf32>,
      %broadcast_in_dim3A_1954 = arith.constant 68 : i32
      %broadcast_in_dim3A_1955 = vector.broadcast %broadcast_in_dim3A_1954 : i32 to vector<16xi32>
      %gather3A_1956 = tpu.vector_load_idx %arg29[%broadcast_in_dim3A, %broadcast_in_dim3A_1955] : memref<32x128xf32, #tpu.memory_space<vmem>>[vector<16xi32>, vector<16xi32>], vector<16xf32>,
      %broadcast_in_dim3A_1957 = arith.constant 69 : i32
      %broadcast_in_dim3A_1958 = vector.broadcast %broadcast_in_dim3A_1957 : i32 to vector<16xi32>
      %gather3A_1959 = tpu.vector_load_idx %arg29[%broadcast_in_dim3A, %broadcast_in_dim3A_1958] : memref<32x128xf32, #tpu.memory_space<vmem>>[vector<16xi32>, vector<16xi32>], vector<16xf32>,
      %broadcast_in_dim3A_1960 = arith.constant 70 : i32
      %broadcast_in_dim3A_1961 = vector.broadcast %broadcast_in_dim3A_1960 : i32 to vector<16xi32>
      %gather3A_1962 = tpu.vector_load_idx %arg29[%broadcast_in_dim3A, %broadcast_in_dim3A_1961] : memref<32x128xf32, #tpu.memory_space<vmem>>[vector<16xi32>, vector<16xi32>], vector<16xf32>,
      %broadcast_in_dim3A_1963 = arith.constant 71 : i32
      %broadcast_in_dim3A_1964 = vector.broadcast %broadcast_in_dim3A_1963 : i32 to vector<16xi32>
      %gather3A_1965 = tpu.vector_load_idx %arg29[%broadcast_in_dim3A, %broadcast_in_dim3A_1964] : memref<32x128xf32, #tpu.memory_space<vmem>>[vector<16xi32>, vector<16xi32>], vector<16xf32>,
      %get3A_1966 = arith.constant 64 : i32
      %get3A_1967 = arith.index_cast %get3A_1966 : i32 to index
      %get3A_1968 = arith.constant 0 : index
      %get3A_1969 = tpu.vector_load %arg30[%get3A_1967, %get3A_1968] {strides = array<i32>} : memref<128x64xf32, #tpu.memory_space<vmem>>, vector<16xf32>,
      %mul3A_1970 = arith.mulf %gather3A_1944, %get3A_1969 : vector<16xf32>
      %get3A_1971 = arith.constant 65 : i32
      %get3A_1972 = arith.index_cast %get3A_1971 : i32 to index
      %get3A_1973 = arith.constant 0 : index
      %get3A_1974 = tpu.vector_load %arg30[%get3A_1972, %get3A_1973] {strides = array<i32>} : memref<128x64xf32, #tpu.memory_space<vmem>>, vector<16xf32>,
      %mul3A_1975 = arith.mulf %gather3A_1947, %get3A_1974 : vector<16xf32>
      %add3A_1976 = arith.addf %mul3A_1970, %mul3A_1975 : vector<16xf32>
      %get3A_1977 = arith.constant 66 : i32
      %get3A_1978 = arith.index_cast %get3A_1977 : i32 to index
      %get3A_1979 = arith.constant 0 : index
      %get3A_1980 = tpu.vector_load %arg30[%get3A_1978, %get3A_1979] {strides = array<i32>} : memref<128x64xf32, #tpu.memory_space<vmem>>, vector<16xf32>,
      %mul3A_1981 = arith.mulf %gather3A_1950, %get3A_1980 : vector<16xf32>
      %add3A_1982 = arith.addf %add3A_1976, %mul3A_1981 : vector<16xf32>
      %get3A_1983 = arith.constant 67 : i32
      %get3A_1984 = arith.index_cast %get3A_1983 : i32 to index
      %get3A_1985 = arith.constant 0 : index
      %get3A_1986 = tpu.vector_load %arg30[%get3A_1984, %get3A_1985] {strides = array<i32>} : memref<128x64xf32, #tpu.memory_space<vmem>>, vector<16xf32>,
      %mul3A_1987 = arith.mulf %gather3A_1953, %get3A_1986 : vector<16xf32>
      %add3A_1988 = arith.addf %add3A_1982, %mul3A_1987 : vector<16xf32>
      %get3A_1989 = arith.constant 68 : i32
      %get3A_1990 = arith.index_cast %get3A_1989 : i32 to index
      %get3A_1991 = arith.constant 0 : index
      %get3A_1992 = tpu.vector_load %arg30[%get3A_1990, %get3A_1991] {strides = array<i32>} : memref<128x64xf32, #tpu.memory_space<vmem>>, vector<16xf32>,
      %mul3A_1993 = arith.mulf %gather3A_1956, %get3A_1992 : vector<16xf32>
      %add3A_1994 = arith.addf %add3A_1988, %mul3A_1993 : vector<16xf32>
      %get3A_1995 = arith.constant 69 : i32
      %get3A_1996 = arith.index_cast %get3A_1995 : i32 to index
      %get3A_1997 = arith.constant 0 : index
      %get3A_1998 = tpu.vector_load %arg30[%get3A_1996, %get3A_1997] {strides = array<i32>} : memref<128x64xf32, #tpu.memory_space<vmem>>, vector<16xf32>,
      %mul3A_1999 = arith.mulf %gather3A_1959, %get3A_1998 : vector<16xf32>
      %add3A_2000 = arith.addf %add3A_1994, %mul3A_1999 : vector<16xf32>
      %get3A_2001 = arith.constant 70 : i32
      %get3A_2002 = arith.index_cast %get3A_2001 : i32 to index
      %get3A_2003 = arith.constant 0 : index
      %get3A_2004 = tpu.vector_load %arg30[%get3A_2002, %get3A_2003] {strides = array<i32>} : memref<128x64xf32, #tpu.memory_space<vmem>>, vector<16xf32>,
      %mul3A_2005 = arith.mulf %gather3A_1962, %get3A_2004 : vector<16xf32>
      %add3A_2006 = arith.addf %add3A_2000, %mul3A_2005 : vector<16xf32>
      %get3A_2007 = arith.constant 71 : i32
      %get3A_2008 = arith.index_cast %get3A_2007 : i32 to index
      %get3A_2009 = arith.constant 0 : index
      %get3A_2010 = tpu.vector_load %arg30[%get3A_2008, %get3A_2009] {strides = array<i32>} : memref<128x64xf32, #tpu.memory_space<vmem>>, vector<16xf32>,
      %mul3A_2011 = arith.mulf %gather3A_1965, %get3A_2010 : vector<16xf32>
      %add3A_2012 = arith.addf %add3A_2006, %mul3A_2011 : vector<16xf32>
      %mul3A_2013 = arith.constant 16 : i32
      %mul3A_2014 = arith.muli %scan3A_14, %mul3A_2013 : i32
      %add3A_2015 = arith.constant 8 : i32
      %add3A_2016 = arith.addi %mul3A_2014, %add3A_2015 : i32
      %swap3A_2017 = arith.index_cast %add3A_2016 : i32 to index
      %swap3A_2018 = arith.constant 0 : index
      %swap3A_2019 = tpu.vector_load %arg31[%swap3A_2017, %swap3A_2018] {strides = array<i32>} : memref<512x64xf32, #tpu.memory_space<vmem>>, vector<16xf32>,
      tpu.vector_store %arg31[%swap3A_2017, %swap3A_2018], %add3A_2012 {strides = array<i32>} : memref<512x64xf32, #tpu.memory_space<vmem>>, vector<16xf32>,
      %get3A_2020 = arith.constant 64 : i32
      %get3A_2021 = arith.index_cast %get3A_2020 : i32 to index
      %get3A_2022 = arith.constant 16 : index
      %get3A_2023 = tpu.vector_load %arg30[%get3A_2021, %get3A_2022] {strides = array<i32>} : memref<128x64xf32, #tpu.memory_space<vmem>>, vector<16xf32>,
      %mul3A_2024 = arith.mulf %gather3A_1944, %get3A_2023 : vector<16xf32>
      %get3A_2025 = arith.constant 65 : i32
      %get3A_2026 = arith.index_cast %get3A_2025 : i32 to index
      %get3A_2027 = arith.constant 16 : index
      %get3A_2028 = tpu.vector_load %arg30[%get3A_2026, %get3A_2027] {strides = array<i32>} : memref<128x64xf32, #tpu.memory_space<vmem>>, vector<16xf32>,
      %mul3A_2029 = arith.mulf %gather3A_1947, %get3A_2028 : vector<16xf32>
      %add3A_2030 = arith.addf %mul3A_2024, %mul3A_2029 : vector<16xf32>
      %get3A_2031 = arith.constant 66 : i32
      %get3A_2032 = arith.index_cast %get3A_2031 : i32 to index
      %get3A_2033 = arith.constant 16 : index
      %get3A_2034 = tpu.vector_load %arg30[%get3A_2032, %get3A_2033] {strides = array<i32>} : memref<128x64xf32, #tpu.memory_space<vmem>>, vector<16xf32>,
      %mul3A_2035 = arith.mulf %gather3A_1950, %get3A_2034 : vector<16xf32>
      %add3A_2036 = arith.addf %add3A_2030, %mul3A_2035 : vector<16xf32>
      %get3A_2037 = arith.constant 67 : i32
      %get3A_2038 = arith.index_cast %get3A_2037 : i32 to index
      %get3A_2039 = arith.constant 16 : index
      %get3A_2040 = tpu.vector_load %arg30[%get3A_2038, %get3A_2039] {strides = array<i32>} : memref<128x64xf32, #tpu.memory_space<vmem>>, vector<16xf32>,
      %mul3A_2041 = arith.mulf %gather3A_1953, %get3A_2040 : vector<16xf32>
      %add3A_2042 = arith.addf %add3A_2036, %mul3A_2041 : vector<16xf32>
      %get3A_2043 = arith.constant 68 : i32
      %get3A_2044 = arith.index_cast %get3A_2043 : i32 to index
      %get3A_2045 = arith.constant 16 : index
      %get3A_2046 = tpu.vector_load %arg30[%get3A_2044, %get3A_2045] {strides = array<i32>} : memref<128x64xf32, #tpu.memory_space<vmem>>, vector<16xf32>,
      %mul3A_2047 = arith.mulf %gather3A_1956, %get3A_2046 : vector<16xf32>
      %add3A_2048 = arith.addf %add3A_2042, %mul3A_2047 : vector<16xf32>
      %get3A_2049 = arith.constant 69 : i32
      %get3A_2050 = arith.index_cast %get3A_2049 : i32 to index
      %get3A_2051 = arith.constant 16 : index
      %get3A_2052 = tpu.vector_load %arg30[%get3A_2050, %get3A_2051] {strides = array<i32>} : memref<128x64xf32, #tpu.memory_space<vmem>>, vector<16xf32>,
      %mul3A_2053 = arith.mulf %gather3A_1959, %get3A_2052 : vector<16xf32>
      %add3A_2054 = arith.addf %add3A_2048, %mul3A_2053 : vector<16xf32>
      %get3A_2055 = arith.constant 70 : i32
      %get3A_2056 = arith.index_cast %get3A_2055 : i32 to index
      %get3A_2057 = arith.constant 16 : index
      %get3A_2058 = tpu.vector_load %arg30[%get3A_2056, %get3A_2057] {strides = array<i32>} : memref<128x64xf32, #tpu.memory_space<vmem>>, vector<16xf32>,
      %mul3A_2059 = arith.mulf %gather3A_1962, %get3A_2058 : vector<16xf32>
      %add3A_2060 = arith.addf %add3A_2054, %mul3A_2059 : vector<16xf32>
      %get3A_2061 = arith.constant 71 : i32
      %get3A_2062 = arith.index_cast %get3A_2061 : i32 to index
      %get3A_2063 = arith.constant 16 : index
      %get3A_2064 = tpu.vector_load %arg30[%get3A_2062, %get3A_2063] {strides = array<i32>} : memref<128x64xf32, #tpu.memory_space<vmem>>, vector<16xf32>,
      %mul3A_2065 = arith.mulf %gather3A_1965, %get3A_2064 : vector<16xf32>
      %add3A_2066 = arith.addf %add3A_2060, %mul3A_2065 : vector<16xf32>
      %mul3A_2067 = arith.constant 16 : i32
      %mul3A_2068 = arith.muli %scan3A_14, %mul3A_2067 : i32
      %add3A_2069 = arith.constant 8 : i32
      %add3A_2070 = arith.addi %mul3A_2068, %add3A_2069 : i32
      %swap3A_2071 = arith.index_cast %add3A_2070 : i32 to index
      %swap3A_2072 = arith.constant 16 : index
      %swap3A_2073 = tpu.vector_load %arg31[%swap3A_2071, %swap3A_2072] {strides = array<i32>} : memref<512x64xf32, #tpu.memory_space<vmem>>, vector<16xf32>,
      tpu.vector_store %arg31[%swap3A_2071, %swap3A_2072], %add3A_2066 {strides = array<i32>} : memref<512x64xf32, #tpu.memory_space<vmem>>, vector<16xf32>,
      %get3A_2074 = arith.constant 64 : i32
      %get3A_2075 = arith.index_cast %get3A_2074 : i32 to index
      %get3A_2076 = arith.constant 32 : index
      %get3A_2077 = tpu.vector_load %arg30[%get3A_2075, %get3A_2076] {strides = array<i32>} : memref<128x64xf32, #tpu.memory_space<vmem>>, vector<16xf32>,
      %mul3A_2078 = arith.mulf %gather3A_1944, %get3A_2077 : vector<16xf32>
      %get3A_2079 = arith.constant 65 : i32
      %get3A_2080 = arith.index_cast %get3A_2079 : i32 to index
      %get3A_2081 = arith.constant 32 : index
      %get3A_2082 = tpu.vector_load %arg30[%get3A_2080, %get3A_2081] {strides = array<i32>} : memref<128x64xf32, #tpu.memory_space<vmem>>, vector<16xf32>,
      %mul3A_2083 = arith.mulf %gather3A_1947, %get3A_2082 : vector<16xf32>
      %add3A_2084 = arith.addf %mul3A_2078, %mul3A_2083 : vector<16xf32>
      %get3A_2085 = arith.constant 66 : i32
      %get3A_2086 = arith.index_cast %get3A_2085 : i32 to index
      %get3A_2087 = arith.constant 32 : index
      %get3A_2088 = tpu.vector_load %arg30[%get3A_2086, %get3A_2087] {strides = array<i32>} : memref<128x64xf32, #tpu.memory_space<vmem>>, vector<16xf32>,
      %mul3A_2089 = arith.mulf %gather3A_1950, %get3A_2088 : vector<16xf32>
      %add3A_2090 = arith.addf %add3A_2084, %mul3A_2089 : vector<16xf32>
      %get3A_2091 = arith.constant 67 : i32
      %get3A_2092 = arith.index_cast %get3A_2091 : i32 to index
      %get3A_2093 = arith.constant 32 : index
      %get3A_2094 = tpu.vector_load %arg30[%get3A_2092, %get3A_2093] {strides = array<i32>} : memref<128x64xf32, #tpu.memory_space<vmem>>, vector<16xf32>,
      %mul3A_2095 = arith.mulf %gather3A_1953, %get3A_2094 : vector<16xf32>
      %add3A_2096 = arith.addf %add3A_2090, %mul3A_2095 : vector<16xf32>
      %get3A_2097 = arith.constant 68 : i32
      %get3A_2098 = arith.index_cast %get3A_2097 : i32 to index
      %get3A_2099 = arith.constant 32 : index
      %get3A_2100 = tpu.vector_load %arg30[%get3A_2098, %get3A_2099] {strides = array<i32>} : memref<128x64xf32, #tpu.memory_space<vmem>>, vector<16xf32>,
      %mul3A_2101 = arith.mulf %gather3A_1956, %get3A_2100 : vector<16xf32>
      %add3A_2102 = arith.addf %add3A_2096, %mul3A_2101 : vector<16xf32>
      %get3A_2103 = arith.constant 69 : i32
      %get3A_2104 = arith.index_cast %get3A_2103 : i32 to index
      %get3A_2105 = arith.constant 32 : index
      %get3A_2106 = tpu.vector_load %arg30[%get3A_2104, %get3A_2105] {strides = array<i32>} : memref<128x64xf32, #tpu.memory_space<vmem>>, vector<16xf32>,
      %mul3A_2107 = arith.mulf %gather3A_1959, %get3A_2106 : vector<16xf32>
      %add3A_2108 = arith.addf %add3A_2102, %mul3A_2107 : vector<16xf32>
      %get3A_2109 = arith.constant 70 : i32
      %get3A_2110 = arith.index_cast %get3A_2109 : i32 to index
      %get3A_2111 = arith.constant 32 : index
      %get3A_2112 = tpu.vector_load %arg30[%get3A_2110, %get3A_2111] {strides = array<i32>} : memref<128x64xf32, #tpu.memory_space<vmem>>, vector<16xf32>,
      %mul3A_2113 = arith.mulf %gather3A_1962, %get3A_2112 : vector<16xf32>
      %add3A_2114 = arith.addf %add3A_2108, %mul3A_2113 : vector<16xf32>
      %get3A_2115 = arith.constant 71 : i32
      %get3A_2116 = arith.index_cast %get3A_2115 : i32 to index
      %get3A_2117 = arith.constant 32 : index
      %get3A_2118 = tpu.vector_load %arg30[%get3A_2116, %get3A_2117] {strides = array<i32>} : memref<128x64xf32, #tpu.memory_space<vmem>>, vector<16xf32>,
      %mul3A_2119 = arith.mulf %gather3A_1965, %get3A_2118 : vector<16xf32>
      %add3A_2120 = arith.addf %add3A_2114, %mul3A_2119 : vector<16xf32>
      %mul3A_2121 = arith.constant 16 : i32
      %mul3A_2122 = arith.muli %scan3A_14, %mul3A_2121 : i32
      %add3A_2123 = arith.constant 8 : i32
      %add3A_2124 = arith.addi %mul3A_2122, %add3A_2123 : i32
      %swap3A_2125 = arith.index_cast %add3A_2124 : i32 to index
      %swap3A_2126 = arith.constant 32 : index
      %swap3A_2127 = tpu.vector_load %arg31[%swap3A_2125, %swap3A_2126] {strides = array<i32>} : memref<512x64xf32, #tpu.memory_space<vmem>>, vector<16xf32>,
      tpu.vector_store %arg31[%swap3A_2125, %swap3A_2126], %add3A_2120 {strides = array<i32>} : memref<512x64xf32, #tpu.memory_space<vmem>>, vector<16xf32>,
      %get3A_2128 = arith.constant 64 : i32
      %get3A_2129 = arith.index_cast %get3A_2128 : i32 to index
      %get3A_2130 = arith.constant 48 : index
      %get3A_2131 = tpu.vector_load %arg30[%get3A_2129, %get3A_2130] {strides = array<i32>} : memref<128x64xf32, #tpu.memory_space<vmem>>, vector<16xf32>,
      %mul3A_2132 = arith.mulf %gather3A_1944, %get3A_2131 : vector<16xf32>
      %get3A_2133 = arith.constant 65 : i32
      %get3A_2134 = arith.index_cast %get3A_2133 : i32 to index
      %get3A_2135 = arith.constant 48 : index
      %get3A_2136 = tpu.vector_load %arg30[%get3A_2134, %get3A_2135] {strides = array<i32>} : memref<128x64xf32, #tpu.memory_space<vmem>>, vector<16xf32>,
      %mul3A_2137 = arith.mulf %gather3A_1947, %get3A_2136 : vector<16xf32>
      %add3A_2138 = arith.addf %mul3A_2132, %mul3A_2137 : vector<16xf32>
      %get3A_2139 = arith.constant 66 : i32
      %get3A_2140 = arith.index_cast %get3A_2139 : i32 to index
      %get3A_2141 = arith.constant 48 : index
      %get3A_2142 = tpu.vector_load %arg30[%get3A_2140, %get3A_2141] {strides = array<i32>} : memref<128x64xf32, #tpu.memory_space<vmem>>, vector<16xf32>,
      %mul3A_2143 = arith.mulf %gather3A_1950, %get3A_2142 : vector<16xf32>
      %add3A_2144 = arith.addf %add3A_2138, %mul3A_2143 : vector<16xf32>
      %get3A_2145 = arith.constant 67 : i32
      %get3A_2146 = arith.index_cast %get3A_2145 : i32 to index
      %get3A_2147 = arith.constant 48 : index
      %get3A_2148 = tpu.vector_load %arg30[%get3A_2146, %get3A_2147] {strides = array<i32>} : memref<128x64xf32, #tpu.memory_space<vmem>>, vector<16xf32>,
      %mul3A_2149 = arith.mulf %gather3A_1953, %get3A_2148 : vector<16xf32>
      %add3A_2150 = arith.addf %add3A_2144, %mul3A_2149 : vector<16xf32>
      %get3A_2151 = arith.constant 68 : i32
      %get3A_2152 = arith.index_cast %get3A_2151 : i32 to index
      %get3A_2153 = arith.constant 48 : index
      %get3A_2154 = tpu.vector_load %arg30[%get3A_2152, %get3A_2153] {strides = array<i32>} : memref<128x64xf32, #tpu.memory_space<vmem>>, vector<16xf32>,
      %mul3A_2155 = arith.mulf %gather3A_1956, %get3A_2154 : vector<16xf32>
      %add3A_2156 = arith.addf %add3A_2150, %mul3A_2155 : vector<16xf32>
      %get3A_2157 = arith.constant 69 : i32
      %get3A_2158 = arith.index_cast %get3A_2157 : i32 to index
      %get3A_2159 = arith.constant 48 : index
      %get3A_2160 = tpu.vector_load %arg30[%get3A_2158, %get3A_2159] {strides = array<i32>} : memref<128x64xf32, #tpu.memory_space<vmem>>, vector<16xf32>,
      %mul3A_2161 = arith.mulf %gather3A_1959, %get3A_2160 : vector<16xf32>
      %add3A_2162 = arith.addf %add3A_2156, %mul3A_2161 : vector<16xf32>
      %get3A_2163 = arith.constant 70 : i32
      %get3A_2164 = arith.index_cast %get3A_2163 : i32 to index
      %get3A_2165 = arith.constant 48 : index
      %get3A_2166 = tpu.vector_load %arg30[%get3A_2164, %get3A_2165] {strides = array<i32>} : memref<128x64xf32, #tpu.memory_space<vmem>>, vector<16xf32>,
      %mul3A_2167 = arith.mulf %gather3A_1962, %get3A_2166 : vector<16xf32>
      %add3A_2168 = arith.addf %add3A_2162, %mul3A_2167 : vector<16xf32>
      %get3A_2169 = arith.constant 71 : i32
      %get3A_2170 = arith.index_cast %get3A_2169 : i32 to index
      %get3A_2171 = arith.constant 48 : index
      %get3A_2172 = tpu.vector_load %arg30[%get3A_2170, %get3A_2171] {strides = array<i32>} : memref<128x64xf32, #tpu.memory_space<vmem>>, vector<16xf32>,
      %mul3A_2173 = arith.mulf %gather3A_1965, %get3A_2172 : vector<16xf32>
      %add3A_2174 = arith.addf %add3A_2168, %mul3A_2173 : vector<16xf32>
      %mul3A_2175 = arith.constant 16 : i32
      %mul3A_2176 = arith.muli %scan3A_14, %mul3A_2175 : i32
      %add3A_2177 = arith.constant 8 : i32
      %add3A_2178 = arith.addi %mul3A_2176, %add3A_2177 : i32
      %swap3A_2179 = arith.index_cast %add3A_2178 : i32 to index
      %swap3A_2180 = arith.constant 48 : index
      %swap3A_2181 = tpu.vector_load %arg31[%swap3A_2179, %swap3A_2180] {strides = array<i32>} : memref<512x64xf32, #tpu.memory_space<vmem>>, vector<16xf32>,
      tpu.vector_store %arg31[%swap3A_2179, %swap3A_2180], %add3A_2174 {strides = array<i32>} : memref<512x64xf32, #tpu.memory_space<vmem>>, vector<16xf32>,
      %broadcast_in_dim3A_2182 = arith.constant 72 : i32
      %broadcast_in_dim3A_2183 = vector.broadcast %broadcast_in_dim3A_2182 : i32 to vector<16xi32>
      %gather3A_2184 = tpu.vector_load_idx %arg29[%broadcast_in_dim3A, %broadcast_in_dim3A_2183] : memref<32x128xf32, #tpu.memory_space<vmem>>[vector<16xi32>, vector<16xi32>], vector<16xf32>,
      %broadcast_in_dim3A_2185 = arith.constant 73 : i32
      %broadcast_in_dim3A_2186 = vector.broadcast %broadcast_in_dim3A_2185 : i32 to vector<16xi32>
      %gather3A_2187 = tpu.vector_load_idx %arg29[%broadcast_in_dim3A, %broadcast_in_dim3A_2186] : memref<32x128xf32, #tpu.memory_space<vmem>>[vector<16xi32>, vector<16xi32>], vector<16xf32>,
      %broadcast_in_dim3A_2188 = arith.constant 74 : i32
      %broadcast_in_dim3A_2189 = vector.broadcast %broadcast_in_dim3A_2188 : i32 to vector<16xi32>
      %gather3A_2190 = tpu.vector_load_idx %arg29[%broadcast_in_dim3A, %broadcast_in_dim3A_2189] : memref<32x128xf32, #tpu.memory_space<vmem>>[vector<16xi32>, vector<16xi32>], vector<16xf32>,
      %broadcast_in_dim3A_2191 = arith.constant 75 : i32
      %broadcast_in_dim3A_2192 = vector.broadcast %broadcast_in_dim3A_2191 : i32 to vector<16xi32>
      %gather3A_2193 = tpu.vector_load_idx %arg29[%broadcast_in_dim3A, %broadcast_in_dim3A_2192] : memref<32x128xf32, #tpu.memory_space<vmem>>[vector<16xi32>, vector<16xi32>], vector<16xf32>,
      %broadcast_in_dim3A_2194 = arith.constant 76 : i32
      %broadcast_in_dim3A_2195 = vector.broadcast %broadcast_in_dim3A_2194 : i32 to vector<16xi32>
      %gather3A_2196 = tpu.vector_load_idx %arg29[%broadcast_in_dim3A, %broadcast_in_dim3A_2195] : memref<32x128xf32, #tpu.memory_space<vmem>>[vector<16xi32>, vector<16xi32>], vector<16xf32>,
      %broadcast_in_dim3A_2197 = arith.constant 77 : i32
      %broadcast_in_dim3A_2198 = vector.broadcast %broadcast_in_dim3A_2197 : i32 to vector<16xi32>
      %gather3A_2199 = tpu.vector_load_idx %arg29[%broadcast_in_dim3A, %broadcast_in_dim3A_2198] : memref<32x128xf32, #tpu.memory_space<vmem>>[vector<16xi32>, vector<16xi32>], vector<16xf32>,
      %broadcast_in_dim3A_2200 = arith.constant 78 : i32
      %broadcast_in_dim3A_2201 = vector.broadcast %broadcast_in_dim3A_2200 : i32 to vector<16xi32>
      %gather3A_2202 = tpu.vector_load_idx %arg29[%broadcast_in_dim3A, %broadcast_in_dim3A_2201] : memref<32x128xf32, #tpu.memory_space<vmem>>[vector<16xi32>, vector<16xi32>], vector<16xf32>,
      %broadcast_in_dim3A_2203 = arith.constant 79 : i32
      %broadcast_in_dim3A_2204 = vector.broadcast %broadcast_in_dim3A_2203 : i32 to vector<16xi32>
      %gather3A_2205 = tpu.vector_load_idx %arg29[%broadcast_in_dim3A, %broadcast_in_dim3A_2204] : memref<32x128xf32, #tpu.memory_space<vmem>>[vector<16xi32>, vector<16xi32>], vector<16xf32>,
      %get3A_2206 = arith.constant 72 : i32
      %get3A_2207 = arith.index_cast %get3A_2206 : i32 to index
      %get3A_2208 = arith.constant 0 : index
      %get3A_2209 = tpu.vector_load %arg30[%get3A_2207, %get3A_2208] {strides = array<i32>} : memref<128x64xf32, #tpu.memory_space<vmem>>, vector<16xf32>,
      %mul3A_2210 = arith.mulf %gather3A_2184, %get3A_2209 : vector<16xf32>
      %get3A_2211 = arith.constant 73 : i32
      %get3A_2212 = arith.index_cast %get3A_2211 : i32 to index
      %get3A_2213 = arith.constant 0 : index
      %get3A_2214 = tpu.vector_load %arg30[%get3A_2212, %get3A_2213] {strides = array<i32>} : memref<128x64xf32, #tpu.memory_space<vmem>>, vector<16xf32>,
      %mul3A_2215 = arith.mulf %gather3A_2187, %get3A_2214 : vector<16xf32>
      %add3A_2216 = arith.addf %mul3A_2210, %mul3A_2215 : vector<16xf32>
      %get3A_2217 = arith.constant 74 : i32
      %get3A_2218 = arith.index_cast %get3A_2217 : i32 to index
      %get3A_2219 = arith.constant 0 : index
      %get3A_2220 = tpu.vector_load %arg30[%get3A_2218, %get3A_2219] {strides = array<i32>} : memref<128x64xf32, #tpu.memory_space<vmem>>, vector<16xf32>,
      %mul3A_2221 = arith.mulf %gather3A_2190, %get3A_2220 : vector<16xf32>
      %add3A_2222 = arith.addf %add3A_2216, %mul3A_2221 : vector<16xf32>
      %get3A_2223 = arith.constant 75 : i32
      %get3A_2224 = arith.index_cast %get3A_2223 : i32 to index
      %get3A_2225 = arith.constant 0 : index
      %get3A_2226 = tpu.vector_load %arg30[%get3A_2224, %get3A_2225] {strides = array<i32>} : memref<128x64xf32, #tpu.memory_space<vmem>>, vector<16xf32>,
      %mul3A_2227 = arith.mulf %gather3A_2193, %get3A_2226 : vector<16xf32>
      %add3A_2228 = arith.addf %add3A_2222, %mul3A_2227 : vector<16xf32>
      %get3A_2229 = arith.constant 76 : i32
      %get3A_2230 = arith.index_cast %get3A_2229 : i32 to index
      %get3A_2231 = arith.constant 0 : index
      %get3A_2232 = tpu.vector_load %arg30[%get3A_2230, %get3A_2231] {strides = array<i32>} : memref<128x64xf32, #tpu.memory_space<vmem>>, vector<16xf32>,
      %mul3A_2233 = arith.mulf %gather3A_2196, %get3A_2232 : vector<16xf32>
      %add3A_2234 = arith.addf %add3A_2228, %mul3A_2233 : vector<16xf32>
      %get3A_2235 = arith.constant 77 : i32
      %get3A_2236 = arith.index_cast %get3A_2235 : i32 to index
      %get3A_2237 = arith.constant 0 : index
      %get3A_2238 = tpu.vector_load %arg30[%get3A_2236, %get3A_2237] {strides = array<i32>} : memref<128x64xf32, #tpu.memory_space<vmem>>, vector<16xf32>,
      %mul3A_2239 = arith.mulf %gather3A_2199, %get3A_2238 : vector<16xf32>
      %add3A_2240 = arith.addf %add3A_2234, %mul3A_2239 : vector<16xf32>
      %get3A_2241 = arith.constant 78 : i32
      %get3A_2242 = arith.index_cast %get3A_2241 : i32 to index
      %get3A_2243 = arith.constant 0 : index
      %get3A_2244 = tpu.vector_load %arg30[%get3A_2242, %get3A_2243] {strides = array<i32>} : memref<128x64xf32, #tpu.memory_space<vmem>>, vector<16xf32>,
      %mul3A_2245 = arith.mulf %gather3A_2202, %get3A_2244 : vector<16xf32>
      %add3A_2246 = arith.addf %add3A_2240, %mul3A_2245 : vector<16xf32>
      %get3A_2247 = arith.constant 79 : i32
      %get3A_2248 = arith.index_cast %get3A_2247 : i32 to index
      %get3A_2249 = arith.constant 0 : index
      %get3A_2250 = tpu.vector_load %arg30[%get3A_2248, %get3A_2249] {strides = array<i32>} : memref<128x64xf32, #tpu.memory_space<vmem>>, vector<16xf32>,
      %mul3A_2251 = arith.mulf %gather3A_2205, %get3A_2250 : vector<16xf32>
      %add3A_2252 = arith.addf %add3A_2246, %mul3A_2251 : vector<16xf32>
      %mul3A_2253 = arith.constant 16 : i32
      %mul3A_2254 = arith.muli %scan3A_14, %mul3A_2253 : i32
      %add3A_2255 = arith.constant 9 : i32
      %add3A_2256 = arith.addi %mul3A_2254, %add3A_2255 : i32
      %swap3A_2257 = arith.index_cast %add3A_2256 : i32 to index
      %swap3A_2258 = arith.constant 0 : index
      %swap3A_2259 = tpu.vector_load %arg31[%swap3A_2257, %swap3A_2258] {strides = array<i32>} : memref<512x64xf32, #tpu.memory_space<vmem>>, vector<16xf32>,
      tpu.vector_store %arg31[%swap3A_2257, %swap3A_2258], %add3A_2252 {strides = array<i32>} : memref<512x64xf32, #tpu.memory_space<vmem>>, vector<16xf32>,
      %get3A_2260 = arith.constant 72 : i32
      %get3A_2261 = arith.index_cast %get3A_2260 : i32 to index
      %get3A_2262 = arith.constant 16 : index
      %get3A_2263 = tpu.vector_load %arg30[%get3A_2261, %get3A_2262] {strides = array<i32>} : memref<128x64xf32, #tpu.memory_space<vmem>>, vector<16xf32>,
      %mul3A_2264 = arith.mulf %gather3A_2184, %get3A_2263 : vector<16xf32>
      %get3A_2265 = arith.constant 73 : i32
      %get3A_2266 = arith.index_cast %get3A_2265 : i32 to index
      %get3A_2267 = arith.constant 16 : index
      %get3A_2268 = tpu.vector_load %arg30[%get3A_2266, %get3A_2267] {strides = array<i32>} : memref<128x64xf32, #tpu.memory_space<vmem>>, vector<16xf32>,
      %mul3A_2269 = arith.mulf %gather3A_2187, %get3A_2268 : vector<16xf32>
      %add3A_2270 = arith.addf %mul3A_2264, %mul3A_2269 : vector<16xf32>
      %get3A_2271 = arith.constant 74 : i32
      %get3A_2272 = arith.index_cast %get3A_2271 : i32 to index
      %get3A_2273 = arith.constant 16 : index
      %get3A_2274 = tpu.vector_load %arg30[%get3A_2272, %get3A_2273] {strides = array<i32>} : memref<128x64xf32, #tpu.memory_space<vmem>>, vector<16xf32>,
      %mul3A_2275 = arith.mulf %gather3A_2190, %get3A_2274 : vector<16xf32>
      %add3A_2276 = arith.addf %add3A_2270, %mul3A_2275 : vector<16xf32>
      %get3A_2277 = arith.constant 75 : i32
      %get3A_2278 = arith.index_cast %get3A_2277 : i32 to index
      %get3A_2279 = arith.constant 16 : index
      %get3A_2280 = tpu.vector_load %arg30[%get3A_2278, %get3A_2279] {strides = array<i32>} : memref<128x64xf32, #tpu.memory_space<vmem>>, vector<16xf32>,
      %mul3A_2281 = arith.mulf %gather3A_2193, %get3A_2280 : vector<16xf32>
      %add3A_2282 = arith.addf %add3A_2276, %mul3A_2281 : vector<16xf32>
      %get3A_2283 = arith.constant 76 : i32
      %get3A_2284 = arith.index_cast %get3A_2283 : i32 to index
      %get3A_2285 = arith.constant 16 : index
      %get3A_2286 = tpu.vector_load %arg30[%get3A_2284, %get3A_2285] {strides = array<i32>} : memref<128x64xf32, #tpu.memory_space<vmem>>, vector<16xf32>,
      %mul3A_2287 = arith.mulf %gather3A_2196, %get3A_2286 : vector<16xf32>
      %add3A_2288 = arith.addf %add3A_2282, %mul3A_2287 : vector<16xf32>
      %get3A_2289 = arith.constant 77 : i32
      %get3A_2290 = arith.index_cast %get3A_2289 : i32 to index
      %get3A_2291 = arith.constant 16 : index
      %get3A_2292 = tpu.vector_load %arg30[%get3A_2290, %get3A_2291] {strides = array<i32>} : memref<128x64xf32, #tpu.memory_space<vmem>>, vector<16xf32>,
      %mul3A_2293 = arith.mulf %gather3A_2199, %get3A_2292 : vector<16xf32>
      %add3A_2294 = arith.addf %add3A_2288, %mul3A_2293 : vector<16xf32>
      %get3A_2295 = arith.constant 78 : i32
      %get3A_2296 = arith.index_cast %get3A_2295 : i32 to index
      %get3A_2297 = arith.constant 16 : index
      %get3A_2298 = tpu.vector_load %arg30[%get3A_2296, %get3A_2297] {strides = array<i32>} : memref<128x64xf32, #tpu.memory_space<vmem>>, vector<16xf32>,
      %mul3A_2299 = arith.mulf %gather3A_2202, %get3A_2298 : vector<16xf32>
      %add3A_2300 = arith.addf %add3A_2294, %mul3A_2299 : vector<16xf32>
      %get3A_2301 = arith.constant 79 : i32
      %get3A_2302 = arith.index_cast %get3A_2301 : i32 to index
      %get3A_2303 = arith.constant 16 : index
      %get3A_2304 = tpu.vector_load %arg30[%get3A_2302, %get3A_2303] {strides = array<i32>} : memref<128x64xf32, #tpu.memory_space<vmem>>, vector<16xf32>,
      %mul3A_2305 = arith.mulf %gather3A_2205, %get3A_2304 : vector<16xf32>
      %add3A_2306 = arith.addf %add3A_2300, %mul3A_2305 : vector<16xf32>
      %mul3A_2307 = arith.constant 16 : i32
      %mul3A_2308 = arith.muli %scan3A_14, %mul3A_2307 : i32
      %add3A_2309 = arith.constant 9 : i32
      %add3A_2310 = arith.addi %mul3A_2308, %add3A_2309 : i32
      %swap3A_2311 = arith.index_cast %add3A_2310 : i32 to index
      %swap3A_2312 = arith.constant 16 : index
      %swap3A_2313 = tpu.vector_load %arg31[%swap3A_2311, %swap3A_2312] {strides = array<i32>} : memref<512x64xf32, #tpu.memory_space<vmem>>, vector<16xf32>,
      tpu.vector_store %arg31[%swap3A_2311, %swap3A_2312], %add3A_2306 {strides = array<i32>} : memref<512x64xf32, #tpu.memory_space<vmem>>, vector<16xf32>,
      %get3A_2314 = arith.constant 72 : i32
      %get3A_2315 = arith.index_cast %get3A_2314 : i32 to index
      %get3A_2316 = arith.constant 32 : index
      %get3A_2317 = tpu.vector_load %arg30[%get3A_2315, %get3A_2316] {strides = array<i32>} : memref<128x64xf32, #tpu.memory_space<vmem>>, vector<16xf32>,
      %mul3A_2318 = arith.mulf %gather3A_2184, %get3A_2317 : vector<16xf32>
      %get3A_2319 = arith.constant 73 : i32
      %get3A_2320 = arith.index_cast %get3A_2319 : i32 to index
      %get3A_2321 = arith.constant 32 : index
      %get3A_2322 = tpu.vector_load %arg30[%get3A_2320, %get3A_2321] {strides = array<i32>} : memref<128x64xf32, #tpu.memory_space<vmem>>, vector<16xf32>,
      %mul3A_2323 = arith.mulf %gather3A_2187, %get3A_2322 : vector<16xf32>
      %add3A_2324 = arith.addf %mul3A_2318, %mul3A_2323 : vector<16xf32>
      %get3A_2325 = arith.constant 74 : i32
      %get3A_2326 = arith.index_cast %get3A_2325 : i32 to index
      %get3A_2327 = arith.constant 32 : index
      %get3A_2328 = tpu.vector_load %arg30[%get3A_2326, %get3A_2327] {strides = array<i32>} : memref<128x64xf32, #tpu.memory_space<vmem>>, vector<16xf32>,
      %mul3A_2329 = arith.mulf %gather3A_2190, %get3A_2328 : vector<16xf32>
      %add3A_2330 = arith.addf %add3A_2324, %mul3A_2329 : vector<16xf32>
      %get3A_2331 = arith.constant 75 : i32
      %get3A_2332 = arith.index_cast %get3A_2331 : i32 to index
      %get3A_2333 = arith.constant 32 : index
      %get3A_2334 = tpu.vector_load %arg30[%get3A_2332, %get3A_2333] {strides = array<i32>} : memref<128x64xf32, #tpu.memory_space<vmem>>, vector<16xf32>,
      %mul3A_2335 = arith.mulf %gather3A_2193, %get3A_2334 : vector<16xf32>
      %add3A_2336 = arith.addf %add3A_2330, %mul3A_2335 : vector<16xf32>
      %get3A_2337 = arith.constant 76 : i32
      %get3A_2338 = arith.index_cast %get3A_2337 : i32 to index
      %get3A_2339 = arith.constant 32 : index
      %get3A_2340 = tpu.vector_load %arg30[%get3A_2338, %get3A_2339] {strides = array<i32>} : memref<128x64xf32, #tpu.memory_space<vmem>>, vector<16xf32>,
      %mul3A_2341 = arith.mulf %gather3A_2196, %get3A_2340 : vector<16xf32>
      %add3A_2342 = arith.addf %add3A_2336, %mul3A_2341 : vector<16xf32>
      %get3A_2343 = arith.constant 77 : i32
      %get3A_2344 = arith.index_cast %get3A_2343 : i32 to index
      %get3A_2345 = arith.constant 32 : index
      %get3A_2346 = tpu.vector_load %arg30[%get3A_2344, %get3A_2345] {strides = array<i32>} : memref<128x64xf32, #tpu.memory_space<vmem>>, vector<16xf32>,
      %mul3A_2347 = arith.mulf %gather3A_2199, %get3A_2346 : vector<16xf32>
      %add3A_2348 = arith.addf %add3A_2342, %mul3A_2347 : vector<16xf32>
      %get3A_2349 = arith.constant 78 : i32
      %get3A_2350 = arith.index_cast %get3A_2349 : i32 to index
      %get3A_2351 = arith.constant 32 : index
      %get3A_2352 = tpu.vector_load %arg30[%get3A_2350, %get3A_2351] {strides = array<i32>} : memref<128x64xf32, #tpu.memory_space<vmem>>, vector<16xf32>,
      %mul3A_2353 = arith.mulf %gather3A_2202, %get3A_2352 : vector<16xf32>
      %add3A_2354 = arith.addf %add3A_2348, %mul3A_2353 : vector<16xf32>
      %get3A_2355 = arith.constant 79 : i32
      %get3A_2356 = arith.index_cast %get3A_2355 : i32 to index
      %get3A_2357 = arith.constant 32 : index
      %get3A_2358 = tpu.vector_load %arg30[%get3A_2356, %get3A_2357] {strides = array<i32>} : memref<128x64xf32, #tpu.memory_space<vmem>>, vector<16xf32>,
      %mul3A_2359 = arith.mulf %gather3A_2205, %get3A_2358 : vector<16xf32>
      %add3A_2360 = arith.addf %add3A_2354, %mul3A_2359 : vector<16xf32>
      %mul3A_2361 = arith.constant 16 : i32
      %mul3A_2362 = arith.muli %scan3A_14, %mul3A_2361 : i32
      %add3A_2363 = arith.constant 9 : i32
      %add3A_2364 = arith.addi %mul3A_2362, %add3A_2363 : i32
      %swap3A_2365 = arith.index_cast %add3A_2364 : i32 to index
      %swap3A_2366 = arith.constant 32 : index
      %swap3A_2367 = tpu.vector_load %arg31[%swap3A_2365, %swap3A_2366] {strides = array<i32>} : memref<512x64xf32, #tpu.memory_space<vmem>>, vector<16xf32>,
      tpu.vector_store %arg31[%swap3A_2365, %swap3A_2366], %add3A_2360 {strides = array<i32>} : memref<512x64xf32, #tpu.memory_space<vmem>>, vector<16xf32>,
      %get3A_2368 = arith.constant 72 : i32
      %get3A_2369 = arith.index_cast %get3A_2368 : i32 to index
      %get3A_2370 = arith.constant 48 : index
      %get3A_2371 = tpu.vector_load %arg30[%get3A_2369, %get3A_2370] {strides = array<i32>} : memref<128x64xf32, #tpu.memory_space<vmem>>, vector<16xf32>,
      %mul3A_2372 = arith.mulf %gather3A_2184, %get3A_2371 : vector<16xf32>
      %get3A_2373 = arith.constant 73 : i32
      %get3A_2374 = arith.index_cast %get3A_2373 : i32 to index
      %get3A_2375 = arith.constant 48 : index
      %get3A_2376 = tpu.vector_load %arg30[%get3A_2374, %get3A_2375] {strides = array<i32>} : memref<128x64xf32, #tpu.memory_space<vmem>>, vector<16xf32>,
      %mul3A_2377 = arith.mulf %gather3A_2187, %get3A_2376 : vector<16xf32>
      %add3A_2378 = arith.addf %mul3A_2372, %mul3A_2377 : vector<16xf32>
      %get3A_2379 = arith.constant 74 : i32
      %get3A_2380 = arith.index_cast %get3A_2379 : i32 to index
      %get3A_2381 = arith.constant 48 : index
      %get3A_2382 = tpu.vector_load %arg30[%get3A_2380, %get3A_2381] {strides = array<i32>} : memref<128x64xf32, #tpu.memory_space<vmem>>, vector<16xf32>,
      %mul3A_2383 = arith.mulf %gather3A_2190, %get3A_2382 : vector<16xf32>
      %add3A_2384 = arith.addf %add3A_2378, %mul3A_2383 : vector<16xf32>
      %get3A_2385 = arith.constant 75 : i32
      %get3A_2386 = arith.index_cast %get3A_2385 : i32 to index
      %get3A_2387 = arith.constant 48 : index
      %get3A_2388 = tpu.vector_load %arg30[%get3A_2386, %get3A_2387] {strides = array<i32>} : memref<128x64xf32, #tpu.memory_space<vmem>>, vector<16xf32>,
      %mul3A_2389 = arith.mulf %gather3A_2193, %get3A_2388 : vector<16xf32>
      %add3A_2390 = arith.addf %add3A_2384, %mul3A_2389 : vector<16xf32>
      %get3A_2391 = arith.constant 76 : i32
      %get3A_2392 = arith.index_cast %get3A_2391 : i32 to index
      %get3A_2393 = arith.constant 48 : index
      %get3A_2394 = tpu.vector_load %arg30[%get3A_2392, %get3A_2393] {strides = array<i32>} : memref<128x64xf32, #tpu.memory_space<vmem>>, vector<16xf32>,
      %mul3A_2395 = arith.mulf %gather3A_2196, %get3A_2394 : vector<16xf32>
      %add3A_2396 = arith.addf %add3A_2390, %mul3A_2395 : vector<16xf32>
      %get3A_2397 = arith.constant 77 : i32
      %get3A_2398 = arith.index_cast %get3A_2397 : i32 to index
      %get3A_2399 = arith.constant 48 : index
      %get3A_2400 = tpu.vector_load %arg30[%get3A_2398, %get3A_2399] {strides = array<i32>} : memref<128x64xf32, #tpu.memory_space<vmem>>, vector<16xf32>,
      %mul3A_2401 = arith.mulf %gather3A_2199, %get3A_2400 : vector<16xf32>
      %add3A_2402 = arith.addf %add3A_2396, %mul3A_2401 : vector<16xf32>
      %get3A_2403 = arith.constant 78 : i32
      %get3A_2404 = arith.index_cast %get3A_2403 : i32 to index
      %get3A_2405 = arith.constant 48 : index
      %get3A_2406 = tpu.vector_load %arg30[%get3A_2404, %get3A_2405] {strides = array<i32>} : memref<128x64xf32, #tpu.memory_space<vmem>>, vector<16xf32>,
      %mul3A_2407 = arith.mulf %gather3A_2202, %get3A_2406 : vector<16xf32>
      %add3A_2408 = arith.addf %add3A_2402, %mul3A_2407 : vector<16xf32>
      %get3A_2409 = arith.constant 79 : i32
      %get3A_2410 = arith.index_cast %get3A_2409 : i32 to index
      %get3A_2411 = arith.constant 48 : index
      %get3A_2412 = tpu.vector_load %arg30[%get3A_2410, %get3A_2411] {strides = array<i32>} : memref<128x64xf32, #tpu.memory_space<vmem>>, vector<16xf32>,
      %mul3A_2413 = arith.mulf %gather3A_2205, %get3A_2412 : vector<16xf32>
      %add3A_2414 = arith.addf %add3A_2408, %mul3A_2413 : vector<16xf32>
      %mul3A_2415 = arith.constant 16 : i32
      %mul3A_2416 = arith.muli %scan3A_14, %mul3A_2415 : i32
      %add3A_2417 = arith.constant 9 : i32
      %add3A_2418 = arith.addi %mul3A_2416, %add3A_2417 : i32
      %swap3A_2419 = arith.index_cast %add3A_2418 : i32 to index
      %swap3A_2420 = arith.constant 48 : index
      %swap3A_2421 = tpu.vector_load %arg31[%swap3A_2419, %swap3A_2420] {strides = array<i32>} : memref<512x64xf32, #tpu.memory_space<vmem>>, vector<16xf32>,
      tpu.vector_store %arg31[%swap3A_2419, %swap3A_2420], %add3A_2414 {strides = array<i32>} : memref<512x64xf32, #tpu.memory_space<vmem>>, vector<16xf32>,
      %broadcast_in_dim3A_2422 = arith.constant 80 : i32
      %broadcast_in_dim3A_2423 = vector.broadcast %broadcast_in_dim3A_2422 : i32 to vector<16xi32>
      %gather3A_2424 = tpu.vector_load_idx %arg29[%broadcast_in_dim3A, %broadcast_in_dim3A_2423] : memref<32x128xf32, #tpu.memory_space<vmem>>[vector<16xi32>, vector<16xi32>], vector<16xf32>,
      %broadcast_in_dim3A_2425 = arith.constant 81 : i32
      %broadcast_in_dim3A_2426 = vector.broadcast %broadcast_in_dim3A_2425 : i32 to vector<16xi32>
      %gather3A_2427 = tpu.vector_load_idx %arg29[%broadcast_in_dim3A, %broadcast_in_dim3A_2426] : memref<32x128xf32, #tpu.memory_space<vmem>>[vector<16xi32>, vector<16xi32>], vector<16xf32>,
      %broadcast_in_dim3A_2428 = arith.constant 82 : i32
      %broadcast_in_dim3A_2429 = vector.broadcast %broadcast_in_dim3A_2428 : i32 to vector<16xi32>
      %gather3A_2430 = tpu.vector_load_idx %arg29[%broadcast_in_dim3A, %broadcast_in_dim3A_2429] : memref<32x128xf32, #tpu.memory_space<vmem>>[vector<16xi32>, vector<16xi32>], vector<16xf32>,
      %broadcast_in_dim3A_2431 = arith.constant 83 : i32
      %broadcast_in_dim3A_2432 = vector.broadcast %broadcast_in_dim3A_2431 : i32 to vector<16xi32>
      %gather3A_2433 = tpu.vector_load_idx %arg29[%broadcast_in_dim3A, %broadcast_in_dim3A_2432] : memref<32x128xf32, #tpu.memory_space<vmem>>[vector<16xi32>, vector<16xi32>], vector<16xf32>,
      %broadcast_in_dim3A_2434 = arith.constant 84 : i32
      %broadcast_in_dim3A_2435 = vector.broadcast %broadcast_in_dim3A_2434 : i32 to vector<16xi32>
      %gather3A_2436 = tpu.vector_load_idx %arg29[%broadcast_in_dim3A, %broadcast_in_dim3A_2435] : memref<32x128xf32, #tpu.memory_space<vmem>>[vector<16xi32>, vector<16xi32>], vector<16xf32>,
      %broadcast_in_dim3A_2437 = arith.constant 85 : i32
      %broadcast_in_dim3A_2438 = vector.broadcast %broadcast_in_dim3A_2437 : i32 to vector<16xi32>
      %gather3A_2439 = tpu.vector_load_idx %arg29[%broadcast_in_dim3A, %broadcast_in_dim3A_2438] : memref<32x128xf32, #tpu.memory_space<vmem>>[vector<16xi32>, vector<16xi32>], vector<16xf32>,
      %broadcast_in_dim3A_2440 = arith.constant 86 : i32
      %broadcast_in_dim3A_2441 = vector.broadcast %broadcast_in_dim3A_2440 : i32 to vector<16xi32>
      %gather3A_2442 = tpu.vector_load_idx %arg29[%broadcast_in_dim3A, %broadcast_in_dim3A_2441] : memref<32x128xf32, #tpu.memory_space<vmem>>[vector<16xi32>, vector<16xi32>], vector<16xf32>,
      %broadcast_in_dim3A_2443 = arith.constant 87 : i32
      %broadcast_in_dim3A_2444 = vector.broadcast %broadcast_in_dim3A_2443 : i32 to vector<16xi32>
      %gather3A_2445 = tpu.vector_load_idx %arg29[%broadcast_in_dim3A, %broadcast_in_dim3A_2444] : memref<32x128xf32, #tpu.memory_space<vmem>>[vector<16xi32>, vector<16xi32>], vector<16xf32>,
      %get3A_2446 = arith.constant 80 : i32
      %get3A_2447 = arith.index_cast %get3A_2446 : i32 to index
      %get3A_2448 = arith.constant 0 : index
      %get3A_2449 = tpu.vector_load %arg30[%get3A_2447, %get3A_2448] {strides = array<i32>} : memref<128x64xf32, #tpu.memory_space<vmem>>, vector<16xf32>,
      %mul3A_2450 = arith.mulf %gather3A_2424, %get3A_2449 : vector<16xf32>
      %get3A_2451 = arith.constant 81 : i32
      %get3A_2452 = arith.index_cast %get3A_2451 : i32 to index
      %get3A_2453 = arith.constant 0 : index
      %get3A_2454 = tpu.vector_load %arg30[%get3A_2452, %get3A_2453] {strides = array<i32>} : memref<128x64xf32, #tpu.memory_space<vmem>>, vector<16xf32>,
      %mul3A_2455 = arith.mulf %gather3A_2427, %get3A_2454 : vector<16xf32>
      %add3A_2456 = arith.addf %mul3A_2450, %mul3A_2455 : vector<16xf32>
      %get3A_2457 = arith.constant 82 : i32
      %get3A_2458 = arith.index_cast %get3A_2457 : i32 to index
      %get3A_2459 = arith.constant 0 : index
      %get3A_2460 = tpu.vector_load %arg30[%get3A_2458, %get3A_2459] {strides = array<i32>} : memref<128x64xf32, #tpu.memory_space<vmem>>, vector<16xf32>,
      %mul3A_2461 = arith.mulf %gather3A_2430, %get3A_2460 : vector<16xf32>
      %add3A_2462 = arith.addf %add3A_2456, %mul3A_2461 : vector<16xf32>
      %get3A_2463 = arith.constant 83 : i32
      %get3A_2464 = arith.index_cast %get3A_2463 : i32 to index
      %get3A_2465 = arith.constant 0 : index
      %get3A_2466 = tpu.vector_load %arg30[%get3A_2464, %get3A_2465] {strides = array<i32>} : memref<128x64xf32, #tpu.memory_space<vmem>>, vector<16xf32>,
      %mul3A_2467 = arith.mulf %gather3A_2433, %get3A_2466 : vector<16xf32>
      %add3A_2468 = arith.addf %add3A_2462, %mul3A_2467 : vector<16xf32>
      %get3A_2469 = arith.constant 84 : i32
      %get3A_2470 = arith.index_cast %get3A_2469 : i32 to index
      %get3A_2471 = arith.constant 0 : index
      %get3A_2472 = tpu.vector_load %arg30[%get3A_2470, %get3A_2471] {strides = array<i32>} : memref<128x64xf32, #tpu.memory_space<vmem>>, vector<16xf32>,
      %mul3A_2473 = arith.mulf %gather3A_2436, %get3A_2472 : vector<16xf32>
      %add3A_2474 = arith.addf %add3A_2468, %mul3A_2473 : vector<16xf32>
      %get3A_2475 = arith.constant 85 : i32
      %get3A_2476 = arith.index_cast %get3A_2475 : i32 to index
      %get3A_2477 = arith.constant 0 : index
      %get3A_2478 = tpu.vector_load %arg30[%get3A_2476, %get3A_2477] {strides = array<i32>} : memref<128x64xf32, #tpu.memory_space<vmem>>, vector<16xf32>,
      %mul3A_2479 = arith.mulf %gather3A_2439, %get3A_2478 : vector<16xf32>
      %add3A_2480 = arith.addf %add3A_2474, %mul3A_2479 : vector<16xf32>
      %get3A_2481 = arith.constant 86 : i32
      %get3A_2482 = arith.index_cast %get3A_2481 : i32 to index
      %get3A_2483 = arith.constant 0 : index
      %get3A_2484 = tpu.vector_load %arg30[%get3A_2482, %get3A_2483] {strides = array<i32>} : memref<128x64xf32, #tpu.memory_space<vmem>>, vector<16xf32>,
      %mul3A_2485 = arith.mulf %gather3A_2442, %get3A_2484 : vector<16xf32>
      %add3A_2486 = arith.addf %add3A_2480, %mul3A_2485 : vector<16xf32>
      %get3A_2487 = arith.constant 87 : i32
      %get3A_2488 = arith.index_cast %get3A_2487 : i32 to index
      %get3A_2489 = arith.constant 0 : index
      %get3A_2490 = tpu.vector_load %arg30[%get3A_2488, %get3A_2489] {strides = array<i32>} : memref<128x64xf32, #tpu.memory_space<vmem>>, vector<16xf32>,
      %mul3A_2491 = arith.mulf %gather3A_2445, %get3A_2490 : vector<16xf32>
      %add3A_2492 = arith.addf %add3A_2486, %mul3A_2491 : vector<16xf32>
      %mul3A_2493 = arith.constant 16 : i32
      %mul3A_2494 = arith.muli %scan3A_14, %mul3A_2493 : i32
      %add3A_2495 = arith.constant 10 : i32
      %add3A_2496 = arith.addi %mul3A_2494, %add3A_2495 : i32
      %swap3A_2497 = arith.index_cast %add3A_2496 : i32 to index
      %swap3A_2498 = arith.constant 0 : index
      %swap3A_2499 = tpu.vector_load %arg31[%swap3A_2497, %swap3A_2498] {strides = array<i32>} : memref<512x64xf32, #tpu.memory_space<vmem>>, vector<16xf32>,
      tpu.vector_store %arg31[%swap3A_2497, %swap3A_2498], %add3A_2492 {strides = array<i32>} : memref<512x64xf32, #tpu.memory_space<vmem>>, vector<16xf32>,
      %get3A_2500 = arith.constant 80 : i32
      %get3A_2501 = arith.index_cast %get3A_2500 : i32 to index
      %get3A_2502 = arith.constant 16 : index
      %get3A_2503 = tpu.vector_load %arg30[%get3A_2501, %get3A_2502] {strides = array<i32>} : memref<128x64xf32, #tpu.memory_space<vmem>>, vector<16xf32>,
      %mul3A_2504 = arith.mulf %gather3A_2424, %get3A_2503 : vector<16xf32>
      %get3A_2505 = arith.constant 81 : i32
      %get3A_2506 = arith.index_cast %get3A_2505 : i32 to index
      %get3A_2507 = arith.constant 16 : index
      %get3A_2508 = tpu.vector_load %arg30[%get3A_2506, %get3A_2507] {strides = array<i32>} : memref<128x64xf32, #tpu.memory_space<vmem>>, vector<16xf32>,
      %mul3A_2509 = arith.mulf %gather3A_2427, %get3A_2508 : vector<16xf32>
      %add3A_2510 = arith.addf %mul3A_2504, %mul3A_2509 : vector<16xf32>
      %get3A_2511 = arith.constant 82 : i32
      %get3A_2512 = arith.index_cast %get3A_2511 : i32 to index
      %get3A_2513 = arith.constant 16 : index
      %get3A_2514 = tpu.vector_load %arg30[%get3A_2512, %get3A_2513] {strides = array<i32>} : memref<128x64xf32, #tpu.memory_space<vmem>>, vector<16xf32>,
      %mul3A_2515 = arith.mulf %gather3A_2430, %get3A_2514 : vector<16xf32>
      %add3A_2516 = arith.addf %add3A_2510, %mul3A_2515 : vector<16xf32>
      %get3A_2517 = arith.constant 83 : i32
      %get3A_2518 = arith.index_cast %get3A_2517 : i32 to index
      %get3A_2519 = arith.constant 16 : index
      %get3A_2520 = tpu.vector_load %arg30[%get3A_2518, %get3A_2519] {strides = array<i32>} : memref<128x64xf32, #tpu.memory_space<vmem>>, vector<16xf32>,
      %mul3A_2521 = arith.mulf %gather3A_2433, %get3A_2520 : vector<16xf32>
      %add3A_2522 = arith.addf %add3A_2516, %mul3A_2521 : vector<16xf32>
      %get3A_2523 = arith.constant 84 : i32
      %get3A_2524 = arith.index_cast %get3A_2523 : i32 to index
      %get3A_2525 = arith.constant 16 : index
      %get3A_2526 = tpu.vector_load %arg30[%get3A_2524, %get3A_2525] {strides = array<i32>} : memref<128x64xf32, #tpu.memory_space<vmem>>, vector<16xf32>,
      %mul3A_2527 = arith.mulf %gather3A_2436, %get3A_2526 : vector<16xf32>
      %add3A_2528 = arith.addf %add3A_2522, %mul3A_2527 : vector<16xf32>
      %get3A_2529 = arith.constant 85 : i32
      %get3A_2530 = arith.index_cast %get3A_2529 : i32 to index
      %get3A_2531 = arith.constant 16 : index
      %get3A_2532 = tpu.vector_load %arg30[%get3A_2530, %get3A_2531] {strides = array<i32>} : memref<128x64xf32, #tpu.memory_space<vmem>>, vector<16xf32>,
      %mul3A_2533 = arith.mulf %gather3A_2439, %get3A_2532 : vector<16xf32>
      %add3A_2534 = arith.addf %add3A_2528, %mul3A_2533 : vector<16xf32>
      %get3A_2535 = arith.constant 86 : i32
      %get3A_2536 = arith.index_cast %get3A_2535 : i32 to index
      %get3A_2537 = arith.constant 16 : index
      %get3A_2538 = tpu.vector_load %arg30[%get3A_2536, %get3A_2537] {strides = array<i32>} : memref<128x64xf32, #tpu.memory_space<vmem>>, vector<16xf32>,
      %mul3A_2539 = arith.mulf %gather3A_2442, %get3A_2538 : vector<16xf32>
      %add3A_2540 = arith.addf %add3A_2534, %mul3A_2539 : vector<16xf32>
      %get3A_2541 = arith.constant 87 : i32
      %get3A_2542 = arith.index_cast %get3A_2541 : i32 to index
      %get3A_2543 = arith.constant 16 : index
      %get3A_2544 = tpu.vector_load %arg30[%get3A_2542, %get3A_2543] {strides = array<i32>} : memref<128x64xf32, #tpu.memory_space<vmem>>, vector<16xf32>,
      %mul3A_2545 = arith.mulf %gather3A_2445, %get3A_2544 : vector<16xf32>
      %add3A_2546 = arith.addf %add3A_2540, %mul3A_2545 : vector<16xf32>
      %mul3A_2547 = arith.constant 16 : i32
      %mul3A_2548 = arith.muli %scan3A_14, %mul3A_2547 : i32
      %add3A_2549 = arith.constant 10 : i32
      %add3A_2550 = arith.addi %mul3A_2548, %add3A_2549 : i32
      %swap3A_2551 = arith.index_cast %add3A_2550 : i32 to index
      %swap3A_2552 = arith.constant 16 : index
      %swap3A_2553 = tpu.vector_load %arg31[%swap3A_2551, %swap3A_2552] {strides = array<i32>} : memref<512x64xf32, #tpu.memory_space<vmem>>, vector<16xf32>,
      tpu.vector_store %arg31[%swap3A_2551, %swap3A_2552], %add3A_2546 {strides = array<i32>} : memref<512x64xf32, #tpu.memory_space<vmem>>, vector<16xf32>,
      %get3A_2554 = arith.constant 80 : i32
      %get3A_2555 = arith.index_cast %get3A_2554 : i32 to index
      %get3A_2556 = arith.constant 32 : index
      %get3A_2557 = tpu.vector_load %arg30[%get3A_2555, %get3A_2556] {strides = array<i32>} : memref<128x64xf32, #tpu.memory_space<vmem>>, vector<16xf32>,
      %mul3A_2558 = arith.mulf %gather3A_2424, %get3A_2557 : vector<16xf32>
      %get3A_2559 = arith.constant 81 : i32
      %get3A_2560 = arith.index_cast %get3A_2559 : i32 to index
      %get3A_2561 = arith.constant 32 : index
      %get3A_2562 = tpu.vector_load %arg30[%get3A_2560, %get3A_2561] {strides = array<i32>} : memref<128x64xf32, #tpu.memory_space<vmem>>, vector<16xf32>,
      %mul3A_2563 = arith.mulf %gather3A_2427, %get3A_2562 : vector<16xf32>
      %add3A_2564 = arith.addf %mul3A_2558, %mul3A_2563 : vector<16xf32>
      %get3A_2565 = arith.constant 82 : i32
      %get3A_2566 = arith.index_cast %get3A_2565 : i32 to index
      %get3A_2567 = arith.constant 32 : index
      %get3A_2568 = tpu.vector_load %arg30[%get3A_2566, %get3A_2567] {strides = array<i32>} : memref<128x64xf32, #tpu.memory_space<vmem>>, vector<16xf32>,
      %mul3A_2569 = arith.mulf %gather3A_2430, %get3A_2568 : vector<16xf32>
      %add3A_2570 = arith.addf %add3A_2564, %mul3A_2569 : vector<16xf32>
      %get3A_2571 = arith.constant 83 : i32
      %get3A_2572 = arith.index_cast %get3A_2571 : i32 to index
      %get3A_2573 = arith.constant 32 : index
      %get3A_2574 = tpu.vector_load %arg30[%get3A_2572, %get3A_2573] {strides = array<i32>} : memref<128x64xf32, #tpu.memory_space<vmem>>, vector<16xf32>,
      %mul3A_2575 = arith.mulf %gather3A_2433, %get3A_2574 : vector<16xf32>
      %add3A_2576 = arith.addf %add3A_2570, %mul3A_2575 : vector<16xf32>
      %get3A_2577 = arith.constant 84 : i32
      %get3A_2578 = arith.index_cast %get3A_2577 : i32 to index
      %get3A_2579 = arith.constant 32 : index
      %get3A_2580 = tpu.vector_load %arg30[%get3A_2578, %get3A_2579] {strides = array<i32>} : memref<128x64xf32, #tpu.memory_space<vmem>>, vector<16xf32>,
      %mul3A_2581 = arith.mulf %gather3A_2436, %get3A_2580 : vector<16xf32>
      %add3A_2582 = arith.addf %add3A_2576, %mul3A_2581 : vector<16xf32>
      %get3A_2583 = arith.constant 85 : i32
      %get3A_2584 = arith.index_cast %get3A_2583 : i32 to index
      %get3A_2585 = arith.constant 32 : index
      %get3A_2586 = tpu.vector_load %arg30[%get3A_2584, %get3A_2585] {strides = array<i32>} : memref<128x64xf32, #tpu.memory_space<vmem>>, vector<16xf32>,
      %mul3A_2587 = arith.mulf %gather3A_2439, %get3A_2586 : vector<16xf32>
      %add3A_2588 = arith.addf %add3A_2582, %mul3A_2587 : vector<16xf32>
      %get3A_2589 = arith.constant 86 : i32
      %get3A_2590 = arith.index_cast %get3A_2589 : i32 to index
      %get3A_2591 = arith.constant 32 : index
      %get3A_2592 = tpu.vector_load %arg30[%get3A_2590, %get3A_2591] {strides = array<i32>} : memref<128x64xf32, #tpu.memory_space<vmem>>, vector<16xf32>,
      %mul3A_2593 = arith.mulf %gather3A_2442, %get3A_2592 : vector<16xf32>
      %add3A_2594 = arith.addf %add3A_2588, %mul3A_2593 : vector<16xf32>
      %get3A_2595 = arith.constant 87 : i32
      %get3A_2596 = arith.index_cast %get3A_2595 : i32 to index
      %get3A_2597 = arith.constant 32 : index
      %get3A_2598 = tpu.vector_load %arg30[%get3A_2596, %get3A_2597] {strides = array<i32>} : memref<128x64xf32, #tpu.memory_space<vmem>>, vector<16xf32>,
      %mul3A_2599 = arith.mulf %gather3A_2445, %get3A_2598 : vector<16xf32>
      %add3A_2600 = arith.addf %add3A_2594, %mul3A_2599 : vector<16xf32>
      %mul3A_2601 = arith.constant 16 : i32
      %mul3A_2602 = arith.muli %scan3A_14, %mul3A_2601 : i32
      %add3A_2603 = arith.constant 10 : i32
      %add3A_2604 = arith.addi %mul3A_2602, %add3A_2603 : i32
      %swap3A_2605 = arith.index_cast %add3A_2604 : i32 to index
      %swap3A_2606 = arith.constant 32 : index
      %swap3A_2607 = tpu.vector_load %arg31[%swap3A_2605, %swap3A_2606] {strides = array<i32>} : memref<512x64xf32, #tpu.memory_space<vmem>>, vector<16xf32>,
      tpu.vector_store %arg31[%swap3A_2605, %swap3A_2606], %add3A_2600 {strides = array<i32>} : memref<512x64xf32, #tpu.memory_space<vmem>>, vector<16xf32>,
      %get3A_2608 = arith.constant 80 : i32
      %get3A_2609 = arith.index_cast %get3A_2608 : i32 to index
      %get3A_2610 = arith.constant 48 : index
      %get3A_2611 = tpu.vector_load %arg30[%get3A_2609, %get3A_2610] {strides = array<i32>} : memref<128x64xf32, #tpu.memory_space<vmem>>, vector<16xf32>,
      %mul3A_2612 = arith.mulf %gather3A_2424, %get3A_2611 : vector<16xf32>
      %get3A_2613 = arith.constant 81 : i32
      %get3A_2614 = arith.index_cast %get3A_2613 : i32 to index
      %get3A_2615 = arith.constant 48 : index
      %get3A_2616 = tpu.vector_load %arg30[%get3A_2614, %get3A_2615] {strides = array<i32>} : memref<128x64xf32, #tpu.memory_space<vmem>>, vector<16xf32>,
      %mul3A_2617 = arith.mulf %gather3A_2427, %get3A_2616 : vector<16xf32>
      %add3A_2618 = arith.addf %mul3A_2612, %mul3A_2617 : vector<16xf32>
      %get3A_2619 = arith.constant 82 : i32
      %get3A_2620 = arith.index_cast %get3A_2619 : i32 to index
      %get3A_2621 = arith.constant 48 : index
      %get3A_2622 = tpu.vector_load %arg30[%get3A_2620, %get3A_2621] {strides = array<i32>} : memref<128x64xf32, #tpu.memory_space<vmem>>, vector<16xf32>,
      %mul3A_2623 = arith.mulf %gather3A_2430, %get3A_2622 : vector<16xf32>
      %add3A_2624 = arith.addf %add3A_2618, %mul3A_2623 : vector<16xf32>
      %get3A_2625 = arith.constant 83 : i32
      %get3A_2626 = arith.index_cast %get3A_2625 : i32 to index
      %get3A_2627 = arith.constant 48 : index
      %get3A_2628 = tpu.vector_load %arg30[%get3A_2626, %get3A_2627] {strides = array<i32>} : memref<128x64xf32, #tpu.memory_space<vmem>>, vector<16xf32>,
      %mul3A_2629 = arith.mulf %gather3A_2433, %get3A_2628 : vector<16xf32>
      %add3A_2630 = arith.addf %add3A_2624, %mul3A_2629 : vector<16xf32>
      %get3A_2631 = arith.constant 84 : i32
      %get3A_2632 = arith.index_cast %get3A_2631 : i32 to index
      %get3A_2633 = arith.constant 48 : index
      %get3A_2634 = tpu.vector_load %arg30[%get3A_2632, %get3A_2633] {strides = array<i32>} : memref<128x64xf32, #tpu.memory_space<vmem>>, vector<16xf32>,
      %mul3A_2635 = arith.mulf %gather3A_2436, %get3A_2634 : vector<16xf32>
      %add3A_2636 = arith.addf %add3A_2630, %mul3A_2635 : vector<16xf32>
      %get3A_2637 = arith.constant 85 : i32
      %get3A_2638 = arith.index_cast %get3A_2637 : i32 to index
      %get3A_2639 = arith.constant 48 : index
      %get3A_2640 = tpu.vector_load %arg30[%get3A_2638, %get3A_2639] {strides = array<i32>} : memref<128x64xf32, #tpu.memory_space<vmem>>, vector<16xf32>,
      %mul3A_2641 = arith.mulf %gather3A_2439, %get3A_2640 : vector<16xf32>
      %add3A_2642 = arith.addf %add3A_2636, %mul3A_2641 : vector<16xf32>
      %get3A_2643 = arith.constant 86 : i32
      %get3A_2644 = arith.index_cast %get3A_2643 : i32 to index
      %get3A_2645 = arith.constant 48 : index
      %get3A_2646 = tpu.vector_load %arg30[%get3A_2644, %get3A_2645] {strides = array<i32>} : memref<128x64xf32, #tpu.memory_space<vmem>>, vector<16xf32>,
      %mul3A_2647 = arith.mulf %gather3A_2442, %get3A_2646 : vector<16xf32>
      %add3A_2648 = arith.addf %add3A_2642, %mul3A_2647 : vector<16xf32>
      %get3A_2649 = arith.constant 87 : i32
      %get3A_2650 = arith.index_cast %get3A_2649 : i32 to index
      %get3A_2651 = arith.constant 48 : index
      %get3A_2652 = tpu.vector_load %arg30[%get3A_2650, %get3A_2651] {strides = array<i32>} : memref<128x64xf32, #tpu.memory_space<vmem>>, vector<16xf32>,
      %mul3A_2653 = arith.mulf %gather3A_2445, %get3A_2652 : vector<16xf32>
      %add3A_2654 = arith.addf %add3A_2648, %mul3A_2653 : vector<16xf32>
      %mul3A_2655 = arith.constant 16 : i32
      %mul3A_2656 = arith.muli %scan3A_14, %mul3A_2655 : i32
      %add3A_2657 = arith.constant 10 : i32
      %add3A_2658 = arith.addi %mul3A_2656, %add3A_2657 : i32
      %swap3A_2659 = arith.index_cast %add3A_2658 : i32 to index
      %swap3A_2660 = arith.constant 48 : index
      %swap3A_2661 = tpu.vector_load %arg31[%swap3A_2659, %swap3A_2660] {strides = array<i32>} : memref<512x64xf32, #tpu.memory_space<vmem>>, vector<16xf32>,
      tpu.vector_store %arg31[%swap3A_2659, %swap3A_2660], %add3A_2654 {strides = array<i32>} : memref<512x64xf32, #tpu.memory_space<vmem>>, vector<16xf32>,
      %broadcast_in_dim3A_2662 = arith.constant 88 : i32
      %broadcast_in_dim3A_2663 = vector.broadcast %broadcast_in_dim3A_2662 : i32 to vector<16xi32>
      %gather3A_2664 = tpu.vector_load_idx %arg29[%broadcast_in_dim3A, %broadcast_in_dim3A_2663] : memref<32x128xf32, #tpu.memory_space<vmem>>[vector<16xi32>, vector<16xi32>], vector<16xf32>,
      %broadcast_in_dim3A_2665 = arith.constant 89 : i32
      %broadcast_in_dim3A_2666 = vector.broadcast %broadcast_in_dim3A_2665 : i32 to vector<16xi32>
      %gather3A_2667 = tpu.vector_load_idx %arg29[%broadcast_in_dim3A, %broadcast_in_dim3A_2666] : memref<32x128xf32, #tpu.memory_space<vmem>>[vector<16xi32>, vector<16xi32>], vector<16xf32>,
      %broadcast_in_dim3A_2668 = arith.constant 90 : i32
      %broadcast_in_dim3A_2669 = vector.broadcast %broadcast_in_dim3A_2668 : i32 to vector<16xi32>
      %gather3A_2670 = tpu.vector_load_idx %arg29[%broadcast_in_dim3A, %broadcast_in_dim3A_2669] : memref<32x128xf32, #tpu.memory_space<vmem>>[vector<16xi32>, vector<16xi32>], vector<16xf32>,
      %broadcast_in_dim3A_2671 = arith.constant 91 : i32
      %broadcast_in_dim3A_2672 = vector.broadcast %broadcast_in_dim3A_2671 : i32 to vector<16xi32>
      %gather3A_2673 = tpu.vector_load_idx %arg29[%broadcast_in_dim3A, %broadcast_in_dim3A_2672] : memref<32x128xf32, #tpu.memory_space<vmem>>[vector<16xi32>, vector<16xi32>], vector<16xf32>,
      %broadcast_in_dim3A_2674 = arith.constant 92 : i32
      %broadcast_in_dim3A_2675 = vector.broadcast %broadcast_in_dim3A_2674 : i32 to vector<16xi32>
      %gather3A_2676 = tpu.vector_load_idx %arg29[%broadcast_in_dim3A, %broadcast_in_dim3A_2675] : memref<32x128xf32, #tpu.memory_space<vmem>>[vector<16xi32>, vector<16xi32>], vector<16xf32>,
      %broadcast_in_dim3A_2677 = arith.constant 93 : i32
      %broadcast_in_dim3A_2678 = vector.broadcast %broadcast_in_dim3A_2677 : i32 to vector<16xi32>
      %gather3A_2679 = tpu.vector_load_idx %arg29[%broadcast_in_dim3A, %broadcast_in_dim3A_2678] : memref<32x128xf32, #tpu.memory_space<vmem>>[vector<16xi32>, vector<16xi32>], vector<16xf32>,
      %broadcast_in_dim3A_2680 = arith.constant 94 : i32
      %broadcast_in_dim3A_2681 = vector.broadcast %broadcast_in_dim3A_2680 : i32 to vector<16xi32>
      %gather3A_2682 = tpu.vector_load_idx %arg29[%broadcast_in_dim3A, %broadcast_in_dim3A_2681] : memref<32x128xf32, #tpu.memory_space<vmem>>[vector<16xi32>, vector<16xi32>], vector<16xf32>,
      %broadcast_in_dim3A_2683 = arith.constant 95 : i32
      %broadcast_in_dim3A_2684 = vector.broadcast %broadcast_in_dim3A_2683 : i32 to vector<16xi32>
      %gather3A_2685 = tpu.vector_load_idx %arg29[%broadcast_in_dim3A, %broadcast_in_dim3A_2684] : memref<32x128xf32, #tpu.memory_space<vmem>>[vector<16xi32>, vector<16xi32>], vector<16xf32>,
      %get3A_2686 = arith.constant 88 : i32
      %get3A_2687 = arith.index_cast %get3A_2686 : i32 to index
      %get3A_2688 = arith.constant 0 : index
      %get3A_2689 = tpu.vector_load %arg30[%get3A_2687, %get3A_2688] {strides = array<i32>} : memref<128x64xf32, #tpu.memory_space<vmem>>, vector<16xf32>,
      %mul3A_2690 = arith.mulf %gather3A_2664, %get3A_2689 : vector<16xf32>
      %get3A_2691 = arith.constant 89 : i32
      %get3A_2692 = arith.index_cast %get3A_2691 : i32 to index
      %get3A_2693 = arith.constant 0 : index
      %get3A_2694 = tpu.vector_load %arg30[%get3A_2692, %get3A_2693] {strides = array<i32>} : memref<128x64xf32, #tpu.memory_space<vmem>>, vector<16xf32>,
      %mul3A_2695 = arith.mulf %gather3A_2667, %get3A_2694 : vector<16xf32>
      %add3A_2696 = arith.addf %mul3A_2690, %mul3A_2695 : vector<16xf32>
      %get3A_2697 = arith.constant 90 : i32
      %get3A_2698 = arith.index_cast %get3A_2697 : i32 to index
      %get3A_2699 = arith.constant 0 : index
      %get3A_2700 = tpu.vector_load %arg30[%get3A_2698, %get3A_2699] {strides = array<i32>} : memref<128x64xf32, #tpu.memory_space<vmem>>, vector<16xf32>,
      %mul3A_2701 = arith.mulf %gather3A_2670, %get3A_2700 : vector<16xf32>
      %add3A_2702 = arith.addf %add3A_2696, %mul3A_2701 : vector<16xf32>
      %get3A_2703 = arith.constant 91 : i32
      %get3A_2704 = arith.index_cast %get3A_2703 : i32 to index
      %get3A_2705 = arith.constant 0 : index
      %get3A_2706 = tpu.vector_load %arg30[%get3A_2704, %get3A_2705] {strides = array<i32>} : memref<128x64xf32, #tpu.memory_space<vmem>>, vector<16xf32>,
      %mul3A_2707 = arith.mulf %gather3A_2673, %get3A_2706 : vector<16xf32>
      %add3A_2708 = arith.addf %add3A_2702, %mul3A_2707 : vector<16xf32>
      %get3A_2709 = arith.constant 92 : i32
      %get3A_2710 = arith.index_cast %get3A_2709 : i32 to index
      %get3A_2711 = arith.constant 0 : index
      %get3A_2712 = tpu.vector_load %arg30[%get3A_2710, %get3A_2711] {strides = array<i32>} : memref<128x64xf32, #tpu.memory_space<vmem>>, vector<16xf32>,
      %mul3A_2713 = arith.mulf %gather3A_2676, %get3A_2712 : vector<16xf32>
      %add3A_2714 = arith.addf %add3A_2708, %mul3A_2713 : vector<16xf32>
      %get3A_2715 = arith.constant 93 : i32
      %get3A_2716 = arith.index_cast %get3A_2715 : i32 to index
      %get3A_2717 = arith.constant 0 : index
      %get3A_2718 = tpu.vector_load %arg30[%get3A_2716, %get3A_2717] {strides = array<i32>} : memref<128x64xf32, #tpu.memory_space<vmem>>, vector<16xf32>,
      %mul3A_2719 = arith.mulf %gather3A_2679, %get3A_2718 : vector<16xf32>
      %add3A_2720 = arith.addf %add3A_2714, %mul3A_2719 : vector<16xf32>
      %get3A_2721 = arith.constant 94 : i32
      %get3A_2722 = arith.index_cast %get3A_2721 : i32 to index
      %get3A_2723 = arith.constant 0 : index
      %get3A_2724 = tpu.vector_load %arg30[%get3A_2722, %get3A_2723] {strides = array<i32>} : memref<128x64xf32, #tpu.memory_space<vmem>>, vector<16xf32>,
      %mul3A_2725 = arith.mulf %gather3A_2682, %get3A_2724 : vector<16xf32>
      %add3A_2726 = arith.addf %add3A_2720, %mul3A_2725 : vector<16xf32>
      %get3A_2727 = arith.constant 95 : i32
      %get3A_2728 = arith.index_cast %get3A_2727 : i32 to index
      %get3A_2729 = arith.constant 0 : index
      %get3A_2730 = tpu.vector_load %arg30[%get3A_2728, %get3A_2729] {strides = array<i32>} : memref<128x64xf32, #tpu.memory_space<vmem>>, vector<16xf32>,
      %mul3A_2731 = arith.mulf %gather3A_2685, %get3A_2730 : vector<16xf32>
      %add3A_2732 = arith.addf %add3A_2726, %mul3A_2731 : vector<16xf32>
      %mul3A_2733 = arith.constant 16 : i32
      %mul3A_2734 = arith.muli %scan3A_14, %mul3A_2733 : i32
      %add3A_2735 = arith.constant 11 : i32
      %add3A_2736 = arith.addi %mul3A_2734, %add3A_2735 : i32
      %swap3A_2737 = arith.index_cast %add3A_2736 : i32 to index
      %swap3A_2738 = arith.constant 0 : index
      %swap3A_2739 = tpu.vector_load %arg31[%swap3A_2737, %swap3A_2738] {strides = array<i32>} : memref<512x64xf32, #tpu.memory_space<vmem>>, vector<16xf32>,
      tpu.vector_store %arg31[%swap3A_2737, %swap3A_2738], %add3A_2732 {strides = array<i32>} : memref<512x64xf32, #tpu.memory_space<vmem>>, vector<16xf32>,
      %get3A_2740 = arith.constant 88 : i32
      %get3A_2741 = arith.index_cast %get3A_2740 : i32 to index
      %get3A_2742 = arith.constant 16 : index
      %get3A_2743 = tpu.vector_load %arg30[%get3A_2741, %get3A_2742] {strides = array<i32>} : memref<128x64xf32, #tpu.memory_space<vmem>>, vector<16xf32>,
      %mul3A_2744 = arith.mulf %gather3A_2664, %get3A_2743 : vector<16xf32>
      %get3A_2745 = arith.constant 89 : i32
      %get3A_2746 = arith.index_cast %get3A_2745 : i32 to index
      %get3A_2747 = arith.constant 16 : index
      %get3A_2748 = tpu.vector_load %arg30[%get3A_2746, %get3A_2747] {strides = array<i32>} : memref<128x64xf32, #tpu.memory_space<vmem>>, vector<16xf32>,
      %mul3A_2749 = arith.mulf %gather3A_2667, %get3A_2748 : vector<16xf32>
      %add3A_2750 = arith.addf %mul3A_2744, %mul3A_2749 : vector<16xf32>
      %get3A_2751 = arith.constant 90 : i32
      %get3A_2752 = arith.index_cast %get3A_2751 : i32 to index
      %get3A_2753 = arith.constant 16 : index
      %get3A_2754 = tpu.vector_load %arg30[%get3A_2752, %get3A_2753] {strides = array<i32>} : memref<128x64xf32, #tpu.memory_space<vmem>>, vector<16xf32>,
      %mul3A_2755 = arith.mulf %gather3A_2670, %get3A_2754 : vector<16xf32>
      %add3A_2756 = arith.addf %add3A_2750, %mul3A_2755 : vector<16xf32>
      %get3A_2757 = arith.constant 91 : i32
      %get3A_2758 = arith.index_cast %get3A_2757 : i32 to index
      %get3A_2759 = arith.constant 16 : index
      %get3A_2760 = tpu.vector_load %arg30[%get3A_2758, %get3A_2759] {strides = array<i32>} : memref<128x64xf32, #tpu.memory_space<vmem>>, vector<16xf32>,
      %mul3A_2761 = arith.mulf %gather3A_2673, %get3A_2760 : vector<16xf32>
      %add3A_2762 = arith.addf %add3A_2756, %mul3A_2761 : vector<16xf32>
      %get3A_2763 = arith.constant 92 : i32
      %get3A_2764 = arith.index_cast %get3A_2763 : i32 to index
      %get3A_2765 = arith.constant 16 : index
      %get3A_2766 = tpu.vector_load %arg30[%get3A_2764, %get3A_2765] {strides = array<i32>} : memref<128x64xf32, #tpu.memory_space<vmem>>, vector<16xf32>,
      %mul3A_2767 = arith.mulf %gather3A_2676, %get3A_2766 : vector<16xf32>
      %add3A_2768 = arith.addf %add3A_2762, %mul3A_2767 : vector<16xf32>
      %get3A_2769 = arith.constant 93 : i32
      %get3A_2770 = arith.index_cast %get3A_2769 : i32 to index
      %get3A_2771 = arith.constant 16 : index
      %get3A_2772 = tpu.vector_load %arg30[%get3A_2770, %get3A_2771] {strides = array<i32>} : memref<128x64xf32, #tpu.memory_space<vmem>>, vector<16xf32>,
      %mul3A_2773 = arith.mulf %gather3A_2679, %get3A_2772 : vector<16xf32>
      %add3A_2774 = arith.addf %add3A_2768, %mul3A_2773 : vector<16xf32>
      %get3A_2775 = arith.constant 94 : i32
      %get3A_2776 = arith.index_cast %get3A_2775 : i32 to index
      %get3A_2777 = arith.constant 16 : index
      %get3A_2778 = tpu.vector_load %arg30[%get3A_2776, %get3A_2777] {strides = array<i32>} : memref<128x64xf32, #tpu.memory_space<vmem>>, vector<16xf32>,
      %mul3A_2779 = arith.mulf %gather3A_2682, %get3A_2778 : vector<16xf32>
      %add3A_2780 = arith.addf %add3A_2774, %mul3A_2779 : vector<16xf32>
      %get3A_2781 = arith.constant 95 : i32
      %get3A_2782 = arith.index_cast %get3A_2781 : i32 to index
      %get3A_2783 = arith.constant 16 : index
      %get3A_2784 = tpu.vector_load %arg30[%get3A_2782, %get3A_2783] {strides = array<i32>} : memref<128x64xf32, #tpu.memory_space<vmem>>, vector<16xf32>,
      %mul3A_2785 = arith.mulf %gather3A_2685, %get3A_2784 : vector<16xf32>
      %add3A_2786 = arith.addf %add3A_2780, %mul3A_2785 : vector<16xf32>
      %mul3A_2787 = arith.constant 16 : i32
      %mul3A_2788 = arith.muli %scan3A_14, %mul3A_2787 : i32
      %add3A_2789 = arith.constant 11 : i32
      %add3A_2790 = arith.addi %mul3A_2788, %add3A_2789 : i32
      %swap3A_2791 = arith.index_cast %add3A_2790 : i32 to index
      %swap3A_2792 = arith.constant 16 : index
      %swap3A_2793 = tpu.vector_load %arg31[%swap3A_2791, %swap3A_2792] {strides = array<i32>} : memref<512x64xf32, #tpu.memory_space<vmem>>, vector<16xf32>,
      tpu.vector_store %arg31[%swap3A_2791, %swap3A_2792], %add3A_2786 {strides = array<i32>} : memref<512x64xf32, #tpu.memory_space<vmem>>, vector<16xf32>,
      %get3A_2794 = arith.constant 88 : i32
      %get3A_2795 = arith.index_cast %get3A_2794 : i32 to index
      %get3A_2796 = arith.constant 32 : index
      %get3A_2797 = tpu.vector_load %arg30[%get3A_2795, %get3A_2796] {strides = array<i32>} : memref<128x64xf32, #tpu.memory_space<vmem>>, vector<16xf32>,
      %mul3A_2798 = arith.mulf %gather3A_2664, %get3A_2797 : vector<16xf32>
      %get3A_2799 = arith.constant 89 : i32
      %get3A_2800 = arith.index_cast %get3A_2799 : i32 to index
      %get3A_2801 = arith.constant 32 : index
      %get3A_2802 = tpu.vector_load %arg30[%get3A_2800, %get3A_2801] {strides = array<i32>} : memref<128x64xf32, #tpu.memory_space<vmem>>, vector<16xf32>,
      %mul3A_2803 = arith.mulf %gather3A_2667, %get3A_2802 : vector<16xf32>
      %add3A_2804 = arith.addf %mul3A_2798, %mul3A_2803 : vector<16xf32>
      %get3A_2805 = arith.constant 90 : i32
      %get3A_2806 = arith.index_cast %get3A_2805 : i32 to index
      %get3A_2807 = arith.constant 32 : index
      %get3A_2808 = tpu.vector_load %arg30[%get3A_2806, %get3A_2807] {strides = array<i32>} : memref<128x64xf32, #tpu.memory_space<vmem>>, vector<16xf32>,
      %mul3A_2809 = arith.mulf %gather3A_2670, %get3A_2808 : vector<16xf32>
      %add3A_2810 = arith.addf %add3A_2804, %mul3A_2809 : vector<16xf32>
      %get3A_2811 = arith.constant 91 : i32
      %get3A_2812 = arith.index_cast %get3A_2811 : i32 to index
      %get3A_2813 = arith.constant 32 : index
      %get3A_2814 = tpu.vector_load %arg30[%get3A_2812, %get3A_2813] {strides = array<i32>} : memref<128x64xf32, #tpu.memory_space<vmem>>, vector<16xf32>,
      %mul3A_2815 = arith.mulf %gather3A_2673, %get3A_2814 : vector<16xf32>
      %add3A_2816 = arith.addf %add3A_2810, %mul3A_2815 : vector<16xf32>
      %get3A_2817 = arith.constant 92 : i32
      %get3A_2818 = arith.index_cast %get3A_2817 : i32 to index
      %get3A_2819 = arith.constant 32 : index
      %get3A_2820 = tpu.vector_load %arg30[%get3A_2818, %get3A_2819] {strides = array<i32>} : memref<128x64xf32, #tpu.memory_space<vmem>>, vector<16xf32>,
      %mul3A_2821 = arith.mulf %gather3A_2676, %get3A_2820 : vector<16xf32>
      %add3A_2822 = arith.addf %add3A_2816, %mul3A_2821 : vector<16xf32>
      %get3A_2823 = arith.constant 93 : i32
      %get3A_2824 = arith.index_cast %get3A_2823 : i32 to index
      %get3A_2825 = arith.constant 32 : index
      %get3A_2826 = tpu.vector_load %arg30[%get3A_2824, %get3A_2825] {strides = array<i32>} : memref<128x64xf32, #tpu.memory_space<vmem>>, vector<16xf32>,
      %mul3A_2827 = arith.mulf %gather3A_2679, %get3A_2826 : vector<16xf32>
      %add3A_2828 = arith.addf %add3A_2822, %mul3A_2827 : vector<16xf32>
      %get3A_2829 = arith.constant 94 : i32
      %get3A_2830 = arith.index_cast %get3A_2829 : i32 to index
      %get3A_2831 = arith.constant 32 : index
      %get3A_2832 = tpu.vector_load %arg30[%get3A_2830, %get3A_2831] {strides = array<i32>} : memref<128x64xf32, #tpu.memory_space<vmem>>, vector<16xf32>,
      %mul3A_2833 = arith.mulf %gather3A_2682, %get3A_2832 : vector<16xf32>
      %add3A_2834 = arith.addf %add3A_2828, %mul3A_2833 : vector<16xf32>
      %get3A_2835 = arith.constant 95 : i32
      %get3A_2836 = arith.index_cast %get3A_2835 : i32 to index
      %get3A_2837 = arith.constant 32 : index
      %get3A_2838 = tpu.vector_load %arg30[%get3A_2836, %get3A_2837] {strides = array<i32>} : memref<128x64xf32, #tpu.memory_space<vmem>>, vector<16xf32>,
      %mul3A_2839 = arith.mulf %gather3A_2685, %get3A_2838 : vector<16xf32>
      %add3A_2840 = arith.addf %add3A_2834, %mul3A_2839 : vector<16xf32>
      %mul3A_2841 = arith.constant 16 : i32
      %mul3A_2842 = arith.muli %scan3A_14, %mul3A_2841 : i32
      %add3A_2843 = arith.constant 11 : i32
      %add3A_2844 = arith.addi %mul3A_2842, %add3A_2843 : i32
      %swap3A_2845 = arith.index_cast %add3A_2844 : i32 to index
      %swap3A_2846 = arith.constant 32 : index
      %swap3A_2847 = tpu.vector_load %arg31[%swap3A_2845, %swap3A_2846] {strides = array<i32>} : memref<512x64xf32, #tpu.memory_space<vmem>>, vector<16xf32>,
      tpu.vector_store %arg31[%swap3A_2845, %swap3A_2846], %add3A_2840 {strides = array<i32>} : memref<512x64xf32, #tpu.memory_space<vmem>>, vector<16xf32>,
      %get3A_2848 = arith.constant 88 : i32
      %get3A_2849 = arith.index_cast %get3A_2848 : i32 to index
      %get3A_2850 = arith.constant 48 : index
      %get3A_2851 = tpu.vector_load %arg30[%get3A_2849, %get3A_2850] {strides = array<i32>} : memref<128x64xf32, #tpu.memory_space<vmem>>, vector<16xf32>,
      %mul3A_2852 = arith.mulf %gather3A_2664, %get3A_2851 : vector<16xf32>
      %get3A_2853 = arith.constant 89 : i32
      %get3A_2854 = arith.index_cast %get3A_2853 : i32 to index
      %get3A_2855 = arith.constant 48 : index
      %get3A_2856 = tpu.vector_load %arg30[%get3A_2854, %get3A_2855] {strides = array<i32>} : memref<128x64xf32, #tpu.memory_space<vmem>>, vector<16xf32>,
      %mul3A_2857 = arith.mulf %gather3A_2667, %get3A_2856 : vector<16xf32>
      %add3A_2858 = arith.addf %mul3A_2852, %mul3A_2857 : vector<16xf32>
      %get3A_2859 = arith.constant 90 : i32
      %get3A_2860 = arith.index_cast %get3A_2859 : i32 to index
      %get3A_2861 = arith.constant 48 : index
      %get3A_2862 = tpu.vector_load %arg30[%get3A_2860, %get3A_2861] {strides = array<i32>} : memref<128x64xf32, #tpu.memory_space<vmem>>, vector<16xf32>,
      %mul3A_2863 = arith.mulf %gather3A_2670, %get3A_2862 : vector<16xf32>
      %add3A_2864 = arith.addf %add3A_2858, %mul3A_2863 : vector<16xf32>
      %get3A_2865 = arith.constant 91 : i32
      %get3A_2866 = arith.index_cast %get3A_2865 : i32 to index
      %get3A_2867 = arith.constant 48 : index
      %get3A_2868 = tpu.vector_load %arg30[%get3A_2866, %get3A_2867] {strides = array<i32>} : memref<128x64xf32, #tpu.memory_space<vmem>>, vector<16xf32>,
      %mul3A_2869 = arith.mulf %gather3A_2673, %get3A_2868 : vector<16xf32>
      %add3A_2870 = arith.addf %add3A_2864, %mul3A_2869 : vector<16xf32>
      %get3A_2871 = arith.constant 92 : i32
      %get3A_2872 = arith.index_cast %get3A_2871 : i32 to index
      %get3A_2873 = arith.constant 48 : index
      %get3A_2874 = tpu.vector_load %arg30[%get3A_2872, %get3A_2873] {strides = array<i32>} : memref<128x64xf32, #tpu.memory_space<vmem>>, vector<16xf32>,
      %mul3A_2875 = arith.mulf %gather3A_2676, %get3A_2874 : vector<16xf32>
      %add3A_2876 = arith.addf %add3A_2870, %mul3A_2875 : vector<16xf32>
      %get3A_2877 = arith.constant 93 : i32
      %get3A_2878 = arith.index_cast %get3A_2877 : i32 to index
      %get3A_2879 = arith.constant 48 : index
      %get3A_2880 = tpu.vector_load %arg30[%get3A_2878, %get3A_2879] {strides = array<i32>} : memref<128x64xf32, #tpu.memory_space<vmem>>, vector<16xf32>,
      %mul3A_2881 = arith.mulf %gather3A_2679, %get3A_2880 : vector<16xf32>
      %add3A_2882 = arith.addf %add3A_2876, %mul3A_2881 : vector<16xf32>
      %get3A_2883 = arith.constant 94 : i32
      %get3A_2884 = arith.index_cast %get3A_2883 : i32 to index
      %get3A_2885 = arith.constant 48 : index
      %get3A_2886 = tpu.vector_load %arg30[%get3A_2884, %get3A_2885] {strides = array<i32>} : memref<128x64xf32, #tpu.memory_space<vmem>>, vector<16xf32>,
      %mul3A_2887 = arith.mulf %gather3A_2682, %get3A_2886 : vector<16xf32>
      %add3A_2888 = arith.addf %add3A_2882, %mul3A_2887 : vector<16xf32>
      %get3A_2889 = arith.constant 95 : i32
      %get3A_2890 = arith.index_cast %get3A_2889 : i32 to index
      %get3A_2891 = arith.constant 48 : index
      %get3A_2892 = tpu.vector_load %arg30[%get3A_2890, %get3A_2891] {strides = array<i32>} : memref<128x64xf32, #tpu.memory_space<vmem>>, vector<16xf32>,
      %mul3A_2893 = arith.mulf %gather3A_2685, %get3A_2892 : vector<16xf32>
      %add3A_2894 = arith.addf %add3A_2888, %mul3A_2893 : vector<16xf32>
      %mul3A_2895 = arith.constant 16 : i32
      %mul3A_2896 = arith.muli %scan3A_14, %mul3A_2895 : i32
      %add3A_2897 = arith.constant 11 : i32
      %add3A_2898 = arith.addi %mul3A_2896, %add3A_2897 : i32
      %swap3A_2899 = arith.index_cast %add3A_2898 : i32 to index
      %swap3A_2900 = arith.constant 48 : index
      %swap3A_2901 = tpu.vector_load %arg31[%swap3A_2899, %swap3A_2900] {strides = array<i32>} : memref<512x64xf32, #tpu.memory_space<vmem>>, vector<16xf32>,
      tpu.vector_store %arg31[%swap3A_2899, %swap3A_2900], %add3A_2894 {strides = array<i32>} : memref<512x64xf32, #tpu.memory_space<vmem>>, vector<16xf32>,
      %broadcast_in_dim3A_2902 = arith.constant 96 : i32
      %broadcast_in_dim3A_2903 = vector.broadcast %broadcast_in_dim3A_2902 : i32 to vector<16xi32>
      %gather3A_2904 = tpu.vector_load_idx %arg29[%broadcast_in_dim3A, %broadcast_in_dim3A_2903] : memref<32x128xf32, #tpu.memory_space<vmem>>[vector<16xi32>, vector<16xi32>], vector<16xf32>,
      %broadcast_in_dim3A_2905 = arith.constant 97 : i32
      %broadcast_in_dim3A_2906 = vector.broadcast %broadcast_in_dim3A_2905 : i32 to vector<16xi32>
      %gather3A_2907 = tpu.vector_load_idx %arg29[%broadcast_in_dim3A, %broadcast_in_dim3A_2906] : memref<32x128xf32, #tpu.memory_space<vmem>>[vector<16xi32>, vector<16xi32>], vector<16xf32>,
      %broadcast_in_dim3A_2908 = arith.constant 98 : i32
      %broadcast_in_dim3A_2909 = vector.broadcast %broadcast_in_dim3A_2908 : i32 to vector<16xi32>
      %gather3A_2910 = tpu.vector_load_idx %arg29[%broadcast_in_dim3A, %broadcast_in_dim3A_2909] : memref<32x128xf32, #tpu.memory_space<vmem>>[vector<16xi32>, vector<16xi32>], vector<16xf32>,
      %broadcast_in_dim3A_2911 = arith.constant 99 : i32
      %broadcast_in_dim3A_2912 = vector.broadcast %broadcast_in_dim3A_2911 : i32 to vector<16xi32>
      %gather3A_2913 = tpu.vector_load_idx %arg29[%broadcast_in_dim3A, %broadcast_in_dim3A_2912] : memref<32x128xf32, #tpu.memory_space<vmem>>[vector<16xi32>, vector<16xi32>], vector<16xf32>,
      %broadcast_in_dim3A_2914 = arith.constant 100 : i32
      %broadcast_in_dim3A_2915 = vector.broadcast %broadcast_in_dim3A_2914 : i32 to vector<16xi32>
      %gather3A_2916 = tpu.vector_load_idx %arg29[%broadcast_in_dim3A, %broadcast_in_dim3A_2915] : memref<32x128xf32, #tpu.memory_space<vmem>>[vector<16xi32>, vector<16xi32>], vector<16xf32>,
      %broadcast_in_dim3A_2917 = arith.constant 101 : i32
      %broadcast_in_dim3A_2918 = vector.broadcast %broadcast_in_dim3A_2917 : i32 to vector<16xi32>
      %gather3A_2919 = tpu.vector_load_idx %arg29[%broadcast_in_dim3A, %broadcast_in_dim3A_2918] : memref<32x128xf32, #tpu.memory_space<vmem>>[vector<16xi32>, vector<16xi32>], vector<16xf32>,
      %broadcast_in_dim3A_2920 = arith.constant 102 : i32
      %broadcast_in_dim3A_2921 = vector.broadcast %broadcast_in_dim3A_2920 : i32 to vector<16xi32>
      %gather3A_2922 = tpu.vector_load_idx %arg29[%broadcast_in_dim3A, %broadcast_in_dim3A_2921] : memref<32x128xf32, #tpu.memory_space<vmem>>[vector<16xi32>, vector<16xi32>], vector<16xf32>,
      %broadcast_in_dim3A_2923 = arith.constant 103 : i32
      %broadcast_in_dim3A_2924 = vector.broadcast %broadcast_in_dim3A_2923 : i32 to vector<16xi32>
      %gather3A_2925 = tpu.vector_load_idx %arg29[%broadcast_in_dim3A, %broadcast_in_dim3A_2924] : memref<32x128xf32, #tpu.memory_space<vmem>>[vector<16xi32>, vector<16xi32>], vector<16xf32>,
      %get3A_2926 = arith.constant 96 : i32
      %get3A_2927 = arith.index_cast %get3A_2926 : i32 to index
      %get3A_2928 = arith.constant 0 : index
      %get3A_2929 = tpu.vector_load %arg30[%get3A_2927, %get3A_2928] {strides = array<i32>} : memref<128x64xf32, #tpu.memory_space<vmem>>, vector<16xf32>,
      %mul3A_2930 = arith.mulf %gather3A_2904, %get3A_2929 : vector<16xf32>
      %get3A_2931 = arith.constant 97 : i32
      %get3A_2932 = arith.index_cast %get3A_2931 : i32 to index
      %get3A_2933 = arith.constant 0 : index
      %get3A_2934 = tpu.vector_load %arg30[%get3A_2932, %get3A_2933] {strides = array<i32>} : memref<128x64xf32, #tpu.memory_space<vmem>>, vector<16xf32>,
      %mul3A_2935 = arith.mulf %gather3A_2907, %get3A_2934 : vector<16xf32>
      %add3A_2936 = arith.addf %mul3A_2930, %mul3A_2935 : vector<16xf32>
      %get3A_2937 = arith.constant 98 : i32
      %get3A_2938 = arith.index_cast %get3A_2937 : i32 to index
      %get3A_2939 = arith.constant 0 : index
      %get3A_2940 = tpu.vector_load %arg30[%get3A_2938, %get3A_2939] {strides = array<i32>} : memref<128x64xf32, #tpu.memory_space<vmem>>, vector<16xf32>,
      %mul3A_2941 = arith.mulf %gather3A_2910, %get3A_2940 : vector<16xf32>
      %add3A_2942 = arith.addf %add3A_2936, %mul3A_2941 : vector<16xf32>
      %get3A_2943 = arith.constant 99 : i32
      %get3A_2944 = arith.index_cast %get3A_2943 : i32 to index
      %get3A_2945 = arith.constant 0 : index
      %get3A_2946 = tpu.vector_load %arg30[%get3A_2944, %get3A_2945] {strides = array<i32>} : memref<128x64xf32, #tpu.memory_space<vmem>>, vector<16xf32>,
      %mul3A_2947 = arith.mulf %gather3A_2913, %get3A_2946 : vector<16xf32>
      %add3A_2948 = arith.addf %add3A_2942, %mul3A_2947 : vector<16xf32>
      %get3A_2949 = arith.constant 100 : i32
      %get3A_2950 = arith.index_cast %get3A_2949 : i32 to index
      %get3A_2951 = arith.constant 0 : index
      %get3A_2952 = tpu.vector_load %arg30[%get3A_2950, %get3A_2951] {strides = array<i32>} : memref<128x64xf32, #tpu.memory_space<vmem>>, vector<16xf32>,
      %mul3A_2953 = arith.mulf %gather3A_2916, %get3A_2952 : vector<16xf32>
      %add3A_2954 = arith.addf %add3A_2948, %mul3A_2953 : vector<16xf32>
      %get3A_2955 = arith.constant 101 : i32
      %get3A_2956 = arith.index_cast %get3A_2955 : i32 to index
      %get3A_2957 = arith.constant 0 : index
      %get3A_2958 = tpu.vector_load %arg30[%get3A_2956, %get3A_2957] {strides = array<i32>} : memref<128x64xf32, #tpu.memory_space<vmem>>, vector<16xf32>,
      %mul3A_2959 = arith.mulf %gather3A_2919, %get3A_2958 : vector<16xf32>
      %add3A_2960 = arith.addf %add3A_2954, %mul3A_2959 : vector<16xf32>
      %get3A_2961 = arith.constant 102 : i32
      %get3A_2962 = arith.index_cast %get3A_2961 : i32 to index
      %get3A_2963 = arith.constant 0 : index
      %get3A_2964 = tpu.vector_load %arg30[%get3A_2962, %get3A_2963] {strides = array<i32>} : memref<128x64xf32, #tpu.memory_space<vmem>>, vector<16xf32>,
      %mul3A_2965 = arith.mulf %gather3A_2922, %get3A_2964 : vector<16xf32>
      %add3A_2966 = arith.addf %add3A_2960, %mul3A_2965 : vector<16xf32>
      %get3A_2967 = arith.constant 103 : i32
      %get3A_2968 = arith.index_cast %get3A_2967 : i32 to index
      %get3A_2969 = arith.constant 0 : index
      %get3A_2970 = tpu.vector_load %arg30[%get3A_2968, %get3A_2969] {strides = array<i32>} : memref<128x64xf32, #tpu.memory_space<vmem>>, vector<16xf32>,
      %mul3A_2971 = arith.mulf %gather3A_2925, %get3A_2970 : vector<16xf32>
      %add3A_2972 = arith.addf %add3A_2966, %mul3A_2971 : vector<16xf32>
      %mul3A_2973 = arith.constant 16 : i32
      %mul3A_2974 = arith.muli %scan3A_14, %mul3A_2973 : i32
      %add3A_2975 = arith.constant 12 : i32
      %add3A_2976 = arith.addi %mul3A_2974, %add3A_2975 : i32
      %swap3A_2977 = arith.index_cast %add3A_2976 : i32 to index
      %swap3A_2978 = arith.constant 0 : index
      %swap3A_2979 = tpu.vector_load %arg31[%swap3A_2977, %swap3A_2978] {strides = array<i32>} : memref<512x64xf32, #tpu.memory_space<vmem>>, vector<16xf32>,
      tpu.vector_store %arg31[%swap3A_2977, %swap3A_2978], %add3A_2972 {strides = array<i32>} : memref<512x64xf32, #tpu.memory_space<vmem>>, vector<16xf32>,
      %get3A_2980 = arith.constant 96 : i32
      %get3A_2981 = arith.index_cast %get3A_2980 : i32 to index
      %get3A_2982 = arith.constant 16 : index
      %get3A_2983 = tpu.vector_load %arg30[%get3A_2981, %get3A_2982] {strides = array<i32>} : memref<128x64xf32, #tpu.memory_space<vmem>>, vector<16xf32>,
      %mul3A_2984 = arith.mulf %gather3A_2904, %get3A_2983 : vector<16xf32>
      %get3A_2985 = arith.constant 97 : i32
      %get3A_2986 = arith.index_cast %get3A_2985 : i32 to index
      %get3A_2987 = arith.constant 16 : index
      %get3A_2988 = tpu.vector_load %arg30[%get3A_2986, %get3A_2987] {strides = array<i32>} : memref<128x64xf32, #tpu.memory_space<vmem>>, vector<16xf32>,
      %mul3A_2989 = arith.mulf %gather3A_2907, %get3A_2988 : vector<16xf32>
      %add3A_2990 = arith.addf %mul3A_2984, %mul3A_2989 : vector<16xf32>
      %get3A_2991 = arith.constant 98 : i32
      %get3A_2992 = arith.index_cast %get3A_2991 : i32 to index
      %get3A_2993 = arith.constant 16 : index
      %get3A_2994 = tpu.vector_load %arg30[%get3A_2992, %get3A_2993] {strides = array<i32>} : memref<128x64xf32, #tpu.memory_space<vmem>>, vector<16xf32>,
      %mul3A_2995 = arith.mulf %gather3A_2910, %get3A_2994 : vector<16xf32>
      %add3A_2996 = arith.addf %add3A_2990, %mul3A_2995 : vector<16xf32>
      %get3A_2997 = arith.constant 99 : i32
      %get3A_2998 = arith.index_cast %get3A_2997 : i32 to index
      %get3A_2999 = arith.constant 16 : index
      %get3A_3000 = tpu.vector_load %arg30[%get3A_2998, %get3A_2999] {strides = array<i32>} : memref<128x64xf32, #tpu.memory_space<vmem>>, vector<16xf32>,
      %mul3A_3001 = arith.mulf %gather3A_2913, %get3A_3000 : vector<16xf32>
      %add3A_3002 = arith.addf %add3A_2996, %mul3A_3001 : vector<16xf32>
      %get3A_3003 = arith.constant 100 : i32
      %get3A_3004 = arith.index_cast %get3A_3003 : i32 to index
      %get3A_3005 = arith.constant 16 : index
      %get3A_3006 = tpu.vector_load %arg30[%get3A_3004, %get3A_3005] {strides = array<i32>} : memref<128x64xf32, #tpu.memory_space<vmem>>, vector<16xf32>,
      %mul3A_3007 = arith.mulf %gather3A_2916, %get3A_3006 : vector<16xf32>
      %add3A_3008 = arith.addf %add3A_3002, %mul3A_3007 : vector<16xf32>
      %get3A_3009 = arith.constant 101 : i32
      %get3A_3010 = arith.index_cast %get3A_3009 : i32 to index
      %get3A_3011 = arith.constant 16 : index
      %get3A_3012 = tpu.vector_load %arg30[%get3A_3010, %get3A_3011] {strides = array<i32>} : memref<128x64xf32, #tpu.memory_space<vmem>>, vector<16xf32>,
      %mul3A_3013 = arith.mulf %gather3A_2919, %get3A_3012 : vector<16xf32>
      %add3A_3014 = arith.addf %add3A_3008, %mul3A_3013 : vector<16xf32>
      %get3A_3015 = arith.constant 102 : i32
      %get3A_3016 = arith.index_cast %get3A_3015 : i32 to index
      %get3A_3017 = arith.constant 16 : index
      %get3A_3018 = tpu.vector_load %arg30[%get3A_3016, %get3A_3017] {strides = array<i32>} : memref<128x64xf32, #tpu.memory_space<vmem>>, vector<16xf32>,
      %mul3A_3019 = arith.mulf %gather3A_2922, %get3A_3018 : vector<16xf32>
      %add3A_3020 = arith.addf %add3A_3014, %mul3A_3019 : vector<16xf32>
      %get3A_3021 = arith.constant 103 : i32
      %get3A_3022 = arith.index_cast %get3A_3021 : i32 to index
      %get3A_3023 = arith.constant 16 : index
      %get3A_3024 = tpu.vector_load %arg30[%get3A_3022, %get3A_3023] {strides = array<i32>} : memref<128x64xf32, #tpu.memory_space<vmem>>, vector<16xf32>,
      %mul3A_3025 = arith.mulf %gather3A_2925, %get3A_3024 : vector<16xf32>
      %add3A_3026 = arith.addf %add3A_3020, %mul3A_3025 : vector<16xf32>
      %mul3A_3027 = arith.constant 16 : i32
      %mul3A_3028 = arith.muli %scan3A_14, %mul3A_3027 : i32
      %add3A_3029 = arith.constant 12 : i32
      %add3A_3030 = arith.addi %mul3A_3028, %add3A_3029 : i32
      %swap3A_3031 = arith.index_cast %add3A_3030 : i32 to index
      %swap3A_3032 = arith.constant 16 : index
      %swap3A_3033 = tpu.vector_load %arg31[%swap3A_3031, %swap3A_3032] {strides = array<i32>} : memref<512x64xf32, #tpu.memory_space<vmem>>, vector<16xf32>,
      tpu.vector_store %arg31[%swap3A_3031, %swap3A_3032], %add3A_3026 {strides = array<i32>} : memref<512x64xf32, #tpu.memory_space<vmem>>, vector<16xf32>,
      %get3A_3034 = arith.constant 96 : i32
      %get3A_3035 = arith.index_cast %get3A_3034 : i32 to index
      %get3A_3036 = arith.constant 32 : index
      %get3A_3037 = tpu.vector_load %arg30[%get3A_3035, %get3A_3036] {strides = array<i32>} : memref<128x64xf32, #tpu.memory_space<vmem>>, vector<16xf32>,
      %mul3A_3038 = arith.mulf %gather3A_2904, %get3A_3037 : vector<16xf32>
      %get3A_3039 = arith.constant 97 : i32
      %get3A_3040 = arith.index_cast %get3A_3039 : i32 to index
      %get3A_3041 = arith.constant 32 : index
      %get3A_3042 = tpu.vector_load %arg30[%get3A_3040, %get3A_3041] {strides = array<i32>} : memref<128x64xf32, #tpu.memory_space<vmem>>, vector<16xf32>,
      %mul3A_3043 = arith.mulf %gather3A_2907, %get3A_3042 : vector<16xf32>
      %add3A_3044 = arith.addf %mul3A_3038, %mul3A_3043 : vector<16xf32>
      %get3A_3045 = arith.constant 98 : i32
      %get3A_3046 = arith.index_cast %get3A_3045 : i32 to index
      %get3A_3047 = arith.constant 32 : index
      %get3A_3048 = tpu.vector_load %arg30[%get3A_3046, %get3A_3047] {strides = array<i32>} : memref<128x64xf32, #tpu.memory_space<vmem>>, vector<16xf32>,
      %mul3A_3049 = arith.mulf %gather3A_2910, %get3A_3048 : vector<16xf32>
      %add3A_3050 = arith.addf %add3A_3044, %mul3A_3049 : vector<16xf32>
      %get3A_3051 = arith.constant 99 : i32
      %get3A_3052 = arith.index_cast %get3A_3051 : i32 to index
      %get3A_3053 = arith.constant 32 : index
      %get3A_3054 = tpu.vector_load %arg30[%get3A_3052, %get3A_3053] {strides = array<i32>} : memref<128x64xf32, #tpu.memory_space<vmem>>, vector<16xf32>,
      %mul3A_3055 = arith.mulf %gather3A_2913, %get3A_3054 : vector<16xf32>
      %add3A_3056 = arith.addf %add3A_3050, %mul3A_3055 : vector<16xf32>
      %get3A_3057 = arith.constant 100 : i32
      %get3A_3058 = arith.index_cast %get3A_3057 : i32 to index
      %get3A_3059 = arith.constant 32 : index
      %get3A_3060 = tpu.vector_load %arg30[%get3A_3058, %get3A_3059] {strides = array<i32>} : memref<128x64xf32, #tpu.memory_space<vmem>>, vector<16xf32>,
      %mul3A_3061 = arith.mulf %gather3A_2916, %get3A_3060 : vector<16xf32>
      %add3A_3062 = arith.addf %add3A_3056, %mul3A_3061 : vector<16xf32>
      %get3A_3063 = arith.constant 101 : i32
      %get3A_3064 = arith.index_cast %get3A_3063 : i32 to index
      %get3A_3065 = arith.constant 32 : index
      %get3A_3066 = tpu.vector_load %arg30[%get3A_3064, %get3A_3065] {strides = array<i32>} : memref<128x64xf32, #tpu.memory_space<vmem>>, vector<16xf32>,
      %mul3A_3067 = arith.mulf %gather3A_2919, %get3A_3066 : vector<16xf32>
      %add3A_3068 = arith.addf %add3A_3062, %mul3A_3067 : vector<16xf32>
      %get3A_3069 = arith.constant 102 : i32
      %get3A_3070 = arith.index_cast %get3A_3069 : i32 to index
      %get3A_3071 = arith.constant 32 : index
      %get3A_3072 = tpu.vector_load %arg30[%get3A_3070, %get3A_3071] {strides = array<i32>} : memref<128x64xf32, #tpu.memory_space<vmem>>, vector<16xf32>,
      %mul3A_3073 = arith.mulf %gather3A_2922, %get3A_3072 : vector<16xf32>
      %add3A_3074 = arith.addf %add3A_3068, %mul3A_3073 : vector<16xf32>
      %get3A_3075 = arith.constant 103 : i32
      %get3A_3076 = arith.index_cast %get3A_3075 : i32 to index
      %get3A_3077 = arith.constant 32 : index
      %get3A_3078 = tpu.vector_load %arg30[%get3A_3076, %get3A_3077] {strides = array<i32>} : memref<128x64xf32, #tpu.memory_space<vmem>>, vector<16xf32>,
      %mul3A_3079 = arith.mulf %gather3A_2925, %get3A_3078 : vector<16xf32>
      %add3A_3080 = arith.addf %add3A_3074, %mul3A_3079 : vector<16xf32>
      %mul3A_3081 = arith.constant 16 : i32
      %mul3A_3082 = arith.muli %scan3A_14, %mul3A_3081 : i32
      %add3A_3083 = arith.constant 12 : i32
      %add3A_3084 = arith.addi %mul3A_3082, %add3A_3083 : i32
      %swap3A_3085 = arith.index_cast %add3A_3084 : i32 to index
      %swap3A_3086 = arith.constant 32 : index
      %swap3A_3087 = tpu.vector_load %arg31[%swap3A_3085, %swap3A_3086] {strides = array<i32>} : memref<512x64xf32, #tpu.memory_space<vmem>>, vector<16xf32>,
      tpu.vector_store %arg31[%swap3A_3085, %swap3A_3086], %add3A_3080 {strides = array<i32>} : memref<512x64xf32, #tpu.memory_space<vmem>>, vector<16xf32>,
      %get3A_3088 = arith.constant 96 : i32
      %get3A_3089 = arith.index_cast %get3A_3088 : i32 to index
      %get3A_3090 = arith.constant 48 : index
      %get3A_3091 = tpu.vector_load %arg30[%get3A_3089, %get3A_3090] {strides = array<i32>} : memref<128x64xf32, #tpu.memory_space<vmem>>, vector<16xf32>,
      %mul3A_3092 = arith.mulf %gather3A_2904, %get3A_3091 : vector<16xf32>
      %get3A_3093 = arith.constant 97 : i32
      %get3A_3094 = arith.index_cast %get3A_3093 : i32 to index
      %get3A_3095 = arith.constant 48 : index
      %get3A_3096 = tpu.vector_load %arg30[%get3A_3094, %get3A_3095] {strides = array<i32>} : memref<128x64xf32, #tpu.memory_space<vmem>>, vector<16xf32>,
      %mul3A_3097 = arith.mulf %gather3A_2907, %get3A_3096 : vector<16xf32>
      %add3A_3098 = arith.addf %mul3A_3092, %mul3A_3097 : vector<16xf32>
      %get3A_3099 = arith.constant 98 : i32
      %get3A_3100 = arith.index_cast %get3A_3099 : i32 to index
      %get3A_3101 = arith.constant 48 : index
      %get3A_3102 = tpu.vector_load %arg30[%get3A_3100, %get3A_3101] {strides = array<i32>} : memref<128x64xf32, #tpu.memory_space<vmem>>, vector<16xf32>,
      %mul3A_3103 = arith.mulf %gather3A_2910, %get3A_3102 : vector<16xf32>
      %add3A_3104 = arith.addf %add3A_3098, %mul3A_3103 : vector<16xf32>
      %get3A_3105 = arith.constant 99 : i32
      %get3A_3106 = arith.index_cast %get3A_3105 : i32 to index
      %get3A_3107 = arith.constant 48 : index
      %get3A_3108 = tpu.vector_load %arg30[%get3A_3106, %get3A_3107] {strides = array<i32>} : memref<128x64xf32, #tpu.memory_space<vmem>>, vector<16xf32>,
      %mul3A_3109 = arith.mulf %gather3A_2913, %get3A_3108 : vector<16xf32>
      %add3A_3110 = arith.addf %add3A_3104, %mul3A_3109 : vector<16xf32>
      %get3A_3111 = arith.constant 100 : i32
      %get3A_3112 = arith.index_cast %get3A_3111 : i32 to index
      %get3A_3113 = arith.constant 48 : index
      %get3A_3114 = tpu.vector_load %arg30[%get3A_3112, %get3A_3113] {strides = array<i32>} : memref<128x64xf32, #tpu.memory_space<vmem>>, vector<16xf32>,
      %mul3A_3115 = arith.mulf %gather3A_2916, %get3A_3114 : vector<16xf32>
      %add3A_3116 = arith.addf %add3A_3110, %mul3A_3115 : vector<16xf32>
      %get3A_3117 = arith.constant 101 : i32
      %get3A_3118 = arith.index_cast %get3A_3117 : i32 to index
      %get3A_3119 = arith.constant 48 : index
      %get3A_3120 = tpu.vector_load %arg30[%get3A_3118, %get3A_3119] {strides = array<i32>} : memref<128x64xf32, #tpu.memory_space<vmem>>, vector<16xf32>,
      %mul3A_3121 = arith.mulf %gather3A_2919, %get3A_3120 : vector<16xf32>
      %add3A_3122 = arith.addf %add3A_3116, %mul3A_3121 : vector<16xf32>
      %get3A_3123 = arith.constant 102 : i32
      %get3A_3124 = arith.index_cast %get3A_3123 : i32 to index
      %get3A_3125 = arith.constant 48 : index
      %get3A_3126 = tpu.vector_load %arg30[%get3A_3124, %get3A_3125] {strides = array<i32>} : memref<128x64xf32, #tpu.memory_space<vmem>>, vector<16xf32>,
      %mul3A_3127 = arith.mulf %gather3A_2922, %get3A_3126 : vector<16xf32>
      %add3A_3128 = arith.addf %add3A_3122, %mul3A_3127 : vector<16xf32>
      %get3A_3129 = arith.constant 103 : i32
      %get3A_3130 = arith.index_cast %get3A_3129 : i32 to index
      %get3A_3131 = arith.constant 48 : index
      %get3A_3132 = tpu.vector_load %arg30[%get3A_3130, %get3A_3131] {strides = array<i32>} : memref<128x64xf32, #tpu.memory_space<vmem>>, vector<16xf32>,
      %mul3A_3133 = arith.mulf %gather3A_2925, %get3A_3132 : vector<16xf32>
      %add3A_3134 = arith.addf %add3A_3128, %mul3A_3133 : vector<16xf32>
      %mul3A_3135 = arith.constant 16 : i32
      %mul3A_3136 = arith.muli %scan3A_14, %mul3A_3135 : i32
      %add3A_3137 = arith.constant 12 : i32
      %add3A_3138 = arith.addi %mul3A_3136, %add3A_3137 : i32
      %swap3A_3139 = arith.index_cast %add3A_3138 : i32 to index
      %swap3A_3140 = arith.constant 48 : index
      %swap3A_3141 = tpu.vector_load %arg31[%swap3A_3139, %swap3A_3140] {strides = array<i32>} : memref<512x64xf32, #tpu.memory_space<vmem>>, vector<16xf32>,
      tpu.vector_store %arg31[%swap3A_3139, %swap3A_3140], %add3A_3134 {strides = array<i32>} : memref<512x64xf32, #tpu.memory_space<vmem>>, vector<16xf32>,
      %broadcast_in_dim3A_3142 = arith.constant 104 : i32
      %broadcast_in_dim3A_3143 = vector.broadcast %broadcast_in_dim3A_3142 : i32 to vector<16xi32>
      %gather3A_3144 = tpu.vector_load_idx %arg29[%broadcast_in_dim3A, %broadcast_in_dim3A_3143] : memref<32x128xf32, #tpu.memory_space<vmem>>[vector<16xi32>, vector<16xi32>], vector<16xf32>,
      %broadcast_in_dim3A_3145 = arith.constant 105 : i32
      %broadcast_in_dim3A_3146 = vector.broadcast %broadcast_in_dim3A_3145 : i32 to vector<16xi32>
      %gather3A_3147 = tpu.vector_load_idx %arg29[%broadcast_in_dim3A, %broadcast_in_dim3A_3146] : memref<32x128xf32, #tpu.memory_space<vmem>>[vector<16xi32>, vector<16xi32>], vector<16xf32>,
      %broadcast_in_dim3A_3148 = arith.constant 106 : i32
      %broadcast_in_dim3A_3149 = vector.broadcast %broadcast_in_dim3A_3148 : i32 to vector<16xi32>
      %gather3A_3150 = tpu.vector_load_idx %arg29[%broadcast_in_dim3A, %broadcast_in_dim3A_3149] : memref<32x128xf32, #tpu.memory_space<vmem>>[vector<16xi32>, vector<16xi32>], vector<16xf32>,
      %broadcast_in_dim3A_3151 = arith.constant 107 : i32
      %broadcast_in_dim3A_3152 = vector.broadcast %broadcast_in_dim3A_3151 : i32 to vector<16xi32>
      %gather3A_3153 = tpu.vector_load_idx %arg29[%broadcast_in_dim3A, %broadcast_in_dim3A_3152] : memref<32x128xf32, #tpu.memory_space<vmem>>[vector<16xi32>, vector<16xi32>], vector<16xf32>,
      %broadcast_in_dim3A_3154 = arith.constant 108 : i32
      %broadcast_in_dim3A_3155 = vector.broadcast %broadcast_in_dim3A_3154 : i32 to vector<16xi32>
      %gather3A_3156 = tpu.vector_load_idx %arg29[%broadcast_in_dim3A, %broadcast_in_dim3A_3155] : memref<32x128xf32, #tpu.memory_space<vmem>>[vector<16xi32>, vector<16xi32>], vector<16xf32>,
      %broadcast_in_dim3A_3157 = arith.constant 109 : i32
      %broadcast_in_dim3A_3158 = vector.broadcast %broadcast_in_dim3A_3157 : i32 to vector<16xi32>
      %gather3A_3159 = tpu.vector_load_idx %arg29[%broadcast_in_dim3A, %broadcast_in_dim3A_3158] : memref<32x128xf32, #tpu.memory_space<vmem>>[vector<16xi32>, vector<16xi32>], vector<16xf32>,
      %broadcast_in_dim3A_3160 = arith.constant 110 : i32
      %broadcast_in_dim3A_3161 = vector.broadcast %broadcast_in_dim3A_3160 : i32 to vector<16xi32>
      %gather3A_3162 = tpu.vector_load_idx %arg29[%broadcast_in_dim3A, %broadcast_in_dim3A_3161] : memref<32x128xf32, #tpu.memory_space<vmem>>[vector<16xi32>, vector<16xi32>], vector<16xf32>,
      %broadcast_in_dim3A_3163 = arith.constant 111 : i32
      %broadcast_in_dim3A_3164 = vector.broadcast %broadcast_in_dim3A_3163 : i32 to vector<16xi32>
      %gather3A_3165 = tpu.vector_load_idx %arg29[%broadcast_in_dim3A, %broadcast_in_dim3A_3164] : memref<32x128xf32, #tpu.memory_space<vmem>>[vector<16xi32>, vector<16xi32>], vector<16xf32>,
      %get3A_3166 = arith.constant 104 : i32
      %get3A_3167 = arith.index_cast %get3A_3166 : i32 to index
      %get3A_3168 = arith.constant 0 : index
      %get3A_3169 = tpu.vector_load %arg30[%get3A_3167, %get3A_3168] {strides = array<i32>} : memref<128x64xf32, #tpu.memory_space<vmem>>, vector<16xf32>,
      %mul3A_3170 = arith.mulf %gather3A_3144, %get3A_3169 : vector<16xf32>
      %get3A_3171 = arith.constant 105 : i32
      %get3A_3172 = arith.index_cast %get3A_3171 : i32 to index
      %get3A_3173 = arith.constant 0 : index
      %get3A_3174 = tpu.vector_load %arg30[%get3A_3172, %get3A_3173] {strides = array<i32>} : memref<128x64xf32, #tpu.memory_space<vmem>>, vector<16xf32>,
      %mul3A_3175 = arith.mulf %gather3A_3147, %get3A_3174 : vector<16xf32>
      %add3A_3176 = arith.addf %mul3A_3170, %mul3A_3175 : vector<16xf32>
      %get3A_3177 = arith.constant 106 : i32
      %get3A_3178 = arith.index_cast %get3A_3177 : i32 to index
      %get3A_3179 = arith.constant 0 : index
      %get3A_3180 = tpu.vector_load %arg30[%get3A_3178, %get3A_3179] {strides = array<i32>} : memref<128x64xf32, #tpu.memory_space<vmem>>, vector<16xf32>,
      %mul3A_3181 = arith.mulf %gather3A_3150, %get3A_3180 : vector<16xf32>
      %add3A_3182 = arith.addf %add3A_3176, %mul3A_3181 : vector<16xf32>
      %get3A_3183 = arith.constant 107 : i32
      %get3A_3184 = arith.index_cast %get3A_3183 : i32 to index
      %get3A_3185 = arith.constant 0 : index
      %get3A_3186 = tpu.vector_load %arg30[%get3A_3184, %get3A_3185] {strides = array<i32>} : memref<128x64xf32, #tpu.memory_space<vmem>>, vector<16xf32>,
      %mul3A_3187 = arith.mulf %gather3A_3153, %get3A_3186 : vector<16xf32>
      %add3A_3188 = arith.addf %add3A_3182, %mul3A_3187 : vector<16xf32>
      %get3A_3189 = arith.constant 108 : i32
      %get3A_3190 = arith.index_cast %get3A_3189 : i32 to index
      %get3A_3191 = arith.constant 0 : index
      %get3A_3192 = tpu.vector_load %arg30[%get3A_3190, %get3A_3191] {strides = array<i32>} : memref<128x64xf32, #tpu.memory_space<vmem>>, vector<16xf32>,
      %mul3A_3193 = arith.mulf %gather3A_3156, %get3A_3192 : vector<16xf32>
      %add3A_3194 = arith.addf %add3A_3188, %mul3A_3193 : vector<16xf32>
      %get3A_3195 = arith.constant 109 : i32
      %get3A_3196 = arith.index_cast %get3A_3195 : i32 to index
      %get3A_3197 = arith.constant 0 : index
      %get3A_3198 = tpu.vector_load %arg30[%get3A_3196, %get3A_3197] {strides = array<i32>} : memref<128x64xf32, #tpu.memory_space<vmem>>, vector<16xf32>,
      %mul3A_3199 = arith.mulf %gather3A_3159, %get3A_3198 : vector<16xf32>
      %add3A_3200 = arith.addf %add3A_3194, %mul3A_3199 : vector<16xf32>
      %get3A_3201 = arith.constant 110 : i32
      %get3A_3202 = arith.index_cast %get3A_3201 : i32 to index
      %get3A_3203 = arith.constant 0 : index
      %get3A_3204 = tpu.vector_load %arg30[%get3A_3202, %get3A_3203] {strides = array<i32>} : memref<128x64xf32, #tpu.memory_space<vmem>>, vector<16xf32>,
      %mul3A_3205 = arith.mulf %gather3A_3162, %get3A_3204 : vector<16xf32>
      %add3A_3206 = arith.addf %add3A_3200, %mul3A_3205 : vector<16xf32>
      %get3A_3207 = arith.constant 111 : i32
      %get3A_3208 = arith.index_cast %get3A_3207 : i32 to index
      %get3A_3209 = arith.constant 0 : index
      %get3A_3210 = tpu.vector_load %arg30[%get3A_3208, %get3A_3209] {strides = array<i32>} : memref<128x64xf32, #tpu.memory_space<vmem>>, vector<16xf32>,
      %mul3A_3211 = arith.mulf %gather3A_3165, %get3A_3210 : vector<16xf32>
      %add3A_3212 = arith.addf %add3A_3206, %mul3A_3211 : vector<16xf32>
      %mul3A_3213 = arith.constant 16 : i32
      %mul3A_3214 = arith.muli %scan3A_14, %mul3A_3213 : i32
      %add3A_3215 = arith.constant 13 : i32
      %add3A_3216 = arith.addi %mul3A_3214, %add3A_3215 : i32
      %swap3A_3217 = arith.index_cast %add3A_3216 : i32 to index
      %swap3A_3218 = arith.constant 0 : index
      %swap3A_3219 = tpu.vector_load %arg31[%swap3A_3217, %swap3A_3218] {strides = array<i32>} : memref<512x64xf32, #tpu.memory_space<vmem>>, vector<16xf32>,
      tpu.vector_store %arg31[%swap3A_3217, %swap3A_3218], %add3A_3212 {strides = array<i32>} : memref<512x64xf32, #tpu.memory_space<vmem>>, vector<16xf32>,
      %get3A_3220 = arith.constant 104 : i32
      %get3A_3221 = arith.index_cast %get3A_3220 : i32 to index
      %get3A_3222 = arith.constant 16 : index
      %get3A_3223 = tpu.vector_load %arg30[%get3A_3221, %get3A_3222] {strides = array<i32>} : memref<128x64xf32, #tpu.memory_space<vmem>>, vector<16xf32>,
      %mul3A_3224 = arith.mulf %gather3A_3144, %get3A_3223 : vector<16xf32>
      %get3A_3225 = arith.constant 105 : i32
      %get3A_3226 = arith.index_cast %get3A_3225 : i32 to index
      %get3A_3227 = arith.constant 16 : index
      %get3A_3228 = tpu.vector_load %arg30[%get3A_3226, %get3A_3227] {strides = array<i32>} : memref<128x64xf32, #tpu.memory_space<vmem>>, vector<16xf32>,
      %mul3A_3229 = arith.mulf %gather3A_3147, %get3A_3228 : vector<16xf32>
      %add3A_3230 = arith.addf %mul3A_3224, %mul3A_3229 : vector<16xf32>
      %get3A_3231 = arith.constant 106 : i32
      %get3A_3232 = arith.index_cast %get3A_3231 : i32 to index
      %get3A_3233 = arith.constant 16 : index
      %get3A_3234 = tpu.vector_load %arg30[%get3A_3232, %get3A_3233] {strides = array<i32>} : memref<128x64xf32, #tpu.memory_space<vmem>>, vector<16xf32>,
      %mul3A_3235 = arith.mulf %gather3A_3150, %get3A_3234 : vector<16xf32>
      %add3A_3236 = arith.addf %add3A_3230, %mul3A_3235 : vector<16xf32>
      %get3A_3237 = arith.constant 107 : i32
      %get3A_3238 = arith.index_cast %get3A_3237 : i32 to index
      %get3A_3239 = arith.constant 16 : index
      %get3A_3240 = tpu.vector_load %arg30[%get3A_3238, %get3A_3239] {strides = array<i32>} : memref<128x64xf32, #tpu.memory_space<vmem>>, vector<16xf32>,
      %mul3A_3241 = arith.mulf %gather3A_3153, %get3A_3240 : vector<16xf32>
      %add3A_3242 = arith.addf %add3A_3236, %mul3A_3241 : vector<16xf32>
      %get3A_3243 = arith.constant 108 : i32
      %get3A_3244 = arith.index_cast %get3A_3243 : i32 to index
      %get3A_3245 = arith.constant 16 : index
      %get3A_3246 = tpu.vector_load %arg30[%get3A_3244, %get3A_3245] {strides = array<i32>} : memref<128x64xf32, #tpu.memory_space<vmem>>, vector<16xf32>,
      %mul3A_3247 = arith.mulf %gather3A_3156, %get3A_3246 : vector<16xf32>
      %add3A_3248 = arith.addf %add3A_3242, %mul3A_3247 : vector<16xf32>
      %get3A_3249 = arith.constant 109 : i32
      %get3A_3250 = arith.index_cast %get3A_3249 : i32 to index
      %get3A_3251 = arith.constant 16 : index
      %get3A_3252 = tpu.vector_load %arg30[%get3A_3250, %get3A_3251] {strides = array<i32>} : memref<128x64xf32, #tpu.memory_space<vmem>>, vector<16xf32>,
      %mul3A_3253 = arith.mulf %gather3A_3159, %get3A_3252 : vector<16xf32>
      %add3A_3254 = arith.addf %add3A_3248, %mul3A_3253 : vector<16xf32>
      %get3A_3255 = arith.constant 110 : i32
      %get3A_3256 = arith.index_cast %get3A_3255 : i32 to index
      %get3A_3257 = arith.constant 16 : index
      %get3A_3258 = tpu.vector_load %arg30[%get3A_3256, %get3A_3257] {strides = array<i32>} : memref<128x64xf32, #tpu.memory_space<vmem>>, vector<16xf32>,
      %mul3A_3259 = arith.mulf %gather3A_3162, %get3A_3258 : vector<16xf32>
      %add3A_3260 = arith.addf %add3A_3254, %mul3A_3259 : vector<16xf32>
      %get3A_3261 = arith.constant 111 : i32
      %get3A_3262 = arith.index_cast %get3A_3261 : i32 to index
      %get3A_3263 = arith.constant 16 : index
      %get3A_3264 = tpu.vector_load %arg30[%get3A_3262, %get3A_3263] {strides = array<i32>} : memref<128x64xf32, #tpu.memory_space<vmem>>, vector<16xf32>,
      %mul3A_3265 = arith.mulf %gather3A_3165, %get3A_3264 : vector<16xf32>
      %add3A_3266 = arith.addf %add3A_3260, %mul3A_3265 : vector<16xf32>
      %mul3A_3267 = arith.constant 16 : i32
      %mul3A_3268 = arith.muli %scan3A_14, %mul3A_3267 : i32
      %add3A_3269 = arith.constant 13 : i32
      %add3A_3270 = arith.addi %mul3A_3268, %add3A_3269 : i32
      %swap3A_3271 = arith.index_cast %add3A_3270 : i32 to index
      %swap3A_3272 = arith.constant 16 : index
      %swap3A_3273 = tpu.vector_load %arg31[%swap3A_3271, %swap3A_3272] {strides = array<i32>} : memref<512x64xf32, #tpu.memory_space<vmem>>, vector<16xf32>,
      tpu.vector_store %arg31[%swap3A_3271, %swap3A_3272], %add3A_3266 {strides = array<i32>} : memref<512x64xf32, #tpu.memory_space<vmem>>, vector<16xf32>,
      %get3A_3274 = arith.constant 104 : i32
      %get3A_3275 = arith.index_cast %get3A_3274 : i32 to index
      %get3A_3276 = arith.constant 32 : index
      %get3A_3277 = tpu.vector_load %arg30[%get3A_3275, %get3A_3276] {strides = array<i32>} : memref<128x64xf32, #tpu.memory_space<vmem>>, vector<16xf32>,
      %mul3A_3278 = arith.mulf %gather3A_3144, %get3A_3277 : vector<16xf32>
      %get3A_3279 = arith.constant 105 : i32
      %get3A_3280 = arith.index_cast %get3A_3279 : i32 to index
      %get3A_3281 = arith.constant 32 : index
      %get3A_3282 = tpu.vector_load %arg30[%get3A_3280, %get3A_3281] {strides = array<i32>} : memref<128x64xf32, #tpu.memory_space<vmem>>, vector<16xf32>,
      %mul3A_3283 = arith.mulf %gather3A_3147, %get3A_3282 : vector<16xf32>
      %add3A_3284 = arith.addf %mul3A_3278, %mul3A_3283 : vector<16xf32>
      %get3A_3285 = arith.constant 106 : i32
      %get3A_3286 = arith.index_cast %get3A_3285 : i32 to index
      %get3A_3287 = arith.constant 32 : index
      %get3A_3288 = tpu.vector_load %arg30[%get3A_3286, %get3A_3287] {strides = array<i32>} : memref<128x64xf32, #tpu.memory_space<vmem>>, vector<16xf32>,
      %mul3A_3289 = arith.mulf %gather3A_3150, %get3A_3288 : vector<16xf32>
      %add3A_3290 = arith.addf %add3A_3284, %mul3A_3289 : vector<16xf32>
      %get3A_3291 = arith.constant 107 : i32
      %get3A_3292 = arith.index_cast %get3A_3291 : i32 to index
      %get3A_3293 = arith.constant 32 : index
      %get3A_3294 = tpu.vector_load %arg30[%get3A_3292, %get3A_3293] {strides = array<i32>} : memref<128x64xf32, #tpu.memory_space<vmem>>, vector<16xf32>,
      %mul3A_3295 = arith.mulf %gather3A_3153, %get3A_3294 : vector<16xf32>
      %add3A_3296 = arith.addf %add3A_3290, %mul3A_3295 : vector<16xf32>
      %get3A_3297 = arith.constant 108 : i32
      %get3A_3298 = arith.index_cast %get3A_3297 : i32 to index
      %get3A_3299 = arith.constant 32 : index
      %get3A_3300 = tpu.vector_load %arg30[%get3A_3298, %get3A_3299] {strides = array<i32>} : memref<128x64xf32, #tpu.memory_space<vmem>>, vector<16xf32>,
      %mul3A_3301 = arith.mulf %gather3A_3156, %get3A_3300 : vector<16xf32>
      %add3A_3302 = arith.addf %add3A_3296, %mul3A_3301 : vector<16xf32>
      %get3A_3303 = arith.constant 109 : i32
      %get3A_3304 = arith.index_cast %get3A_3303 : i32 to index
      %get3A_3305 = arith.constant 32 : index
      %get3A_3306 = tpu.vector_load %arg30[%get3A_3304, %get3A_3305] {strides = array<i32>} : memref<128x64xf32, #tpu.memory_space<vmem>>, vector<16xf32>,
      %mul3A_3307 = arith.mulf %gather3A_3159, %get3A_3306 : vector<16xf32>
      %add3A_3308 = arith.addf %add3A_3302, %mul3A_3307 : vector<16xf32>
      %get3A_3309 = arith.constant 110 : i32
      %get3A_3310 = arith.index_cast %get3A_3309 : i32 to index
      %get3A_3311 = arith.constant 32 : index
      %get3A_3312 = tpu.vector_load %arg30[%get3A_3310, %get3A_3311] {strides = array<i32>} : memref<128x64xf32, #tpu.memory_space<vmem>>, vector<16xf32>,
      %mul3A_3313 = arith.mulf %gather3A_3162, %get3A_3312 : vector<16xf32>
      %add3A_3314 = arith.addf %add3A_3308, %mul3A_3313 : vector<16xf32>
      %get3A_3315 = arith.constant 111 : i32
      %get3A_3316 = arith.index_cast %get3A_3315 : i32 to index
      %get3A_3317 = arith.constant 32 : index
      %get3A_3318 = tpu.vector_load %arg30[%get3A_3316, %get3A_3317] {strides = array<i32>} : memref<128x64xf32, #tpu.memory_space<vmem>>, vector<16xf32>,
      %mul3A_3319 = arith.mulf %gather3A_3165, %get3A_3318 : vector<16xf32>
      %add3A_3320 = arith.addf %add3A_3314, %mul3A_3319 : vector<16xf32>
      %mul3A_3321 = arith.constant 16 : i32
      %mul3A_3322 = arith.muli %scan3A_14, %mul3A_3321 : i32
      %add3A_3323 = arith.constant 13 : i32
      %add3A_3324 = arith.addi %mul3A_3322, %add3A_3323 : i32
      %swap3A_3325 = arith.index_cast %add3A_3324 : i32 to index
      %swap3A_3326 = arith.constant 32 : index
      %swap3A_3327 = tpu.vector_load %arg31[%swap3A_3325, %swap3A_3326] {strides = array<i32>} : memref<512x64xf32, #tpu.memory_space<vmem>>, vector<16xf32>,
      tpu.vector_store %arg31[%swap3A_3325, %swap3A_3326], %add3A_3320 {strides = array<i32>} : memref<512x64xf32, #tpu.memory_space<vmem>>, vector<16xf32>,
      %get3A_3328 = arith.constant 104 : i32
      %get3A_3329 = arith.index_cast %get3A_3328 : i32 to index
      %get3A_3330 = arith.constant 48 : index
      %get3A_3331 = tpu.vector_load %arg30[%get3A_3329, %get3A_3330] {strides = array<i32>} : memref<128x64xf32, #tpu.memory_space<vmem>>, vector<16xf32>,
      %mul3A_3332 = arith.mulf %gather3A_3144, %get3A_3331 : vector<16xf32>
      %get3A_3333 = arith.constant 105 : i32
      %get3A_3334 = arith.index_cast %get3A_3333 : i32 to index
      %get3A_3335 = arith.constant 48 : index
      %get3A_3336 = tpu.vector_load %arg30[%get3A_3334, %get3A_3335] {strides = array<i32>} : memref<128x64xf32, #tpu.memory_space<vmem>>, vector<16xf32>,
      %mul3A_3337 = arith.mulf %gather3A_3147, %get3A_3336 : vector<16xf32>
      %add3A_3338 = arith.addf %mul3A_3332, %mul3A_3337 : vector<16xf32>
      %get3A_3339 = arith.constant 106 : i32
      %get3A_3340 = arith.index_cast %get3A_3339 : i32 to index
      %get3A_3341 = arith.constant 48 : index
      %get3A_3342 = tpu.vector_load %arg30[%get3A_3340, %get3A_3341] {strides = array<i32>} : memref<128x64xf32, #tpu.memory_space<vmem>>, vector<16xf32>,
      %mul3A_3343 = arith.mulf %gather3A_3150, %get3A_3342 : vector<16xf32>
      %add3A_3344 = arith.addf %add3A_3338, %mul3A_3343 : vector<16xf32>
      %get3A_3345 = arith.constant 107 : i32
      %get3A_3346 = arith.index_cast %get3A_3345 : i32 to index
      %get3A_3347 = arith.constant 48 : index
      %get3A_3348 = tpu.vector_load %arg30[%get3A_3346, %get3A_3347] {strides = array<i32>} : memref<128x64xf32, #tpu.memory_space<vmem>>, vector<16xf32>,
      %mul3A_3349 = arith.mulf %gather3A_3153, %get3A_3348 : vector<16xf32>
      %add3A_3350 = arith.addf %add3A_3344, %mul3A_3349 : vector<16xf32>
      %get3A_3351 = arith.constant 108 : i32
      %get3A_3352 = arith.index_cast %get3A_3351 : i32 to index
      %get3A_3353 = arith.constant 48 : index
      %get3A_3354 = tpu.vector_load %arg30[%get3A_3352, %get3A_3353] {strides = array<i32>} : memref<128x64xf32, #tpu.memory_space<vmem>>, vector<16xf32>,
      %mul3A_3355 = arith.mulf %gather3A_3156, %get3A_3354 : vector<16xf32>
      %add3A_3356 = arith.addf %add3A_3350, %mul3A_3355 : vector<16xf32>
      %get3A_3357 = arith.constant 109 : i32
      %get3A_3358 = arith.index_cast %get3A_3357 : i32 to index
      %get3A_3359 = arith.constant 48 : index
      %get3A_3360 = tpu.vector_load %arg30[%get3A_3358, %get3A_3359] {strides = array<i32>} : memref<128x64xf32, #tpu.memory_space<vmem>>, vector<16xf32>,
      %mul3A_3361 = arith.mulf %gather3A_3159, %get3A_3360 : vector<16xf32>
      %add3A_3362 = arith.addf %add3A_3356, %mul3A_3361 : vector<16xf32>
      %get3A_3363 = arith.constant 110 : i32
      %get3A_3364 = arith.index_cast %get3A_3363 : i32 to index
      %get3A_3365 = arith.constant 48 : index
      %get3A_3366 = tpu.vector_load %arg30[%get3A_3364, %get3A_3365] {strides = array<i32>} : memref<128x64xf32, #tpu.memory_space<vmem>>, vector<16xf32>,
      %mul3A_3367 = arith.mulf %gather3A_3162, %get3A_3366 : vector<16xf32>
      %add3A_3368 = arith.addf %add3A_3362, %mul3A_3367 : vector<16xf32>
      %get3A_3369 = arith.constant 111 : i32
      %get3A_3370 = arith.index_cast %get3A_3369 : i32 to index
      %get3A_3371 = arith.constant 48 : index
      %get3A_3372 = tpu.vector_load %arg30[%get3A_3370, %get3A_3371] {strides = array<i32>} : memref<128x64xf32, #tpu.memory_space<vmem>>, vector<16xf32>,
      %mul3A_3373 = arith.mulf %gather3A_3165, %get3A_3372 : vector<16xf32>
      %add3A_3374 = arith.addf %add3A_3368, %mul3A_3373 : vector<16xf32>
      %mul3A_3375 = arith.constant 16 : i32
      %mul3A_3376 = arith.muli %scan3A_14, %mul3A_3375 : i32
      %add3A_3377 = arith.constant 13 : i32
      %add3A_3378 = arith.addi %mul3A_3376, %add3A_3377 : i32
      %swap3A_3379 = arith.index_cast %add3A_3378 : i32 to index
      %swap3A_3380 = arith.constant 48 : index
      %swap3A_3381 = tpu.vector_load %arg31[%swap3A_3379, %swap3A_3380] {strides = array<i32>} : memref<512x64xf32, #tpu.memory_space<vmem>>, vector<16xf32>,
      tpu.vector_store %arg31[%swap3A_3379, %swap3A_3380], %add3A_3374 {strides = array<i32>} : memref<512x64xf32, #tpu.memory_space<vmem>>, vector<16xf32>,
      %broadcast_in_dim3A_3382 = arith.constant 112 : i32
      %broadcast_in_dim3A_3383 = vector.broadcast %broadcast_in_dim3A_3382 : i32 to vector<16xi32>
      %gather3A_3384 = tpu.vector_load_idx %arg29[%broadcast_in_dim3A, %broadcast_in_dim3A_3383] : memref<32x128xf32, #tpu.memory_space<vmem>>[vector<16xi32>, vector<16xi32>], vector<16xf32>,
      %broadcast_in_dim3A_3385 = arith.constant 113 : i32
      %broadcast_in_dim3A_3386 = vector.broadcast %broadcast_in_dim3A_3385 : i32 to vector<16xi32>
      %gather3A_3387 = tpu.vector_load_idx %arg29[%broadcast_in_dim3A, %broadcast_in_dim3A_3386] : memref<32x128xf32, #tpu.memory_space<vmem>>[vector<16xi32>, vector<16xi32>], vector<16xf32>,
      %broadcast_in_dim3A_3388 = arith.constant 114 : i32
      %broadcast_in_dim3A_3389 = vector.broadcast %broadcast_in_dim3A_3388 : i32 to vector<16xi32>
      %gather3A_3390 = tpu.vector_load_idx %arg29[%broadcast_in_dim3A, %broadcast_in_dim3A_3389] : memref<32x128xf32, #tpu.memory_space<vmem>>[vector<16xi32>, vector<16xi32>], vector<16xf32>,
      %broadcast_in_dim3A_3391 = arith.constant 115 : i32
      %broadcast_in_dim3A_3392 = vector.broadcast %broadcast_in_dim3A_3391 : i32 to vector<16xi32>
      %gather3A_3393 = tpu.vector_load_idx %arg29[%broadcast_in_dim3A, %broadcast_in_dim3A_3392] : memref<32x128xf32, #tpu.memory_space<vmem>>[vector<16xi32>, vector<16xi32>], vector<16xf32>,
      %broadcast_in_dim3A_3394 = arith.constant 116 : i32
      %broadcast_in_dim3A_3395 = vector.broadcast %broadcast_in_dim3A_3394 : i32 to vector<16xi32>
      %gather3A_3396 = tpu.vector_load_idx %arg29[%broadcast_in_dim3A, %broadcast_in_dim3A_3395] : memref<32x128xf32, #tpu.memory_space<vmem>>[vector<16xi32>, vector<16xi32>], vector<16xf32>,
      %broadcast_in_dim3A_3397 = arith.constant 117 : i32
      %broadcast_in_dim3A_3398 = vector.broadcast %broadcast_in_dim3A_3397 : i32 to vector<16xi32>
      %gather3A_3399 = tpu.vector_load_idx %arg29[%broadcast_in_dim3A, %broadcast_in_dim3A_3398] : memref<32x128xf32, #tpu.memory_space<vmem>>[vector<16xi32>, vector<16xi32>], vector<16xf32>,
      %broadcast_in_dim3A_3400 = arith.constant 118 : i32
      %broadcast_in_dim3A_3401 = vector.broadcast %broadcast_in_dim3A_3400 : i32 to vector<16xi32>
      %gather3A_3402 = tpu.vector_load_idx %arg29[%broadcast_in_dim3A, %broadcast_in_dim3A_3401] : memref<32x128xf32, #tpu.memory_space<vmem>>[vector<16xi32>, vector<16xi32>], vector<16xf32>,
      %broadcast_in_dim3A_3403 = arith.constant 119 : i32
      %broadcast_in_dim3A_3404 = vector.broadcast %broadcast_in_dim3A_3403 : i32 to vector<16xi32>
      %gather3A_3405 = tpu.vector_load_idx %arg29[%broadcast_in_dim3A, %broadcast_in_dim3A_3404] : memref<32x128xf32, #tpu.memory_space<vmem>>[vector<16xi32>, vector<16xi32>], vector<16xf32>,
      %get3A_3406 = arith.constant 112 : i32
      %get3A_3407 = arith.index_cast %get3A_3406 : i32 to index
      %get3A_3408 = arith.constant 0 : index
      %get3A_3409 = tpu.vector_load %arg30[%get3A_3407, %get3A_3408] {strides = array<i32>} : memref<128x64xf32, #tpu.memory_space<vmem>>, vector<16xf32>,
      %mul3A_3410 = arith.mulf %gather3A_3384, %get3A_3409 : vector<16xf32>
      %get3A_3411 = arith.constant 113 : i32
      %get3A_3412 = arith.index_cast %get3A_3411 : i32 to index
      %get3A_3413 = arith.constant 0 : index
      %get3A_3414 = tpu.vector_load %arg30[%get3A_3412, %get3A_3413] {strides = array<i32>} : memref<128x64xf32, #tpu.memory_space<vmem>>, vector<16xf32>,
      %mul3A_3415 = arith.mulf %gather3A_3387, %get3A_3414 : vector<16xf32>
      %add3A_3416 = arith.addf %mul3A_3410, %mul3A_3415 : vector<16xf32>
      %get3A_3417 = arith.constant 114 : i32
      %get3A_3418 = arith.index_cast %get3A_3417 : i32 to index
      %get3A_3419 = arith.constant 0 : index
      %get3A_3420 = tpu.vector_load %arg30[%get3A_3418, %get3A_3419] {strides = array<i32>} : memref<128x64xf32, #tpu.memory_space<vmem>>, vector<16xf32>,
      %mul3A_3421 = arith.mulf %gather3A_3390, %get3A_3420 : vector<16xf32>
      %add3A_3422 = arith.addf %add3A_3416, %mul3A_3421 : vector<16xf32>
      %get3A_3423 = arith.constant 115 : i32
      %get3A_3424 = arith.index_cast %get3A_3423 : i32 to index
      %get3A_3425 = arith.constant 0 : index
      %get3A_3426 = tpu.vector_load %arg30[%get3A_3424, %get3A_3425] {strides = array<i32>} : memref<128x64xf32, #tpu.memory_space<vmem>>, vector<16xf32>,
      %mul3A_3427 = arith.mulf %gather3A_3393, %get3A_3426 : vector<16xf32>
      %add3A_3428 = arith.addf %add3A_3422, %mul3A_3427 : vector<16xf32>
      %get3A_3429 = arith.constant 116 : i32
      %get3A_3430 = arith.index_cast %get3A_3429 : i32 to index
      %get3A_3431 = arith.constant 0 : index
      %get3A_3432 = tpu.vector_load %arg30[%get3A_3430, %get3A_3431] {strides = array<i32>} : memref<128x64xf32, #tpu.memory_space<vmem>>, vector<16xf32>,
      %mul3A_3433 = arith.mulf %gather3A_3396, %get3A_3432 : vector<16xf32>
      %add3A_3434 = arith.addf %add3A_3428, %mul3A_3433 : vector<16xf32>
      %get3A_3435 = arith.constant 117 : i32
      %get3A_3436 = arith.index_cast %get3A_3435 : i32 to index
      %get3A_3437 = arith.constant 0 : index
      %get3A_3438 = tpu.vector_load %arg30[%get3A_3436, %get3A_3437] {strides = array<i32>} : memref<128x64xf32, #tpu.memory_space<vmem>>, vector<16xf32>,
      %mul3A_3439 = arith.mulf %gather3A_3399, %get3A_3438 : vector<16xf32>
      %add3A_3440 = arith.addf %add3A_3434, %mul3A_3439 : vector<16xf32>
      %get3A_3441 = arith.constant 118 : i32
      %get3A_3442 = arith.index_cast %get3A_3441 : i32 to index
      %get3A_3443 = arith.constant 0 : index
      %get3A_3444 = tpu.vector_load %arg30[%get3A_3442, %get3A_3443] {strides = array<i32>} : memref<128x64xf32, #tpu.memory_space<vmem>>, vector<16xf32>,
      %mul3A_3445 = arith.mulf %gather3A_3402, %get3A_3444 : vector<16xf32>
      %add3A_3446 = arith.addf %add3A_3440, %mul3A_3445 : vector<16xf32>
      %get3A_3447 = arith.constant 119 : i32
      %get3A_3448 = arith.index_cast %get3A_3447 : i32 to index
      %get3A_3449 = arith.constant 0 : index
      %get3A_3450 = tpu.vector_load %arg30[%get3A_3448, %get3A_3449] {strides = array<i32>} : memref<128x64xf32, #tpu.memory_space<vmem>>, vector<16xf32>,
      %mul3A_3451 = arith.mulf %gather3A_3405, %get3A_3450 : vector<16xf32>
      %add3A_3452 = arith.addf %add3A_3446, %mul3A_3451 : vector<16xf32>
      %mul3A_3453 = arith.constant 16 : i32
      %mul3A_3454 = arith.muli %scan3A_14, %mul3A_3453 : i32
      %add3A_3455 = arith.constant 14 : i32
      %add3A_3456 = arith.addi %mul3A_3454, %add3A_3455 : i32
      %swap3A_3457 = arith.index_cast %add3A_3456 : i32 to index
      %swap3A_3458 = arith.constant 0 : index
      %swap3A_3459 = tpu.vector_load %arg31[%swap3A_3457, %swap3A_3458] {strides = array<i32>} : memref<512x64xf32, #tpu.memory_space<vmem>>, vector<16xf32>,
      tpu.vector_store %arg31[%swap3A_3457, %swap3A_3458], %add3A_3452 {strides = array<i32>} : memref<512x64xf32, #tpu.memory_space<vmem>>, vector<16xf32>,
      %get3A_3460 = arith.constant 112 : i32
      %get3A_3461 = arith.index_cast %get3A_3460 : i32 to index
      %get3A_3462 = arith.constant 16 : index
      %get3A_3463 = tpu.vector_load %arg30[%get3A_3461, %get3A_3462] {strides = array<i32>} : memref<128x64xf32, #tpu.memory_space<vmem>>, vector<16xf32>,
      %mul3A_3464 = arith.mulf %gather3A_3384, %get3A_3463 : vector<16xf32>
      %get3A_3465 = arith.constant 113 : i32
      %get3A_3466 = arith.index_cast %get3A_3465 : i32 to index
      %get3A_3467 = arith.constant 16 : index
      %get3A_3468 = tpu.vector_load %arg30[%get3A_3466, %get3A_3467] {strides = array<i32>} : memref<128x64xf32, #tpu.memory_space<vmem>>, vector<16xf32>,
      %mul3A_3469 = arith.mulf %gather3A_3387, %get3A_3468 : vector<16xf32>
      %add3A_3470 = arith.addf %mul3A_3464, %mul3A_3469 : vector<16xf32>
      %get3A_3471 = arith.constant 114 : i32
      %get3A_3472 = arith.index_cast %get3A_3471 : i32 to index
      %get3A_3473 = arith.constant 16 : index
      %get3A_3474 = tpu.vector_load %arg30[%get3A_3472, %get3A_3473] {strides = array<i32>} : memref<128x64xf32, #tpu.memory_space<vmem>>, vector<16xf32>,
      %mul3A_3475 = arith.mulf %gather3A_3390, %get3A_3474 : vector<16xf32>
      %add3A_3476 = arith.addf %add3A_3470, %mul3A_3475 : vector<16xf32>
      %get3A_3477 = arith.constant 115 : i32
      %get3A_3478 = arith.index_cast %get3A_3477 : i32 to index
      %get3A_3479 = arith.constant 16 : index
      %get3A_3480 = tpu.vector_load %arg30[%get3A_3478, %get3A_3479] {strides = array<i32>} : memref<128x64xf32, #tpu.memory_space<vmem>>, vector<16xf32>,
      %mul3A_3481 = arith.mulf %gather3A_3393, %get3A_3480 : vector<16xf32>
      %add3A_3482 = arith.addf %add3A_3476, %mul3A_3481 : vector<16xf32>
      %get3A_3483 = arith.constant 116 : i32
      %get3A_3484 = arith.index_cast %get3A_3483 : i32 to index
      %get3A_3485 = arith.constant 16 : index
      %get3A_3486 = tpu.vector_load %arg30[%get3A_3484, %get3A_3485] {strides = array<i32>} : memref<128x64xf32, #tpu.memory_space<vmem>>, vector<16xf32>,
      %mul3A_3487 = arith.mulf %gather3A_3396, %get3A_3486 : vector<16xf32>
      %add3A_3488 = arith.addf %add3A_3482, %mul3A_3487 : vector<16xf32>
      %get3A_3489 = arith.constant 117 : i32
      %get3A_3490 = arith.index_cast %get3A_3489 : i32 to index
      %get3A_3491 = arith.constant 16 : index
      %get3A_3492 = tpu.vector_load %arg30[%get3A_3490, %get3A_3491] {strides = array<i32>} : memref<128x64xf32, #tpu.memory_space<vmem>>, vector<16xf32>,
      %mul3A_3493 = arith.mulf %gather3A_3399, %get3A_3492 : vector<16xf32>
      %add3A_3494 = arith.addf %add3A_3488, %mul3A_3493 : vector<16xf32>
      %get3A_3495 = arith.constant 118 : i32
      %get3A_3496 = arith.index_cast %get3A_3495 : i32 to index
      %get3A_3497 = arith.constant 16 : index
      %get3A_3498 = tpu.vector_load %arg30[%get3A_3496, %get3A_3497] {strides = array<i32>} : memref<128x64xf32, #tpu.memory_space<vmem>>, vector<16xf32>,
      %mul3A_3499 = arith.mulf %gather3A_3402, %get3A_3498 : vector<16xf32>
      %add3A_3500 = arith.addf %add3A_3494, %mul3A_3499 : vector<16xf32>
      %get3A_3501 = arith.constant 119 : i32
      %get3A_3502 = arith.index_cast %get3A_3501 : i32 to index
      %get3A_3503 = arith.constant 16 : index
      %get3A_3504 = tpu.vector_load %arg30[%get3A_3502, %get3A_3503] {strides = array<i32>} : memref<128x64xf32, #tpu.memory_space<vmem>>, vector<16xf32>,
      %mul3A_3505 = arith.mulf %gather3A_3405, %get3A_3504 : vector<16xf32>
      %add3A_3506 = arith.addf %add3A_3500, %mul3A_3505 : vector<16xf32>
      %mul3A_3507 = arith.constant 16 : i32
      %mul3A_3508 = arith.muli %scan3A_14, %mul3A_3507 : i32
      %add3A_3509 = arith.constant 14 : i32
      %add3A_3510 = arith.addi %mul3A_3508, %add3A_3509 : i32
      %swap3A_3511 = arith.index_cast %add3A_3510 : i32 to index
      %swap3A_3512 = arith.constant 16 : index
      %swap3A_3513 = tpu.vector_load %arg31[%swap3A_3511, %swap3A_3512] {strides = array<i32>} : memref<512x64xf32, #tpu.memory_space<vmem>>, vector<16xf32>,
      tpu.vector_store %arg31[%swap3A_3511, %swap3A_3512], %add3A_3506 {strides = array<i32>} : memref<512x64xf32, #tpu.memory_space<vmem>>, vector<16xf32>,
      %get3A_3514 = arith.constant 112 : i32
      %get3A_3515 = arith.index_cast %get3A_3514 : i32 to index
      %get3A_3516 = arith.constant 32 : index
      %get3A_3517 = tpu.vector_load %arg30[%get3A_3515, %get3A_3516] {strides = array<i32>} : memref<128x64xf32, #tpu.memory_space<vmem>>, vector<16xf32>,
      %mul3A_3518 = arith.mulf %gather3A_3384, %get3A_3517 : vector<16xf32>
      %get3A_3519 = arith.constant 113 : i32
      %get3A_3520 = arith.index_cast %get3A_3519 : i32 to index
      %get3A_3521 = arith.constant 32 : index
      %get3A_3522 = tpu.vector_load %arg30[%get3A_3520, %get3A_3521] {strides = array<i32>} : memref<128x64xf32, #tpu.memory_space<vmem>>, vector<16xf32>,
      %mul3A_3523 = arith.mulf %gather3A_3387, %get3A_3522 : vector<16xf32>
      %add3A_3524 = arith.addf %mul3A_3518, %mul3A_3523 : vector<16xf32>
      %get3A_3525 = arith.constant 114 : i32
      %get3A_3526 = arith.index_cast %get3A_3525 : i32 to index
      %get3A_3527 = arith.constant 32 : index
      %get3A_3528 = tpu.vector_load %arg30[%get3A_3526, %get3A_3527] {strides = array<i32>} : memref<128x64xf32, #tpu.memory_space<vmem>>, vector<16xf32>,
      %mul3A_3529 = arith.mulf %gather3A_3390, %get3A_3528 : vector<16xf32>
      %add3A_3530 = arith.addf %add3A_3524, %mul3A_3529 : vector<16xf32>
      %get3A_3531 = arith.constant 115 : i32
      %get3A_3532 = arith.index_cast %get3A_3531 : i32 to index
      %get3A_3533 = arith.constant 32 : index
      %get3A_3534 = tpu.vector_load %arg30[%get3A_3532, %get3A_3533] {strides = array<i32>} : memref<128x64xf32, #tpu.memory_space<vmem>>, vector<16xf32>,
      %mul3A_3535 = arith.mulf %gather3A_3393, %get3A_3534 : vector<16xf32>
      %add3A_3536 = arith.addf %add3A_3530, %mul3A_3535 : vector<16xf32>
      %get3A_3537 = arith.constant 116 : i32
      %get3A_3538 = arith.index_cast %get3A_3537 : i32 to index
      %get3A_3539 = arith.constant 32 : index
      %get3A_3540 = tpu.vector_load %arg30[%get3A_3538, %get3A_3539] {strides = array<i32>} : memref<128x64xf32, #tpu.memory_space<vmem>>, vector<16xf32>,
      %mul3A_3541 = arith.mulf %gather3A_3396, %get3A_3540 : vector<16xf32>
      %add3A_3542 = arith.addf %add3A_3536, %mul3A_3541 : vector<16xf32>
      %get3A_3543 = arith.constant 117 : i32
      %get3A_3544 = arith.index_cast %get3A_3543 : i32 to index
      %get3A_3545 = arith.constant 32 : index
      %get3A_3546 = tpu.vector_load %arg30[%get3A_3544, %get3A_3545] {strides = array<i32>} : memref<128x64xf32, #tpu.memory_space<vmem>>, vector<16xf32>,
      %mul3A_3547 = arith.mulf %gather3A_3399, %get3A_3546 : vector<16xf32>
      %add3A_3548 = arith.addf %add3A_3542, %mul3A_3547 : vector<16xf32>
      %get3A_3549 = arith.constant 118 : i32
      %get3A_3550 = arith.index_cast %get3A_3549 : i32 to index
      %get3A_3551 = arith.constant 32 : index
      %get3A_3552 = tpu.vector_load %arg30[%get3A_3550, %get3A_3551] {strides = array<i32>} : memref<128x64xf32, #tpu.memory_space<vmem>>, vector<16xf32>,
      %mul3A_3553 = arith.mulf %gather3A_3402, %get3A_3552 : vector<16xf32>
      %add3A_3554 = arith.addf %add3A_3548, %mul3A_3553 : vector<16xf32>
      %get3A_3555 = arith.constant 119 : i32
      %get3A_3556 = arith.index_cast %get3A_3555 : i32 to index
      %get3A_3557 = arith.constant 32 : index
      %get3A_3558 = tpu.vector_load %arg30[%get3A_3556, %get3A_3557] {strides = array<i32>} : memref<128x64xf32, #tpu.memory_space<vmem>>, vector<16xf32>,
      %mul3A_3559 = arith.mulf %gather3A_3405, %get3A_3558 : vector<16xf32>
      %add3A_3560 = arith.addf %add3A_3554, %mul3A_3559 : vector<16xf32>
      %mul3A_3561 = arith.constant 16 : i32
      %mul3A_3562 = arith.muli %scan3A_14, %mul3A_3561 : i32
      %add3A_3563 = arith.constant 14 : i32
      %add3A_3564 = arith.addi %mul3A_3562, %add3A_3563 : i32
      %swap3A_3565 = arith.index_cast %add3A_3564 : i32 to index
      %swap3A_3566 = arith.constant 32 : index
      %swap3A_3567 = tpu.vector_load %arg31[%swap3A_3565, %swap3A_3566] {strides = array<i32>} : memref<512x64xf32, #tpu.memory_space<vmem>>, vector<16xf32>,
      tpu.vector_store %arg31[%swap3A_3565, %swap3A_3566], %add3A_3560 {strides = array<i32>} : memref<512x64xf32, #tpu.memory_space<vmem>>, vector<16xf32>,
      %get3A_3568 = arith.constant 112 : i32
      %get3A_3569 = arith.index_cast %get3A_3568 : i32 to index
      %get3A_3570 = arith.constant 48 : index
      %get3A_3571 = tpu.vector_load %arg30[%get3A_3569, %get3A_3570] {strides = array<i32>} : memref<128x64xf32, #tpu.memory_space<vmem>>, vector<16xf32>,
      %mul3A_3572 = arith.mulf %gather3A_3384, %get3A_3571 : vector<16xf32>
      %get3A_3573 = arith.constant 113 : i32
      %get3A_3574 = arith.index_cast %get3A_3573 : i32 to index
      %get3A_3575 = arith.constant 48 : index
      %get3A_3576 = tpu.vector_load %arg30[%get3A_3574, %get3A_3575] {strides = array<i32>} : memref<128x64xf32, #tpu.memory_space<vmem>>, vector<16xf32>,
      %mul3A_3577 = arith.mulf %gather3A_3387, %get3A_3576 : vector<16xf32>
      %add3A_3578 = arith.addf %mul3A_3572, %mul3A_3577 : vector<16xf32>
      %get3A_3579 = arith.constant 114 : i32
      %get3A_3580 = arith.index_cast %get3A_3579 : i32 to index
      %get3A_3581 = arith.constant 48 : index
      %get3A_3582 = tpu.vector_load %arg30[%get3A_3580, %get3A_3581] {strides = array<i32>} : memref<128x64xf32, #tpu.memory_space<vmem>>, vector<16xf32>,
      %mul3A_3583 = arith.mulf %gather3A_3390, %get3A_3582 : vector<16xf32>
      %add3A_3584 = arith.addf %add3A_3578, %mul3A_3583 : vector<16xf32>
      %get3A_3585 = arith.constant 115 : i32
      %get3A_3586 = arith.index_cast %get3A_3585 : i32 to index
      %get3A_3587 = arith.constant 48 : index
      %get3A_3588 = tpu.vector_load %arg30[%get3A_3586, %get3A_3587] {strides = array<i32>} : memref<128x64xf32, #tpu.memory_space<vmem>>, vector<16xf32>,
      %mul3A_3589 = arith.mulf %gather3A_3393, %get3A_3588 : vector<16xf32>
      %add3A_3590 = arith.addf %add3A_3584, %mul3A_3589 : vector<16xf32>
      %get3A_3591 = arith.constant 116 : i32
      %get3A_3592 = arith.index_cast %get3A_3591 : i32 to index
      %get3A_3593 = arith.constant 48 : index
      %get3A_3594 = tpu.vector_load %arg30[%get3A_3592, %get3A_3593] {strides = array<i32>} : memref<128x64xf32, #tpu.memory_space<vmem>>, vector<16xf32>,
      %mul3A_3595 = arith.mulf %gather3A_3396, %get3A_3594 : vector<16xf32>
      %add3A_3596 = arith.addf %add3A_3590, %mul3A_3595 : vector<16xf32>
      %get3A_3597 = arith.constant 117 : i32
      %get3A_3598 = arith.index_cast %get3A_3597 : i32 to index
      %get3A_3599 = arith.constant 48 : index
      %get3A_3600 = tpu.vector_load %arg30[%get3A_3598, %get3A_3599] {strides = array<i32>} : memref<128x64xf32, #tpu.memory_space<vmem>>, vector<16xf32>,
      %mul3A_3601 = arith.mulf %gather3A_3399, %get3A_3600 : vector<16xf32>
      %add3A_3602 = arith.addf %add3A_3596, %mul3A_3601 : vector<16xf32>
      %get3A_3603 = arith.constant 118 : i32
      %get3A_3604 = arith.index_cast %get3A_3603 : i32 to index
      %get3A_3605 = arith.constant 48 : index
      %get3A_3606 = tpu.vector_load %arg30[%get3A_3604, %get3A_3605] {strides = array<i32>} : memref<128x64xf32, #tpu.memory_space<vmem>>, vector<16xf32>,
      %mul3A_3607 = arith.mulf %gather3A_3402, %get3A_3606 : vector<16xf32>
      %add3A_3608 = arith.addf %add3A_3602, %mul3A_3607 : vector<16xf32>
      %get3A_3609 = arith.constant 119 : i32
      %get3A_3610 = arith.index_cast %get3A_3609 : i32 to index
      %get3A_3611 = arith.constant 48 : index
      %get3A_3612 = tpu.vector_load %arg30[%get3A_3610, %get3A_3611] {strides = array<i32>} : memref<128x64xf32, #tpu.memory_space<vmem>>, vector<16xf32>,
      %mul3A_3613 = arith.mulf %gather3A_3405, %get3A_3612 : vector<16xf32>
      %add3A_3614 = arith.addf %add3A_3608, %mul3A_3613 : vector<16xf32>
      %mul3A_3615 = arith.constant 16 : i32
      %mul3A_3616 = arith.muli %scan3A_14, %mul3A_3615 : i32
      %add3A_3617 = arith.constant 14 : i32
      %add3A_3618 = arith.addi %mul3A_3616, %add3A_3617 : i32
      %swap3A_3619 = arith.index_cast %add3A_3618 : i32 to index
      %swap3A_3620 = arith.constant 48 : index
      %swap3A_3621 = tpu.vector_load %arg31[%swap3A_3619, %swap3A_3620] {strides = array<i32>} : memref<512x64xf32, #tpu.memory_space<vmem>>, vector<16xf32>,
      tpu.vector_store %arg31[%swap3A_3619, %swap3A_3620], %add3A_3614 {strides = array<i32>} : memref<512x64xf32, #tpu.memory_space<vmem>>, vector<16xf32>,
      %broadcast_in_dim3A_3622 = arith.constant 120 : i32
      %broadcast_in_dim3A_3623 = vector.broadcast %broadcast_in_dim3A_3622 : i32 to vector<16xi32>
      %gather3A_3624 = tpu.vector_load_idx %arg29[%broadcast_in_dim3A, %broadcast_in_dim3A_3623] : memref<32x128xf32, #tpu.memory_space<vmem>>[vector<16xi32>, vector<16xi32>], vector<16xf32>,
      %broadcast_in_dim3A_3625 = arith.constant 121 : i32
      %broadcast_in_dim3A_3626 = vector.broadcast %broadcast_in_dim3A_3625 : i32 to vector<16xi32>
      %gather3A_3627 = tpu.vector_load_idx %arg29[%broadcast_in_dim3A, %broadcast_in_dim3A_3626] : memref<32x128xf32, #tpu.memory_space<vmem>>[vector<16xi32>, vector<16xi32>], vector<16xf32>,
      %broadcast_in_dim3A_3628 = arith.constant 122 : i32
      %broadcast_in_dim3A_3629 = vector.broadcast %broadcast_in_dim3A_3628 : i32 to vector<16xi32>
      %gather3A_3630 = tpu.vector_load_idx %arg29[%broadcast_in_dim3A, %broadcast_in_dim3A_3629] : memref<32x128xf32, #tpu.memory_space<vmem>>[vector<16xi32>, vector<16xi32>], vector<16xf32>,
      %broadcast_in_dim3A_3631 = arith.constant 123 : i32
      %broadcast_in_dim3A_3632 = vector.broadcast %broadcast_in_dim3A_3631 : i32 to vector<16xi32>
      %gather3A_3633 = tpu.vector_load_idx %arg29[%broadcast_in_dim3A, %broadcast_in_dim3A_3632] : memref<32x128xf32, #tpu.memory_space<vmem>>[vector<16xi32>, vector<16xi32>], vector<16xf32>,
      %broadcast_in_dim3A_3634 = arith.constant 124 : i32
      %broadcast_in_dim3A_3635 = vector.broadcast %broadcast_in_dim3A_3634 : i32 to vector<16xi32>
      %gather3A_3636 = tpu.vector_load_idx %arg29[%broadcast_in_dim3A, %broadcast_in_dim3A_3635] : memref<32x128xf32, #tpu.memory_space<vmem>>[vector<16xi32>, vector<16xi32>], vector<16xf32>,
      %broadcast_in_dim3A_3637 = arith.constant 125 : i32
      %broadcast_in_dim3A_3638 = vector.broadcast %broadcast_in_dim3A_3637 : i32 to vector<16xi32>
      %gather3A_3639 = tpu.vector_load_idx %arg29[%broadcast_in_dim3A, %broadcast_in_dim3A_3638] : memref<32x128xf32, #tpu.memory_space<vmem>>[vector<16xi32>, vector<16xi32>], vector<16xf32>,
      %broadcast_in_dim3A_3640 = arith.constant 126 : i32
      %broadcast_in_dim3A_3641 = vector.broadcast %broadcast_in_dim3A_3640 : i32 to vector<16xi32>
      %gather3A_3642 = tpu.vector_load_idx %arg29[%broadcast_in_dim3A, %broadcast_in_dim3A_3641] : memref<32x128xf32, #tpu.memory_space<vmem>>[vector<16xi32>, vector<16xi32>], vector<16xf32>,
      %broadcast_in_dim3A_3643 = arith.constant 127 : i32
      %broadcast_in_dim3A_3644 = vector.broadcast %broadcast_in_dim3A_3643 : i32 to vector<16xi32>
      %gather3A_3645 = tpu.vector_load_idx %arg29[%broadcast_in_dim3A, %broadcast_in_dim3A_3644] : memref<32x128xf32, #tpu.memory_space<vmem>>[vector<16xi32>, vector<16xi32>], vector<16xf32>,
      %get3A_3646 = arith.constant 120 : i32
      %get3A_3647 = arith.index_cast %get3A_3646 : i32 to index
      %get3A_3648 = arith.constant 0 : index
      %get3A_3649 = tpu.vector_load %arg30[%get3A_3647, %get3A_3648] {strides = array<i32>} : memref<128x64xf32, #tpu.memory_space<vmem>>, vector<16xf32>,
      %mul3A_3650 = arith.mulf %gather3A_3624, %get3A_3649 : vector<16xf32>
      %get3A_3651 = arith.constant 121 : i32
      %get3A_3652 = arith.index_cast %get3A_3651 : i32 to index
      %get3A_3653 = arith.constant 0 : index
      %get3A_3654 = tpu.vector_load %arg30[%get3A_3652, %get3A_3653] {strides = array<i32>} : memref<128x64xf32, #tpu.memory_space<vmem>>, vector<16xf32>,
      %mul3A_3655 = arith.mulf %gather3A_3627, %get3A_3654 : vector<16xf32>
      %add3A_3656 = arith.addf %mul3A_3650, %mul3A_3655 : vector<16xf32>
      %get3A_3657 = arith.constant 122 : i32
      %get3A_3658 = arith.index_cast %get3A_3657 : i32 to index
      %get3A_3659 = arith.constant 0 : index
      %get3A_3660 = tpu.vector_load %arg30[%get3A_3658, %get3A_3659] {strides = array<i32>} : memref<128x64xf32, #tpu.memory_space<vmem>>, vector<16xf32>,
      %mul3A_3661 = arith.mulf %gather3A_3630, %get3A_3660 : vector<16xf32>
      %add3A_3662 = arith.addf %add3A_3656, %mul3A_3661 : vector<16xf32>
      %get3A_3663 = arith.constant 123 : i32
      %get3A_3664 = arith.index_cast %get3A_3663 : i32 to index
      %get3A_3665 = arith.constant 0 : index
      %get3A_3666 = tpu.vector_load %arg30[%get3A_3664, %get3A_3665] {strides = array<i32>} : memref<128x64xf32, #tpu.memory_space<vmem>>, vector<16xf32>,
      %mul3A_3667 = arith.mulf %gather3A_3633, %get3A_3666 : vector<16xf32>
      %add3A_3668 = arith.addf %add3A_3662, %mul3A_3667 : vector<16xf32>
      %get3A_3669 = arith.constant 124 : i32
      %get3A_3670 = arith.index_cast %get3A_3669 : i32 to index
      %get3A_3671 = arith.constant 0 : index
      %get3A_3672 = tpu.vector_load %arg30[%get3A_3670, %get3A_3671] {strides = array<i32>} : memref<128x64xf32, #tpu.memory_space<vmem>>, vector<16xf32>,
      %mul3A_3673 = arith.mulf %gather3A_3636, %get3A_3672 : vector<16xf32>
      %add3A_3674 = arith.addf %add3A_3668, %mul3A_3673 : vector<16xf32>
      %get3A_3675 = arith.constant 125 : i32
      %get3A_3676 = arith.index_cast %get3A_3675 : i32 to index
      %get3A_3677 = arith.constant 0 : index
      %get3A_3678 = tpu.vector_load %arg30[%get3A_3676, %get3A_3677] {strides = array<i32>} : memref<128x64xf32, #tpu.memory_space<vmem>>, vector<16xf32>,
      %mul3A_3679 = arith.mulf %gather3A_3639, %get3A_3678 : vector<16xf32>
      %add3A_3680 = arith.addf %add3A_3674, %mul3A_3679 : vector<16xf32>
      %get3A_3681 = arith.constant 126 : i32
      %get3A_3682 = arith.index_cast %get3A_3681 : i32 to index
      %get3A_3683 = arith.constant 0 : index
      %get3A_3684 = tpu.vector_load %arg30[%get3A_3682, %get3A_3683] {strides = array<i32>} : memref<128x64xf32, #tpu.memory_space<vmem>>, vector<16xf32>,
      %mul3A_3685 = arith.mulf %gather3A_3642, %get3A_3684 : vector<16xf32>
      %add3A_3686 = arith.addf %add3A_3680, %mul3A_3685 : vector<16xf32>
      %get3A_3687 = arith.constant 127 : i32
      %get3A_3688 = arith.index_cast %get3A_3687 : i32 to index
      %get3A_3689 = arith.constant 0 : index
      %get3A_3690 = tpu.vector_load %arg30[%get3A_3688, %get3A_3689] {strides = array<i32>} : memref<128x64xf32, #tpu.memory_space<vmem>>, vector<16xf32>,
      %mul3A_3691 = arith.mulf %gather3A_3645, %get3A_3690 : vector<16xf32>
      %add3A_3692 = arith.addf %add3A_3686, %mul3A_3691 : vector<16xf32>
      %mul3A_3693 = arith.constant 16 : i32
      %mul3A_3694 = arith.muli %scan3A_14, %mul3A_3693 : i32
      %add3A_3695 = arith.constant 15 : i32
      %add3A_3696 = arith.addi %mul3A_3694, %add3A_3695 : i32
      %swap3A_3697 = arith.index_cast %add3A_3696 : i32 to index
      %swap3A_3698 = arith.constant 0 : index
      %swap3A_3699 = tpu.vector_load %arg31[%swap3A_3697, %swap3A_3698] {strides = array<i32>} : memref<512x64xf32, #tpu.memory_space<vmem>>, vector<16xf32>,
      tpu.vector_store %arg31[%swap3A_3697, %swap3A_3698], %add3A_3692 {strides = array<i32>} : memref<512x64xf32, #tpu.memory_space<vmem>>, vector<16xf32>,
      %get3A_3700 = arith.constant 120 : i32
      %get3A_3701 = arith.index_cast %get3A_3700 : i32 to index
      %get3A_3702 = arith.constant 16 : index
      %get3A_3703 = tpu.vector_load %arg30[%get3A_3701, %get3A_3702] {strides = array<i32>} : memref<128x64xf32, #tpu.memory_space<vmem>>, vector<16xf32>,
      %mul3A_3704 = arith.mulf %gather3A_3624, %get3A_3703 : vector<16xf32>
      %get3A_3705 = arith.constant 121 : i32
      %get3A_3706 = arith.index_cast %get3A_3705 : i32 to index
      %get3A_3707 = arith.constant 16 : index
      %get3A_3708 = tpu.vector_load %arg30[%get3A_3706, %get3A_3707] {strides = array<i32>} : memref<128x64xf32, #tpu.memory_space<vmem>>, vector<16xf32>,
      %mul3A_3709 = arith.mulf %gather3A_3627, %get3A_3708 : vector<16xf32>
      %add3A_3710 = arith.addf %mul3A_3704, %mul3A_3709 : vector<16xf32>
      %get3A_3711 = arith.constant 122 : i32
      %get3A_3712 = arith.index_cast %get3A_3711 : i32 to index
      %get3A_3713 = arith.constant 16 : index
      %get3A_3714 = tpu.vector_load %arg30[%get3A_3712, %get3A_3713] {strides = array<i32>} : memref<128x64xf32, #tpu.memory_space<vmem>>, vector<16xf32>,
      %mul3A_3715 = arith.mulf %gather3A_3630, %get3A_3714 : vector<16xf32>
      %add3A_3716 = arith.addf %add3A_3710, %mul3A_3715 : vector<16xf32>
      %get3A_3717 = arith.constant 123 : i32
      %get3A_3718 = arith.index_cast %get3A_3717 : i32 to index
      %get3A_3719 = arith.constant 16 : index
      %get3A_3720 = tpu.vector_load %arg30[%get3A_3718, %get3A_3719] {strides = array<i32>} : memref<128x64xf32, #tpu.memory_space<vmem>>, vector<16xf32>,
      %mul3A_3721 = arith.mulf %gather3A_3633, %get3A_3720 : vector<16xf32>
      %add3A_3722 = arith.addf %add3A_3716, %mul3A_3721 : vector<16xf32>
      %get3A_3723 = arith.constant 124 : i32
      %get3A_3724 = arith.index_cast %get3A_3723 : i32 to index
      %get3A_3725 = arith.constant 16 : index
      %get3A_3726 = tpu.vector_load %arg30[%get3A_3724, %get3A_3725] {strides = array<i32>} : memref<128x64xf32, #tpu.memory_space<vmem>>, vector<16xf32>,
      %mul3A_3727 = arith.mulf %gather3A_3636, %get3A_3726 : vector<16xf32>
      %add3A_3728 = arith.addf %add3A_3722, %mul3A_3727 : vector<16xf32>
      %get3A_3729 = arith.constant 125 : i32
      %get3A_3730 = arith.index_cast %get3A_3729 : i32 to index
      %get3A_3731 = arith.constant 16 : index
      %get3A_3732 = tpu.vector_load %arg30[%get3A_3730, %get3A_3731] {strides = array<i32>} : memref<128x64xf32, #tpu.memory_space<vmem>>, vector<16xf32>,
      %mul3A_3733 = arith.mulf %gather3A_3639, %get3A_3732 : vector<16xf32>
      %add3A_3734 = arith.addf %add3A_3728, %mul3A_3733 : vector<16xf32>
      %get3A_3735 = arith.constant 126 : i32
      %get3A_3736 = arith.index_cast %get3A_3735 : i32 to index
      %get3A_3737 = arith.constant 16 : index
      %get3A_3738 = tpu.vector_load %arg30[%get3A_3736, %get3A_3737] {strides = array<i32>} : memref<128x64xf32, #tpu.memory_space<vmem>>, vector<16xf32>,
      %mul3A_3739 = arith.mulf %gather3A_3642, %get3A_3738 : vector<16xf32>
      %add3A_3740 = arith.addf %add3A_3734, %mul3A_3739 : vector<16xf32>
      %get3A_3741 = arith.constant 127 : i32
      %get3A_3742 = arith.index_cast %get3A_3741 : i32 to index
      %get3A_3743 = arith.constant 16 : index
      %get3A_3744 = tpu.vector_load %arg30[%get3A_3742, %get3A_3743] {strides = array<i32>} : memref<128x64xf32, #tpu.memory_space<vmem>>, vector<16xf32>,
      %mul3A_3745 = arith.mulf %gather3A_3645, %get3A_3744 : vector<16xf32>
      %add3A_3746 = arith.addf %add3A_3740, %mul3A_3745 : vector<16xf32>
      %mul3A_3747 = arith.constant 16 : i32
      %mul3A_3748 = arith.muli %scan3A_14, %mul3A_3747 : i32
      %add3A_3749 = arith.constant 15 : i32
      %add3A_3750 = arith.addi %mul3A_3748, %add3A_3749 : i32
      %swap3A_3751 = arith.index_cast %add3A_3750 : i32 to index
      %swap3A_3752 = arith.constant 16 : index
      %swap3A_3753 = tpu.vector_load %arg31[%swap3A_3751, %swap3A_3752] {strides = array<i32>} : memref<512x64xf32, #tpu.memory_space<vmem>>, vector<16xf32>,
      tpu.vector_store %arg31[%swap3A_3751, %swap3A_3752], %add3A_3746 {strides = array<i32>} : memref<512x64xf32, #tpu.memory_space<vmem>>, vector<16xf32>,
      %get3A_3754 = arith.constant 120 : i32
      %get3A_3755 = arith.index_cast %get3A_3754 : i32 to index
      %get3A_3756 = arith.constant 32 : index
      %get3A_3757 = tpu.vector_load %arg30[%get3A_3755, %get3A_3756] {strides = array<i32>} : memref<128x64xf32, #tpu.memory_space<vmem>>, vector<16xf32>,
      %mul3A_3758 = arith.mulf %gather3A_3624, %get3A_3757 : vector<16xf32>
      %get3A_3759 = arith.constant 121 : i32
      %get3A_3760 = arith.index_cast %get3A_3759 : i32 to index
      %get3A_3761 = arith.constant 32 : index
      %get3A_3762 = tpu.vector_load %arg30[%get3A_3760, %get3A_3761] {strides = array<i32>} : memref<128x64xf32, #tpu.memory_space<vmem>>, vector<16xf32>,
      %mul3A_3763 = arith.mulf %gather3A_3627, %get3A_3762 : vector<16xf32>
      %add3A_3764 = arith.addf %mul3A_3758, %mul3A_3763 : vector<16xf32>
      %get3A_3765 = arith.constant 122 : i32
      %get3A_3766 = arith.index_cast %get3A_3765 : i32 to index
      %get3A_3767 = arith.constant 32 : index
      %get3A_3768 = tpu.vector_load %arg30[%get3A_3766, %get3A_3767] {strides = array<i32>} : memref<128x64xf32, #tpu.memory_space<vmem>>, vector<16xf32>,
      %mul3A_3769 = arith.mulf %gather3A_3630, %get3A_3768 : vector<16xf32>
      %add3A_3770 = arith.addf %add3A_3764, %mul3A_3769 : vector<16xf32>
      %get3A_3771 = arith.constant 123 : i32
      %get3A_3772 = arith.index_cast %get3A_3771 : i32 to index
      %get3A_3773 = arith.constant 32 : index
      %get3A_3774 = tpu.vector_load %arg30[%get3A_3772, %get3A_3773] {strides = array<i32>} : memref<128x64xf32, #tpu.memory_space<vmem>>, vector<16xf32>,
      %mul3A_3775 = arith.mulf %gather3A_3633, %get3A_3774 : vector<16xf32>
      %add3A_3776 = arith.addf %add3A_3770, %mul3A_3775 : vector<16xf32>
      %get3A_3777 = arith.constant 124 : i32
      %get3A_3778 = arith.index_cast %get3A_3777 : i32 to index
      %get3A_3779 = arith.constant 32 : index
      %get3A_3780 = tpu.vector_load %arg30[%get3A_3778, %get3A_3779] {strides = array<i32>} : memref<128x64xf32, #tpu.memory_space<vmem>>, vector<16xf32>,
      %mul3A_3781 = arith.mulf %gather3A_3636, %get3A_3780 : vector<16xf32>
      %add3A_3782 = arith.addf %add3A_3776, %mul3A_3781 : vector<16xf32>
      %get3A_3783 = arith.constant 125 : i32
      %get3A_3784 = arith.index_cast %get3A_3783 : i32 to index
      %get3A_3785 = arith.constant 32 : index
      %get3A_3786 = tpu.vector_load %arg30[%get3A_3784, %get3A_3785] {strides = array<i32>} : memref<128x64xf32, #tpu.memory_space<vmem>>, vector<16xf32>,
      %mul3A_3787 = arith.mulf %gather3A_3639, %get3A_3786 : vector<16xf32>
      %add3A_3788 = arith.addf %add3A_3782, %mul3A_3787 : vector<16xf32>
      %get3A_3789 = arith.constant 126 : i32
      %get3A_3790 = arith.index_cast %get3A_3789 : i32 to index
      %get3A_3791 = arith.constant 32 : index
      %get3A_3792 = tpu.vector_load %arg30[%get3A_3790, %get3A_3791] {strides = array<i32>} : memref<128x64xf32, #tpu.memory_space<vmem>>, vector<16xf32>,
      %mul3A_3793 = arith.mulf %gather3A_3642, %get3A_3792 : vector<16xf32>
      %add3A_3794 = arith.addf %add3A_3788, %mul3A_3793 : vector<16xf32>
      %get3A_3795 = arith.constant 127 : i32
      %get3A_3796 = arith.index_cast %get3A_3795 : i32 to index
      %get3A_3797 = arith.constant 32 : index
      %get3A_3798 = tpu.vector_load %arg30[%get3A_3796, %get3A_3797] {strides = array<i32>} : memref<128x64xf32, #tpu.memory_space<vmem>>, vector<16xf32>,
      %mul3A_3799 = arith.mulf %gather3A_3645, %get3A_3798 : vector<16xf32>
      %add3A_3800 = arith.addf %add3A_3794, %mul3A_3799 : vector<16xf32>
      %mul3A_3801 = arith.constant 16 : i32
      %mul3A_3802 = arith.muli %scan3A_14, %mul3A_3801 : i32
      %add3A_3803 = arith.constant 15 : i32
      %add3A_3804 = arith.addi %mul3A_3802, %add3A_3803 : i32
      %swap3A_3805 = arith.index_cast %add3A_3804 : i32 to index
      %swap3A_3806 = arith.constant 32 : index
      %swap3A_3807 = tpu.vector_load %arg31[%swap3A_3805, %swap3A_3806] {strides = array<i32>} : memref<512x64xf32, #tpu.memory_space<vmem>>, vector<16xf32>,
      tpu.vector_store %arg31[%swap3A_3805, %swap3A_3806], %add3A_3800 {strides = array<i32>} : memref<512x64xf32, #tpu.memory_space<vmem>>, vector<16xf32>,
      %get3A_3808 = arith.constant 120 : i32
      %get3A_3809 = arith.index_cast %get3A_3808 : i32 to index
      %get3A_3810 = arith.constant 48 : index
      %get3A_3811 = tpu.vector_load %arg30[%get3A_3809, %get3A_3810] {strides = array<i32>} : memref<128x64xf32, #tpu.memory_space<vmem>>, vector<16xf32>,
      %mul3A_3812 = arith.mulf %gather3A_3624, %get3A_3811 : vector<16xf32>
      %get3A_3813 = arith.constant 121 : i32
      %get3A_3814 = arith.index_cast %get3A_3813 : i32 to index
      %get3A_3815 = arith.constant 48 : index
      %get3A_3816 = tpu.vector_load %arg30[%get3A_3814, %get3A_3815] {strides = array<i32>} : memref<128x64xf32, #tpu.memory_space<vmem>>, vector<16xf32>,
      %mul3A_3817 = arith.mulf %gather3A_3627, %get3A_3816 : vector<16xf32>
      %add3A_3818 = arith.addf %mul3A_3812, %mul3A_3817 : vector<16xf32>
      %get3A_3819 = arith.constant 122 : i32
      %get3A_3820 = arith.index_cast %get3A_3819 : i32 to index
      %get3A_3821 = arith.constant 48 : index
      %get3A_3822 = tpu.vector_load %arg30[%get3A_3820, %get3A_3821] {strides = array<i32>} : memref<128x64xf32, #tpu.memory_space<vmem>>, vector<16xf32>,
      %mul3A_3823 = arith.mulf %gather3A_3630, %get3A_3822 : vector<16xf32>
      %add3A_3824 = arith.addf %add3A_3818, %mul3A_3823 : vector<16xf32>
      %get3A_3825 = arith.constant 123 : i32
      %get3A_3826 = arith.index_cast %get3A_3825 : i32 to index
      %get3A_3827 = arith.constant 48 : index
      %get3A_3828 = tpu.vector_load %arg30[%get3A_3826, %get3A_3827] {strides = array<i32>} : memref<128x64xf32, #tpu.memory_space<vmem>>, vector<16xf32>,
      %mul3A_3829 = arith.mulf %gather3A_3633, %get3A_3828 : vector<16xf32>
      %add3A_3830 = arith.addf %add3A_3824, %mul3A_3829 : vector<16xf32>
      %get3A_3831 = arith.constant 124 : i32
      %get3A_3832 = arith.index_cast %get3A_3831 : i32 to index
      %get3A_3833 = arith.constant 48 : index
      %get3A_3834 = tpu.vector_load %arg30[%get3A_3832, %get3A_3833] {strides = array<i32>} : memref<128x64xf32, #tpu.memory_space<vmem>>, vector<16xf32>,
      %mul3A_3835 = arith.mulf %gather3A_3636, %get3A_3834 : vector<16xf32>
      %add3A_3836 = arith.addf %add3A_3830, %mul3A_3835 : vector<16xf32>
      %get3A_3837 = arith.constant 125 : i32
      %get3A_3838 = arith.index_cast %get3A_3837 : i32 to index
      %get3A_3839 = arith.constant 48 : index
      %get3A_3840 = tpu.vector_load %arg30[%get3A_3838, %get3A_3839] {strides = array<i32>} : memref<128x64xf32, #tpu.memory_space<vmem>>, vector<16xf32>,
      %mul3A_3841 = arith.mulf %gather3A_3639, %get3A_3840 : vector<16xf32>
      %add3A_3842 = arith.addf %add3A_3836, %mul3A_3841 : vector<16xf32>
      %get3A_3843 = arith.constant 126 : i32
      %get3A_3844 = arith.index_cast %get3A_3843 : i32 to index
      %get3A_3845 = arith.constant 48 : index
      %get3A_3846 = tpu.vector_load %arg30[%get3A_3844, %get3A_3845] {strides = array<i32>} : memref<128x64xf32, #tpu.memory_space<vmem>>, vector<16xf32>,
      %mul3A_3847 = arith.mulf %gather3A_3642, %get3A_3846 : vector<16xf32>
      %add3A_3848 = arith.addf %add3A_3842, %mul3A_3847 : vector<16xf32>
      %get3A_3849 = arith.constant 127 : i32
      %get3A_3850 = arith.index_cast %get3A_3849 : i32 to index
      %get3A_3851 = arith.constant 48 : index
      %get3A_3852 = tpu.vector_load %arg30[%get3A_3850, %get3A_3851] {strides = array<i32>} : memref<128x64xf32, #tpu.memory_space<vmem>>, vector<16xf32>,
      %mul3A_3853 = arith.mulf %gather3A_3645, %get3A_3852 : vector<16xf32>
      %add3A_3854 = arith.addf %add3A_3848, %mul3A_3853 : vector<16xf32>
      %mul3A_3855 = arith.constant 16 : i32
      %mul3A_3856 = arith.muli %scan3A_14, %mul3A_3855 : i32
      %add3A_3857 = arith.constant 15 : i32
      %add3A_3858 = arith.addi %mul3A_3856, %add3A_3857 : i32
      %swap3A_3859 = arith.index_cast %add3A_3858 : i32 to index
      %swap3A_3860 = arith.constant 48 : index
      %swap3A_3861 = tpu.vector_load %arg31[%swap3A_3859, %swap3A_3860] {strides = array<i32>} : memref<512x64xf32, #tpu.memory_space<vmem>>, vector<16xf32>,
      tpu.vector_store %arg31[%swap3A_3859, %swap3A_3860], %add3A_3854 {strides = array<i32>} : memref<512x64xf32, #tpu.memory_space<vmem>>, vector<16xf32>,
    }
    %scan3A_11 = arith.constant 32 : i32
    %mul3A_12 = arith.constant 512 : i32
    %mul3A_13 = arith.muli %add3A, %mul3A_12 : i32
    "tpu.region"() ({
      %run_scoped3A = tpu.sem_alloc : memref<!tpu.dma_semaphore, #tpu.memory_space<semaphore_mem>>
      %dma_start3A = arith.constant 0 : i32
      %dma_start3A_14 = tpu.memref_slice %arg15[%mul3A_13, %dma_start3A] : memref<16384x64xf32, #tpu.memory_space<hbm>> -> memref<512x64xf32, #tpu.memory_space<hbm>>
      %dma_start3A_15 = arith.constant 0 : i32
      %dma_start3A_16 = tpu.memref_slice %arg15[%mul3A_13, %dma_start3A_15] : memref<16384x64xf32, #tpu.memory_space<hbm>> -> memref<512x64xf32, #tpu.memory_space<hbm>>
      tpu.enqueue_dma source(%arg31 : memref<512x64xf32, #tpu.memory_space<vmem>>) target(%dma_start3A_16 : memref<512x64xf32, #tpu.memory_space<hbm>>) target_semaphore(%run_scoped3A : memref<!tpu.dma_semaphore, #tpu.memory_space<semaphore_mem>>)
      %dma_wait3A = arith.constant 0 : i32
      %dma_wait3A_17 = tpu.memref_slice %arg15[%mul3A_13, %dma_wait3A] : memref<16384x64xf32, #tpu.memory_space<hbm>> -> memref<512x64xf32, #tpu.memory_space<hbm>>
      %dma_wait3A_18 = arith.constant 0 : i32
      %dma_wait3A_19 = tpu.memref_slice %arg15[%mul3A_13, %dma_wait3A_18] : memref<16384x64xf32, #tpu.memory_space<hbm>> -> memref<512x64xf32, #tpu.memory_space<hbm>>
      tpu.wait_dma2 semaphore(%run_scoped3A : memref<!tpu.dma_semaphore, #tpu.memory_space<semaphore_mem>>) src(%arg31 : memref<512x64xf32, #tpu.memory_space<vmem>>) dst(%dma_wait3A_19 : memref<512x64xf32, #tpu.memory_space<hbm>>)
      tpu.yield
    }) : () -> ()
    return
  }
}

</mosaic_0001>

<sc_bundles>
// kernel: _phase2_sc.3.cloned.1.call-start
scs
__scs_entry_jumppad:
0x0: {  	(pc) =	sbr.rel $0x88, $3  }
0x1: {  	(tag) =	ssettag $0x0;
	lr =	simm.s32 $0x1  }
0x2: {  	[smem:$0x3F94] =	sst lr;
	_ =	strace $0xD0000000  }
0x3: {  	_ = 	snop  }
0x4: {  	_ = 	snop  }
0x5: {  	_ = 	snop  }
0x6: {  	_ = 	snop  }
0x7: {  	_ = 	snop  }
__scs_overlays_trampoline_lowered:
0x8: {  	[smem:$0x3FA3] =	sst s0  }
0x9: {  	[smem:$0x3FA4] =	sst s1  }
0xa: {  	[smem:$0x3FA5] =	sst s2  }
0xb: {  	[smem:$0x3FA6] =	sst s3  }
0xc: {  	[smem:$0x3FA7] =	sst s4  }
0xd: {  	[smem:$0x3FA8] =	sst s5  }
0xe: {  	[smem:$0x3FA9] =	sst s6  }
0xf: {  	[smem:$0x3FAA] =	sst s7  }
0x10: {  	[smem:$0x3FAB] =	sst s8  }
0x11: {  	[smem:$0x3FAC] =	sst s9;
	s0 =	simm.s32 @!p0 $0x0  }
0x12: {  	s1 =	sld [smem:$0x3F92];
	s0 =	simm.s32 @p0 $0x1  }
0x13: {  	[smem:$0x3FAD] =	sst s0;
	s0 =	simm.s32 @!p1 $0x0  }
0x14: {  	s2 =	sld [smem:$0x3F91];
	s0 =	simm.s32 @p1 $0x1  }
0x15: {  	[smem:$0x3FAE] =	sst s0;
	s0 =	simm.s32 @!p2 $0x0  }
0x16: {  	s3 =	sld [smem:$0x3FDB];
	s0 =	simm.s32 @p2 $0x1  }
0x17: {  	s4 =	simm.s32 $0x1BF5;
	[smem:$0x3FB0] =	sst s0  }
0x18: {  	s0 =	sld [smem:$0x3F93];
	_ =	swait.ge [sflag:s4], $0x0  }
0x19: {  	s7 =	sld [smem:$0x3F94]  }
0x1a: {  	s8 =	sadd.s32 $0xFFFFE003, lr  }
0x1b: {  	s9 =	sadd.s32 $0xFFFFFEF7, lr;
	s5 =	simm.s32 $0xFFFFFFFF;
	p2 =	slt.u32 s8, $0xFFFFF086  }
0x1c: {  	p1 =	slt.u32 s9, $0xF7A;
	s5 =	simm.s32 @!p2 $0x0  }
0x1d: {  	s5 =	simm.s32 @p1 $0x1;
	p0 =	seq.s32 s7, s2  }
0x1e: {  	s7 =	smul.u32 @!p0 $0xF7A, s2;
	p2 =	seq.s32 @!p0 s5, $0x0  }
0x1f: {  	s9 =	smul.u32 $0xF7A, s1;
	s8 =	simm.s32 @!p0 $0x1BF5;
	p2 =	por !p2, p0  }
0x20: {  	[sflag:s8] =	ssyncset.s32 @!p0 $0xFFFFF086;
	s6 =	sadd.s32 @!p0 s3, s7;
	s7 =	simm.s32 @!p0 $0x108  }
0x21: {  	s3 =	sadd.s32 s3, s9;
	s6 =	sadd.s32 @!p0 $0x88, s6;
	s7 =	simm.s32 @p2 $0x1082  }
0x22: {  	[simem:s7], [sflag:s8] =	dma.local @!p0 [hbm:s6], $0xF7A  }
0x23: {  	s9 =	sor.u32 $0xD0000000, s2;
	s6 =	simm.s32 $0x108;
	_ =	swait.ge @!p0 [sflag:s8], $0x0  }
0x24: {  	s3 =	sadd.s32 $0x88, s3;
	s6 =	simm.s32 @!p1 $0x1082;
	[sflag:s4] =	ssyncset.s32 $0xFFFFF086  }
0x25: {  	[simem:s6], [sflag:s4] =	dma.local [hbm:s3], $0xF7A  }
0x26: {  	[smem:$0x3F94] =	sst s1;
	(tag) =	ssettag s2;
	_ =	strace s9  }
0x27: {  	s1 =	sld [smem:$0x3FA4]  }
0x28: {  	s2 =	sld [smem:$0x3FA5]  }
0x29: {  	s4 =	sld [smem:$0x3FA7]  }
0x2a: {  	p0 =	seq.s32 s5, $0x0;
	s5 =	sld [smem:$0x3FA8]  }
0x2b: {  	s6 =	sld [smem:$0x3FA9]  }
0x2c: {  	s7 =	sld [smem:$0x3FAA]  }
0x2d: {  	s3 =	simm.s32 $0x108;
	s8 =	sld [smem:$0x3FAB]  }
0x2e: {  	s3 =	simm.s32 @!p0 $0x1082;
	s9 =	sld [smem:$0x3FAC]  }
0x2f: {  	lr =	sadd.s32 s0, s3;
	s0 =	sld [smem:$0x3FA3]  }
0x30: {  	s3 =	sld [smem:$0x3FA6]  }
0x31: {  	[smem:$0x3FAF] =	sst s10  }
0x32: {  	s10 =	sld [smem:$0x3FAD];
	_ =	sdelay $0x3  }
0x33: {  	p0 =	seq.s32 s10, $0x1;
	s10 =	sld [smem:$0x3FAF];
	_ =	sdelay $0x3  }
0x34: {  	[smem:$0x3FAF] =	sst s10  }
0x35: {  	s10 =	sld [smem:$0x3FAE];
	_ =	sdelay $0x3  }
0x36: {  	p1 =	seq.s32 s10, $0x1;
	s10 =	sld [smem:$0x3FAF];
	_ =	sdelay $0x3  }
0x37: {  	[smem:$0x3FAF] =	sst s10  }
0x38: {  	s10 =	sld [smem:$0x3FB0]  }
0x39: {  	_ = 	snop;
	(pc) =	sbr.ind lr, $3  }
0x3a: {  	_ = 	snop  }
0x3b: {  	_ = 	snop  }
0x3c: {  	p2 =	seq.s32 s10, $0x1;
	s10 =	sld [smem:$0x3FAF]  }
0x3d: {  	_ =	shalt  }
0x3e: {  	_ =	shalt  }
0x3f: {  	_ =	shalt  }
0x40: {  	_ =	shalt  }
0x41: {  	_ =	shalt  }
0x42: {  	_ =	shalt  }
0x43: {  	_ =	shalt  }
0x44: {  	_ =	shalt  }
0x45: {  	_ =	shalt  }
0x46: {  	_ =	shalt  }
0x47: {  	_ =	shalt  }
0x48: {  	_ =	shalt  }
0x49: {  	_ =	shalt  }
0x4a: {  	_ =	shalt  }
0x4b: {  	_ =	shalt  }
0x4c: {  	_ =	shalt  }
0x4d: {  	_ =	shalt  }
0x4e: {  	_ =	shalt  }
0x4f: {  	_ =	shalt  }
0x50: {  	_ =	shalt  }
0x51: {  	_ =	shalt  }
0x52: {  	_ =	shalt  }
0x53: {  	_ =	shalt  }
0x54: {  	_ =	shalt  }
0x55: {  	_ =	shalt  }
0x56: {  	_ =	shalt  }
0x57: {  	_ =	shalt  }
0x58: {  	_ =	shalt  }
0x59: {  	_ =	shalt  }
0x5a: {  	_ =	shalt  }
0x5b: {  	_ =	shalt  }
0x5c: {  	_ =	shalt  }
0x5d: {  	_ =	shalt  }
0x5e: {  	_ =	shalt  }
0x5f: {  	_ =	shalt  }
0x60: {  	_ =	shalt  }
0x61: {  	_ =	shalt  }
0x62: {  	_ =	shalt  }
0x63: {  	_ =	shalt  }
0x64: {  	_ =	shalt  }
0x65: {  	_ =	shalt  }
0x66: {  	_ =	shalt  }
0x67: {  	_ =	shalt  }
0x68: {  	_ =	shalt  }
0x69: {  	_ =	shalt  }
0x6a: {  	_ =	shalt  }
0x6b: {  	_ =	shalt  }
0x6c: {  	_ =	shalt  }
0x6d: {  	_ =	shalt  }
0x6e: {  	_ =	shalt  }
0x6f: {  	_ =	shalt  }
0x70: {  	_ =	shalt  }
0x71: {  	_ =	shalt  }
0x72: {  	_ =	shalt  }
0x73: {  	_ =	shalt  }
0x74: {  	_ =	shalt  }
0x75: {  	_ =	shalt  }
0x76: {  	_ =	shalt  }
0x77: {  	_ =	shalt  }
0x78: {  	_ =	shalt  }
0x79: {  	_ =	shalt  }
0x7a: {  	_ =	shalt  }
0x7b: {  	_ =	shalt  }
0x7c: {  	_ =	shalt  }
0x7d: {  	_ =	shalt  }
0x7e: {  	_ =	shalt  }
0x7f: {  	_ =	shalt  }
0x80: {  	_ =	shalt  }
0x81: {  	_ =	shalt  }
0x82: {  	_ =	shalt  }
0x83: {  	_ =	shalt  }
0x84: {  	_ =	shalt  }
0x85: {  	_ =	shalt  }
0x86: {  	_ =	shalt  }
0x87: {  	_ =	shalt  }
.Lfunc_end0:
.L_simem_size_0:
called_computation_lowered:
.L_overlay_start_0:
0x88: {  	s2 =	sld [smem:$0x3FD9]  }
0x89: {  	s3 =	sld [smem:$0x3FFE];
	_ =	sdelay $0x1  }
0x8a: {  	s1 =	srdreg.scid  }
0x8b: {  	s0 =	sand.u32 $0x1, s1  }
0x8c: {  	s17 =	sshll.u32 s0, $0xA;
	s2 =	sadd.s32 s3, s2  }
0x8d: {  	s2 =	sadd.s32 s2, s17  }
0x8e: {  	[smem:$0x3FBB] =	sst s2  }
0x8f: {  	_ = 	snop  }
0x90: {  	s2 =	sld [smem:$0x3FD0];
	(tm) =	ssettm $0x1  }
0x91: {  	s18 =	sld [smem:$0x3FFB];
	_ =	sdelay $0x3  }
0x92: {  	_ =	strace s18  }
0x93: {  	s3 =	sld [smem:$0x3FFC];
	_ =	sdelay $0x3  }
0x94: {  	_ =	strace s3  }
0x95: {  	s3 =	sld [smem:$0x3FFD];
	_ =	sdelay $0x3  }
0x96: {  	_ =	strace s3  }
0x97: {  	_ =	strace $0x8FFFFFFF  }
0x98: {  	s19 =	sld [smem:$0x3FDB];
	_ =	sdelay $0x1  }
0x99: {  	s4 =	simm.s32 $_scs_section_size  }
0x9a: {  	s5 =	simm.s32 $_size__tile_overlayer_lowered;
	s6 =	simm.s32 $_tile_overlayer_lowered  }
0x9b: {  	s22 =	simm.s32 $0x1BFF;
	s21 =	sshll.u32 s6, $0x1;
	s3 =	sadd.s32 s4, s19  }
0x9c: {  	s7 =	simm.s32 $0x0;
	s20 =	sshll.u32 s5, $0x1;
	s5 =	sadd.s32 s21, s3  }
0x9d: {  	[timem:s7], [sflag:s22] =	dma.local [hbm:s5], s20  }
0x9e: {  	_ =	swait.ge [sflag:s22], s20  }
0x9f: {  	s4 =	ssub.s32 $0x0, s20;
	[sflag:s22] =	ssyncset.done $0x0  }
0xa0: {  	[sflag:s22] =	ssyncadd.s32 s4;
	_ =	sdelay $0x1  }
0xa1: {  	s23 =	simm.s32 $0x1B8B  }
0xa2: {  	_ =	swait.ge [sflag:s23], $0x1  }
0xa3: {  	[sflag:s23] =	ssyncset.done $0x0  }
0xa4: {  	s25 =	simm.s32 $0x1B8E;
	s24 =	sld [smem:$0x3FFE];
	[sflag:s23] =	ssyncadd.s32 $0xFFFFFFFF  }
0xa5: {  	s26 =	simm.s32 $execute0_lowered;
	[smem:$0x3FD2] =	sst s25  }
0xa6: {  	s5 =	sshll.u32 s26, $0x1;
	_ =	strace $0x80000046;
	[dreg:$0x1] =	wrdreg $0xFFFFFFFF  }
0xa7: {  	s28 =	simm.s32 $_size_execute0_lowered;
	s3 =	sadd.s32 s3, s5;
	[dreg:$0x0] =	wrdreg $0x0  }
0xa8: {  	s5 =	sshll.u32 s28, $0x1;
	[dreg:$0x2] =	wrdreg s3  }
0xa9: {  	[dreg:$0x3] =	wrdreg s5  }
0xaa: {  	[dreg:$0x4] =	wrdreg $0xC0  }
0xab: {  	_ =	task [dreg:s7], $0x5FFFF  }
0xac: {  	[dreg:$0x1] =	wrdreg $0xFFFFFFFF  }
0xad: {  	[dreg:$0x0] =	wrdreg $0x60  }
0xae: {  	[dreg:$0x2] =	wrdreg s24  }
0xaf: {  	[dreg:$0x3] =	wrdreg s2  }
0xb0: {  	[dreg:$0x4] =	wrdreg $0x9  }
0xb1: {  	_ =	task.clear_ibuf [dreg:s7], $0x5FFFF;
	_ =	strace $0x90000046  }
0xb2: {  	s29 =	simm.s32 $0x9;
	_ =	strace $0x80000048  }
0xb3: {  	_ =	swait.ge [sflag:s29], $0x1  }
0xb4: {  	[sflag:s29] =	ssyncadd.s32 $0xFFFFFFFF  }
0xb5: {  	_ =	strace $0x90000048  }
0xb6: {  	_ =	sfence  }
0xb7: {  	s30 =	sld [smem:$0x0];
	_ =	sdelay $0x2  }
0xb8: {  	s31 =	sshll.u32 s1, $0xD;
	s1 =	sshrl.u32 s1, $0x2  }
0xb9: {  	s3 =	sand.u32 $0x4000, s31;
	s1 =	sadd.s32 s1, s30  }
0xba: {  	s0 =	sor.u32 s3, s0;
	s1 =	sshll.u32 s1, $0x11  }
0xbb: {  	s0 =	sor.u32 s1, s0  }
0xbc: {  	s0 =	sadd.s32 $0x8F2B, s0  }
0xbd: {  	[sflag:s0] =	ssyncadd.remote.s32 $0x1  }
0xbe: {  	_ =	sfence.sel $0xFFFF  }
0xbf: {  	[dreg:$0x0] =	wrdreg $0xFFFFFFFF;
	(pc) =	sbr.abs _section_cstart, $3  }
0xc0: {  	[dreg:$0x1] =	wrdreg $0xFFFFFFFF  }
0xc1: {  	_ =	task.clear_ibuf [dreg:s7], $0x2FFFF;
	_ =	strace $0x9FFFFFFF  }
0xc2: {  	(tm) =	ssettm $0x7FFFFFFF  }
0xc3: {  	_ =	shalt  }
tec
execute0_lowered:
.L_overlay_start_1:
0x0: {  	(tag) =	ssettag $0x1  }
0x1: {  	s0 =	rddreg [dreg:$0x0]  }
0x2: {  	s1 =	srdreg.scid;
	s2 =	stileid.u32  }
0x3: {  	s4 =	rddreg [dreg:$0x1];
	s18 =	simm.s32 $0x2;
	s19 =	simm.s32 $0x800  }
0x4: {  	s20 =	simm.s32 $0x1000;
	s21 =	simm.s32 $0x1800;
	s28 =	simm.s32 $0x80  }
0x5: {  	s29 =	simm.s32 $0x5800;
	s1 =	sand.u32 $0x1, s1;
	s3 =	sshll.u32 s2, $0x1  }
0x6: {  	s30 =	simm.s32 $0x1;
	s2 =	simm.s32 $0x0;
	s5 =	sor.u32 s1, s3  }
0x7: {  	[smem:$0x7FF] =	sst s2;
	s3 =	sadd.s32 $0x201C00, s0;
	s1 =	ssub.s32 $0x2, s1  }
0x8: {  	s6 =	sshll.u32 s5, $0x8;
	_ =	strace $0x80000047;
	s7 =	sshll.u32 s5, $0x7  }
0x9: {  	s8 =	sshll.u32 s5, $0x6;
	s22 =	sshrl.u32 s1, $0x1;
	s5 =	sshll.u32 s5, $0xC  }
0xa: {  	s6 =	sadd.s32 s6, s0;
	s7 =	sadd.s32 s7, s0;
	s0 =	sadd.s32 s8, s0  }
0xb: {  	s1 =	ssub.s32 s1, s22;
	s16 =	sadd.s32 s4, s5;
	s22 =	simm.s32 $0x2000  }
0xc: {  	s23 =	sadd.s32 $0x5C00, s6;
	s24 =	sadd.s32 $0x3C00, s6;
	s25 =	sadd.s32 $0x1C00, s6  }
0xd: {  	s6 =	sadd.s32 $0x7C00, s6;
	s26 =	sadd.s32 $0xCC00, s7;
	[dreg:$0x3] =	wrdreg s23  }
0xe: {  	v0 =	vlaneseq.u32;
	s31 =	sadd.s32 $0xBC00, s7;
	s10 =	sadd.s32 $0xAC00, s7;
	[dreg:$0x4] =	wrdreg s24  }
0xf: {  	v0 =	vmul.u32 $0x8, v0;
	s11 =	sadd.s32 $0x9C00, s7;
	s12 =	sadd.s32 $0xF400, s0;
	[dreg:$0x5] =	wrdreg s25  }
0x10: {  	s13 =	sadd.s32 $0xEC00, s0;
	s14 =	sadd.s32 $0xE400, s0;
	[dreg:$0x6] =	wrdreg s6  }
0x11: {  	v2 =	vor.u32 $0x1, v0;
	v3 =	vor.u32 $0x2, v0;
	s15 =	sadd.s32 $0xDC00, s0;
	s17 =	smax.u32 s1, $0x1;
	[dreg:$0x7] =	wrdreg s26  }
0x12: {  	v4 =	vor.u32 $0x3, v0;
	v5 =	vor.u32 $0x4, v0;
	v6 =	vor.u32 $0x5, v0;
	s1 =	simm.s32 $0x0;
	[dreg:$0x8] =	wrdreg s31;
	s23 =	simm.s32 $0x2400  }
0x13: {  	v7 =	vor.u32 $0x6, v0;
	v8 =	vor.u32 $0x7, v0;
	v1 =	vmov s5;
	s24 =	simm.s32 $0x2800;
	s25 =	simm.s32 $0x2C00;
	s26 =	simm.s32 $0x4800  }
.LBB2_1:
0x14: {  	s0 =	rddreg [dreg:$0x3]  }
0x15: {  	[tilespmem:s2], [sflag:$0x2] =	stream.linear.gather [hbm4b:s0+s2], $0x800, $0x38;
	[tilespmem:$0xF800] =	vst v63  }
0x16: {  	_ =	swait.ge [sflag:s18], $0x800  }
0x17: {  	[sflag:s18] =	ssyncset.done $0x0  }
0x18: {  	s6 =	rddreg [dreg:$0x4];
	[sflag:s18] =	ssyncadd.s32 $0xFFFFF800  }
0x19: {  	[tilespmem:s19], [sflag:$0x2] =	stream.linear.gather [hbm4b:s6+s2], $0x800, $0x38;
	[tilespmem:$0xF800] =	vst v63  }
0x1a: {  	_ =	swait.ge [sflag:s18], $0x800  }
0x1b: {  	[sflag:s18] =	ssyncset.done $0x0  }
0x1c: {  	s7 =	rddreg [dreg:$0x5];
	[sflag:s18] =	ssyncadd.s32 $0xFFFFF800  }
0x1d: {  	[tilespmem:s20], [sflag:$0x2] =	stream.linear.gather [hbm4b:s7+s2], $0x800, $0x38;
	[tilespmem:$0xF800] =	vst v63  }
0x1e: {  	_ =	swait.ge [sflag:s18], $0x800  }
0x1f: {  	[sflag:s18] =	ssyncset.done $0x0  }
0x20: {  	s8 =	rddreg [dreg:$0x6];
	[sflag:s18] =	ssyncadd.s32 $0xFFFFF800  }
0x21: {  	[tilespmem:s21], [sflag:$0x2] =	stream.linear.gather [hbm4b:s8+s2], $0x800, $0x38;
	[tilespmem:$0xF800] =	vst v63  }
0x22: {  	_ =	swait.ge [sflag:s18], $0x800  }
0x23: {  	[sflag:s18] =	ssyncset.done $0x0  }
0x24: {  	s9 =	rddreg [dreg:$0x7];
	[sflag:s18] =	ssyncadd.s32 $0xFFFFF800  }
0x25: {  	[tilespmem:s22], [sflag:$0x2] =	stream.linear.gather [hbm4b:s9+s2], $0x400, $0x38;
	[tilespmem:$0xF800] =	vst v63  }
0x26: {  	_ =	swait.ge [sflag:s18], $0x400  }
0x27: {  	[sflag:s18] =	ssyncset.done $0x0  }
0x28: {  	s31 =	rddreg [dreg:$0x8];
	[sflag:s18] =	ssyncadd.s32 $0xFFFFFC00  }
0x29: {  	[tilespmem:s23], [sflag:$0x2] =	stream.linear.gather [hbm4b:s31+s2], $0x400, $0x38;
	[tilespmem:$0xF800] =	vst v63  }
0x2a: {  	_ =	swait.ge [sflag:s18], $0x400  }
0x2b: {  	[sflag:s18] =	ssyncset.done $0x0  }
0x2c: {  	[sflag:s18] =	ssyncadd.s32 $0xFFFFFC00  }
0x2d: {  	[tilespmem:s24], [sflag:$0x2] =	stream.linear.gather [hbm4b:s10+s2], $0x400, $0x38;
	[tilespmem:$0xF800] =	vst v63  }
0x2e: {  	_ =	swait.ge [sflag:s18], $0x400  }
0x2f: {  	[sflag:s18] =	ssyncset.done $0x0  }
0x30: {  	[sflag:s18] =	ssyncadd.s32 $0xFFFFFC00  }
0x31: {  	[tilespmem:s25], [sflag:$0x2] =	stream.linear.gather [hbm4b:s11+s2], $0x400, $0x38;
	[tilespmem:$0xF800] =	vst v63  }
0x32: {  	_ =	swait.ge [sflag:s18], $0x400  }
0x33: {  	[sflag:s18] =	ssyncset.done $0x0  }
0x34: {  	s4 =	simm.s32 $0x3000;
	[sflag:s18] =	ssyncadd.s32 $0xFFFFFC00  }
0x35: {  	[tilespmem:s4], [sflag:$0x2] =	stream.linear.gather [hbm4b:s12+s2], $0x200, $0x38;
	[tilespmem:$0xF800] =	vst v63  }
0x36: {  	_ =	swait.ge [sflag:s18], $0x200  }
0x37: {  	[sflag:s18] =	ssyncset.done $0x0  }
0x38: {  	s5 =	simm.s32 $0x3200;
	[sflag:s18] =	ssyncadd.s32 $0xFFFFFE00  }
0x39: {  	[tilespmem:s5], [sflag:$0x2] =	stream.linear.gather [hbm4b:s13+s2], $0x200, $0x38;
	[tilespmem:$0xF800] =	vst v63  }
0x3a: {  	_ =	swait.ge [sflag:s18], $0x200  }
0x3b: {  	[sflag:s18] =	ssyncset.done $0x0  }
0x3c: {  	s6 =	simm.s32 $0x3400;
	[sflag:s18] =	ssyncadd.s32 $0xFFFFFE00  }
0x3d: {  	[tilespmem:s6], [sflag:$0x2] =	stream.linear.gather [hbm4b:s14+s2], $0x200, $0x38;
	[tilespmem:$0xF800] =	vst v63  }
0x3e: {  	_ =	swait.ge [sflag:s18], $0x200  }
0x3f: {  	[sflag:s18] =	ssyncset.done $0x0  }
0x40: {  	s7 =	simm.s32 $0x3600;
	[sflag:s18] =	ssyncadd.s32 $0xFFFFFE00  }
0x41: {  	[tilespmem:s7], [sflag:$0x2] =	stream.linear.gather [hbm4b:s15+s2], $0x200, $0x38;
	[tilespmem:$0xF800] =	vst v63  }
0x42: {  	_ =	swait.ge [sflag:s18], $0x200  }
0x43: {  	[sflag:s18] =	ssyncset.done $0x0  }
0x44: {  	s8 =	simm.s32 $0x0;
	[sflag:s18] =	ssyncadd.s32 $0xFFFFFE00  }
.LBB2_2:
0x45: {  	v9 =	vld [tilespmem:s4+$0x0];
	_ =	sdelay $0x7  }
0x46: {  	v10 =	vld.idx.msk [tilespmem:v9+s22+$0x0], $0xffff;
	_ =	sdelay $0x4  }
0x47: {  	v11 =	vld [tilespmem:s6+$0x0]  }
0x48: {  	v12 =	vld.idx.msk [tilespmem:v9+s23+$0x0], $0xffff  }
0x49: {  	s0 =	simm.s32 $0x0;
	v13 =	vld.idx.msk [tilespmem:v9+s24+$0x0], $0xffff  }
0x4a: {  	v14 =	vld.idx.msk [tilespmem:v10+s0+$0x0], $0xffff  }
0x4b: {  	s9 =	sshll.u32 s8, $0x7;
	v15 =	vld.idx.msk [tilespmem:v10+s20+$0x0], $0xffff  }
0x4c: {  	v17 =	vor.u32 s9, v0;
	v16 =	vld.idx.msk [tilespmem:v10+s19+$0x0], $0xffff  }
0x4d: {  	v10 =	vld.idx.msk [tilespmem:v10+s21+$0x0], $0xffff  }
0x4e: {  	v19 =	vor.u32 s9, v2;
	v13 =	vmul.f32 v13, v11  }
0x4f: {  	v18 =	vld [tilespmem:s5+$0x0]  }
0x50: {  	v20 =	vld [tilespmem:s7+$0x0];
	s31 =	simm.s32 $0x3800;
	v15 =	vmul.f32 v15, v13;
	v14 =	vadd.s32 v1, v14  }
0x51: {  	v9 =	vld.idx.msk [tilespmem:v9+s25+$0x0], $0xffff;
	[tilespmem:v17+s31+$0x0] =	vst.idx.msk $0xffff, v14  }
0x52: {  	v10 =	vmul.f32 v10, v13;
	v55 =	vadd.s32 v1, v16;
	[tilespmem:v17+s26+$0x0] =	vst.idx.msk $0xffff, v15  }
0x53: {  	[tilespmem:v19+s31+$0x0] =	vst.idx.msk $0xffff, v55  }
0x54: {  	[tilespmem:v19+s26+$0x0] =	vst.idx.msk $0xffff, v10  }
0x55: {  	v10 =	vld.idx.msk [tilespmem:v12+s0+$0x0], $0xffff  }
0x56: {  	v13 =	vld.idx.msk [tilespmem:v12+s20+$0x0], $0xffff  }
0x57: {  	v56 =	vor.u32 s9, v3;
	v14 =	vld.idx.msk [tilespmem:v12+s19+$0x0], $0xffff  }
0x58: {  	v12 =	vld.idx.msk [tilespmem:v12+s21+$0x0], $0xffff  }
0x59: {  	v9 =	vmul.f32 v9, v11;
	v11 =	vor.u32 s9, v4;
	_ =	sdelay $0x1  }
0x5a: {  	v13 =	vmul.f32 v13, v9;
	v10 =	vadd.s32 v1, v10  }
0x5b: {  	[tilespmem:v56+s31+$0x0] =	vst.idx.msk $0xffff, v10  }
0x5c: {  	v9 =	vmul.f32 v12, v9;
	v10 =	vadd.s32 v1, v14;
	[tilespmem:v56+s26+$0x0] =	vst.idx.msk $0xffff, v13  }
0x5d: {  	[tilespmem:v11+s31+$0x0] =	vst.idx.msk $0xffff, v10  }
0x5e: {  	[tilespmem:v11+s26+$0x0] =	vst.idx.msk $0xffff, v9  }
0x5f: {  	v9 =	vld.idx.msk [tilespmem:v18+s22+$0x0], $0xffff;
	_ =	sdelay $0x5  }
0x60: {  	v10 =	vld.idx.msk [tilespmem:v18+s23+$0x0], $0xffff  }
0x61: {  	v11 =	vld.idx.msk [tilespmem:v18+s24+$0x0], $0xffff  }
0x62: {  	v57 =	vld.idx.msk [tilespmem:v9+s0+$0x0], $0xffff  }
0x63: {  	v13 =	vld.idx.msk [tilespmem:v9+s20+$0x0], $0xffff  }
0x64: {  	v59 =	vor.u32 s9, v5;
	v58 =	vld.idx.msk [tilespmem:v9+s19+$0x0], $0xffff  }
0x65: {  	v9 =	vld.idx.msk [tilespmem:v9+s21+$0x0], $0xffff  }
0x66: {  	v60 =	vor.u32 s9, v6;
	v11 =	vmul.f32 v11, v20;
	_ =	sdelay $0x1  }
0x67: {  	v13 =	vmul.f32 v13, v11;
	v12 =	vadd.s32 v1, v57  }
0x68: {  	v17 =	vld.idx.msk [tilespmem:v18+s25+$0x0], $0xffff;
	[tilespmem:v59+s31+$0x0] =	vst.idx.msk $0xffff, v12  }
0x69: {  	v9 =	vmul.f32 v9, v11;
	v11 =	vadd.s32 v1, v58;
	[tilespmem:v59+s26+$0x0] =	vst.idx.msk $0xffff, v13  }
0x6a: {  	[tilespmem:v60+s31+$0x0] =	vst.idx.msk $0xffff, v11  }
0x6b: {  	[tilespmem:v60+s26+$0x0] =	vst.idx.msk $0xffff, v9  }
0x6c: {  	v9 =	vld.idx.msk [tilespmem:v10+s0+$0x0], $0xffff  }
0x6d: {  	v11 =	vld.idx.msk [tilespmem:v10+s20+$0x0], $0xffff  }
0x6e: {  	v61 =	vor.u32 s9, v7;
	v12 =	vld.idx.msk [tilespmem:v10+s19+$0x0], $0xffff  }
0x6f: {  	v10 =	vld.idx.msk [tilespmem:v10+s21+$0x0], $0xffff  }
0x70: {  	v63 =	vor.u32 s9, v8;
	v62 =	vmul.f32 v17, v20  }
0x71: {  	p0 =	sne.s32 s8, $0x1F  }
.Ltmp0:
0x72: {  	v11 =	vmul.f32 v11, v62;
	v9 =	vadd.s32 v1, v9;
	(pc) =	sbr.rel @p0 .LBB2_2-.Ltmp0, $4  }
0x73: {  	[tilespmem:v61+s31+$0x0] =	vst.idx.msk $0xffff, v9  }
0x74: {  	v9 =	vmul.f32 v10, v62;
	v10 =	vadd.s32 v1, v12;
	[tilespmem:v61+s26+$0x0] =	vst.idx.msk $0xffff, v11  }
0x75: {  	s4 =	sadd.s32 $0x10, s4;
	s5 =	sadd.s32 $0x10, s5;
	[tilespmem:v63+s31+$0x0] =	vst.idx.msk $0xffff, v10  }
0x76: {  	s6 =	sadd.s32 $0x10, s6;
	s7 =	sadd.s32 $0x10, s7;
	s8 =	sadd.s32 $0x1, s8;
	[tilespmem:v63+s26+$0x0] =	vst.idx.msk $0xffff, v9  }
0x77: {  	s4 =	simm.s32 $0x7A00  }
.LBB2_4:
0x78: {  	s5 =	sshll.u32 s0, $0x7  }
0x79: {  	[tilespmem:s29], [sflag:$0x1] =	stream.indirect.gather [hbm4b:s3+s28], $0x40, s31, s28, $0xb8;
	[tilespmem:$0xF800] =	vst v63  }
0x7a: {  	v9 =	vmov s5;
	_ =	swait.ge [sflag:s30], $0x2000  }
0x7b: {  	v10 =	vor.u32 $0x1, v9;
	[sflag:s30] =	ssyncset.done $0x0  }
0x7c: {  	[sflag:s30] =	ssyncadd.s32 $0xFFFFE000  }
0x7d: {  	v11 =	vor.u32 $0x2, v9;
	v14 =	vld [tilespmem:$0x5800]  }
0x7e: {  	v16 =	vld [tilespmem:$0x5840]  }
0x7f: {  	v13 =	vor.u32 $0x3, v9;
	v12 =	vld.idx.msk [tilespmem:v9+s26+$0x0], $0xffff  }
0x80: {  	v10 =	vld.idx.msk [tilespmem:v10+s26+$0x0], $0xffff  }
0x81: {  	v15 =	vor.u32 $0x4, v9;
	v18 =	vld [tilespmem:$0x5880]  }
0x82: {  	v11 =	vld.idx.msk [tilespmem:v11+s26+$0x0], $0xffff  }
0x83: {  	v17 =	vor.u32 $0x5, v9;
	v20 =	vld [tilespmem:$0x58C0]  }
0x84: {  	v13 =	vld.idx.msk [tilespmem:v13+s26+$0x0], $0xffff  }
0x85: {  	v19 =	vor.u32 $0x6, v9;
	v22 =	vld [tilespmem:$0x5900];
	v14 =	vmul.f32 v14, v12;
	v16 =	vmul.f32 v16, v10  }
0x86: {  	v15 =	vld.idx.msk [tilespmem:v15+s26+$0x0], $0xffff  }
0x87: {  	v21 =	vor.u32 $0x7, v9;
	v27 =	vld [tilespmem:$0x5940];
	v26 =	vmul.f32 v18, v11;
	v14 =	vadd.f32 v16, v14  }
0x88: {  	v17 =	vld.idx.msk [tilespmem:v17+s26+$0x0], $0xffff  }
0x89: {  	v29 =	vld [tilespmem:$0x5980];
	v28 =	vmul.f32 v20, v13;
	v14 =	vadd.f32 v26, v14  }
0x8a: {  	v19 =	vld.idx.msk [tilespmem:v19+s26+$0x0], $0xffff  }
0x8b: {  	v31 =	vld [tilespmem:$0x59C0];
	v30 =	vmul.f32 v22, v15;
	v14 =	vadd.f32 v28, v14  }
0x8c: {  	v21 =	vld.idx.msk [tilespmem:v21+s26+$0x0], $0xffff  }
0x8d: {  	v32 =	vmul.f32 v27, v17;
	v14 =	vadd.f32 v30, v14;
	_ =	sdelay $0x1  }
0x8e: {  	v33 =	vmul.f32 v29, v19;
	v14 =	vadd.f32 v32, v14;
	_ =	sdelay $0x1  }
0x8f: {  	v34 =	vmul.f32 v31, v21;
	v14 =	vadd.f32 v33, v14;
	_ =	sdelay $0x1  }
0x90: {  	v14 =	vadd.f32 v34, v14;
	_ =	sdelay $0x1  }
0x91: {  	[tilespmem:s4+$0xFFFFFE00] =	vst v14  }
0x92: {  	v14 =	vld [tilespmem:$0x5810]  }
0x93: {  	v35 =	vld [tilespmem:$0x5850];
	_ =	sdelay $0x1  }
0x94: {  	v36 =	vld [tilespmem:$0x5890];
	_ =	sdelay $0x1  }
0x95: {  	v37 =	vld [tilespmem:$0x58D0]  }
0x96: {  	v14 =	vmul.f32 v14, v12;
	v16 =	vmul.f32 v35, v10  }
0x97: {  	v38 =	vld [tilespmem:$0x5910]  }
0x98: {  	v39 =	vmul.f32 v36, v11;
	v14 =	vadd.f32 v16, v14  }
0x99: {  	v40 =	vld [tilespmem:$0x5950]  }
0x9a: {  	v41 =	vmul.f32 v37, v13;
	v14 =	vadd.f32 v39, v14  }
0x9b: {  	v42 =	vld [tilespmem:$0x5990]  }
0x9c: {  	v43 =	vmul.f32 v38, v15;
	v14 =	vadd.f32 v41, v14  }
0x9d: {  	v44 =	vld [tilespmem:$0x59D0]  }
0x9e: {  	v45 =	vmul.f32 v40, v17;
	v14 =	vadd.f32 v43, v14;
	_ =	sdelay $0x1  }
0x9f: {  	v46 =	vmul.f32 v42, v19;
	v14 =	vadd.f32 v45, v14;
	_ =	sdelay $0x1  }
0xa0: {  	v47 =	vmul.f32 v44, v21;
	v14 =	vadd.f32 v46, v14;
	_ =	sdelay $0x1  }
0xa1: {  	v14 =	vadd.f32 v47, v14;
	_ =	sdelay $0x1  }
0xa2: {  	[tilespmem:s4+$0xFFFFFE10] =	vst v14  }
0xa3: {  	v14 =	vld [tilespmem:$0x5820]  }
0xa4: {  	v48 =	vld [tilespmem:$0x5860];
	_ =	sdelay $0x1  }
0xa5: {  	v49 =	vld [tilespmem:$0x58A0];
	_ =	sdelay $0x1  }
0xa6: {  	v50 =	vld [tilespmem:$0x58E0]  }
0xa7: {  	v14 =	vmul.f32 v14, v12;
	v16 =	vmul.f32 v48, v10  }
0xa8: {  	v51 =	vld [tilespmem:$0x5920]  }
0xa9: {  	v52 =	vmul.f32 v49, v11;
	v14 =	vadd.f32 v16, v14  }
0xaa: {  	v53 =	vld [tilespmem:$0x5960]  }
0xab: {  	v54 =	vmul.f32 v50, v13;
	v14 =	vadd.f32 v52, v14  }
0xac: {  	v55 =	vld [tilespmem:$0x59A0]  }
0xad: {  	v56 =	vmul.f32 v51, v15;
	v14 =	vadd.f32 v54, v14  }
0xae: {  	v57 =	vld [tilespmem:$0x59E0]  }
0xaf: {  	v58 =	vmul.f32 v53, v17;
	v14 =	vadd.f32 v56, v14;
	_ =	sdelay $0x1  }
0xb0: {  	v59 =	vmul.f32 v55, v19;
	v14 =	vadd.f32 v58, v14;
	_ =	sdelay $0x1  }
0xb1: {  	v60 =	vmul.f32 v57, v21;
	v14 =	vadd.f32 v59, v14;
	_ =	sdelay $0x1  }
0xb2: {  	v14 =	vadd.f32 v60, v14;
	_ =	sdelay $0x1  }
0xb3: {  	[tilespmem:s4+$0xFFFFFE20] =	vst v14  }
0xb4: {  	v14 =	vld [tilespmem:$0x5830]  }
0xb5: {  	v61 =	vld [tilespmem:$0x5870];
	_ =	sdelay $0x1  }
0xb6: {  	v62 =	vld [tilespmem:$0x58B0];
	_ =	sdelay $0x1  }
0xb7: {  	v63 =	vld [tilespmem:$0x58F0]  }
0xb8: {  	v12 =	vmul.f32 v14, v12;
	v10 =	vmul.f32 v61, v10  }
0xb9: {  	v22 =	vld [tilespmem:$0x5930]  }
0xba: {  	v11 =	vmul.f32 v62, v11;
	v10 =	vadd.f32 v10, v12  }
0xbb: {  	v23 =	vld [tilespmem:$0x5970]  }
0xbc: {  	v10 =	vadd.f32 v11, v10;
	v11 =	vmul.f32 v63, v13  }
0xbd: {  	v24 =	vld [tilespmem:$0x59B0]  }
0xbe: {  	v10 =	vadd.f32 v11, v10;
	v11 =	vmul.f32 v22, v15  }
0xbf: {  	v25 =	vld [tilespmem:$0x59F0]  }
0xc0: {  	v10 =	vadd.f32 v11, v10;
	v11 =	vmul.f32 v23, v17;
	_ =	sdelay $0x1  }
0xc1: {  	v10 =	vadd.f32 v11, v10;
	v11 =	vmul.f32 v24, v19;
	_ =	sdelay $0x1  }
0xc2: {  	v26 =	vor.u32 $0x8, v9;
	v10 =	vadd.f32 v11, v10;
	v11 =	vmul.f32 v25, v21  }
0xc3: {  	v27 =	vor.u32 $0x9, v9  }
0xc4: {  	v10 =	vadd.f32 v11, v10;
	_ =	sdelay $0x1  }
0xc5: {  	[tilespmem:s4+$0xFFFFFE30] =	vst v10  }
0xc6: {  	v10 =	vor.u32 $0xA, v9;
	v11 =	vld.idx.msk [tilespmem:v26+s26+$0x0], $0xffff  }
0xc7: {  	v28 =	vor.u32 $0xB, v9;
	v12 =	vld.idx.msk [tilespmem:v27+s26+$0x0], $0xffff  }
0xc8: {  	v29 =	vld [tilespmem:$0x5A00]  }
0xc9: {  	v30 =	vor.u32 $0xC, v9;
	v31 =	vld [tilespmem:$0x5A40]  }
0xca: {  	v33 =	vld [tilespmem:$0x5A80]  }
0xcb: {  	v32 =	vor.u32 $0xD, v9;
	v10 =	vld.idx.msk [tilespmem:v10+s26+$0x0], $0xffff  }
0xcc: {  	v13 =	vld.idx.msk [tilespmem:v28+s26+$0x0], $0xffff  }
0xcd: {  	v34 =	vor.u32 $0xE, v9;
	v35 =	vld [tilespmem:$0x5AC0]  }
0xce: {  	v15 =	vld.idx.msk [tilespmem:v30+s26+$0x0], $0xffff;
	v14 =	vmul.f32 v29, v11;
	v16 =	vmul.f32 v31, v12  }
0xcf: {  	v36 =	vor.u32 $0xF, v9;
	v37 =	vld [tilespmem:$0x5B00]  }
0xd0: {  	v17 =	vld.idx.msk [tilespmem:v32+s26+$0x0], $0xffff;
	v14 =	vadd.f32 v16, v14;
	v38 =	vmul.f32 v33, v10  }
0xd1: {  	v39 =	vld [tilespmem:$0x5B40]  }
0xd2: {  	v19 =	vld.idx.msk [tilespmem:v34+s26+$0x0], $0xffff;
	v40 =	vmul.f32 v35, v13;
	v14 =	vadd.f32 v38, v14  }
0xd3: {  	v41 =	vld [tilespmem:$0x5B80]  }
0xd4: {  	v21 =	vld.idx.msk [tilespmem:v36+s26+$0x0], $0xffff;
	v42 =	vmul.f32 v37, v15;
	v14 =	vadd.f32 v40, v14  }
0xd5: {  	v43 =	vld [tilespmem:$0x5BC0]  }
0xd6: {  	v44 =	vmul.f32 v39, v17;
	v14 =	vadd.f32 v42, v14;
	_ =	sdelay $0x1  }
0xd7: {  	v45 =	vmul.f32 v41, v19;
	v14 =	vadd.f32 v44, v14;
	_ =	sdelay $0x1  }
0xd8: {  	v46 =	vmul.f32 v43, v21;
	v14 =	vadd.f32 v45, v14;
	_ =	sdelay $0x1  }
0xd9: {  	v14 =	vadd.f32 v46, v14;
	_ =	sdelay $0x1  }
0xda: {  	[tilespmem:s4+$0xFFFFFE40] =	vst v14  }
0xdb: {  	v14 =	vld [tilespmem:$0x5A10]  }
0xdc: {  	v47 =	vld [tilespmem:$0x5A50];
	_ =	sdelay $0x1  }
0xdd: {  	v48 =	vld [tilespmem:$0x5A90];
	_ =	sdelay $0x1  }
0xde: {  	v49 =	vld [tilespmem:$0x5AD0]  }
0xdf: {  	v14 =	vmul.f32 v14, v11;
	v16 =	vmul.f32 v47, v12  }
0xe0: {  	v50 =	vld [tilespmem:$0x5B10]  }
0xe1: {  	v51 =	vmul.f32 v48, v10;
	v14 =	vadd.f32 v16, v14  }
0xe2: {  	v52 =	vld [tilespmem:$0x5B50]  }
0xe3: {  	v53 =	vmul.f32 v49, v13;
	v14 =	vadd.f32 v51, v14  }
0xe4: {  	v54 =	vld [tilespmem:$0x5B90]  }
0xe5: {  	v55 =	vmul.f32 v50, v15;
	v14 =	vadd.f32 v53, v14  }
0xe6: {  	v56 =	vld [tilespmem:$0x5BD0]  }
0xe7: {  	v57 =	vmul.f32 v52, v17;
	v14 =	vadd.f32 v55, v14;
	_ =	sdelay $0x1  }
0xe8: {  	v58 =	vmul.f32 v54, v19;
	v14 =	vadd.f32 v57, v14;
	_ =	sdelay $0x1  }
0xe9: {  	v59 =	vmul.f32 v56, v21;
	v14 =	vadd.f32 v58, v14;
	_ =	sdelay $0x1  }
0xea: {  	v14 =	vadd.f32 v59, v14;
	_ =	sdelay $0x1  }
0xeb: {  	[tilespmem:s4+$0xFFFFFE50] =	vst v14  }
0xec: {  	v14 =	vld [tilespmem:$0x5A20]  }
0xed: {  	v60 =	vld [tilespmem:$0x5A60];
	_ =	sdelay $0x1  }
0xee: {  	v61 =	vld [tilespmem:$0x5AA0];
	_ =	sdelay $0x1  }
0xef: {  	v62 =	vld [tilespmem:$0x5AE0]  }
0xf0: {  	v14 =	vmul.f32 v14, v11;
	v16 =	vmul.f32 v60, v12  }
0xf1: {  	v63 =	vld [tilespmem:$0x5B20]  }
0xf2: {  	v24 =	vmul.f32 v61, v10;
	v14 =	vadd.f32 v16, v14  }
0xf3: {  	v25 =	vld [tilespmem:$0x5B60]  }
0xf4: {  	v26 =	vmul.f32 v62, v13;
	v14 =	vadd.f32 v24, v14  }
0xf5: {  	v27 =	vld [tilespmem:$0x5BA0]  }
0xf6: {  	v28 =	vmul.f32 v63, v15;
	v14 =	vadd.f32 v26, v14  }
0xf7: {  	v29 =	vld [tilespmem:$0x5BE0]  }
0xf8: {  	v30 =	vmul.f32 v25, v17;
	v14 =	vadd.f32 v28, v14;
	_ =	sdelay $0x1  }
0xf9: {  	v31 =	vmul.f32 v27, v19;
	v14 =	vadd.f32 v30, v14;
	_ =	sdelay $0x1  }
0xfa: {  	v32 =	vmul.f32 v29, v21;
	v14 =	vadd.f32 v31, v14;
	_ =	sdelay $0x1  }
0xfb: {  	v14 =	vadd.f32 v32, v14;
	_ =	sdelay $0x1  }
0xfc: {  	[tilespmem:s4+$0xFFFFFE60] =	vst v14  }
0xfd: {  	v14 =	vld [tilespmem:$0x5A30]  }
0xfe: {  	v33 =	vld [tilespmem:$0x5A70];
	_ =	sdelay $0x1  }
0xff: {  	v34 =	vld [tilespmem:$0x5AB0];
	_ =	sdelay $0x1  }
0x100: {  	v35 =	vld [tilespmem:$0x5AF0]  }
0x101: {  	v11 =	vmul.f32 v14, v11;
	v12 =	vmul.f32 v33, v12  }
0x102: {  	v36 =	vld [tilespmem:$0x5B30]  }
0x103: {  	v10 =	vmul.f32 v34, v10;
	v11 =	vadd.f32 v12, v11  }
0x104: {  	v37 =	vld [tilespmem:$0x5B70]  }
0x105: {  	v10 =	vadd.f32 v10, v11;
	v11 =	vmul.f32 v35, v13  }
0x106: {  	v38 =	vld [tilespmem:$0x5BB0]  }
0x107: {  	v10 =	vadd.f32 v11, v10;
	v11 =	vmul.f32 v36, v15  }
0x108: {  	v39 =	vld [tilespmem:$0x5BF0]  }
0x109: {  	v10 =	vadd.f32 v11, v10;
	v11 =	vmul.f32 v37, v17;
	_ =	sdelay $0x1  }
0x10a: {  	v10 =	vadd.f32 v11, v10;
	v11 =	vmul.f32 v38, v19;
	_ =	sdelay $0x1  }
0x10b: {  	v40 =	vor.u32 $0x10, v9;
	v10 =	vadd.f32 v11, v10;
	v11 =	vmul.f32 v39, v21  }
0x10c: {  	v41 =	vor.u32 $0x11, v9  }
0x10d: {  	v10 =	vadd.f32 v11, v10;
	_ =	sdelay $0x1  }
0x10e: {  	[tilespmem:s4+$0xFFFFFE70] =	vst v10  }
0x10f: {  	v10 =	vor.u32 $0x12, v9;
	v11 =	vld.idx.msk [tilespmem:v40+s26+$0x0], $0xffff  }
0x110: {  	v42 =	vor.u32 $0x13, v9;
	v12 =	vld.idx.msk [tilespmem:v41+s26+$0x0], $0xffff  }
0x111: {  	v43 =	vld [tilespmem:$0x5C00]  }
0x112: {  	v44 =	vor.u32 $0x14, v9;
	v45 =	vld [tilespmem:$0x5C40]  }
0x113: {  	v47 =	vld [tilespmem:$0x5C80]  }
0x114: {  	v46 =	vor.u32 $0x15, v9;
	v10 =	vld.idx.msk [tilespmem:v10+s26+$0x0], $0xffff  }
0x115: {  	v13 =	vld.idx.msk [tilespmem:v42+s26+$0x0], $0xffff  }
0x116: {  	v48 =	vor.u32 $0x16, v9;
	v49 =	vld [tilespmem:$0x5CC0]  }
0x117: {  	v15 =	vld.idx.msk [tilespmem:v44+s26+$0x0], $0xffff;
	v14 =	vmul.f32 v43, v11;
	v16 =	vmul.f32 v45, v12  }
0x118: {  	v50 =	vor.u32 $0x17, v9;
	v51 =	vld [tilespmem:$0x5D00]  }
0x119: {  	v17 =	vld.idx.msk [tilespmem:v46+s26+$0x0], $0xffff;
	v14 =	vadd.f32 v16, v14;
	v52 =	vmul.f32 v47, v10  }
0x11a: {  	v53 =	vld [tilespmem:$0x5D40]  }
0x11b: {  	v19 =	vld.idx.msk [tilespmem:v48+s26+$0x0], $0xffff;
	v54 =	vmul.f32 v49, v13;
	v14 =	vadd.f32 v52, v14  }
0x11c: {  	v55 =	vld [tilespmem:$0x5D80]  }
0x11d: {  	v21 =	vld.idx.msk [tilespmem:v50+s26+$0x0], $0xffff;
	v56 =	vmul.f32 v51, v15;
	v14 =	vadd.f32 v54, v14  }
0x11e: {  	v57 =	vld [tilespmem:$0x5DC0]  }
0x11f: {  	v58 =	vmul.f32 v53, v17;
	v14 =	vadd.f32 v56, v14;
	_ =	sdelay $0x1  }
0x120: {  	v59 =	vmul.f32 v55, v19;
	v14 =	vadd.f32 v58, v14;
	_ =	sdelay $0x1  }
0x121: {  	v60 =	vmul.f32 v57, v21;
	v14 =	vadd.f32 v59, v14;
	_ =	sdelay $0x1  }
0x122: {  	v14 =	vadd.f32 v60, v14;
	_ =	sdelay $0x1  }
0x123: {  	[tilespmem:s4+$0xFFFFFE80] =	vst v14  }
0x124: {  	v14 =	vld [tilespmem:$0x5C10]  }
0x125: {  	v61 =	vld [tilespmem:$0x5C50];
	_ =	sdelay $0x1  }
0x126: {  	v62 =	vld [tilespmem:$0x5C90];
	_ =	sdelay $0x1  }
0x127: {  	v63 =	vld [tilespmem:$0x5CD0]  }
0x128: {  	v14 =	vmul.f32 v14, v11;
	v16 =	vmul.f32 v61, v12  }
0x129: {  	v24 =	vld [tilespmem:$0x5D10]  }
0x12a: {  	v25 =	vmul.f32 v62, v10;
	v14 =	vadd.f32 v16, v14  }
0x12b: {  	v26 =	vld [tilespmem:$0x5D50]  }
0x12c: {  	v27 =	vmul.f32 v63, v13;
	v14 =	vadd.f32 v25, v14  }
0x12d: {  	v28 =	vld [tilespmem:$0x5D90]  }
0x12e: {  	v29 =	vmul.f32 v24, v15;
	v14 =	vadd.f32 v27, v14  }
0x12f: {  	v30 =	vld [tilespmem:$0x5DD0]  }
0x130: {  	v31 =	vmul.f32 v26, v17;
	v14 =	vadd.f32 v29, v14;
	_ =	sdelay $0x1  }
0x131: {  	v32 =	vmul.f32 v28, v19;
	v14 =	vadd.f32 v31, v14;
	_ =	sdelay $0x1  }
0x132: {  	v33 =	vmul.f32 v30, v21;
	v14 =	vadd.f32 v32, v14;
	_ =	sdelay $0x1  }
0x133: {  	v14 =	vadd.f32 v33, v14;
	_ =	sdelay $0x1  }
0x134: {  	[tilespmem:s4+$0xFFFFFE90] =	vst v14  }
0x135: {  	v14 =	vld [tilespmem:$0x5C20]  }
0x136: {  	v34 =	vld [tilespmem:$0x5C60];
	_ =	sdelay $0x1  }
0x137: {  	v35 =	vld [tilespmem:$0x5CA0];
	_ =	sdelay $0x1  }
0x138: {  	v36 =	vld [tilespmem:$0x5CE0]  }
0x139: {  	v14 =	vmul.f32 v14, v11;
	v16 =	vmul.f32 v34, v12  }
0x13a: {  	v37 =	vld [tilespmem:$0x5D20]  }
0x13b: {  	v38 =	vmul.f32 v35, v10;
	v14 =	vadd.f32 v16, v14  }
0x13c: {  	v39 =	vld [tilespmem:$0x5D60]  }
0x13d: {  	v40 =	vmul.f32 v36, v13;
	v14 =	vadd.f32 v38, v14  }
0x13e: {  	v41 =	vld [tilespmem:$0x5DA0]  }
0x13f: {  	v42 =	vmul.f32 v37, v15;
	v14 =	vadd.f32 v40, v14  }
0x140: {  	v43 =	vld [tilespmem:$0x5DE0]  }
0x141: {  	v44 =	vmul.f32 v39, v17;
	v14 =	vadd.f32 v42, v14;
	_ =	sdelay $0x1  }
0x142: {  	v45 =	vmul.f32 v41, v19;
	v14 =	vadd.f32 v44, v14;
	_ =	sdelay $0x1  }
0x143: {  	v46 =	vmul.f32 v43, v21;
	v14 =	vadd.f32 v45, v14;
	_ =	sdelay $0x1  }
0x144: {  	v14 =	vadd.f32 v46, v14;
	_ =	sdelay $0x1  }
0x145: {  	[tilespmem:s4+$0xFFFFFEA0] =	vst v14  }
0x146: {  	v14 =	vld [tilespmem:$0x5C30]  }
0x147: {  	v47 =	vld [tilespmem:$0x5C70];
	_ =	sdelay $0x1  }
0x148: {  	v48 =	vld [tilespmem:$0x5CB0];
	_ =	sdelay $0x1  }
0x149: {  	v49 =	vld [tilespmem:$0x5CF0]  }
0x14a: {  	v11 =	vmul.f32 v14, v11;
	v12 =	vmul.f32 v47, v12  }
0x14b: {  	v50 =	vld [tilespmem:$0x5D30]  }
0x14c: {  	v10 =	vmul.f32 v48, v10;
	v11 =	vadd.f32 v12, v11  }
0x14d: {  	v51 =	vld [tilespmem:$0x5D70]  }
0x14e: {  	v10 =	vadd.f32 v10, v11;
	v11 =	vmul.f32 v49, v13  }
0x14f: {  	v52 =	vld [tilespmem:$0x5DB0]  }
0x150: {  	v10 =	vadd.f32 v11, v10;
	v11 =	vmul.f32 v50, v15  }
0x151: {  	v53 =	vld [tilespmem:$0x5DF0]  }
0x152: {  	v10 =	vadd.f32 v11, v10;
	v11 =	vmul.f32 v51, v17;
	_ =	sdelay $0x1  }
0x153: {  	v10 =	vadd.f32 v11, v10;
	v11 =	vmul.f32 v52, v19;
	_ =	sdelay $0x1  }
0x154: {  	v54 =	vor.u32 $0x18, v9;
	v10 =	vadd.f32 v11, v10;
	v11 =	vmul.f32 v53, v21  }
0x155: {  	v55 =	vor.u32 $0x19, v9  }
0x156: {  	v10 =	vadd.f32 v11, v10;
	_ =	sdelay $0x1  }
0x157: {  	[tilespmem:s4+$0xFFFFFEB0] =	vst v10  }
0x158: {  	v10 =	vor.u32 $0x1A, v9;
	v11 =	vld.idx.msk [tilespmem:v54+s26+$0x0], $0xffff  }
0x159: {  	v56 =	vor.u32 $0x1B, v9;
	v12 =	vld.idx.msk [tilespmem:v55+s26+$0x0], $0xffff  }
0x15a: {  	v57 =	vld [tilespmem:$0x5E00]  }
0x15b: {  	v58 =	vor.u32 $0x1C, v9;
	v59 =	vld [tilespmem:$0x5E40]  }
0x15c: {  	v61 =	vld [tilespmem:$0x5E80]  }
0x15d: {  	v60 =	vor.u32 $0x1D, v9;
	v10 =	vld.idx.msk [tilespmem:v10+s26+$0x0], $0xffff  }
0x15e: {  	v13 =	vld.idx.msk [tilespmem:v56+s26+$0x0], $0xffff  }
0x15f: {  	v62 =	vor.u32 $0x1E, v9;
	v63 =	vld [tilespmem:$0x5EC0]  }
0x160: {  	v15 =	vld.idx.msk [tilespmem:v58+s26+$0x0], $0xffff;
	v14 =	vmul.f32 v57, v11;
	v16 =	vmul.f32 v59, v12  }
0x161: {  	v24 =	vor.u32 $0x1F, v9;
	v25 =	vld [tilespmem:$0x5F00]  }
0x162: {  	v17 =	vld.idx.msk [tilespmem:v60+s26+$0x0], $0xffff;
	v14 =	vadd.f32 v16, v14;
	v26 =	vmul.f32 v61, v10  }
0x163: {  	v27 =	vld [tilespmem:$0x5F40]  }
0x164: {  	v19 =	vld.idx.msk [tilespmem:v62+s26+$0x0], $0xffff;
	v28 =	vmul.f32 v63, v13;
	v14 =	vadd.f32 v26, v14  }
0x165: {  	v29 =	vld [tilespmem:$0x5F80]  }
0x166: {  	v21 =	vld.idx.msk [tilespmem:v24+s26+$0x0], $0xffff;
	v30 =	vmul.f32 v25, v15;
	v14 =	vadd.f32 v28, v14  }
0x167: {  	v31 =	vld [tilespmem:$0x5FC0]  }
0x168: {  	v32 =	vmul.f32 v27, v17;
	v14 =	vadd.f32 v30, v14;
	_ =	sdelay $0x1  }
0x169: {  	v33 =	vmul.f32 v29, v19;
	v14 =	vadd.f32 v32, v14;
	_ =	sdelay $0x1  }
0x16a: {  	v34 =	vmul.f32 v31, v21;
	v14 =	vadd.f32 v33, v14;
	_ =	sdelay $0x1  }
0x16b: {  	v14 =	vadd.f32 v34, v14;
	_ =	sdelay $0x1  }
0x16c: {  	[tilespmem:s4+$0xFFFFFEC0] =	vst v14  }
0x16d: {  	v14 =	vld [tilespmem:$0x5E10]  }
0x16e: {  	v35 =	vld [tilespmem:$0x5E50];
	_ =	sdelay $0x1  }
0x16f: {  	v36 =	vld [tilespmem:$0x5E90];
	_ =	sdelay $0x1  }
0x170: {  	v37 =	vld [tilespmem:$0x5ED0]  }
0x171: {  	v14 =	vmul.f32 v14, v11;
	v16 =	vmul.f32 v35, v12  }
0x172: {  	v38 =	vld [tilespmem:$0x5F10]  }
0x173: {  	v39 =	vmul.f32 v36, v10;
	v14 =	vadd.f32 v16, v14  }
0x174: {  	v40 =	vld [tilespmem:$0x5F50]  }
0x175: {  	v41 =	vmul.f32 v37, v13;
	v14 =	vadd.f32 v39, v14  }
0x176: {  	v42 =	vld [tilespmem:$0x5F90]  }
0x177: {  	v43 =	vmul.f32 v38, v15;
	v14 =	vadd.f32 v41, v14  }
0x178: {  	v44 =	vld [tilespmem:$0x5FD0]  }
0x179: {  	v45 =	vmul.f32 v40, v17;
	v14 =	vadd.f32 v43, v14;
	_ =	sdelay $0x1  }
0x17a: {  	v46 =	vmul.f32 v42, v19;
	v14 =	vadd.f32 v45, v14;
	_ =	sdelay $0x1  }
0x17b: {  	v47 =	vmul.f32 v44, v21;
	v14 =	vadd.f32 v46, v14;
	_ =	sdelay $0x1  }
0x17c: {  	v14 =	vadd.f32 v47, v14;
	_ =	sdelay $0x1  }
0x17d: {  	[tilespmem:s4+$0xFFFFFED0] =	vst v14  }
0x17e: {  	v14 =	vld [tilespmem:$0x5E20]  }
0x17f: {  	v48 =	vld [tilespmem:$0x5E60];
	_ =	sdelay $0x1  }
0x180: {  	v49 =	vld [tilespmem:$0x5EA0];
	_ =	sdelay $0x1  }
0x181: {  	v50 =	vld [tilespmem:$0x5EE0]  }
0x182: {  	v14 =	vmul.f32 v14, v11;
	v16 =	vmul.f32 v48, v12  }
0x183: {  	v51 =	vld [tilespmem:$0x5F20]  }
0x184: {  	v52 =	vmul.f32 v49, v10;
	v14 =	vadd.f32 v16, v14  }
0x185: {  	v53 =	vld [tilespmem:$0x5F60]  }
0x186: {  	v54 =	vmul.f32 v50, v13;
	v14 =	vadd.f32 v52, v14  }
0x187: {  	v55 =	vld [tilespmem:$0x5FA0]  }
0x188: {  	v56 =	vmul.f32 v51, v15;
	v14 =	vadd.f32 v54, v14  }
0x189: {  	v57 =	vld [tilespmem:$0x5FE0]  }
0x18a: {  	v58 =	vmul.f32 v53, v17;
	v14 =	vadd.f32 v56, v14;
	_ =	sdelay $0x1  }
0x18b: {  	v59 =	vmul.f32 v55, v19;
	v14 =	vadd.f32 v58, v14;
	_ =	sdelay $0x1  }
0x18c: {  	v60 =	vmul.f32 v57, v21;
	v14 =	vadd.f32 v59, v14;
	_ =	sdelay $0x1  }
0x18d: {  	v14 =	vadd.f32 v60, v14;
	_ =	sdelay $0x1  }
0x18e: {  	[tilespmem:s4+$0xFFFFFEE0] =	vst v14  }
0x18f: {  	v14 =	vld [tilespmem:$0x5E30]  }
0x190: {  	v61 =	vld [tilespmem:$0x5E70];
	_ =	sdelay $0x1  }
0x191: {  	v62 =	vld [tilespmem:$0x5EB0];
	_ =	sdelay $0x1  }
0x192: {  	v63 =	vld [tilespmem:$0x5EF0]  }
0x193: {  	v11 =	vmul.f32 v14, v11;
	v12 =	vmul.f32 v61, v12  }
0x194: {  	v22 =	vld [tilespmem:$0x5F30]  }
0x195: {  	v10 =	vmul.f32 v62, v10;
	v11 =	vadd.f32 v12, v11  }
0x196: {  	v23 =	vld [tilespmem:$0x5F70]  }
0x197: {  	v10 =	vadd.f32 v10, v11;
	v11 =	vmul.f32 v63, v13  }
0x198: {  	v24 =	vld [tilespmem:$0x5FB0]  }
0x199: {  	v10 =	vadd.f32 v11, v10;
	v11 =	vmul.f32 v22, v15  }
0x19a: {  	v25 =	vld [tilespmem:$0x5FF0]  }
0x19b: {  	v10 =	vadd.f32 v11, v10;
	v11 =	vmul.f32 v23, v17;
	_ =	sdelay $0x1  }
0x19c: {  	v10 =	vadd.f32 v11, v10;
	v11 =	vmul.f32 v24, v19;
	_ =	sdelay $0x1  }
0x19d: {  	v26 =	vor.u32 $0x20, v9;
	v10 =	vadd.f32 v11, v10;
	v11 =	vmul.f32 v25, v21  }
0x19e: {  	v27 =	vor.u32 $0x21, v9  }
0x19f: {  	v10 =	vadd.f32 v11, v10;
	_ =	sdelay $0x1  }
0x1a0: {  	[tilespmem:s4+$0xFFFFFEF0] =	vst v10  }
0x1a1: {  	v10 =	vor.u32 $0x22, v9;
	v11 =	vld.idx.msk [tilespmem:v26+s26+$0x0], $0xffff  }
0x1a2: {  	v28 =	vor.u32 $0x23, v9;
	v12 =	vld.idx.msk [tilespmem:v27+s26+$0x0], $0xffff  }
0x1a3: {  	v29 =	vld [tilespmem:$0x6000]  }
0x1a4: {  	v30 =	vor.u32 $0x24, v9;
	v31 =	vld [tilespmem:$0x6040]  }
0x1a5: {  	v33 =	vld [tilespmem:$0x6080]  }
0x1a6: {  	v32 =	vor.u32 $0x25, v9;
	v10 =	vld.idx.msk [tilespmem:v10+s26+$0x0], $0xffff  }
0x1a7: {  	v13 =	vld.idx.msk [tilespmem:v28+s26+$0x0], $0xffff  }
0x1a8: {  	v34 =	vor.u32 $0x26, v9;
	v35 =	vld [tilespmem:$0x60C0]  }
0x1a9: {  	v15 =	vld.idx.msk [tilespmem:v30+s26+$0x0], $0xffff;
	v14 =	vmul.f32 v29, v11;
	v16 =	vmul.f32 v31, v12  }
0x1aa: {  	v36 =	vor.u32 $0x27, v9;
	v37 =	vld [tilespmem:$0x6100]  }
0x1ab: {  	v17 =	vld.idx.msk [tilespmem:v32+s26+$0x0], $0xffff;
	v14 =	vadd.f32 v16, v14;
	v38 =	vmul.f32 v33, v10  }
0x1ac: {  	v39 =	vld [tilespmem:$0x6140]  }
0x1ad: {  	v19 =	vld.idx.msk [tilespmem:v34+s26+$0x0], $0xffff;
	v40 =	vmul.f32 v35, v13;
	v14 =	vadd.f32 v38, v14  }
0x1ae: {  	v41 =	vld [tilespmem:$0x6180]  }
0x1af: {  	v21 =	vld.idx.msk [tilespmem:v36+s26+$0x0], $0xffff;
	v42 =	vmul.f32 v37, v15;
	v14 =	vadd.f32 v40, v14  }
0x1b0: {  	v43 =	vld [tilespmem:$0x61C0]  }
0x1b1: {  	v44 =	vmul.f32 v39, v17;
	v14 =	vadd.f32 v42, v14;
	_ =	sdelay $0x1  }
0x1b2: {  	v45 =	vmul.f32 v41, v19;
	v14 =	vadd.f32 v44, v14;
	_ =	sdelay $0x1  }
0x1b3: {  	v46 =	vmul.f32 v43, v21;
	v14 =	vadd.f32 v45, v14;
	_ =	sdelay $0x1  }
0x1b4: {  	v14 =	vadd.f32 v46, v14;
	_ =	sdelay $0x1  }
0x1b5: {  	[tilespmem:s4+$0xFFFFFF00] =	vst v14  }
0x1b6: {  	v14 =	vld [tilespmem:$0x6010]  }
0x1b7: {  	v47 =	vld [tilespmem:$0x6050];
	_ =	sdelay $0x1  }
0x1b8: {  	v48 =	vld [tilespmem:$0x6090];
	_ =	sdelay $0x1  }
0x1b9: {  	v49 =	vld [tilespmem:$0x60D0]  }
0x1ba: {  	v14 =	vmul.f32 v14, v11;
	v16 =	vmul.f32 v47, v12  }
0x1bb: {  	v50 =	vld [tilespmem:$0x6110]  }
0x1bc: {  	v51 =	vmul.f32 v48, v10;
	v14 =	vadd.f32 v16, v14  }
0x1bd: {  	v52 =	vld [tilespmem:$0x6150]  }
0x1be: {  	v53 =	vmul.f32 v49, v13;
	v14 =	vadd.f32 v51, v14  }
0x1bf: {  	v54 =	vld [tilespmem:$0x6190]  }
0x1c0: {  	v55 =	vmul.f32 v50, v15;
	v14 =	vadd.f32 v53, v14  }
0x1c1: {  	v56 =	vld [tilespmem:$0x61D0]  }
0x1c2: {  	v57 =	vmul.f32 v52, v17;
	v14 =	vadd.f32 v55, v14;
	_ =	sdelay $0x1  }
0x1c3: {  	v58 =	vmul.f32 v54, v19;
	v14 =	vadd.f32 v57, v14;
	_ =	sdelay $0x1  }
0x1c4: {  	v59 =	vmul.f32 v56, v21;
	v14 =	vadd.f32 v58, v14;
	_ =	sdelay $0x1  }
0x1c5: {  	v14 =	vadd.f32 v59, v14;
	_ =	sdelay $0x1  }
0x1c6: {  	[tilespmem:s4+$0xFFFFFF10] =	vst v14  }
0x1c7: {  	v14 =	vld [tilespmem:$0x6020]  }
0x1c8: {  	v60 =	vld [tilespmem:$0x6060];
	_ =	sdelay $0x1  }
0x1c9: {  	v61 =	vld [tilespmem:$0x60A0];
	_ =	sdelay $0x1  }
0x1ca: {  	v62 =	vld [tilespmem:$0x60E0]  }
0x1cb: {  	v14 =	vmul.f32 v14, v11;
	v16 =	vmul.f32 v60, v12  }
0x1cc: {  	v63 =	vld [tilespmem:$0x6120]  }
0x1cd: {  	v24 =	vmul.f32 v61, v10;
	v14 =	vadd.f32 v16, v14  }
0x1ce: {  	v25 =	vld [tilespmem:$0x6160]  }
0x1cf: {  	v26 =	vmul.f32 v62, v13;
	v14 =	vadd.f32 v24, v14  }
0x1d0: {  	v27 =	vld [tilespmem:$0x61A0]  }
0x1d1: {  	v28 =	vmul.f32 v63, v15;
	v14 =	vadd.f32 v26, v14  }
0x1d2: {  	v29 =	vld [tilespmem:$0x61E0]  }
0x1d3: {  	v30 =	vmul.f32 v25, v17;
	v14 =	vadd.f32 v28, v14;
	_ =	sdelay $0x1  }
0x1d4: {  	v31 =	vmul.f32 v27, v19;
	v14 =	vadd.f32 v30, v14;
	_ =	sdelay $0x1  }
0x1d5: {  	v32 =	vmul.f32 v29, v21;
	v14 =	vadd.f32 v31, v14;
	_ =	sdelay $0x1  }
0x1d6: {  	v14 =	vadd.f32 v32, v14;
	_ =	sdelay $0x1  }
0x1d7: {  	[tilespmem:s4+$0xFFFFFF20] =	vst v14  }
0x1d8: {  	v14 =	vld [tilespmem:$0x6030]  }
0x1d9: {  	v33 =	vld [tilespmem:$0x6070];
	_ =	sdelay $0x1  }
0x1da: {  	v34 =	vld [tilespmem:$0x60B0];
	_ =	sdelay $0x1  }
0x1db: {  	v35 =	vld [tilespmem:$0x60F0]  }
0x1dc: {  	v11 =	vmul.f32 v14, v11;
	v12 =	vmul.f32 v33, v12  }
0x1dd: {  	v36 =	vld [tilespmem:$0x6130]  }
0x1de: {  	v10 =	vmul.f32 v34, v10;
	v11 =	vadd.f32 v12, v11  }
0x1df: {  	v37 =	vld [tilespmem:$0x6170]  }
0x1e0: {  	v10 =	vadd.f32 v10, v11;
	v11 =	vmul.f32 v35, v13  }
0x1e1: {  	v38 =	vld [tilespmem:$0x61B0]  }
0x1e2: {  	v10 =	vadd.f32 v11, v10;
	v11 =	vmul.f32 v36, v15  }
0x1e3: {  	v39 =	vld [tilespmem:$0x61F0]  }
0x1e4: {  	v10 =	vadd.f32 v11, v10;
	v11 =	vmul.f32 v37, v17;
	_ =	sdelay $0x1  }
0x1e5: {  	v10 =	vadd.f32 v11, v10;
	v11 =	vmul.f32 v38, v19;
	_ =	sdelay $0x1  }
0x1e6: {  	v40 =	vor.u32 $0x28, v9;
	v10 =	vadd.f32 v11, v10;
	v11 =	vmul.f32 v39, v21  }
0x1e7: {  	v41 =	vor.u32 $0x29, v9  }
0x1e8: {  	v10 =	vadd.f32 v11, v10;
	_ =	sdelay $0x1  }
0x1e9: {  	[tilespmem:s4+$0xFFFFFF30] =	vst v10  }
0x1ea: {  	v10 =	vor.u32 $0x2A, v9;
	v11 =	vld.idx.msk [tilespmem:v40+s26+$0x0], $0xffff  }
0x1eb: {  	v42 =	vor.u32 $0x2B, v9;
	v12 =	vld.idx.msk [tilespmem:v41+s26+$0x0], $0xffff  }
0x1ec: {  	v43 =	vld [tilespmem:$0x6200]  }
0x1ed: {  	v44 =	vor.u32 $0x2C, v9;
	v45 =	vld [tilespmem:$0x6240]  }
0x1ee: {  	v47 =	vld [tilespmem:$0x6280]  }
0x1ef: {  	v46 =	vor.u32 $0x2D, v9;
	v10 =	vld.idx.msk [tilespmem:v10+s26+$0x0], $0xffff  }
0x1f0: {  	v13 =	vld.idx.msk [tilespmem:v42+s26+$0x0], $0xffff  }
0x1f1: {  	v48 =	vor.u32 $0x2E, v9;
	v49 =	vld [tilespmem:$0x62C0]  }
0x1f2: {  	v15 =	vld.idx.msk [tilespmem:v44+s26+$0x0], $0xffff;
	v14 =	vmul.f32 v43, v11;
	v16 =	vmul.f32 v45, v12  }
0x1f3: {  	v50 =	vor.u32 $0x2F, v9;
	v51 =	vld [tilespmem:$0x6300]  }
0x1f4: {  	v17 =	vld.idx.msk [tilespmem:v46+s26+$0x0], $0xffff;
	v14 =	vadd.f32 v16, v14;
	v52 =	vmul.f32 v47, v10  }
0x1f5: {  	v53 =	vld [tilespmem:$0x6340]  }
0x1f6: {  	v19 =	vld.idx.msk [tilespmem:v48+s26+$0x0], $0xffff;
	v54 =	vmul.f32 v49, v13;
	v14 =	vadd.f32 v52, v14  }
0x1f7: {  	v55 =	vld [tilespmem:$0x6380]  }
0x1f8: {  	v21 =	vld.idx.msk [tilespmem:v50+s26+$0x0], $0xffff;
	v56 =	vmul.f32 v51, v15;
	v14 =	vadd.f32 v54, v14  }
0x1f9: {  	v57 =	vld [tilespmem:$0x63C0]  }
0x1fa: {  	v58 =	vmul.f32 v53, v17;
	v14 =	vadd.f32 v56, v14;
	_ =	sdelay $0x1  }
0x1fb: {  	v59 =	vmul.f32 v55, v19;
	v14 =	vadd.f32 v58, v14;
	_ =	sdelay $0x1  }
0x1fc: {  	v60 =	vmul.f32 v57, v21;
	v14 =	vadd.f32 v59, v14;
	_ =	sdelay $0x1  }
0x1fd: {  	v14 =	vadd.f32 v60, v14;
	_ =	sdelay $0x1  }
0x1fe: {  	[tilespmem:s4+$0xFFFFFF40] =	vst v14  }
0x1ff: {  	v14 =	vld [tilespmem:$0x6210]  }
0x200: {  	v61 =	vld [tilespmem:$0x6250];
	_ =	sdelay $0x1  }
0x201: {  	v62 =	vld [tilespmem:$0x6290];
	_ =	sdelay $0x1  }
0x202: {  	v63 =	vld [tilespmem:$0x62D0]  }
0x203: {  	v14 =	vmul.f32 v14, v11;
	v16 =	vmul.f32 v61, v12  }
0x204: {  	v24 =	vld [tilespmem:$0x6310]  }
0x205: {  	v25 =	vmul.f32 v62, v10;
	v14 =	vadd.f32 v16, v14  }
0x206: {  	v26 =	vld [tilespmem:$0x6350]  }
0x207: {  	v27 =	vmul.f32 v63, v13;
	v14 =	vadd.f32 v25, v14  }
0x208: {  	v28 =	vld [tilespmem:$0x6390]  }
0x209: {  	v29 =	vmul.f32 v24, v15;
	v14 =	vadd.f32 v27, v14  }
0x20a: {  	v30 =	vld [tilespmem:$0x63D0]  }
0x20b: {  	v31 =	vmul.f32 v26, v17;
	v14 =	vadd.f32 v29, v14;
	_ =	sdelay $0x1  }
0x20c: {  	v32 =	vmul.f32 v28, v19;
	v14 =	vadd.f32 v31, v14;
	_ =	sdelay $0x1  }
0x20d: {  	v33 =	vmul.f32 v30, v21;
	v14 =	vadd.f32 v32, v14;
	_ =	sdelay $0x1  }
0x20e: {  	v14 =	vadd.f32 v33, v14;
	_ =	sdelay $0x1  }
0x20f: {  	[tilespmem:s4+$0xFFFFFF50] =	vst v14  }
0x210: {  	v14 =	vld [tilespmem:$0x6220]  }
0x211: {  	v34 =	vld [tilespmem:$0x6260];
	_ =	sdelay $0x1  }
0x212: {  	v35 =	vld [tilespmem:$0x62A0];
	_ =	sdelay $0x1  }
0x213: {  	v36 =	vld [tilespmem:$0x62E0]  }
0x214: {  	v14 =	vmul.f32 v14, v11;
	v16 =	vmul.f32 v34, v12  }
0x215: {  	v37 =	vld [tilespmem:$0x6320]  }
0x216: {  	v38 =	vmul.f32 v35, v10;
	v14 =	vadd.f32 v16, v14  }
0x217: {  	v39 =	vld [tilespmem:$0x6360]  }
0x218: {  	v40 =	vmul.f32 v36, v13;
	v14 =	vadd.f32 v38, v14  }
0x219: {  	v41 =	vld [tilespmem:$0x63A0]  }
0x21a: {  	v42 =	vmul.f32 v37, v15;
	v14 =	vadd.f32 v40, v14  }
0x21b: {  	v43 =	vld [tilespmem:$0x63E0]  }
0x21c: {  	v44 =	vmul.f32 v39, v17;
	v14 =	vadd.f32 v42, v14;
	_ =	sdelay $0x1  }
0x21d: {  	v45 =	vmul.f32 v41, v19;
	v14 =	vadd.f32 v44, v14;
	_ =	sdelay $0x1  }
0x21e: {  	v46 =	vmul.f32 v43, v21;
	v14 =	vadd.f32 v45, v14;
	_ =	sdelay $0x1  }
0x21f: {  	v14 =	vadd.f32 v46, v14;
	_ =	sdelay $0x1  }
0x220: {  	[tilespmem:s4+$0xFFFFFF60] =	vst v14  }
0x221: {  	v14 =	vld [tilespmem:$0x6230]  }
0x222: {  	v47 =	vld [tilespmem:$0x6270];
	_ =	sdelay $0x1  }
0x223: {  	v48 =	vld [tilespmem:$0x62B0];
	_ =	sdelay $0x1  }
0x224: {  	v49 =	vld [tilespmem:$0x62F0]  }
0x225: {  	v11 =	vmul.f32 v14, v11;
	v12 =	vmul.f32 v47, v12  }
0x226: {  	v50 =	vld [tilespmem:$0x6330]  }
0x227: {  	v10 =	vmul.f32 v48, v10;
	v11 =	vadd.f32 v12, v11  }
0x228: {  	v51 =	vld [tilespmem:$0x6370]  }
0x229: {  	v10 =	vadd.f32 v10, v11;
	v11 =	vmul.f32 v49, v13  }
0x22a: {  	v52 =	vld [tilespmem:$0x63B0]  }
0x22b: {  	v10 =	vadd.f32 v11, v10;
	v11 =	vmul.f32 v50, v15  }
0x22c: {  	v53 =	vld [tilespmem:$0x63F0]  }
0x22d: {  	v10 =	vadd.f32 v11, v10;
	v11 =	vmul.f32 v51, v17;
	_ =	sdelay $0x1  }
0x22e: {  	v10 =	vadd.f32 v11, v10;
	v11 =	vmul.f32 v52, v19;
	_ =	sdelay $0x1  }
0x22f: {  	v54 =	vor.u32 $0x30, v9;
	v10 =	vadd.f32 v11, v10;
	v11 =	vmul.f32 v53, v21  }
0x230: {  	v55 =	vor.u32 $0x31, v9  }
0x231: {  	v10 =	vadd.f32 v11, v10;
	_ =	sdelay $0x1  }
0x232: {  	[tilespmem:s4+$0xFFFFFF70] =	vst v10  }
0x233: {  	v10 =	vor.u32 $0x32, v9;
	v11 =	vld.idx.msk [tilespmem:v54+s26+$0x0], $0xffff  }
0x234: {  	v56 =	vor.u32 $0x33, v9;
	v12 =	vld.idx.msk [tilespmem:v55+s26+$0x0], $0xffff  }
0x235: {  	v57 =	vld [tilespmem:$0x6400]  }
0x236: {  	v58 =	vor.u32 $0x34, v9;
	v59 =	vld [tilespmem:$0x6440]  }
0x237: {  	v61 =	vld [tilespmem:$0x6480]  }
0x238: {  	v60 =	vor.u32 $0x35, v9;
	v10 =	vld.idx.msk [tilespmem:v10+s26+$0x0], $0xffff  }
0x239: {  	v13 =	vld.idx.msk [tilespmem:v56+s26+$0x0], $0xffff  }
0x23a: {  	v62 =	vor.u32 $0x36, v9;
	v63 =	vld [tilespmem:$0x64C0]  }
0x23b: {  	v15 =	vld.idx.msk [tilespmem:v58+s26+$0x0], $0xffff;
	v14 =	vmul.f32 v57, v11;
	v16 =	vmul.f32 v59, v12  }
0x23c: {  	v24 =	vor.u32 $0x37, v9;
	v25 =	vld [tilespmem:$0x6500]  }
0x23d: {  	v17 =	vld.idx.msk [tilespmem:v60+s26+$0x0], $0xffff;
	v14 =	vadd.f32 v16, v14;
	v26 =	vmul.f32 v61, v10  }
0x23e: {  	v27 =	vld [tilespmem:$0x6540]  }
0x23f: {  	v19 =	vld.idx.msk [tilespmem:v62+s26+$0x0], $0xffff;
	v28 =	vmul.f32 v63, v13;
	v14 =	vadd.f32 v26, v14  }
0x240: {  	v29 =	vld [tilespmem:$0x6580]  }
0x241: {  	v21 =	vld.idx.msk [tilespmem:v24+s26+$0x0], $0xffff;
	v30 =	vmul.f32 v25, v15;
	v14 =	vadd.f32 v28, v14  }
0x242: {  	v31 =	vld [tilespmem:$0x65C0]  }
0x243: {  	v32 =	vmul.f32 v27, v17;
	v14 =	vadd.f32 v30, v14;
	_ =	sdelay $0x1  }
0x244: {  	v33 =	vmul.f32 v29, v19;
	v14 =	vadd.f32 v32, v14;
	_ =	sdelay $0x1  }
0x245: {  	v34 =	vmul.f32 v31, v21;
	v14 =	vadd.f32 v33, v14;
	_ =	sdelay $0x1  }
0x246: {  	v14 =	vadd.f32 v34, v14;
	_ =	sdelay $0x1  }
0x247: {  	[tilespmem:s4+$0xFFFFFF80] =	vst v14  }
0x248: {  	v14 =	vld [tilespmem:$0x6410]  }
0x249: {  	v35 =	vld [tilespmem:$0x6450];
	_ =	sdelay $0x1  }
0x24a: {  	v36 =	vld [tilespmem:$0x6490];
	_ =	sdelay $0x1  }
0x24b: {  	v37 =	vld [tilespmem:$0x64D0]  }
0x24c: {  	v14 =	vmul.f32 v14, v11;
	v16 =	vmul.f32 v35, v12  }
0x24d: {  	v38 =	vld [tilespmem:$0x6510]  }
0x24e: {  	v39 =	vmul.f32 v36, v10;
	v14 =	vadd.f32 v16, v14  }
0x24f: {  	v40 =	vld [tilespmem:$0x6550]  }
0x250: {  	v41 =	vmul.f32 v37, v13;
	v14 =	vadd.f32 v39, v14  }
0x251: {  	v42 =	vld [tilespmem:$0x6590]  }
0x252: {  	v43 =	vmul.f32 v38, v15;
	v14 =	vadd.f32 v41, v14  }
0x253: {  	v44 =	vld [tilespmem:$0x65D0]  }
0x254: {  	v45 =	vmul.f32 v40, v17;
	v14 =	vadd.f32 v43, v14;
	_ =	sdelay $0x1  }
0x255: {  	v46 =	vmul.f32 v42, v19;
	v14 =	vadd.f32 v45, v14;
	_ =	sdelay $0x1  }
0x256: {  	v47 =	vmul.f32 v44, v21;
	v14 =	vadd.f32 v46, v14;
	_ =	sdelay $0x1  }
0x257: {  	v14 =	vadd.f32 v47, v14;
	_ =	sdelay $0x1  }
0x258: {  	[tilespmem:s4+$0xFFFFFF90] =	vst v14  }
0x259: {  	v14 =	vld [tilespmem:$0x6420]  }
0x25a: {  	v48 =	vld [tilespmem:$0x6460];
	_ =	sdelay $0x1  }
0x25b: {  	v49 =	vld [tilespmem:$0x64A0];
	_ =	sdelay $0x1  }
0x25c: {  	v50 =	vld [tilespmem:$0x64E0]  }
0x25d: {  	v14 =	vmul.f32 v14, v11;
	v16 =	vmul.f32 v48, v12  }
0x25e: {  	v51 =	vld [tilespmem:$0x6520]  }
0x25f: {  	v52 =	vmul.f32 v49, v10;
	v14 =	vadd.f32 v16, v14  }
0x260: {  	v53 =	vld [tilespmem:$0x6560]  }
0x261: {  	v54 =	vmul.f32 v50, v13;
	v14 =	vadd.f32 v52, v14  }
0x262: {  	v55 =	vld [tilespmem:$0x65A0]  }
0x263: {  	v56 =	vmul.f32 v51, v15;
	v14 =	vadd.f32 v54, v14  }
0x264: {  	v57 =	vld [tilespmem:$0x65E0]  }
0x265: {  	v58 =	vmul.f32 v53, v17;
	v14 =	vadd.f32 v56, v14;
	_ =	sdelay $0x1  }
0x266: {  	v59 =	vmul.f32 v55, v19;
	v14 =	vadd.f32 v58, v14;
	_ =	sdelay $0x1  }
0x267: {  	v60 =	vmul.f32 v57, v21;
	v14 =	vadd.f32 v59, v14;
	_ =	sdelay $0x1  }
0x268: {  	v14 =	vadd.f32 v60, v14;
	_ =	sdelay $0x1  }
0x269: {  	[tilespmem:s4+$0xFFFFFFA0] =	vst v14  }
0x26a: {  	v14 =	vld [tilespmem:$0x6430]  }
0x26b: {  	v61 =	vld [tilespmem:$0x6470];
	_ =	sdelay $0x1  }
0x26c: {  	v62 =	vld [tilespmem:$0x64B0];
	_ =	sdelay $0x1  }
0x26d: {  	v63 =	vld [tilespmem:$0x64F0]  }
0x26e: {  	v11 =	vmul.f32 v14, v11;
	v12 =	vmul.f32 v61, v12  }
0x26f: {  	v22 =	vld [tilespmem:$0x6530]  }
0x270: {  	v10 =	vmul.f32 v62, v10;
	v11 =	vadd.f32 v12, v11  }
0x271: {  	v23 =	vld [tilespmem:$0x6570]  }
0x272: {  	v10 =	vadd.f32 v10, v11;
	v11 =	vmul.f32 v63, v13  }
0x273: {  	v24 =	vld [tilespmem:$0x65B0]  }
0x274: {  	v10 =	vadd.f32 v11, v10;
	v11 =	vmul.f32 v22, v15  }
0x275: {  	v25 =	vld [tilespmem:$0x65F0]  }
0x276: {  	v10 =	vadd.f32 v11, v10;
	v11 =	vmul.f32 v23, v17;
	_ =	sdelay $0x1  }
0x277: {  	v10 =	vadd.f32 v11, v10;
	v11 =	vmul.f32 v24, v19;
	_ =	sdelay $0x1  }
0x278: {  	v26 =	vor.u32 $0x38, v9;
	v10 =	vadd.f32 v11, v10;
	v11 =	vmul.f32 v25, v21  }
0x279: {  	v27 =	vor.u32 $0x39, v9  }
0x27a: {  	v10 =	vadd.f32 v11, v10;
	_ =	sdelay $0x1  }
0x27b: {  	[tilespmem:s4+$0xFFFFFFB0] =	vst v10  }
0x27c: {  	v10 =	vor.u32 $0x3A, v9;
	v11 =	vld.idx.msk [tilespmem:v26+s26+$0x0], $0xffff  }
0x27d: {  	v28 =	vor.u32 $0x3B, v9;
	v12 =	vld.idx.msk [tilespmem:v27+s26+$0x0], $0xffff  }
0x27e: {  	v29 =	vld [tilespmem:$0x6600]  }
0x27f: {  	v30 =	vor.u32 $0x3C, v9;
	v31 =	vld [tilespmem:$0x6640]  }
0x280: {  	v33 =	vld [tilespmem:$0x6680]  }
0x281: {  	v32 =	vor.u32 $0x3D, v9;
	v10 =	vld.idx.msk [tilespmem:v10+s26+$0x0], $0xffff  }
0x282: {  	v13 =	vld.idx.msk [tilespmem:v28+s26+$0x0], $0xffff  }
0x283: {  	v34 =	vor.u32 $0x3E, v9;
	v35 =	vld [tilespmem:$0x66C0]  }
0x284: {  	v15 =	vld.idx.msk [tilespmem:v30+s26+$0x0], $0xffff;
	v14 =	vmul.f32 v29, v11;
	v16 =	vmul.f32 v31, v12  }
0x285: {  	v36 =	vor.u32 $0x3F, v9;
	v37 =	vld [tilespmem:$0x6700]  }
0x286: {  	v17 =	vld.idx.msk [tilespmem:v32+s26+$0x0], $0xffff;
	v14 =	vadd.f32 v16, v14;
	v38 =	vmul.f32 v33, v10  }
0x287: {  	v39 =	vld [tilespmem:$0x6740]  }
0x288: {  	v19 =	vld.idx.msk [tilespmem:v34+s26+$0x0], $0xffff;
	v40 =	vmul.f32 v35, v13;
	v14 =	vadd.f32 v38, v14  }
0x289: {  	v41 =	vld [tilespmem:$0x6780]  }
0x28a: {  	v21 =	vld.idx.msk [tilespmem:v36+s26+$0x0], $0xffff;
	v42 =	vmul.f32 v37, v15;
	v14 =	vadd.f32 v40, v14  }
0x28b: {  	v43 =	vld [tilespmem:$0x67C0]  }
0x28c: {  	v44 =	vmul.f32 v39, v17;
	v14 =	vadd.f32 v42, v14;
	_ =	sdelay $0x1  }
0x28d: {  	v45 =	vmul.f32 v41, v19;
	v14 =	vadd.f32 v44, v14;
	_ =	sdelay $0x1  }
0x28e: {  	v46 =	vmul.f32 v43, v21;
	v14 =	vadd.f32 v45, v14;
	_ =	sdelay $0x1  }
0x28f: {  	v14 =	vadd.f32 v46, v14;
	_ =	sdelay $0x1  }
0x290: {  	[tilespmem:s4+$0xFFFFFFC0] =	vst v14  }
0x291: {  	v14 =	vld [tilespmem:$0x6610]  }
0x292: {  	v47 =	vld [tilespmem:$0x6650];
	_ =	sdelay $0x1  }
0x293: {  	v48 =	vld [tilespmem:$0x6690];
	_ =	sdelay $0x1  }
0x294: {  	v49 =	vld [tilespmem:$0x66D0]  }
0x295: {  	v14 =	vmul.f32 v14, v11;
	v16 =	vmul.f32 v47, v12  }
0x296: {  	v50 =	vld [tilespmem:$0x6710]  }
0x297: {  	v51 =	vmul.f32 v48, v10;
	v14 =	vadd.f32 v16, v14  }
0x298: {  	v52 =	vld [tilespmem:$0x6750]  }
0x299: {  	v53 =	vmul.f32 v49, v13;
	v14 =	vadd.f32 v51, v14  }
0x29a: {  	v54 =	vld [tilespmem:$0x6790]  }
0x29b: {  	v55 =	vmul.f32 v50, v15;
	v14 =	vadd.f32 v53, v14  }
0x29c: {  	v56 =	vld [tilespmem:$0x67D0]  }
0x29d: {  	v57 =	vmul.f32 v52, v17;
	v14 =	vadd.f32 v55, v14;
	_ =	sdelay $0x1  }
0x29e: {  	v58 =	vmul.f32 v54, v19;
	v14 =	vadd.f32 v57, v14;
	_ =	sdelay $0x1  }
0x29f: {  	v59 =	vmul.f32 v56, v21;
	v14 =	vadd.f32 v58, v14;
	_ =	sdelay $0x1  }
0x2a0: {  	v14 =	vadd.f32 v59, v14;
	_ =	sdelay $0x1  }
0x2a1: {  	[tilespmem:s4+$0xFFFFFFD0] =	vst v14  }
0x2a2: {  	v14 =	vld [tilespmem:$0x6620]  }
0x2a3: {  	v60 =	vld [tilespmem:$0x6660];
	_ =	sdelay $0x1  }
0x2a4: {  	v61 =	vld [tilespmem:$0x66A0];
	_ =	sdelay $0x1  }
0x2a5: {  	v62 =	vld [tilespmem:$0x66E0]  }
0x2a6: {  	v14 =	vmul.f32 v14, v11;
	v16 =	vmul.f32 v60, v12  }
0x2a7: {  	v63 =	vld [tilespmem:$0x6720]  }
0x2a8: {  	v24 =	vmul.f32 v61, v10;
	v14 =	vadd.f32 v16, v14  }
0x2a9: {  	v25 =	vld [tilespmem:$0x6760]  }
0x2aa: {  	v26 =	vmul.f32 v62, v13;
	v14 =	vadd.f32 v24, v14  }
0x2ab: {  	v27 =	vld [tilespmem:$0x67A0]  }
0x2ac: {  	v28 =	vmul.f32 v63, v15;
	v14 =	vadd.f32 v26, v14  }
0x2ad: {  	v29 =	vld [tilespmem:$0x67E0]  }
0x2ae: {  	v30 =	vmul.f32 v25, v17;
	v14 =	vadd.f32 v28, v14;
	_ =	sdelay $0x1  }
0x2af: {  	v31 =	vmul.f32 v27, v19;
	v14 =	vadd.f32 v30, v14;
	_ =	sdelay $0x1  }
0x2b0: {  	v32 =	vmul.f32 v29, v21;
	v14 =	vadd.f32 v31, v14;
	_ =	sdelay $0x1  }
0x2b1: {  	v14 =	vadd.f32 v32, v14;
	_ =	sdelay $0x1  }
0x2b2: {  	[tilespmem:s4+$0xFFFFFFE0] =	vst v14  }
0x2b3: {  	v14 =	vld [tilespmem:$0x6630]  }
0x2b4: {  	v33 =	vld [tilespmem:$0x6670];
	_ =	sdelay $0x1  }
0x2b5: {  	v34 =	vld [tilespmem:$0x66B0];
	_ =	sdelay $0x1  }
0x2b6: {  	v35 =	vld [tilespmem:$0x66F0]  }
0x2b7: {  	v11 =	vmul.f32 v14, v11;
	v12 =	vmul.f32 v33, v12  }
0x2b8: {  	v36 =	vld [tilespmem:$0x6730]  }
0x2b9: {  	v10 =	vmul.f32 v34, v10;
	v11 =	vadd.f32 v12, v11  }
0x2ba: {  	v37 =	vld [tilespmem:$0x6770]  }
0x2bb: {  	v10 =	vadd.f32 v10, v11;
	v11 =	vmul.f32 v35, v13  }
0x2bc: {  	v38 =	vld [tilespmem:$0x67B0]  }
0x2bd: {  	v10 =	vadd.f32 v11, v10;
	v11 =	vmul.f32 v36, v15  }
0x2be: {  	v39 =	vld [tilespmem:$0x67F0]  }
0x2bf: {  	v10 =	vadd.f32 v11, v10;
	v11 =	vmul.f32 v37, v17;
	_ =	sdelay $0x1  }
0x2c0: {  	v10 =	vadd.f32 v11, v10;
	v11 =	vmul.f32 v38, v19;
	_ =	sdelay $0x1  }
0x2c1: {  	v40 =	vor.u32 $0x40, v9;
	v10 =	vadd.f32 v11, v10;
	v11 =	vmul.f32 v39, v21  }
0x2c2: {  	v41 =	vor.u32 $0x41, v9  }
0x2c3: {  	v10 =	vadd.f32 v11, v10;
	_ =	sdelay $0x1  }
0x2c4: {  	[tilespmem:s4+$0xFFFFFFF0] =	vst v10  }
0x2c5: {  	v10 =	vor.u32 $0x42, v9;
	v11 =	vld.idx.msk [tilespmem:v40+s26+$0x0], $0xffff  }
0x2c6: {  	v42 =	vor.u32 $0x43, v9;
	v12 =	vld.idx.msk [tilespmem:v41+s26+$0x0], $0xffff  }
0x2c7: {  	v43 =	vld [tilespmem:$0x6800]  }
0x2c8: {  	v44 =	vor.u32 $0x44, v9;
	v45 =	vld [tilespmem:$0x6840]  }
0x2c9: {  	v47 =	vld [tilespmem:$0x6880]  }
0x2ca: {  	v46 =	vor.u32 $0x45, v9;
	v10 =	vld.idx.msk [tilespmem:v10+s26+$0x0], $0xffff  }
0x2cb: {  	v13 =	vld.idx.msk [tilespmem:v42+s26+$0x0], $0xffff  }
0x2cc: {  	v48 =	vor.u32 $0x46, v9;
	v49 =	vld [tilespmem:$0x68C0]  }
0x2cd: {  	v15 =	vld.idx.msk [tilespmem:v44+s26+$0x0], $0xffff;
	v14 =	vmul.f32 v43, v11;
	v16 =	vmul.f32 v45, v12  }
0x2ce: {  	v50 =	vor.u32 $0x47, v9;
	v51 =	vld [tilespmem:$0x6900]  }
0x2cf: {  	v17 =	vld.idx.msk [tilespmem:v46+s26+$0x0], $0xffff;
	v14 =	vadd.f32 v16, v14;
	v52 =	vmul.f32 v47, v10  }
0x2d0: {  	v53 =	vld [tilespmem:$0x6940]  }
0x2d1: {  	v19 =	vld.idx.msk [tilespmem:v48+s26+$0x0], $0xffff;
	v54 =	vmul.f32 v49, v13;
	v14 =	vadd.f32 v52, v14  }
0x2d2: {  	v55 =	vld [tilespmem:$0x6980]  }
0x2d3: {  	v21 =	vld.idx.msk [tilespmem:v50+s26+$0x0], $0xffff;
	v56 =	vmul.f32 v51, v15;
	v14 =	vadd.f32 v54, v14  }
0x2d4: {  	v57 =	vld [tilespmem:$0x69C0]  }
0x2d5: {  	v58 =	vmul.f32 v53, v17;
	v14 =	vadd.f32 v56, v14;
	_ =	sdelay $0x1  }
0x2d6: {  	v59 =	vmul.f32 v55, v19;
	v14 =	vadd.f32 v58, v14;
	_ =	sdelay $0x1  }
0x2d7: {  	v60 =	vmul.f32 v57, v21;
	v14 =	vadd.f32 v59, v14;
	_ =	sdelay $0x1  }
0x2d8: {  	v14 =	vadd.f32 v60, v14;
	_ =	sdelay $0x1  }
0x2d9: {  	[tilespmem:s4+$0x0] =	vst v14  }
0x2da: {  	v14 =	vld [tilespmem:$0x6810]  }
0x2db: {  	v61 =	vld [tilespmem:$0x6850];
	_ =	sdelay $0x1  }
0x2dc: {  	v62 =	vld [tilespmem:$0x6890];
	_ =	sdelay $0x1  }
0x2dd: {  	v63 =	vld [tilespmem:$0x68D0]  }
0x2de: {  	v14 =	vmul.f32 v14, v11;
	v16 =	vmul.f32 v61, v12  }
0x2df: {  	v24 =	vld [tilespmem:$0x6910]  }
0x2e0: {  	v25 =	vmul.f32 v62, v10;
	v14 =	vadd.f32 v16, v14  }
0x2e1: {  	v26 =	vld [tilespmem:$0x6950]  }
0x2e2: {  	v27 =	vmul.f32 v63, v13;
	v14 =	vadd.f32 v25, v14  }
0x2e3: {  	v28 =	vld [tilespmem:$0x6990]  }
0x2e4: {  	v29 =	vmul.f32 v24, v15;
	v14 =	vadd.f32 v27, v14  }
0x2e5: {  	v30 =	vld [tilespmem:$0x69D0]  }
0x2e6: {  	v31 =	vmul.f32 v26, v17;
	v14 =	vadd.f32 v29, v14;
	_ =	sdelay $0x1  }
0x2e7: {  	v32 =	vmul.f32 v28, v19;
	v14 =	vadd.f32 v31, v14;
	_ =	sdelay $0x1  }
0x2e8: {  	v33 =	vmul.f32 v30, v21;
	v14 =	vadd.f32 v32, v14;
	_ =	sdelay $0x1  }
0x2e9: {  	v14 =	vadd.f32 v33, v14;
	_ =	sdelay $0x1  }
0x2ea: {  	[tilespmem:s4+$0x10] =	vst v14  }
0x2eb: {  	v14 =	vld [tilespmem:$0x6820]  }
0x2ec: {  	v34 =	vld [tilespmem:$0x6860];
	_ =	sdelay $0x1  }
0x2ed: {  	v35 =	vld [tilespmem:$0x68A0];
	_ =	sdelay $0x1  }
0x2ee: {  	v36 =	vld [tilespmem:$0x68E0]  }
0x2ef: {  	v14 =	vmul.f32 v14, v11;
	v16 =	vmul.f32 v34, v12  }
0x2f0: {  	v37 =	vld [tilespmem:$0x6920]  }
0x2f1: {  	v38 =	vmul.f32 v35, v10;
	v14 =	vadd.f32 v16, v14  }
0x2f2: {  	v39 =	vld [tilespmem:$0x6960]  }
0x2f3: {  	v40 =	vmul.f32 v36, v13;
	v14 =	vadd.f32 v38, v14  }
0x2f4: {  	v41 =	vld [tilespmem:$0x69A0]  }
0x2f5: {  	v42 =	vmul.f32 v37, v15;
	v14 =	vadd.f32 v40, v14  }
0x2f6: {  	v43 =	vld [tilespmem:$0x69E0]  }
0x2f7: {  	v44 =	vmul.f32 v39, v17;
	v14 =	vadd.f32 v42, v14;
	_ =	sdelay $0x1  }
0x2f8: {  	v45 =	vmul.f32 v41, v19;
	v14 =	vadd.f32 v44, v14;
	_ =	sdelay $0x1  }
0x2f9: {  	v46 =	vmul.f32 v43, v21;
	v14 =	vadd.f32 v45, v14;
	_ =	sdelay $0x1  }
0x2fa: {  	v14 =	vadd.f32 v46, v14;
	_ =	sdelay $0x1  }
0x2fb: {  	[tilespmem:s4+$0x20] =	vst v14  }
0x2fc: {  	v14 =	vld [tilespmem:$0x6830]  }
0x2fd: {  	v47 =	vld [tilespmem:$0x6870];
	_ =	sdelay $0x1  }
0x2fe: {  	v48 =	vld [tilespmem:$0x68B0];
	_ =	sdelay $0x1  }
0x2ff: {  	v49 =	vld [tilespmem:$0x68F0]  }
0x300: {  	v11 =	vmul.f32 v14, v11;
	v12 =	vmul.f32 v47, v12  }
0x301: {  	v50 =	vld [tilespmem:$0x6930]  }
0x302: {  	v10 =	vmul.f32 v48, v10;
	v11 =	vadd.f32 v12, v11  }
0x303: {  	v51 =	vld [tilespmem:$0x6970]  }
0x304: {  	v10 =	vadd.f32 v10, v11;
	v11 =	vmul.f32 v49, v13  }
0x305: {  	v52 =	vld [tilespmem:$0x69B0]  }
0x306: {  	v10 =	vadd.f32 v11, v10;
	v11 =	vmul.f32 v50, v15  }
0x307: {  	v53 =	vld [tilespmem:$0x69F0]  }
0x308: {  	v10 =	vadd.f32 v11, v10;
	v11 =	vmul.f32 v51, v17;
	_ =	sdelay $0x1  }
0x309: {  	v10 =	vadd.f32 v11, v10;
	v11 =	vmul.f32 v52, v19;
	_ =	sdelay $0x1  }
0x30a: {  	v54 =	vor.u32 $0x48, v9;
	v10 =	vadd.f32 v11, v10;
	v11 =	vmul.f32 v53, v21  }
0x30b: {  	v55 =	vor.u32 $0x49, v9  }
0x30c: {  	v10 =	vadd.f32 v11, v10;
	_ =	sdelay $0x1  }
0x30d: {  	[tilespmem:s4+$0x30] =	vst v10  }
0x30e: {  	v10 =	vor.u32 $0x4A, v9;
	v11 =	vld.idx.msk [tilespmem:v54+s26+$0x0], $0xffff  }
0x30f: {  	v56 =	vor.u32 $0x4B, v9;
	v12 =	vld.idx.msk [tilespmem:v55+s26+$0x0], $0xffff  }
0x310: {  	v57 =	vld [tilespmem:$0x6A00]  }
0x311: {  	v58 =	vor.u32 $0x4C, v9;
	v59 =	vld [tilespmem:$0x6A40]  }
0x312: {  	v61 =	vld [tilespmem:$0x6A80]  }
0x313: {  	v60 =	vor.u32 $0x4D, v9;
	v10 =	vld.idx.msk [tilespmem:v10+s26+$0x0], $0xffff  }
0x314: {  	v13 =	vld.idx.msk [tilespmem:v56+s26+$0x0], $0xffff  }
0x315: {  	v62 =	vor.u32 $0x4E, v9;
	v63 =	vld [tilespmem:$0x6AC0]  }
0x316: {  	v15 =	vld.idx.msk [tilespmem:v58+s26+$0x0], $0xffff;
	v14 =	vmul.f32 v57, v11;
	v16 =	vmul.f32 v59, v12  }
0x317: {  	v24 =	vor.u32 $0x4F, v9;
	v25 =	vld [tilespmem:$0x6B00]  }
0x318: {  	v17 =	vld.idx.msk [tilespmem:v60+s26+$0x0], $0xffff;
	v14 =	vadd.f32 v16, v14;
	v26 =	vmul.f32 v61, v10  }
0x319: {  	v27 =	vld [tilespmem:$0x6B40]  }
0x31a: {  	v19 =	vld.idx.msk [tilespmem:v62+s26+$0x0], $0xffff;
	v28 =	vmul.f32 v63, v13;
	v14 =	vadd.f32 v26, v14  }
0x31b: {  	v29 =	vld [tilespmem:$0x6B80]  }
0x31c: {  	v21 =	vld.idx.msk [tilespmem:v24+s26+$0x0], $0xffff;
	v30 =	vmul.f32 v25, v15;
	v14 =	vadd.f32 v28, v14  }
0x31d: {  	v31 =	vld [tilespmem:$0x6BC0]  }
0x31e: {  	v32 =	vmul.f32 v27, v17;
	v14 =	vadd.f32 v30, v14;
	_ =	sdelay $0x1  }
0x31f: {  	v33 =	vmul.f32 v29, v19;
	v14 =	vadd.f32 v32, v14;
	_ =	sdelay $0x1  }
0x320: {  	v34 =	vmul.f32 v31, v21;
	v14 =	vadd.f32 v33, v14;
	_ =	sdelay $0x1  }
0x321: {  	v14 =	vadd.f32 v34, v14;
	_ =	sdelay $0x1  }
0x322: {  	[tilespmem:s4+$0x40] =	vst v14  }
0x323: {  	v14 =	vld [tilespmem:$0x6A10]  }
0x324: {  	v35 =	vld [tilespmem:$0x6A50];
	_ =	sdelay $0x1  }
0x325: {  	v36 =	vld [tilespmem:$0x6A90];
	_ =	sdelay $0x1  }
0x326: {  	v37 =	vld [tilespmem:$0x6AD0]  }
0x327: {  	v14 =	vmul.f32 v14, v11;
	v16 =	vmul.f32 v35, v12  }
0x328: {  	v38 =	vld [tilespmem:$0x6B10]  }
0x329: {  	v39 =	vmul.f32 v36, v10;
	v14 =	vadd.f32 v16, v14  }
0x32a: {  	v40 =	vld [tilespmem:$0x6B50]  }
0x32b: {  	v41 =	vmul.f32 v37, v13;
	v14 =	vadd.f32 v39, v14  }
0x32c: {  	v42 =	vld [tilespmem:$0x6B90]  }
0x32d: {  	v43 =	vmul.f32 v38, v15;
	v14 =	vadd.f32 v41, v14  }
0x32e: {  	v44 =	vld [tilespmem:$0x6BD0]  }
0x32f: {  	v45 =	vmul.f32 v40, v17;
	v14 =	vadd.f32 v43, v14;
	_ =	sdelay $0x1  }
0x330: {  	v46 =	vmul.f32 v42, v19;
	v14 =	vadd.f32 v45, v14;
	_ =	sdelay $0x1  }
0x331: {  	v47 =	vmul.f32 v44, v21;
	v14 =	vadd.f32 v46, v14;
	_ =	sdelay $0x1  }
0x332: {  	v14 =	vadd.f32 v47, v14;
	_ =	sdelay $0x1  }
0x333: {  	[tilespmem:s4+$0x50] =	vst v14  }
0x334: {  	v14 =	vld [tilespmem:$0x6A20]  }
0x335: {  	v48 =	vld [tilespmem:$0x6A60];
	_ =	sdelay $0x1  }
0x336: {  	v49 =	vld [tilespmem:$0x6AA0];
	_ =	sdelay $0x1  }
0x337: {  	v50 =	vld [tilespmem:$0x6AE0]  }
0x338: {  	v14 =	vmul.f32 v14, v11;
	v16 =	vmul.f32 v48, v12  }
0x339: {  	v51 =	vld [tilespmem:$0x6B20]  }
0x33a: {  	v52 =	vmul.f32 v49, v10;
	v14 =	vadd.f32 v16, v14  }
0x33b: {  	v53 =	vld [tilespmem:$0x6B60]  }
0x33c: {  	v54 =	vmul.f32 v50, v13;
	v14 =	vadd.f32 v52, v14  }
0x33d: {  	v55 =	vld [tilespmem:$0x6BA0]  }
0x33e: {  	v56 =	vmul.f32 v51, v15;
	v14 =	vadd.f32 v54, v14  }
0x33f: {  	v57 =	vld [tilespmem:$0x6BE0]  }
0x340: {  	v58 =	vmul.f32 v53, v17;
	v14 =	vadd.f32 v56, v14;
	_ =	sdelay $0x1  }
0x341: {  	v59 =	vmul.f32 v55, v19;
	v14 =	vadd.f32 v58, v14;
	_ =	sdelay $0x1  }
0x342: {  	v60 =	vmul.f32 v57, v21;
	v14 =	vadd.f32 v59, v14;
	_ =	sdelay $0x1  }
0x343: {  	v14 =	vadd.f32 v60, v14;
	_ =	sdelay $0x1  }
0x344: {  	[tilespmem:s4+$0x60] =	vst v14  }
0x345: {  	v14 =	vld [tilespmem:$0x6A30]  }
0x346: {  	v61 =	vld [tilespmem:$0x6A70];
	_ =	sdelay $0x1  }
0x347: {  	v62 =	vld [tilespmem:$0x6AB0];
	_ =	sdelay $0x1  }
0x348: {  	v63 =	vld [tilespmem:$0x6AF0]  }
0x349: {  	v11 =	vmul.f32 v14, v11;
	v12 =	vmul.f32 v61, v12  }
0x34a: {  	v22 =	vld [tilespmem:$0x6B30]  }
0x34b: {  	v10 =	vmul.f32 v62, v10;
	v11 =	vadd.f32 v12, v11  }
0x34c: {  	v23 =	vld [tilespmem:$0x6B70]  }
0x34d: {  	v10 =	vadd.f32 v10, v11;
	v11 =	vmul.f32 v63, v13  }
0x34e: {  	v24 =	vld [tilespmem:$0x6BB0]  }
0x34f: {  	v10 =	vadd.f32 v11, v10;
	v11 =	vmul.f32 v22, v15  }
0x350: {  	v25 =	vld [tilespmem:$0x6BF0]  }
0x351: {  	v10 =	vadd.f32 v11, v10;
	v11 =	vmul.f32 v23, v17;
	_ =	sdelay $0x1  }
0x352: {  	v10 =	vadd.f32 v11, v10;
	v11 =	vmul.f32 v24, v19;
	_ =	sdelay $0x1  }
0x353: {  	v26 =	vor.u32 $0x50, v9;
	v10 =	vadd.f32 v11, v10;
	v11 =	vmul.f32 v25, v21  }
0x354: {  	v27 =	vor.u32 $0x51, v9  }
0x355: {  	v10 =	vadd.f32 v11, v10;
	_ =	sdelay $0x1  }
0x356: {  	[tilespmem:s4+$0x70] =	vst v10  }
0x357: {  	v10 =	vor.u32 $0x52, v9;
	v11 =	vld.idx.msk [tilespmem:v26+s26+$0x0], $0xffff  }
0x358: {  	v28 =	vor.u32 $0x53, v9;
	v12 =	vld.idx.msk [tilespmem:v27+s26+$0x0], $0xffff  }
0x359: {  	v29 =	vld [tilespmem:$0x6C00]  }
0x35a: {  	v30 =	vor.u32 $0x54, v9;
	v31 =	vld [tilespmem:$0x6C40]  }
0x35b: {  	v33 =	vld [tilespmem:$0x6C80]  }
0x35c: {  	v32 =	vor.u32 $0x55, v9;
	v10 =	vld.idx.msk [tilespmem:v10+s26+$0x0], $0xffff  }
0x35d: {  	v13 =	vld.idx.msk [tilespmem:v28+s26+$0x0], $0xffff  }
0x35e: {  	v34 =	vor.u32 $0x56, v9;
	v35 =	vld [tilespmem:$0x6CC0]  }
0x35f: {  	v15 =	vld.idx.msk [tilespmem:v30+s26+$0x0], $0xffff;
	v14 =	vmul.f32 v29, v11;
	v16 =	vmul.f32 v31, v12  }
0x360: {  	v36 =	vor.u32 $0x57, v9;
	v37 =	vld [tilespmem:$0x6D00]  }
0x361: {  	v17 =	vld.idx.msk [tilespmem:v32+s26+$0x0], $0xffff;
	v14 =	vadd.f32 v16, v14;
	v38 =	vmul.f32 v33, v10  }
0x362: {  	v39 =	vld [tilespmem:$0x6D40]  }
0x363: {  	v19 =	vld.idx.msk [tilespmem:v34+s26+$0x0], $0xffff;
	v40 =	vmul.f32 v35, v13;
	v14 =	vadd.f32 v38, v14  }
0x364: {  	v41 =	vld [tilespmem:$0x6D80]  }
0x365: {  	v21 =	vld.idx.msk [tilespmem:v36+s26+$0x0], $0xffff;
	v42 =	vmul.f32 v37, v15;
	v14 =	vadd.f32 v40, v14  }
0x366: {  	v43 =	vld [tilespmem:$0x6DC0]  }
0x367: {  	v44 =	vmul.f32 v39, v17;
	v14 =	vadd.f32 v42, v14;
	_ =	sdelay $0x1  }
0x368: {  	v45 =	vmul.f32 v41, v19;
	v14 =	vadd.f32 v44, v14;
	_ =	sdelay $0x1  }
0x369: {  	v46 =	vmul.f32 v43, v21;
	v14 =	vadd.f32 v45, v14;
	_ =	sdelay $0x1  }
0x36a: {  	v14 =	vadd.f32 v46, v14;
	_ =	sdelay $0x1  }
0x36b: {  	[tilespmem:s4+$0x80] =	vst v14  }
0x36c: {  	v14 =	vld [tilespmem:$0x6C10]  }
0x36d: {  	v47 =	vld [tilespmem:$0x6C50];
	_ =	sdelay $0x1  }
0x36e: {  	v48 =	vld [tilespmem:$0x6C90];
	_ =	sdelay $0x1  }
0x36f: {  	v49 =	vld [tilespmem:$0x6CD0]  }
0x370: {  	v14 =	vmul.f32 v14, v11;
	v16 =	vmul.f32 v47, v12  }
0x371: {  	v50 =	vld [tilespmem:$0x6D10]  }
0x372: {  	v51 =	vmul.f32 v48, v10;
	v14 =	vadd.f32 v16, v14  }
0x373: {  	v52 =	vld [tilespmem:$0x6D50]  }
0x374: {  	v53 =	vmul.f32 v49, v13;
	v14 =	vadd.f32 v51, v14  }
0x375: {  	v54 =	vld [tilespmem:$0x6D90]  }
0x376: {  	v55 =	vmul.f32 v50, v15;
	v14 =	vadd.f32 v53, v14  }
0x377: {  	v56 =	vld [tilespmem:$0x6DD0]  }
0x378: {  	v57 =	vmul.f32 v52, v17;
	v14 =	vadd.f32 v55, v14;
	_ =	sdelay $0x1  }
0x379: {  	v58 =	vmul.f32 v54, v19;
	v14 =	vadd.f32 v57, v14;
	_ =	sdelay $0x1  }
0x37a: {  	v59 =	vmul.f32 v56, v21;
	v14 =	vadd.f32 v58, v14;
	_ =	sdelay $0x1  }
0x37b: {  	v14 =	vadd.f32 v59, v14;
	_ =	sdelay $0x1  }
0x37c: {  	[tilespmem:s4+$0x90] =	vst v14  }
0x37d: {  	v14 =	vld [tilespmem:$0x6C20]  }
0x37e: {  	v60 =	vld [tilespmem:$0x6C60];
	_ =	sdelay $0x1  }
0x37f: {  	v61 =	vld [tilespmem:$0x6CA0];
	_ =	sdelay $0x1  }
0x380: {  	v62 =	vld [tilespmem:$0x6CE0]  }
0x381: {  	v14 =	vmul.f32 v14, v11;
	v16 =	vmul.f32 v60, v12  }
0x382: {  	v63 =	vld [tilespmem:$0x6D20]  }
0x383: {  	v24 =	vmul.f32 v61, v10;
	v14 =	vadd.f32 v16, v14  }
0x384: {  	v25 =	vld [tilespmem:$0x6D60]  }
0x385: {  	v26 =	vmul.f32 v62, v13;
	v14 =	vadd.f32 v24, v14  }
0x386: {  	v27 =	vld [tilespmem:$0x6DA0]  }
0x387: {  	v28 =	vmul.f32 v63, v15;
	v14 =	vadd.f32 v26, v14  }
0x388: {  	v29 =	vld [tilespmem:$0x6DE0]  }
0x389: {  	v30 =	vmul.f32 v25, v17;
	v14 =	vadd.f32 v28, v14;
	_ =	sdelay $0x1  }
0x38a: {  	v31 =	vmul.f32 v27, v19;
	v14 =	vadd.f32 v30, v14;
	_ =	sdelay $0x1  }
0x38b: {  	v32 =	vmul.f32 v29, v21;
	v14 =	vadd.f32 v31, v14;
	_ =	sdelay $0x1  }
0x38c: {  	v14 =	vadd.f32 v32, v14;
	_ =	sdelay $0x1  }
0x38d: {  	[tilespmem:s4+$0xA0] =	vst v14  }
0x38e: {  	v14 =	vld [tilespmem:$0x6C30]  }
0x38f: {  	v33 =	vld [tilespmem:$0x6C70];
	_ =	sdelay $0x1  }
0x390: {  	v34 =	vld [tilespmem:$0x6CB0];
	_ =	sdelay $0x1  }
0x391: {  	v35 =	vld [tilespmem:$0x6CF0]  }
0x392: {  	v11 =	vmul.f32 v14, v11;
	v12 =	vmul.f32 v33, v12  }
0x393: {  	v36 =	vld [tilespmem:$0x6D30]  }
0x394: {  	v10 =	vmul.f32 v34, v10;
	v11 =	vadd.f32 v12, v11  }
0x395: {  	v37 =	vld [tilespmem:$0x6D70]  }
0x396: {  	v10 =	vadd.f32 v10, v11;
	v11 =	vmul.f32 v35, v13  }
0x397: {  	v38 =	vld [tilespmem:$0x6DB0]  }
0x398: {  	v10 =	vadd.f32 v11, v10;
	v11 =	vmul.f32 v36, v15  }
0x399: {  	v39 =	vld [tilespmem:$0x6DF0]  }
0x39a: {  	v10 =	vadd.f32 v11, v10;
	v11 =	vmul.f32 v37, v17;
	_ =	sdelay $0x1  }
0x39b: {  	v10 =	vadd.f32 v11, v10;
	v11 =	vmul.f32 v38, v19;
	_ =	sdelay $0x1  }
0x39c: {  	v40 =	vor.u32 $0x58, v9;
	v10 =	vadd.f32 v11, v10;
	v11 =	vmul.f32 v39, v21  }
0x39d: {  	v41 =	vor.u32 $0x59, v9  }
0x39e: {  	v10 =	vadd.f32 v11, v10;
	_ =	sdelay $0x1  }
0x39f: {  	[tilespmem:s4+$0xB0] =	vst v10  }
0x3a0: {  	v10 =	vor.u32 $0x5A, v9;
	v11 =	vld.idx.msk [tilespmem:v40+s26+$0x0], $0xffff  }
0x3a1: {  	v42 =	vor.u32 $0x5B, v9;
	v12 =	vld.idx.msk [tilespmem:v41+s26+$0x0], $0xffff  }
0x3a2: {  	v43 =	vld [tilespmem:$0x6E00]  }
0x3a3: {  	v44 =	vor.u32 $0x5C, v9;
	v45 =	vld [tilespmem:$0x6E40]  }
0x3a4: {  	v47 =	vld [tilespmem:$0x6E80]  }
0x3a5: {  	v46 =	vor.u32 $0x5D, v9;
	v10 =	vld.idx.msk [tilespmem:v10+s26+$0x0], $0xffff  }
0x3a6: {  	v13 =	vld.idx.msk [tilespmem:v42+s26+$0x0], $0xffff  }
0x3a7: {  	v48 =	vor.u32 $0x5E, v9;
	v49 =	vld [tilespmem:$0x6EC0]  }
0x3a8: {  	v15 =	vld.idx.msk [tilespmem:v44+s26+$0x0], $0xffff;
	v14 =	vmul.f32 v43, v11;
	v16 =	vmul.f32 v45, v12  }
0x3a9: {  	v50 =	vor.u32 $0x5F, v9;
	v51 =	vld [tilespmem:$0x6F00]  }
0x3aa: {  	v17 =	vld.idx.msk [tilespmem:v46+s26+$0x0], $0xffff;
	v14 =	vadd.f32 v16, v14;
	v52 =	vmul.f32 v47, v10  }
0x3ab: {  	v53 =	vld [tilespmem:$0x6F40]  }
0x3ac: {  	v19 =	vld.idx.msk [tilespmem:v48+s26+$0x0], $0xffff;
	v54 =	vmul.f32 v49, v13;
	v14 =	vadd.f32 v52, v14  }
0x3ad: {  	v55 =	vld [tilespmem:$0x6F80]  }
0x3ae: {  	v21 =	vld.idx.msk [tilespmem:v50+s26+$0x0], $0xffff;
	v56 =	vmul.f32 v51, v15;
	v14 =	vadd.f32 v54, v14  }
0x3af: {  	v57 =	vld [tilespmem:$0x6FC0]  }
0x3b0: {  	v58 =	vmul.f32 v53, v17;
	v14 =	vadd.f32 v56, v14;
	_ =	sdelay $0x1  }
0x3b1: {  	v59 =	vmul.f32 v55, v19;
	v14 =	vadd.f32 v58, v14;
	_ =	sdelay $0x1  }
0x3b2: {  	v60 =	vmul.f32 v57, v21;
	v14 =	vadd.f32 v59, v14;
	_ =	sdelay $0x1  }
0x3b3: {  	v14 =	vadd.f32 v60, v14;
	_ =	sdelay $0x1  }
0x3b4: {  	[tilespmem:s4+$0xC0] =	vst v14  }
0x3b5: {  	v14 =	vld [tilespmem:$0x6E10]  }
0x3b6: {  	v61 =	vld [tilespmem:$0x6E50];
	_ =	sdelay $0x1  }
0x3b7: {  	v62 =	vld [tilespmem:$0x6E90];
	_ =	sdelay $0x1  }
0x3b8: {  	v63 =	vld [tilespmem:$0x6ED0]  }
0x3b9: {  	v14 =	vmul.f32 v14, v11;
	v16 =	vmul.f32 v61, v12  }
0x3ba: {  	v24 =	vld [tilespmem:$0x6F10]  }
0x3bb: {  	v25 =	vmul.f32 v62, v10;
	v14 =	vadd.f32 v16, v14  }
0x3bc: {  	v26 =	vld [tilespmem:$0x6F50]  }
0x3bd: {  	v27 =	vmul.f32 v63, v13;
	v14 =	vadd.f32 v25, v14  }
0x3be: {  	v28 =	vld [tilespmem:$0x6F90]  }
0x3bf: {  	v29 =	vmul.f32 v24, v15;
	v14 =	vadd.f32 v27, v14  }
0x3c0: {  	v30 =	vld [tilespmem:$0x6FD0]  }
0x3c1: {  	v31 =	vmul.f32 v26, v17;
	v14 =	vadd.f32 v29, v14;
	_ =	sdelay $0x1  }
0x3c2: {  	v32 =	vmul.f32 v28, v19;
	v14 =	vadd.f32 v31, v14;
	_ =	sdelay $0x1  }
0x3c3: {  	v33 =	vmul.f32 v30, v21;
	v14 =	vadd.f32 v32, v14;
	_ =	sdelay $0x1  }
0x3c4: {  	v14 =	vadd.f32 v33, v14;
	_ =	sdelay $0x1  }
0x3c5: {  	[tilespmem:s4+$0xD0] =	vst v14  }
0x3c6: {  	v14 =	vld [tilespmem:$0x6E20]  }
0x3c7: {  	v34 =	vld [tilespmem:$0x6E60];
	_ =	sdelay $0x1  }
0x3c8: {  	v35 =	vld [tilespmem:$0x6EA0];
	_ =	sdelay $0x1  }
0x3c9: {  	v36 =	vld [tilespmem:$0x6EE0]  }
0x3ca: {  	v14 =	vmul.f32 v14, v11;
	v16 =	vmul.f32 v34, v12  }
0x3cb: {  	v37 =	vld [tilespmem:$0x6F20]  }
0x3cc: {  	v38 =	vmul.f32 v35, v10;
	v14 =	vadd.f32 v16, v14  }
0x3cd: {  	v39 =	vld [tilespmem:$0x6F60]  }
0x3ce: {  	v40 =	vmul.f32 v36, v13;
	v14 =	vadd.f32 v38, v14  }
0x3cf: {  	v41 =	vld [tilespmem:$0x6FA0]  }
0x3d0: {  	v42 =	vmul.f32 v37, v15;
	v14 =	vadd.f32 v40, v14  }
0x3d1: {  	v43 =	vld [tilespmem:$0x6FE0]  }
0x3d2: {  	v44 =	vmul.f32 v39, v17;
	v14 =	vadd.f32 v42, v14;
	_ =	sdelay $0x1  }
0x3d3: {  	v45 =	vmul.f32 v41, v19;
	v14 =	vadd.f32 v44, v14;
	_ =	sdelay $0x1  }
0x3d4: {  	v46 =	vmul.f32 v43, v21;
	v14 =	vadd.f32 v45, v14;
	_ =	sdelay $0x1  }
0x3d5: {  	v14 =	vadd.f32 v46, v14;
	_ =	sdelay $0x1  }
0x3d6: {  	[tilespmem:s4+$0xE0] =	vst v14  }
0x3d7: {  	v14 =	vld [tilespmem:$0x6E30]  }
0x3d8: {  	v47 =	vld [tilespmem:$0x6E70];
	_ =	sdelay $0x1  }
0x3d9: {  	v48 =	vld [tilespmem:$0x6EB0];
	_ =	sdelay $0x1  }
0x3da: {  	v49 =	vld [tilespmem:$0x6EF0]  }
0x3db: {  	v11 =	vmul.f32 v14, v11;
	v12 =	vmul.f32 v47, v12  }
0x3dc: {  	v50 =	vld [tilespmem:$0x6F30]  }
0x3dd: {  	v10 =	vmul.f32 v48, v10;
	v11 =	vadd.f32 v12, v11  }
0x3de: {  	v51 =	vld [tilespmem:$0x6F70]  }
0x3df: {  	v10 =	vadd.f32 v10, v11;
	v11 =	vmul.f32 v49, v13  }
0x3e0: {  	v52 =	vld [tilespmem:$0x6FB0]  }
0x3e1: {  	v10 =	vadd.f32 v11, v10;
	v11 =	vmul.f32 v50, v15  }
0x3e2: {  	v53 =	vld [tilespmem:$0x6FF0]  }
0x3e3: {  	v10 =	vadd.f32 v11, v10;
	v11 =	vmul.f32 v51, v17;
	_ =	sdelay $0x1  }
0x3e4: {  	v10 =	vadd.f32 v11, v10;
	v11 =	vmul.f32 v52, v19;
	_ =	sdelay $0x1  }
0x3e5: {  	v54 =	vor.u32 $0x60, v9;
	v10 =	vadd.f32 v11, v10;
	v11 =	vmul.f32 v53, v21  }
0x3e6: {  	v55 =	vor.u32 $0x61, v9  }
0x3e7: {  	v10 =	vadd.f32 v11, v10;
	_ =	sdelay $0x1  }
0x3e8: {  	[tilespmem:s4+$0xF0] =	vst v10  }
0x3e9: {  	v10 =	vor.u32 $0x62, v9;
	v11 =	vld.idx.msk [tilespmem:v54+s26+$0x0], $0xffff  }
0x3ea: {  	v56 =	vor.u32 $0x63, v9;
	v12 =	vld.idx.msk [tilespmem:v55+s26+$0x0], $0xffff  }
0x3eb: {  	v57 =	vld [tilespmem:$0x7000]  }
0x3ec: {  	v58 =	vor.u32 $0x64, v9;
	v59 =	vld [tilespmem:$0x7040]  }
0x3ed: {  	v61 =	vld [tilespmem:$0x7080]  }
0x3ee: {  	v60 =	vor.u32 $0x65, v9;
	v10 =	vld.idx.msk [tilespmem:v10+s26+$0x0], $0xffff  }
0x3ef: {  	v13 =	vld.idx.msk [tilespmem:v56+s26+$0x0], $0xffff  }
0x3f0: {  	v62 =	vor.u32 $0x66, v9;
	v63 =	vld [tilespmem:$0x70C0]  }
0x3f1: {  	v15 =	vld.idx.msk [tilespmem:v58+s26+$0x0], $0xffff;
	v14 =	vmul.f32 v57, v11;
	v16 =	vmul.f32 v59, v12  }
0x3f2: {  	v24 =	vor.u32 $0x67, v9;
	v25 =	vld [tilespmem:$0x7100]  }
0x3f3: {  	v17 =	vld.idx.msk [tilespmem:v60+s26+$0x0], $0xffff;
	v14 =	vadd.f32 v16, v14;
	v26 =	vmul.f32 v61, v10  }
0x3f4: {  	v27 =	vld [tilespmem:$0x7140]  }
0x3f5: {  	v19 =	vld.idx.msk [tilespmem:v62+s26+$0x0], $0xffff;
	v28 =	vmul.f32 v63, v13;
	v14 =	vadd.f32 v26, v14  }
0x3f6: {  	v29 =	vld [tilespmem:$0x7180]  }
0x3f7: {  	v21 =	vld.idx.msk [tilespmem:v24+s26+$0x0], $0xffff;
	v30 =	vmul.f32 v25, v15;
	v14 =	vadd.f32 v28, v14  }
0x3f8: {  	v31 =	vld [tilespmem:$0x71C0]  }
0x3f9: {  	v32 =	vmul.f32 v27, v17;
	v14 =	vadd.f32 v30, v14;
	_ =	sdelay $0x1  }
0x3fa: {  	v33 =	vmul.f32 v29, v19;
	v14 =	vadd.f32 v32, v14;
	_ =	sdelay $0x1  }
0x3fb: {  	v34 =	vmul.f32 v31, v21;
	v14 =	vadd.f32 v33, v14;
	_ =	sdelay $0x1  }
0x3fc: {  	v14 =	vadd.f32 v34, v14;
	_ =	sdelay $0x1  }
0x3fd: {  	[tilespmem:s4+$0x100] =	vst v14  }
0x3fe: {  	v14 =	vld [tilespmem:$0x7010]  }
0x3ff: {  	v35 =	vld [tilespmem:$0x7050];
	_ =	sdelay $0x1  }
0x400: {  	v36 =	vld [tilespmem:$0x7090];
	_ =	sdelay $0x1  }
0x401: {  	v37 =	vld [tilespmem:$0x70D0]  }
0x402: {  	v14 =	vmul.f32 v14, v11;
	v16 =	vmul.f32 v35, v12  }
0x403: {  	v38 =	vld [tilespmem:$0x7110]  }
0x404: {  	v39 =	vmul.f32 v36, v10;
	v14 =	vadd.f32 v16, v14  }
0x405: {  	v40 =	vld [tilespmem:$0x7150]  }
0x406: {  	v41 =	vmul.f32 v37, v13;
	v14 =	vadd.f32 v39, v14  }
0x407: {  	v42 =	vld [tilespmem:$0x7190]  }
0x408: {  	v43 =	vmul.f32 v38, v15;
	v14 =	vadd.f32 v41, v14  }
0x409: {  	v44 =	vld [tilespmem:$0x71D0]  }
0x40a: {  	v45 =	vmul.f32 v40, v17;
	v14 =	vadd.f32 v43, v14;
	_ =	sdelay $0x1  }
0x40b: {  	v46 =	vmul.f32 v42, v19;
	v14 =	vadd.f32 v45, v14;
	_ =	sdelay $0x1  }
0x40c: {  	v47 =	vmul.f32 v44, v21;
	v14 =	vadd.f32 v46, v14;
	_ =	sdelay $0x1  }
0x40d: {  	v14 =	vadd.f32 v47, v14;
	_ =	sdelay $0x1  }
0x40e: {  	[tilespmem:s4+$0x110] =	vst v14  }
0x40f: {  	v14 =	vld [tilespmem:$0x7020]  }
0x410: {  	v48 =	vld [tilespmem:$0x7060];
	_ =	sdelay $0x1  }
0x411: {  	v49 =	vld [tilespmem:$0x70A0];
	_ =	sdelay $0x1  }
0x412: {  	v50 =	vld [tilespmem:$0x70E0]  }
0x413: {  	v14 =	vmul.f32 v14, v11;
	v16 =	vmul.f32 v48, v12  }
0x414: {  	v51 =	vld [tilespmem:$0x7120]  }
0x415: {  	v52 =	vmul.f32 v49, v10;
	v14 =	vadd.f32 v16, v14  }
0x416: {  	v53 =	vld [tilespmem:$0x7160]  }
0x417: {  	v54 =	vmul.f32 v50, v13;
	v14 =	vadd.f32 v52, v14  }
0x418: {  	v55 =	vld [tilespmem:$0x71A0]  }
0x419: {  	v56 =	vmul.f32 v51, v15;
	v14 =	vadd.f32 v54, v14  }
0x41a: {  	v57 =	vld [tilespmem:$0x71E0]  }
0x41b: {  	v58 =	vmul.f32 v53, v17;
	v14 =	vadd.f32 v56, v14;
	_ =	sdelay $0x1  }
0x41c: {  	v59 =	vmul.f32 v55, v19;
	v14 =	vadd.f32 v58, v14;
	_ =	sdelay $0x1  }
0x41d: {  	v60 =	vmul.f32 v57, v21;
	v14 =	vadd.f32 v59, v14;
	_ =	sdelay $0x1  }
0x41e: {  	v14 =	vadd.f32 v60, v14;
	_ =	sdelay $0x1  }
0x41f: {  	[tilespmem:s4+$0x120] =	vst v14  }
0x420: {  	v14 =	vld [tilespmem:$0x7030]  }
0x421: {  	v61 =	vld [tilespmem:$0x7070];
	_ =	sdelay $0x1  }
0x422: {  	v62 =	vld [tilespmem:$0x70B0];
	_ =	sdelay $0x1  }
0x423: {  	v63 =	vld [tilespmem:$0x70F0]  }
0x424: {  	v11 =	vmul.f32 v14, v11;
	v12 =	vmul.f32 v61, v12  }
0x425: {  	v16 =	vld [tilespmem:$0x7130]  }
0x426: {  	v10 =	vmul.f32 v62, v10;
	v11 =	vadd.f32 v12, v11  }
0x427: {  	v18 =	vld [tilespmem:$0x7170]  }
0x428: {  	v10 =	vadd.f32 v10, v11;
	v11 =	vmul.f32 v63, v13  }
0x429: {  	v20 =	vld [tilespmem:$0x71B0]  }
0x42a: {  	v10 =	vadd.f32 v11, v10;
	v11 =	vmul.f32 v16, v15  }
0x42b: {  	v22 =	vld [tilespmem:$0x71F0]  }
0x42c: {  	v10 =	vadd.f32 v11, v10;
	v11 =	vmul.f32 v18, v17;
	_ =	sdelay $0x1  }
0x42d: {  	v10 =	vadd.f32 v11, v10;
	v11 =	vmul.f32 v20, v19;
	_ =	sdelay $0x1  }
0x42e: {  	v23 =	vor.u32 $0x68, v9;
	v10 =	vadd.f32 v11, v10;
	v11 =	vmul.f32 v22, v21  }
0x42f: {  	v24 =	vor.u32 $0x69, v9  }
0x430: {  	v10 =	vadd.f32 v11, v10;
	_ =	sdelay $0x1  }
0x431: {  	[tilespmem:s4+$0x130] =	vst v10  }
0x432: {  	v10 =	vor.u32 $0x6A, v9;
	v11 =	vld.idx.msk [tilespmem:v23+s26+$0x0], $0xffff  }
0x433: {  	v25 =	vor.u32 $0x6B, v9;
	v12 =	vld.idx.msk [tilespmem:v24+s26+$0x0], $0xffff  }
0x434: {  	v26 =	vld [tilespmem:$0x7200]  }
0x435: {  	v27 =	vor.u32 $0x6C, v9;
	v28 =	vld [tilespmem:$0x7240]  }
0x436: {  	v30 =	vld [tilespmem:$0x7280]  }
0x437: {  	v29 =	vor.u32 $0x6D, v9;
	v10 =	vld.idx.msk [tilespmem:v10+s26+$0x0], $0xffff  }
0x438: {  	v13 =	vld.idx.msk [tilespmem:v25+s26+$0x0], $0xffff  }
0x439: {  	v31 =	vor.u32 $0x6E, v9;
	v32 =	vld [tilespmem:$0x72C0]  }
0x43a: {  	v15 =	vld.idx.msk [tilespmem:v27+s26+$0x0], $0xffff;
	v14 =	vmul.f32 v26, v11;
	v16 =	vmul.f32 v28, v12  }
0x43b: {  	v33 =	vor.u32 $0x6F, v9;
	v34 =	vld [tilespmem:$0x7300]  }
0x43c: {  	v17 =	vld.idx.msk [tilespmem:v29+s26+$0x0], $0xffff;
	v14 =	vadd.f32 v16, v14;
	v35 =	vmul.f32 v30, v10  }
0x43d: {  	v36 =	vld [tilespmem:$0x7340]  }
0x43e: {  	v19 =	vld.idx.msk [tilespmem:v31+s26+$0x0], $0xffff;
	v37 =	vmul.f32 v32, v13;
	v14 =	vadd.f32 v35, v14  }
0x43f: {  	v38 =	vld [tilespmem:$0x7380]  }
0x440: {  	v21 =	vld.idx.msk [tilespmem:v33+s26+$0x0], $0xffff;
	v39 =	vmul.f32 v34, v15;
	v14 =	vadd.f32 v37, v14  }
0x441: {  	v40 =	vld [tilespmem:$0x73C0]  }
0x442: {  	v41 =	vmul.f32 v36, v17;
	v14 =	vadd.f32 v39, v14;
	_ =	sdelay $0x1  }
0x443: {  	v42 =	vmul.f32 v38, v19;
	v14 =	vadd.f32 v41, v14;
	_ =	sdelay $0x1  }
0x444: {  	v43 =	vmul.f32 v40, v21;
	v14 =	vadd.f32 v42, v14;
	_ =	sdelay $0x1  }
0x445: {  	v14 =	vadd.f32 v43, v14;
	_ =	sdelay $0x1  }
0x446: {  	[tilespmem:s4+$0x140] =	vst v14  }
0x447: {  	v14 =	vld [tilespmem:$0x7210]  }
0x448: {  	v44 =	vld [tilespmem:$0x7250];
	_ =	sdelay $0x1  }
0x449: {  	v45 =	vld [tilespmem:$0x7290];
	_ =	sdelay $0x1  }
0x44a: {  	v46 =	vld [tilespmem:$0x72D0]  }
0x44b: {  	v14 =	vmul.f32 v14, v11;
	v16 =	vmul.f32 v44, v12  }
0x44c: {  	v47 =	vld [tilespmem:$0x7310]  }
0x44d: {  	v48 =	vmul.f32 v45, v10;
	v14 =	vadd.f32 v16, v14  }
0x44e: {  	v49 =	vld [tilespmem:$0x7350]  }
0x44f: {  	v50 =	vmul.f32 v46, v13;
	v14 =	vadd.f32 v48, v14  }
0x450: {  	v51 =	vld [tilespmem:$0x7390]  }
0x451: {  	v52 =	vmul.f32 v47, v15;
	v14 =	vadd.f32 v50, v14  }
0x452: {  	v53 =	vld [tilespmem:$0x73D0]  }
0x453: {  	v54 =	vmul.f32 v49, v17;
	v14 =	vadd.f32 v52, v14;
	_ =	sdelay $0x1  }
0x454: {  	v55 =	vmul.f32 v51, v19;
	v14 =	vadd.f32 v54, v14;
	_ =	sdelay $0x1  }
0x455: {  	v56 =	vmul.f32 v53, v21;
	v14 =	vadd.f32 v55, v14;
	_ =	sdelay $0x1  }
0x456: {  	v14 =	vadd.f32 v56, v14;
	_ =	sdelay $0x1  }
0x457: {  	[tilespmem:s4+$0x150] =	vst v14  }
0x458: {  	v14 =	vld [tilespmem:$0x7220]  }
0x459: {  	v57 =	vld [tilespmem:$0x7260];
	_ =	sdelay $0x1  }
0x45a: {  	v58 =	vld [tilespmem:$0x72A0];
	_ =	sdelay $0x1  }
0x45b: {  	v59 =	vld [tilespmem:$0x72E0]  }
0x45c: {  	v14 =	vmul.f32 v14, v11;
	v16 =	vmul.f32 v57, v12  }
0x45d: {  	v60 =	vld [tilespmem:$0x7320]  }
0x45e: {  	v61 =	vmul.f32 v58, v10;
	v14 =	vadd.f32 v16, v14  }
0x45f: {  	v62 =	vld [tilespmem:$0x7360]  }
0x460: {  	v63 =	vmul.f32 v59, v13;
	v14 =	vadd.f32 v61, v14  }
0x461: {  	v24 =	vld [tilespmem:$0x73A0]  }
0x462: {  	v25 =	vmul.f32 v60, v15;
	v14 =	vadd.f32 v63, v14  }
0x463: {  	v26 =	vld [tilespmem:$0x73E0]  }
0x464: {  	v27 =	vmul.f32 v62, v17;
	v14 =	vadd.f32 v25, v14;
	_ =	sdelay $0x1  }
0x465: {  	v28 =	vmul.f32 v24, v19;
	v14 =	vadd.f32 v27, v14;
	_ =	sdelay $0x1  }
0x466: {  	v29 =	vmul.f32 v26, v21;
	v14 =	vadd.f32 v28, v14;
	_ =	sdelay $0x1  }
0x467: {  	v14 =	vadd.f32 v29, v14;
	_ =	sdelay $0x1  }
0x468: {  	[tilespmem:s4+$0x160] =	vst v14  }
0x469: {  	v14 =	vld [tilespmem:$0x7230]  }
0x46a: {  	v30 =	vld [tilespmem:$0x7270];
	_ =	sdelay $0x1  }
0x46b: {  	v31 =	vld [tilespmem:$0x72B0];
	_ =	sdelay $0x1  }
0x46c: {  	v32 =	vld [tilespmem:$0x72F0]  }
0x46d: {  	v11 =	vmul.f32 v14, v11;
	v12 =	vmul.f32 v30, v12  }
0x46e: {  	v33 =	vld [tilespmem:$0x7330]  }
0x46f: {  	v10 =	vmul.f32 v31, v10;
	v11 =	vadd.f32 v12, v11  }
0x470: {  	v34 =	vld [tilespmem:$0x7370]  }
0x471: {  	v10 =	vadd.f32 v10, v11;
	v11 =	vmul.f32 v32, v13  }
0x472: {  	v35 =	vld [tilespmem:$0x73B0]  }
0x473: {  	v10 =	vadd.f32 v11, v10;
	v11 =	vmul.f32 v33, v15  }
0x474: {  	v36 =	vld [tilespmem:$0x73F0]  }
0x475: {  	v10 =	vadd.f32 v11, v10;
	v11 =	vmul.f32 v34, v17;
	_ =	sdelay $0x1  }
0x476: {  	v10 =	vadd.f32 v11, v10;
	v11 =	vmul.f32 v35, v19;
	_ =	sdelay $0x1  }
0x477: {  	v37 =	vor.u32 $0x70, v9;
	v10 =	vadd.f32 v11, v10;
	v11 =	vmul.f32 v36, v21  }
0x478: {  	v38 =	vor.u32 $0x71, v9  }
0x479: {  	v10 =	vadd.f32 v11, v10;
	_ =	sdelay $0x1  }
0x47a: {  	[tilespmem:s4+$0x170] =	vst v10  }
0x47b: {  	v10 =	vor.u32 $0x72, v9;
	v11 =	vld.idx.msk [tilespmem:v37+s26+$0x0], $0xffff  }
0x47c: {  	v39 =	vor.u32 $0x73, v9;
	v12 =	vld.idx.msk [tilespmem:v38+s26+$0x0], $0xffff  }
0x47d: {  	v40 =	vld [tilespmem:$0x7400]  }
0x47e: {  	v41 =	vor.u32 $0x74, v9;
	v42 =	vld [tilespmem:$0x7440]  }
0x47f: {  	v44 =	vld [tilespmem:$0x7480]  }
0x480: {  	v43 =	vor.u32 $0x75, v9;
	v10 =	vld.idx.msk [tilespmem:v10+s26+$0x0], $0xffff  }
0x481: {  	v13 =	vld.idx.msk [tilespmem:v39+s26+$0x0], $0xffff  }
0x482: {  	v45 =	vor.u32 $0x76, v9;
	v46 =	vld [tilespmem:$0x74C0]  }
0x483: {  	v15 =	vld.idx.msk [tilespmem:v41+s26+$0x0], $0xffff;
	v14 =	vmul.f32 v40, v11;
	v16 =	vmul.f32 v42, v12  }
0x484: {  	v47 =	vor.u32 $0x77, v9;
	v48 =	vld [tilespmem:$0x7500]  }
0x485: {  	v17 =	vld.idx.msk [tilespmem:v43+s26+$0x0], $0xffff;
	v14 =	vadd.f32 v16, v14;
	v49 =	vmul.f32 v44, v10  }
0x486: {  	v50 =	vld [tilespmem:$0x7540]  }
0x487: {  	v19 =	vld.idx.msk [tilespmem:v45+s26+$0x0], $0xffff;
	v51 =	vmul.f32 v46, v13;
	v14 =	vadd.f32 v49, v14  }
0x488: {  	v52 =	vld [tilespmem:$0x7580]  }
0x489: {  	v21 =	vld.idx.msk [tilespmem:v47+s26+$0x0], $0xffff;
	v53 =	vmul.f32 v48, v15;
	v14 =	vadd.f32 v51, v14  }
0x48a: {  	v54 =	vld [tilespmem:$0x75C0]  }
0x48b: {  	v55 =	vmul.f32 v50, v17;
	v14 =	vadd.f32 v53, v14;
	_ =	sdelay $0x1  }
0x48c: {  	v56 =	vmul.f32 v52, v19;
	v14 =	vadd.f32 v55, v14;
	_ =	sdelay $0x1  }
0x48d: {  	v57 =	vmul.f32 v54, v21;
	v14 =	vadd.f32 v56, v14;
	_ =	sdelay $0x1  }
0x48e: {  	v14 =	vadd.f32 v57, v14;
	_ =	sdelay $0x1  }
0x48f: {  	[tilespmem:s4+$0x180] =	vst v14  }
0x490: {  	v14 =	vld [tilespmem:$0x7410]  }
0x491: {  	v58 =	vld [tilespmem:$0x7450];
	_ =	sdelay $0x1  }
0x492: {  	v59 =	vld [tilespmem:$0x7490];
	_ =	sdelay $0x1  }
0x493: {  	v60 =	vld [tilespmem:$0x74D0]  }
0x494: {  	v14 =	vmul.f32 v14, v11;
	v16 =	vmul.f32 v58, v12  }
0x495: {  	v61 =	vld [tilespmem:$0x7510]  }
0x496: {  	v62 =	vmul.f32 v59, v10;
	v14 =	vadd.f32 v16, v14  }
0x497: {  	v63 =	vld [tilespmem:$0x7550]  }
0x498: {  	v24 =	vmul.f32 v60, v13;
	v14 =	vadd.f32 v62, v14  }
0x499: {  	v25 =	vld [tilespmem:$0x7590]  }
0x49a: {  	v26 =	vmul.f32 v61, v15;
	v14 =	vadd.f32 v24, v14  }
0x49b: {  	v27 =	vld [tilespmem:$0x75D0]  }
0x49c: {  	v28 =	vmul.f32 v63, v17;
	v14 =	vadd.f32 v26, v14;
	_ =	sdelay $0x1  }
0x49d: {  	v29 =	vmul.f32 v25, v19;
	v14 =	vadd.f32 v28, v14;
	_ =	sdelay $0x1  }
0x49e: {  	v30 =	vmul.f32 v27, v21;
	v14 =	vadd.f32 v29, v14;
	_ =	sdelay $0x1  }
0x49f: {  	v14 =	vadd.f32 v30, v14;
	_ =	sdelay $0x1  }
0x4a0: {  	[tilespmem:s4+$0x190] =	vst v14  }
0x4a1: {  	v14 =	vld [tilespmem:$0x7420]  }
0x4a2: {  	v31 =	vld [tilespmem:$0x7460];
	_ =	sdelay $0x1  }
0x4a3: {  	v32 =	vld [tilespmem:$0x74A0];
	_ =	sdelay $0x1  }
0x4a4: {  	v33 =	vld [tilespmem:$0x74E0]  }
0x4a5: {  	v14 =	vmul.f32 v14, v11;
	v16 =	vmul.f32 v31, v12  }
0x4a6: {  	v34 =	vld [tilespmem:$0x7520]  }
0x4a7: {  	v35 =	vmul.f32 v32, v10;
	v14 =	vadd.f32 v16, v14  }
0x4a8: {  	v36 =	vld [tilespmem:$0x7560]  }
0x4a9: {  	v37 =	vmul.f32 v33, v13;
	v14 =	vadd.f32 v35, v14  }
0x4aa: {  	v38 =	vld [tilespmem:$0x75A0]  }
0x4ab: {  	v39 =	vmul.f32 v34, v15;
	v14 =	vadd.f32 v37, v14  }
0x4ac: {  	v40 =	vld [tilespmem:$0x75E0]  }
0x4ad: {  	v41 =	vmul.f32 v36, v17;
	v14 =	vadd.f32 v39, v14;
	_ =	sdelay $0x1  }
0x4ae: {  	v42 =	vmul.f32 v38, v19;
	v14 =	vadd.f32 v41, v14;
	_ =	sdelay $0x1  }
0x4af: {  	v43 =	vmul.f32 v40, v21;
	v14 =	vadd.f32 v42, v14;
	_ =	sdelay $0x1  }
0x4b0: {  	v14 =	vadd.f32 v43, v14;
	_ =	sdelay $0x1  }
0x4b1: {  	[tilespmem:s4+$0x1A0] =	vst v14  }
0x4b2: {  	v14 =	vld [tilespmem:$0x7430]  }
0x4b3: {  	v44 =	vld [tilespmem:$0x7470];
	_ =	sdelay $0x1  }
0x4b4: {  	v45 =	vld [tilespmem:$0x74B0];
	_ =	sdelay $0x1  }
0x4b5: {  	v46 =	vld [tilespmem:$0x74F0]  }
0x4b6: {  	v11 =	vmul.f32 v14, v11;
	v12 =	vmul.f32 v44, v12  }
0x4b7: {  	v47 =	vld [tilespmem:$0x7530]  }
0x4b8: {  	v10 =	vmul.f32 v45, v10;
	v11 =	vadd.f32 v12, v11  }
0x4b9: {  	v48 =	vld [tilespmem:$0x7570]  }
0x4ba: {  	v10 =	vadd.f32 v10, v11;
	v11 =	vmul.f32 v46, v13  }
0x4bb: {  	v49 =	vld [tilespmem:$0x75B0]  }
0x4bc: {  	v10 =	vadd.f32 v11, v10;
	v11 =	vmul.f32 v47, v15  }
0x4bd: {  	v50 =	vld [tilespmem:$0x75F0]  }
0x4be: {  	v10 =	vadd.f32 v11, v10;
	v11 =	vmul.f32 v48, v17;
	_ =	sdelay $0x1  }
0x4bf: {  	v10 =	vadd.f32 v11, v10;
	v11 =	vmul.f32 v49, v19;
	_ =	sdelay $0x1  }
0x4c0: {  	v51 =	vor.u32 $0x78, v9;
	v10 =	vadd.f32 v11, v10;
	v11 =	vmul.f32 v50, v21  }
0x4c1: {  	v52 =	vor.u32 $0x79, v9  }
0x4c2: {  	v10 =	vadd.f32 v11, v10;
	_ =	sdelay $0x1  }
0x4c3: {  	[tilespmem:s4+$0x1B0] =	vst v10  }
0x4c4: {  	v10 =	vor.u32 $0x7A, v9;
	v11 =	vld.idx.msk [tilespmem:v51+s26+$0x0], $0xffff  }
0x4c5: {  	v53 =	vor.u32 $0x7B, v9;
	v12 =	vld.idx.msk [tilespmem:v52+s26+$0x0], $0xffff  }
0x4c6: {  	v54 =	vld [tilespmem:$0x7600]  }
0x4c7: {  	v55 =	vor.u32 $0x7C, v9;
	v56 =	vld [tilespmem:$0x7640]  }
0x4c8: {  	v58 =	vld [tilespmem:$0x7680]  }
0x4c9: {  	v57 =	vor.u32 $0x7D, v9;
	v10 =	vld.idx.msk [tilespmem:v10+s26+$0x0], $0xffff  }
0x4ca: {  	v13 =	vld.idx.msk [tilespmem:v53+s26+$0x0], $0xffff  }
0x4cb: {  	v59 =	vor.u32 $0x7E, v9;
	v60 =	vld [tilespmem:$0x76C0]  }
0x4cc: {  	v15 =	vld.idx.msk [tilespmem:v55+s26+$0x0], $0xffff;
	v14 =	vmul.f32 v54, v11;
	v16 =	vmul.f32 v56, v12  }
0x4cd: {  	v61 =	vld [tilespmem:$0x7700]  }
0x4ce: {  	v9 =	vor.u32 $0x7F, v9;
	v17 =	vld.idx.msk [tilespmem:v57+s26+$0x0], $0xffff;
	v14 =	vadd.f32 v16, v14;
	v62 =	vmul.f32 v58, v10  }
0x4cf: {  	v63 =	vld [tilespmem:$0x7740]  }
0x4d0: {  	v19 =	vld.idx.msk [tilespmem:v59+s26+$0x0], $0xffff;
	v24 =	vmul.f32 v60, v13;
	v14 =	vadd.f32 v62, v14  }
0x4d1: {  	v25 =	vld [tilespmem:$0x7780]  }
0x4d2: {  	v27 =	vld [tilespmem:$0x77C0];
	v26 =	vmul.f32 v61, v15;
	v14 =	vadd.f32 v24, v14  }
0x4d3: {  	v9 =	vld.idx.msk [tilespmem:v9+s26+$0x0], $0xffff  }
0x4d4: {  	v28 =	vmul.f32 v63, v17;
	v14 =	vadd.f32 v26, v14;
	_ =	sdelay $0x1  }
0x4d5: {  	v29 =	vmul.f32 v25, v19;
	v14 =	vadd.f32 v28, v14;
	_ =	sdelay $0x1  }
0x4d6: {  	v30 =	vmul.f32 v27, v9;
	v14 =	vadd.f32 v29, v14;
	_ =	sdelay $0x1  }
0x4d7: {  	v14 =	vadd.f32 v30, v14;
	_ =	sdelay $0x1  }
0x4d8: {  	[tilespmem:s4+$0x1C0] =	vst v14  }
0x4d9: {  	v14 =	vld [tilespmem:$0x7610]  }
0x4da: {  	v31 =	vld [tilespmem:$0x7650];
	_ =	sdelay $0x1  }
0x4db: {  	v32 =	vld [tilespmem:$0x7690];
	_ =	sdelay $0x1  }
0x4dc: {  	v33 =	vld [tilespmem:$0x76D0]  }
0x4dd: {  	v14 =	vmul.f32 v14, v11;
	v16 =	vmul.f32 v31, v12  }
0x4de: {  	v34 =	vld [tilespmem:$0x7710]  }
0x4df: {  	v35 =	vmul.f32 v32, v10;
	v14 =	vadd.f32 v16, v14  }
0x4e0: {  	v36 =	vld [tilespmem:$0x7750]  }
0x4e1: {  	v37 =	vmul.f32 v33, v13;
	v14 =	vadd.f32 v35, v14  }
0x4e2: {  	v38 =	vld [tilespmem:$0x7790]  }
0x4e3: {  	v39 =	vmul.f32 v34, v15;
	v14 =	vadd.f32 v37, v14  }
0x4e4: {  	v40 =	vld [tilespmem:$0x77D0]  }
0x4e5: {  	v41 =	vmul.f32 v36, v17;
	v14 =	vadd.f32 v39, v14;
	_ =	sdelay $0x1  }
0x4e6: {  	v42 =	vmul.f32 v38, v19;
	v14 =	vadd.f32 v41, v14;
	_ =	sdelay $0x1  }
0x4e7: {  	v43 =	vmul.f32 v40, v9;
	v14 =	vadd.f32 v42, v14;
	_ =	sdelay $0x1  }
0x4e8: {  	v14 =	vadd.f32 v43, v14;
	_ =	sdelay $0x1  }
0x4e9: {  	[tilespmem:s4+$0x1D0] =	vst v14  }
0x4ea: {  	v14 =	vld [tilespmem:$0x7620]  }
0x4eb: {  	v44 =	vld [tilespmem:$0x7660];
	_ =	sdelay $0x1  }
0x4ec: {  	v45 =	vld [tilespmem:$0x76A0];
	_ =	sdelay $0x1  }
0x4ed: {  	v46 =	vld [tilespmem:$0x76E0]  }
0x4ee: {  	v14 =	vmul.f32 v14, v11;
	v16 =	vmul.f32 v44, v12  }
0x4ef: {  	v47 =	vld [tilespmem:$0x7720]  }
0x4f0: {  	v48 =	vmul.f32 v45, v10;
	v14 =	vadd.f32 v16, v14  }
0x4f1: {  	v49 =	vld [tilespmem:$0x7760]  }
0x4f2: {  	v50 =	vmul.f32 v46, v13;
	v14 =	vadd.f32 v48, v14  }
0x4f3: {  	v51 =	vld [tilespmem:$0x77A0]  }
0x4f4: {  	v52 =	vmul.f32 v47, v15;
	v14 =	vadd.f32 v50, v14  }
0x4f5: {  	v53 =	vld [tilespmem:$0x77E0]  }
0x4f6: {  	v54 =	vmul.f32 v49, v17;
	v14 =	vadd.f32 v52, v14;
	_ =	sdelay $0x1  }
0x4f7: {  	v55 =	vmul.f32 v51, v19;
	v14 =	vadd.f32 v54, v14;
	_ =	sdelay $0x1  }
0x4f8: {  	v56 =	vmul.f32 v53, v9;
	v14 =	vadd.f32 v55, v14;
	_ =	sdelay $0x1  }
0x4f9: {  	v14 =	vadd.f32 v56, v14;
	_ =	sdelay $0x1  }
0x4fa: {  	[tilespmem:s4+$0x1E0] =	vst v14  }
0x4fb: {  	v14 =	vld [tilespmem:$0x7630]  }
0x4fc: {  	v57 =	vld [tilespmem:$0x7670];
	_ =	sdelay $0x1  }
0x4fd: {  	v58 =	vld [tilespmem:$0x76B0];
	_ =	sdelay $0x1  }
0x4fe: {  	v59 =	vld [tilespmem:$0x76F0]  }
0x4ff: {  	v11 =	vmul.f32 v14, v11;
	v12 =	vmul.f32 v57, v12  }
0x500: {  	v60 =	vld [tilespmem:$0x7730]  }
0x501: {  	v10 =	vmul.f32 v58, v10;
	v11 =	vadd.f32 v12, v11  }
0x502: {  	v61 =	vld [tilespmem:$0x7770]  }
0x503: {  	v10 =	vadd.f32 v10, v11;
	v11 =	vmul.f32 v59, v13  }
0x504: {  	v62 =	vld [tilespmem:$0x77B0]  }
0x505: {  	v10 =	vadd.f32 v11, v10;
	v11 =	vmul.f32 v60, v15  }
0x506: {  	v63 =	vld [tilespmem:$0x77F0]  }
0x507: {  	v10 =	vadd.f32 v11, v10;
	v11 =	vmul.f32 v61, v17;
	_ =	sdelay $0x1  }
0x508: {  	v10 =	vadd.f32 v11, v10;
	v11 =	vmul.f32 v62, v19  }
0x509: {  	p0 =	sne.s32 s0, $0x1F  }
.Ltmp1:
0x50a: {  	v9 =	vmul.f32 v63, v9;
	v10 =	vadd.f32 v11, v10;
	(pc) =	sbr.rel @p0 .LBB2_4-.Ltmp1, $3  }
0x50b: {  	_ = 	snop  }
0x50c: {  	v9 =	vadd.f32 v9, v10;
	_ =	sdelay $0x1  }
0x50d: {  	s31 =	sadd.s32 $0x80, s31;
	s0 =	sadd.s32 $0x1, s0;
	[tilespmem:s4+$0x1F0] =	vst v9;
	s4 =	sadd.s32 $0x400, s4  }
0x50e: {  	s1 =	sadd.s32 $0x1, s1  }
0x50f: {  	p0 =	sne.s32 s1, s17  }
.Ltmp2:
0x510: {  	s0 =	simm.s32 $0x7800;
	(pc) =	sbr.rel @p0 .LBB2_1-.Ltmp2, $4  }
0x511: {  	[hbm4b:s16+s2] =	stream.linear.scatter [tilespmem:s0], [sflag:$0x2], $0x8000, $0x38;
	[tilespmem:$0xF800] =	vst v63  }
0x512: {  	_ =	swait.ge [sflag:s18], $0x8000  }
0x513: {  	[sflag:s18] =	ssyncset.done $0x0  }
0x514: {  	[sflag:s18] =	ssyncadd.s32 $0xFFFF8000  }
0x515: {  	_ =	sfence.sel $0x180000  }
0x516: {  	[bflag:$0x0] =	sbarrier.arrive $0xFFFF  }
0x517: {  	_ =	strace $0x90000047  }
0x518: {  	s0 =	stileid.u32;
	[bflag:$0x2] =	sbarrier.arrive $0xFFFF  }
0x519: {  	p0 =	sne.s32 s0, $0x0;
	s0 =	rddreg [dreg:$0x2]  }
0x51a: {  	s0 =	sadd.s32 @!p0 $0x100000, s0  }
0x51b: {  	[sflag:s0] =	ssyncadd.tile.s32 @!p0 $0x1;
	_ =	shalt  }
.Lfunc_end2:
_tile_overlayer_lowered:
.L_overlay_start_2:
0x51c: {  	(tag) =	ssettag $0x2  }
0x51d: {  	s0 =	rddreg [dreg:$0x0];
	s2 =	stileid.u32  }
0x51e: {  	s1 =	rddreg [dreg:$0x1];
	p0 =	sne.s32 s2, $0x0  }
0x51f: {  	s3 =	rddreg [dreg:$0x2];
	[bflag:$0x3] =	sbarrier.arrive $0xFFFF;
	s2 =	simm.s32 @!p0 $0x1C02  }
0x520: {  	[timem:s3], [sflag:s2] =	dma.local @!p0 [hbm:s0], s1  }
0x521: {  	s0 =	simm.s32 @!p0 $0x2  }
0x522: {  	_ =	swait.ge @!p0 [sflag:s0], s1  }
0x523: {  	s1 =	ssub.s32 @!p0 $0x0, s1;
	[sflag:s0] =	ssyncset.done @!p0 $0x0  }
0x524: {  	[sflag:s0] =	ssyncadd.s32 @!p0 s1  }
0x525: {  	[bflag:$0x3] =	sbarrier.arrive $0xFFFF  }
0x526: {  	_ =	shalt  }

</sc_bundles>
